<compile_context>
chip_gen: v7x
topology: tpu7x:2x2x1
jax: 0.10.2.dev20260603
libtpu: 0.0.44.dev20260713+nightly
codegen_flags: <defaults>
</compile_context>

<pallas_src>
import functools
import jax
import jax.numpy as jnp
from jax import lax
from jax.experimental import pallas as pl
from jax.experimental.pallas import tpu as pltpu
from jax.experimental.pallas import tpu_sc as plsc

N = 10000
E = 320000
D = 128
H = 128
C = 40

NC = 2
NS = 16
NW = NC * NS
CH = 125
NCH = 80
GB = 2
DB = 4
NPAD = 10112
ZROWS = NPAD // NS
EPT = NCH * CH
EPAD = EPT * NW
NPD = 10240
DROWS = NPD // NS


def _deg_body(dstm_hbm, out_hbm, dst_v, ones_v, zero_v, acc_sh):
    c = lax.axis_index("c")
    s = lax.axis_index("s")
    wid = s * NC + c

    def _fill(i, _):
        ones_v[pl.ds(pl.multiple_of(i * 16, 16), 16)] = jnp.ones((16,), jnp.float32)
        return 0

    lax.fori_loop(0, 128 // 16, _fill, 0)

    def _zfill(i, _):
        zero_v[pl.ds(pl.multiple_of(i * 16, 16), 16)] = jnp.zeros((16,), jnp.float32)
        return 0

    lax.fori_loop(0, DROWS // 16, _zfill, 0)

    pltpu.sync_copy(zero_v, acc_sh.at[pl.ds(s * DROWS, DROWS)])
    pltpu.sync_copy(dstm_hbm.at[wid], dst_v)
    plsc.subcore_barrier()

    def _chunk(j, _):
        pltpu.sync_copy(ones_v.at[pl.ds(0, CH)], acc_sh.at[dst_v.at[j]], add=True)
        return 0

    lax.fori_loop(0, NCH, _chunk, 0)
    plsc.subcore_barrier()
    pltpu.sync_copy(acc_sh.at[pl.ds(s * DROWS, DROWS)],
                    out_hbm.at[c, pl.ds(s * DROWS, DROWS)])


def _agg_body(g_hbm, srcm_hbm, dstm_hbm, out_hbm,
              src_v, dstr_v, rows_v, zero_v, gs0, gs1, is0, is1, is2, is3,
              acc_sh):
    c = lax.axis_index("c")
    s = lax.axis_index("s")
    wid = s * NC + c
    gsems = (gs0, gs1)
    isems = (is0, is1, is2, is3)

    def _zfill(i, _):
        for j in range(H // 16):
            zero_v[i, pl.ds(j * 16, 16)] = jnp.zeros((16,), jnp.float32)
        return 0

    lax.fori_loop(0, 48, _zfill, 0)
    zcopies = []
    for k in range(13):
        zcopies.append(pltpu.async_copy(
            zero_v, acc_sh.at[pl.ds(s * ZROWS + k * 48, 48), :], gs0))
    zcopies.append(pltpu.async_copy(
        zero_v.at[pl.ds(0, 8), :],
        acc_sh.at[pl.ds(s * ZROWS + 624, 8), :], gs0))
    pltpu.sync_copy(srcm_hbm.at[wid], src_v)
    for d in zcopies:
        d.wait()
    plsc.subcore_barrier()

    def _start_dst(db, j):
        pltpu.async_copy(dstm_hbm.at[wid, j], dstr_v.at[db], isems[db])

    def _wait_dst(db):
        pltpu.make_async_copy(dstm_hbm.at[0, 0], dstr_v.at[db],
                              isems[db]).wait()

    def _start_g(b, j):
        pltpu.async_copy(g_hbm.at[src_v.at[j]], rows_v.at[b], gsems[b])

    def _wait_g(b):
        pltpu.make_async_copy(g_hbm.at[src_v.at[0]], rows_v.at[b],
                              gsems[b]).wait()

    for db in range(DB):
        _start_dst(db, db)
    for b in range(GB):
        _start_g(b, b)

    def _group(g, _):
        for u in range(DB):
            j = g * DB + u
            b = u % GB
            _wait_g(b)
            _wait_dst(u)
            pltpu.sync_copy(rows_v.at[b], acc_sh.at[dstr_v.at[u]], add=True)

            @pl.when(j + GB < NCH)
            def _():
                _start_g(b, j + GB)

            @pl.when(j + DB < NCH)
            def _():
                _start_dst(u, j + DB)

        return 0

    lax.fori_loop(0, NCH // DB, _group, 0)
    plsc.subcore_barrier()
    pltpu.sync_copy(acc_sh.at[pl.ds(s * ZROWS, ZROWS), :],
                    out_hbm.at[c, pl.ds(s * ZROWS, ZROWS), :])


@functools.cache
def _sc_kernels():
    mesh = plsc.VectorSubcoreMesh(
        core_axis_name="c", subcore_axis_name="s",
        num_cores=NC, num_subcores=NS)
    deg_k = pl.kernel(
        _deg_body,
        out_type=jax.ShapeDtypeStruct((NC, NPD), jnp.float32),
        mesh=mesh,
        scratch_types=[
            pltpu.VMEM((NCH, CH), jnp.int32),
            pltpu.VMEM((128,), jnp.float32),
            pltpu.VMEM((DROWS,), jnp.float32),
            pltpu.VMEM_SHARED((NPD,), jnp.float32),
        ],
    )
    agg_k = pl.kernel(
        _agg_body,
        out_type=jax.ShapeDtypeStruct((NC, NPAD, H), jnp.float32),
        mesh=mesh,
        scratch_types=[
            pltpu.VMEM((NCH, CH), jnp.int32),
            pltpu.VMEM((DB, CH), jnp.int32),
            pltpu.VMEM((GB, CH, H), jnp.float32),
            pltpu.VMEM((48, H), jnp.float32),
            pltpu.SemaphoreType.DMA,
            pltpu.SemaphoreType.DMA,
            pltpu.SemaphoreType.DMA,
            pltpu.SemaphoreType.DMA,
            pltpu.SemaphoreType.DMA,
            pltpu.SemaphoreType.DMA,
            pltpu.VMEM_SHARED((NPAD, H), jnp.float32),
        ],
    )
    return deg_k, agg_k


_R = 10000
_G = N // _R


def _mm1_body(x_ref, w_ref, dinv_ref, o_ref):
    g = jnp.dot(x_ref[...], w_ref[...], preferred_element_type=jnp.float32)
    o_ref[...] = g * dinv_ref[...]


_mm1 = pl.pallas_call(
    _mm1_body,
    grid=(_G,),
    in_specs=[
        pl.BlockSpec((_R, D), lambda i: (i, 0)),
        pl.BlockSpec((D, H), lambda i: (0, 0)),
        pl.BlockSpec((_R, 1), lambda i: (i, 0)),
    ],
    out_specs=pl.BlockSpec((_R, H), lambda i: (i, 0)),
    out_shape=jax.ShapeDtypeStruct((N, H), jnp.float32),
)


def _mid_body(acc_ref, gs_ref, b_ref, w_ref, dinv_ref, o_ref):
    a = acc_ref[0] + acc_ref[1] + gs_ref[...]
    h = jnp.maximum(a * dinv_ref[...] + b_ref[0:1, :], 0.0)
    g = jnp.dot(h, w_ref[...], preferred_element_type=jnp.float32)
    o_ref[...] = g * dinv_ref[...]


_mid = pl.pallas_call(
    _mid_body,
    grid=(_G,),
    in_specs=[
        pl.BlockSpec((NC, _R, H), lambda i: (0, i, 0)),
        pl.BlockSpec((_R, H), lambda i: (i, 0)),
        pl.BlockSpec((8, H), lambda i: (0, 0)),
        pl.BlockSpec((H, H), lambda i: (0, 0)),
        pl.BlockSpec((_R, 1), lambda i: (i, 0)),
    ],
    out_specs=pl.BlockSpec((_R, H), lambda i: (i, 0)),
    out_shape=jax.ShapeDtypeStruct((N, H), jnp.float32),
)


def _fin_body(acc_ref, gs_ref, b_ref, w_ref, bl_ref, dinv_ref, o_ref):
    a = acc_ref[0] + acc_ref[1] + gs_ref[...]
    h = jnp.maximum(a * dinv_ref[...] + b_ref[0:1, :], 0.0)
    o_ref[...] = jnp.dot(h, w_ref[...],
                         preferred_element_type=jnp.float32) + bl_ref[0:1, :]


_fin = pl.pallas_call(
    _fin_body,
    grid=(_G,),
    in_specs=[
        pl.BlockSpec((NC, _R, H), lambda i: (0, i, 0)),
        pl.BlockSpec((_R, H), lambda i: (i, 0)),
        pl.BlockSpec((8, H), lambda i: (0, 0)),
        pl.BlockSpec((H, C), lambda i: (0, 0)),
        pl.BlockSpec((8, C), lambda i: (0, 0)),
        pl.BlockSpec((_R, 1), lambda i: (i, 0)),
    ],
    out_specs=pl.BlockSpec((_R, C), lambda i: (i, 0)),
    out_shape=jax.ShapeDtypeStruct((N, C), jnp.float32),
)


def kernel(x, edge_index, W1, b1, W2, b2, W3, b3, Wl, bl):
    src = edge_index[0].astype(jnp.int32).reshape(NW, NCH, CH)
    dst = edge_index[1].astype(jnp.int32).reshape(NW, NCH, CH)

    deg_k, agg_k = _sc_kernels()
    degp = deg_k(dst)
    deg = degp[0, :N] + degp[1, :N] + 1.0
    dinv = lax.rsqrt(jnp.maximum(deg, 1.0)).reshape(N, 1)

    b1t = jnp.tile(b1.reshape(1, H), (8, 1))
    b2t = jnp.tile(b2.reshape(1, H), (8, 1))
    b3t = jnp.tile(b3.reshape(1, H), (8, 1))
    blt = jnp.tile(bl.reshape(1, C), (8, 1))

    gs1 = _mm1(x, W1, dinv)
    acc1 = agg_k(gs1, src, dst)
    gs2 = _mid(acc1, gs1, b1t, W2, dinv)
    acc2 = agg_k(gs2, src, dst)
    gs3 = _mid(acc2, gs2, b2t, W3, dinv)
    acc3 = agg_k(gs3, src, dst)
    return _fin(acc3, gs3, b3t, Wl, blt, dinv)

# --- scband reference (transcript-rebuilt; emitter-appended) ---
"""Pipeline reference for scband-gcn-5506148074002 (READ-ONLY COPY).

The authoritative reference and input builder live on the scoring server;
editing this copy changes nothing except your own understanding.
"""

import jax, jax.numpy as jnp
import numpy as np

N = 10000
E = 320000
D = 128   # num_node_features
H = 128   # hidden_channels
C = 40    # num_classes


def setup_inputs(seed: int = 0) -> dict:
    key = jax.random.key(seed)
    ks = jax.random.split(key, 12)
    x = jax.random.normal(ks[0], (N, D), dtype=jnp.float32)
    edge_index = jax.random.randint(ks[1], (2, E), 0, N)
    s_in = 1.0 / np.sqrt(D)
    s_h = 1.0 / np.sqrt(H)
    W1 = jax.random.normal(ks[2], (D, H), dtype=jnp.float32) * s_in
    b1 = jnp.zeros((H,), dtype=jnp.float32)
    W2 = jax.random.normal(ks[3], (H, H), dtype=jnp.float32) * s_h
    b2 = jnp.zeros((H,), dtype=jnp.float32)
    W3 = jax.random.normal(ks[4], (H, H), dtype=jnp.float32) * s_h
    b3 = jnp.zeros((H,), dtype=jnp.float32)
    Wl = jax.random.normal(ks[5], (H, C), dtype=jnp.float32) * s_h
    bl = jnp.zeros((C,), dtype=jnp.float32)
    return {"x": x, "edge_index": edge_index, "W1": W1, "b1": b1,
            "W2": W2, "b2": b2, "W3": W3, "b3": b3, "Wl": Wl, "bl": bl}


def _gcn_conv(h, src, dst, W, b, n):
    # GCNConv: h' = D^{-1/2} (A + I) D^{-1/2} (h W) + b, with self-loops already in src/dst
    h = h @ W
    ones = jnp.ones_like(dst, dtype=h.dtype)
    deg = jnp.zeros((n,), dtype=h.dtype).at[dst].add(ones)
    dinv = jax.lax.rsqrt(jnp.maximum(deg, 1.0))
    norm = dinv[src] * dinv[dst]
    msg = h[src] * norm[:, None]
    out = jnp.zeros((n, h.shape[1]), dtype=h.dtype).at[dst].add(msg)
    return out + b


def reference(x, edge_index, W1, b1, W2, b2, W3, b3, Wl, bl):
    n = x.shape[0]
    loop = jnp.arange(n, dtype=edge_index.dtype)
    src = jnp.concatenate([edge_index[0], loop])
    dst = jnp.concatenate([edge_index[1], loop])
    h = jax.nn.relu(_gcn_conv(x, src, dst, W1, b1, n))
    h = jax.nn.relu(_gcn_conv(h, src, dst, W2, b2, n))
    h = jax.nn.relu(_gcn_conv(h, src, dst, W3, b3, n))
    return h @ Wl + bl

if __name__ == "__main__":
    import jax
    _d = setup_inputs()
    print(jax.jit(kernel)(*tuple(_d.values())))

</pallas_src>

<mosaic_0001>
#map = affine_map<(d0, d1) -> (0, 0)>
#map1 = affine_map<(d0, d1) -> (0, 0, 0)>
module attributes {stable_mosaic.version = 14 : i64} {
  func.func @_agg_body(%arg0: i32, %arg1: i32, %arg2: memref<10000x128xf32, #tpu.memory_space<hbm>>, %arg3: memref<32x80x125xi32, #tpu.memory_space<hbm>>, %arg4: memref<32x80x125xi32, #tpu.memory_space<hbm>>, %arg5: memref<2x10112x128xf32, #tpu.memory_space<hbm>>, %arg6: memref<80x125xi32, #tpu.memory_space<vmem>>, %arg7: memref<4x125xi32, #tpu.memory_space<vmem>>, %arg8: memref<2x125x128xf32, #tpu.memory_space<vmem>>, %arg9: memref<48x128xf32, #tpu.memory_space<vmem>>, %arg10: memref<!tpu.dma_semaphore, #tpu.memory_space<semaphore_mem>>, %arg11: memref<!tpu.dma_semaphore, #tpu.memory_space<semaphore_mem>>, %arg12: memref<!tpu.dma_semaphore, #tpu.memory_space<semaphore_mem>>, %arg13: memref<!tpu.dma_semaphore, #tpu.memory_space<semaphore_mem>>, %arg14: memref<!tpu.dma_semaphore, #tpu.memory_space<semaphore_mem>>, %arg15: memref<!tpu.dma_semaphore, #tpu.memory_space<semaphore_mem>>, %arg16: memref<10112x128xf32, #tpu.memory_space<vmem_shared>>) attributes {dimension_semantics = [#tpu.dimension_semantics<core_parallel>, #tpu.dimension_semantics<subcore_parallel>], iteration_bounds = array<i64: 2, 16>, scalar_prefetch = 0 : i64, scratch_operands = 11 : i64, tpu.core_type = #tpu.core_type<sc_vector_subcore>, window_params = [{transform_indices = #map}, {transform_indices = #map1}, {transform_indices = #map1}, {transform_indices = #map1}]} {
    %mul3A = arith.constant 2 : i32
    %mul3A_0 = arith.muli %arg1, %mul3A : i32
    %add3A = arith.addi %mul3A_0, %arg0 : i32
    %scan3A = arith.constant 0 : i32
    %scan3A_1 = arith.constant 0 : i32
    %scan3A_2 = arith.constant 48 : i32
    %scan3A_3 = arith.addi %scan3A_1, %scan3A_2 : i32
    %scan3A_4 = arith.constant 1 : i32
    %scan3A_5 = scf.for %scan3A_277 = %scan3A_1 to %scan3A_3 step %scan3A_4 iter_args(%scan3A_278 = %scan3A) -> (i32)  : i32 {
      %broadcast_in_dim3A = arith.constant 0.000000e+00 : f32
      %broadcast_in_dim3A_279 = vector.broadcast %broadcast_in_dim3A : f32 to vector<16xf32>
      %swap3A = arith.index_cast %scan3A_277 : i32 to index
      %swap3A_280 = arith.constant 0 : index
      %swap3A_281 = tpu.vector_load %arg9[%swap3A, %swap3A_280] {strides = array<i32>} : memref<48x128xf32, #tpu.memory_space<vmem>>, vector<1x16xf32>,
      %swap3A_282 = vector.shape_cast %swap3A_281 : vector<1x16xf32> to vector<16xf32>
      %swap3A_283 = vector.shape_cast %broadcast_in_dim3A_279 : vector<16xf32> to vector<1x16xf32>
      tpu.vector_store %arg9[%swap3A, %swap3A_280], %swap3A_283 {strides = array<i32>} : memref<48x128xf32, #tpu.memory_space<vmem>>, vector<1x16xf32>,
      %broadcast_in_dim3A_284 = arith.constant 0.000000e+00 : f32
      %broadcast_in_dim3A_285 = vector.broadcast %broadcast_in_dim3A_284 : f32 to vector<16xf32>
      %swap3A_286 = arith.index_cast %scan3A_277 : i32 to index
      %swap3A_287 = arith.constant 16 : index
      %swap3A_288 = tpu.vector_load %arg9[%swap3A_286, %swap3A_287] {strides = array<i32>} : memref<48x128xf32, #tpu.memory_space<vmem>>, vector<1x16xf32>,
      %swap3A_289 = vector.shape_cast %swap3A_288 : vector<1x16xf32> to vector<16xf32>
      %swap3A_290 = vector.shape_cast %broadcast_in_dim3A_285 : vector<16xf32> to vector<1x16xf32>
      tpu.vector_store %arg9[%swap3A_286, %swap3A_287], %swap3A_290 {strides = array<i32>} : memref<48x128xf32, #tpu.memory_space<vmem>>, vector<1x16xf32>,
      %broadcast_in_dim3A_291 = arith.constant 0.000000e+00 : f32
      %broadcast_in_dim3A_292 = vector.broadcast %broadcast_in_dim3A_291 : f32 to vector<16xf32>
      %swap3A_293 = arith.index_cast %scan3A_277 : i32 to index
      %swap3A_294 = arith.constant 32 : index
      %swap3A_295 = tpu.vector_load %arg9[%swap3A_293, %swap3A_294] {strides = array<i32>} : memref<48x128xf32, #tpu.memory_space<vmem>>, vector<1x16xf32>,
      %swap3A_296 = vector.shape_cast %swap3A_295 : vector<1x16xf32> to vector<16xf32>
      %swap3A_297 = vector.shape_cast %broadcast_in_dim3A_292 : vector<16xf32> to vector<1x16xf32>
      tpu.vector_store %arg9[%swap3A_293, %swap3A_294], %swap3A_297 {strides = array<i32>} : memref<48x128xf32, #tpu.memory_space<vmem>>, vector<1x16xf32>,
      %broadcast_in_dim3A_298 = arith.constant 0.000000e+00 : f32
      %broadcast_in_dim3A_299 = vector.broadcast %broadcast_in_dim3A_298 : f32 to vector<16xf32>
      %swap3A_300 = arith.index_cast %scan3A_277 : i32 to index
      %swap3A_301 = arith.constant 48 : index
      %swap3A_302 = tpu.vector_load %arg9[%swap3A_300, %swap3A_301] {strides = array<i32>} : memref<48x128xf32, #tpu.memory_space<vmem>>, vector<1x16xf32>,
      %swap3A_303 = vector.shape_cast %swap3A_302 : vector<1x16xf32> to vector<16xf32>
      %swap3A_304 = vector.shape_cast %broadcast_in_dim3A_299 : vector<16xf32> to vector<1x16xf32>
      tpu.vector_store %arg9[%swap3A_300, %swap3A_301], %swap3A_304 {strides = array<i32>} : memref<48x128xf32, #tpu.memory_space<vmem>>, vector<1x16xf32>,
      %broadcast_in_dim3A_305 = arith.constant 0.000000e+00 : f32
      %broadcast_in_dim3A_306 = vector.broadcast %broadcast_in_dim3A_305 : f32 to vector<16xf32>
      %swap3A_307 = arith.index_cast %scan3A_277 : i32 to index
      %swap3A_308 = arith.constant 64 : index
      %swap3A_309 = tpu.vector_load %arg9[%swap3A_307, %swap3A_308] {strides = array<i32>} : memref<48x128xf32, #tpu.memory_space<vmem>>, vector<1x16xf32>,
      %swap3A_310 = vector.shape_cast %swap3A_309 : vector<1x16xf32> to vector<16xf32>
      %swap3A_311 = vector.shape_cast %broadcast_in_dim3A_306 : vector<16xf32> to vector<1x16xf32>
      tpu.vector_store %arg9[%swap3A_307, %swap3A_308], %swap3A_311 {strides = array<i32>} : memref<48x128xf32, #tpu.memory_space<vmem>>, vector<1x16xf32>,
      %broadcast_in_dim3A_312 = arith.constant 0.000000e+00 : f32
      %broadcast_in_dim3A_313 = vector.broadcast %broadcast_in_dim3A_312 : f32 to vector<16xf32>
      %swap3A_314 = arith.index_cast %scan3A_277 : i32 to index
      %swap3A_315 = arith.constant 80 : index
      %swap3A_316 = tpu.vector_load %arg9[%swap3A_314, %swap3A_315] {strides = array<i32>} : memref<48x128xf32, #tpu.memory_space<vmem>>, vector<1x16xf32>,
      %swap3A_317 = vector.shape_cast %swap3A_316 : vector<1x16xf32> to vector<16xf32>
      %swap3A_318 = vector.shape_cast %broadcast_in_dim3A_313 : vector<16xf32> to vector<1x16xf32>
      tpu.vector_store %arg9[%swap3A_314, %swap3A_315], %swap3A_318 {strides = array<i32>} : memref<48x128xf32, #tpu.memory_space<vmem>>, vector<1x16xf32>,
      %broadcast_in_dim3A_319 = arith.constant 0.000000e+00 : f32
      %broadcast_in_dim3A_320 = vector.broadcast %broadcast_in_dim3A_319 : f32 to vector<16xf32>
      %swap3A_321 = arith.index_cast %scan3A_277 : i32 to index
      %swap3A_322 = arith.constant 96 : index
      %swap3A_323 = tpu.vector_load %arg9[%swap3A_321, %swap3A_322] {strides = array<i32>} : memref<48x128xf32, #tpu.memory_space<vmem>>, vector<1x16xf32>,
      %swap3A_324 = vector.shape_cast %swap3A_323 : vector<1x16xf32> to vector<16xf32>
      %swap3A_325 = vector.shape_cast %broadcast_in_dim3A_320 : vector<16xf32> to vector<1x16xf32>
      tpu.vector_store %arg9[%swap3A_321, %swap3A_322], %swap3A_325 {strides = array<i32>} : memref<48x128xf32, #tpu.memory_space<vmem>>, vector<1x16xf32>,
      %broadcast_in_dim3A_326 = arith.constant 0.000000e+00 : f32
      %broadcast_in_dim3A_327 = vector.broadcast %broadcast_in_dim3A_326 : f32 to vector<16xf32>
      %swap3A_328 = arith.index_cast %scan3A_277 : i32 to index
      %swap3A_329 = arith.constant 112 : index
      %swap3A_330 = tpu.vector_load %arg9[%swap3A_328, %swap3A_329] {strides = array<i32>} : memref<48x128xf32, #tpu.memory_space<vmem>>, vector<1x16xf32>,
      %swap3A_331 = vector.shape_cast %swap3A_330 : vector<1x16xf32> to vector<16xf32>
      %swap3A_332 = vector.shape_cast %broadcast_in_dim3A_327 : vector<16xf32> to vector<1x16xf32>
      tpu.vector_store %arg9[%swap3A_328, %swap3A_329], %swap3A_332 {strides = array<i32>} : memref<48x128xf32, #tpu.memory_space<vmem>>, vector<1x16xf32>,
      %scan3A_333 = arith.constant 0 : i32
      scf.yield %scan3A_333 : i32
    }
    %scan3A_6 = arith.constant 48 : i32
    %mul3A_7 = arith.constant 632 : i32
    %mul3A_8 = arith.muli %arg1, %mul3A_7 : i32
    %add3A_9 = arith.constant 0 : i32
    %add3A_10 = arith.addi %mul3A_8, %add3A_9 : i32
    %dma_start3A = arith.constant 0 : i32
    %dma_start3A_11 = tpu.memref_slice %arg16[%add3A_10, %dma_start3A] : memref<10112x128xf32, #tpu.memory_space<vmem_shared>> -> memref<48x128xf32, #tpu.memory_space<vmem_shared>>
    %dma_start3A_12 = arith.constant 0 : i32
    %dma_start3A_13 = tpu.memref_slice %arg16[%add3A_10, %dma_start3A_12] : memref<10112x128xf32, #tpu.memory_space<vmem_shared>> -> memref<48x128xf32, #tpu.memory_space<vmem_shared>>
    tpu.enqueue_dma source(%arg9 : memref<48x128xf32, #tpu.memory_space<vmem>>) target(%dma_start3A_13 : memref<48x128xf32, #tpu.memory_space<vmem_shared>>) target_semaphore(%arg10 : memref<!tpu.dma_semaphore, #tpu.memory_space<semaphore_mem>>)
    %mul3A_14 = arith.constant 632 : i32
    %mul3A_15 = arith.muli %arg1, %mul3A_14 : i32
    %add3A_16 = arith.constant 48 : i32
    %add3A_17 = arith.addi %mul3A_15, %add3A_16 : i32
    %dma_start3A_18 = arith.constant 0 : i32
    %dma_start3A_19 = tpu.memref_slice %arg16[%add3A_17, %dma_start3A_18] : memref<10112x128xf32, #tpu.memory_space<vmem_shared>> -> memref<48x128xf32, #tpu.memory_space<vmem_shared>>
    %dma_start3A_20 = arith.constant 0 : i32
    %dma_start3A_21 = tpu.memref_slice %arg16[%add3A_17, %dma_start3A_20] : memref<10112x128xf32, #tpu.memory_space<vmem_shared>> -> memref<48x128xf32, #tpu.memory_space<vmem_shared>>
    tpu.enqueue_dma source(%arg9 : memref<48x128xf32, #tpu.memory_space<vmem>>) target(%dma_start3A_21 : memref<48x128xf32, #tpu.memory_space<vmem_shared>>) target_semaphore(%arg10 : memref<!tpu.dma_semaphore, #tpu.memory_space<semaphore_mem>>)
    %mul3A_22 = arith.constant 632 : i32
    %mul3A_23 = arith.muli %arg1, %mul3A_22 : i32
    %add3A_24 = arith.constant 96 : i32
    %add3A_25 = arith.addi %mul3A_23, %add3A_24 : i32
    %dma_start3A_26 = arith.constant 0 : i32
    %dma_start3A_27 = tpu.memref_slice %arg16[%add3A_25, %dma_start3A_26] : memref<10112x128xf32, #tpu.memory_space<vmem_shared>> -> memref<48x128xf32, #tpu.memory_space<vmem_shared>>
    %dma_start3A_28 = arith.constant 0 : i32
    %dma_start3A_29 = tpu.memref_slice %arg16[%add3A_25, %dma_start3A_28] : memref<10112x128xf32, #tpu.memory_space<vmem_shared>> -> memref<48x128xf32, #tpu.memory_space<vmem_shared>>
    tpu.enqueue_dma source(%arg9 : memref<48x128xf32, #tpu.memory_space<vmem>>) target(%dma_start3A_29 : memref<48x128xf32, #tpu.memory_space<vmem_shared>>) target_semaphore(%arg10 : memref<!tpu.dma_semaphore, #tpu.memory_space<semaphore_mem>>)
    %mul3A_30 = arith.constant 632 : i32
    %mul3A_31 = arith.muli %arg1, %mul3A_30 : i32
    %add3A_32 = arith.constant 144 : i32
    %add3A_33 = arith.addi %mul3A_31, %add3A_32 : i32
    %dma_start3A_34 = arith.constant 0 : i32
    %dma_start3A_35 = tpu.memref_slice %arg16[%add3A_33, %dma_start3A_34] : memref<10112x128xf32, #tpu.memory_space<vmem_shared>> -> memref<48x128xf32, #tpu.memory_space<vmem_shared>>
    %dma_start3A_36 = arith.constant 0 : i32
    %dma_start3A_37 = tpu.memref_slice %arg16[%add3A_33, %dma_start3A_36] : memref<10112x128xf32, #tpu.memory_space<vmem_shared>> -> memref<48x128xf32, #tpu.memory_space<vmem_shared>>
    tpu.enqueue_dma source(%arg9 : memref<48x128xf32, #tpu.memory_space<vmem>>) target(%dma_start3A_37 : memref<48x128xf32, #tpu.memory_space<vmem_shared>>) target_semaphore(%arg10 : memref<!tpu.dma_semaphore, #tpu.memory_space<semaphore_mem>>)
    %mul3A_38 = arith.constant 632 : i32
    %mul3A_39 = arith.muli %arg1, %mul3A_38 : i32
    %add3A_40 = arith.constant 192 : i32
    %add3A_41 = arith.addi %mul3A_39, %add3A_40 : i32
    %dma_start3A_42 = arith.constant 0 : i32
    %dma_start3A_43 = tpu.memref_slice %arg16[%add3A_41, %dma_start3A_42] : memref<10112x128xf32, #tpu.memory_space<vmem_shared>> -> memref<48x128xf32, #tpu.memory_space<vmem_shared>>
    %dma_start3A_44 = arith.constant 0 : i32
    %dma_start3A_45 = tpu.memref_slice %arg16[%add3A_41, %dma_start3A_44] : memref<10112x128xf32, #tpu.memory_space<vmem_shared>> -> memref<48x128xf32, #tpu.memory_space<vmem_shared>>
    tpu.enqueue_dma source(%arg9 : memref<48x128xf32, #tpu.memory_space<vmem>>) target(%dma_start3A_45 : memref<48x128xf32, #tpu.memory_space<vmem_shared>>) target_semaphore(%arg10 : memref<!tpu.dma_semaphore, #tpu.memory_space<semaphore_mem>>)
    %mul3A_46 = arith.constant 632 : i32
    %mul3A_47 = arith.muli %arg1, %mul3A_46 : i32
    %add3A_48 = arith.constant 240 : i32
    %add3A_49 = arith.addi %mul3A_47, %add3A_48 : i32
    %dma_start3A_50 = arith.constant 0 : i32
    %dma_start3A_51 = tpu.memref_slice %arg16[%add3A_49, %dma_start3A_50] : memref<10112x128xf32, #tpu.memory_space<vmem_shared>> -> memref<48x128xf32, #tpu.memory_space<vmem_shared>>
    %dma_start3A_52 = arith.constant 0 : i32
    %dma_start3A_53 = tpu.memref_slice %arg16[%add3A_49, %dma_start3A_52] : memref<10112x128xf32, #tpu.memory_space<vmem_shared>> -> memref<48x128xf32, #tpu.memory_space<vmem_shared>>
    tpu.enqueue_dma source(%arg9 : memref<48x128xf32, #tpu.memory_space<vmem>>) target(%dma_start3A_53 : memref<48x128xf32, #tpu.memory_space<vmem_shared>>) target_semaphore(%arg10 : memref<!tpu.dma_semaphore, #tpu.memory_space<semaphore_mem>>)
    %mul3A_54 = arith.constant 632 : i32
    %mul3A_55 = arith.muli %arg1, %mul3A_54 : i32
    %add3A_56 = arith.constant 288 : i32
    %add3A_57 = arith.addi %mul3A_55, %add3A_56 : i32
    %dma_start3A_58 = arith.constant 0 : i32
    %dma_start3A_59 = tpu.memref_slice %arg16[%add3A_57, %dma_start3A_58] : memref<10112x128xf32, #tpu.memory_space<vmem_shared>> -> memref<48x128xf32, #tpu.memory_space<vmem_shared>>
    %dma_start3A_60 = arith.constant 0 : i32
    %dma_start3A_61 = tpu.memref_slice %arg16[%add3A_57, %dma_start3A_60] : memref<10112x128xf32, #tpu.memory_space<vmem_shared>> -> memref<48x128xf32, #tpu.memory_space<vmem_shared>>
    tpu.enqueue_dma source(%arg9 : memref<48x128xf32, #tpu.memory_space<vmem>>) target(%dma_start3A_61 : memref<48x128xf32, #tpu.memory_space<vmem_shared>>) target_semaphore(%arg10 : memref<!tpu.dma_semaphore, #tpu.memory_space<semaphore_mem>>)
    %mul3A_62 = arith.constant 632 : i32
    %mul3A_63 = arith.muli %arg1, %mul3A_62 : i32
    %add3A_64 = arith.constant 336 : i32
    %add3A_65 = arith.addi %mul3A_63, %add3A_64 : i32
    %dma_start3A_66 = arith.constant 0 : i32
    %dma_start3A_67 = tpu.memref_slice %arg16[%add3A_65, %dma_start3A_66] : memref<10112x128xf32, #tpu.memory_space<vmem_shared>> -> memref<48x128xf32, #tpu.memory_space<vmem_shared>>
    %dma_start3A_68 = arith.constant 0 : i32
    %dma_start3A_69 = tpu.memref_slice %arg16[%add3A_65, %dma_start3A_68] : memref<10112x128xf32, #tpu.memory_space<vmem_shared>> -> memref<48x128xf32, #tpu.memory_space<vmem_shared>>
    tpu.enqueue_dma source(%arg9 : memref<48x128xf32, #tpu.memory_space<vmem>>) target(%dma_start3A_69 : memref<48x128xf32, #tpu.memory_space<vmem_shared>>) target_semaphore(%arg10 : memref<!tpu.dma_semaphore, #tpu.memory_space<semaphore_mem>>)
    %mul3A_70 = arith.constant 632 : i32
    %mul3A_71 = arith.muli %arg1, %mul3A_70 : i32
    %add3A_72 = arith.constant 384 : i32
    %add3A_73 = arith.addi %mul3A_71, %add3A_72 : i32
    %dma_start3A_74 = arith.constant 0 : i32
    %dma_start3A_75 = tpu.memref_slice %arg16[%add3A_73, %dma_start3A_74] : memref<10112x128xf32, #tpu.memory_space<vmem_shared>> -> memref<48x128xf32, #tpu.memory_space<vmem_shared>>
    %dma_start3A_76 = arith.constant 0 : i32
    %dma_start3A_77 = tpu.memref_slice %arg16[%add3A_73, %dma_start3A_76] : memref<10112x128xf32, #tpu.memory_space<vmem_shared>> -> memref<48x128xf32, #tpu.memory_space<vmem_shared>>
    tpu.enqueue_dma source(%arg9 : memref<48x128xf32, #tpu.memory_space<vmem>>) target(%dma_start3A_77 : memref<48x128xf32, #tpu.memory_space<vmem_shared>>) target_semaphore(%arg10 : memref<!tpu.dma_semaphore, #tpu.memory_space<semaphore_mem>>)
    %mul3A_78 = arith.constant 632 : i32
    %mul3A_79 = arith.muli %arg1, %mul3A_78 : i32
    %add3A_80 = arith.constant 432 : i32
    %add3A_81 = arith.addi %mul3A_79, %add3A_80 : i32
    %dma_start3A_82 = arith.constant 0 : i32
    %dma_start3A_83 = tpu.memref_slice %arg16[%add3A_81, %dma_start3A_82] : memref<10112x128xf32, #tpu.memory_space<vmem_shared>> -> memref<48x128xf32, #tpu.memory_space<vmem_shared>>
    %dma_start3A_84 = arith.constant 0 : i32
    %dma_start3A_85 = tpu.memref_slice %arg16[%add3A_81, %dma_start3A_84] : memref<10112x128xf32, #tpu.memory_space<vmem_shared>> -> memref<48x128xf32, #tpu.memory_space<vmem_shared>>
    tpu.enqueue_dma source(%arg9 : memref<48x128xf32, #tpu.memory_space<vmem>>) target(%dma_start3A_85 : memref<48x128xf32, #tpu.memory_space<vmem_shared>>) target_semaphore(%arg10 : memref<!tpu.dma_semaphore, #tpu.memory_space<semaphore_mem>>)
    %mul3A_86 = arith.constant 632 : i32
    %mul3A_87 = arith.muli %arg1, %mul3A_86 : i32
    %add3A_88 = arith.constant 480 : i32
    %add3A_89 = arith.addi %mul3A_87, %add3A_88 : i32
    %dma_start3A_90 = arith.constant 0 : i32
    %dma_start3A_91 = tpu.memref_slice %arg16[%add3A_89, %dma_start3A_90] : memref<10112x128xf32, #tpu.memory_space<vmem_shared>> -> memref<48x128xf32, #tpu.memory_space<vmem_shared>>
    %dma_start3A_92 = arith.constant 0 : i32
    %dma_start3A_93 = tpu.memref_slice %arg16[%add3A_89, %dma_start3A_92] : memref<10112x128xf32, #tpu.memory_space<vmem_shared>> -> memref<48x128xf32, #tpu.memory_space<vmem_shared>>
    tpu.enqueue_dma source(%arg9 : memref<48x128xf32, #tpu.memory_space<vmem>>) target(%dma_start3A_93 : memref<48x128xf32, #tpu.memory_space<vmem_shared>>) target_semaphore(%arg10 : memref<!tpu.dma_semaphore, #tpu.memory_space<semaphore_mem>>)
    %mul3A_94 = arith.constant 632 : i32
    %mul3A_95 = arith.muli %arg1, %mul3A_94 : i32
    %add3A_96 = arith.constant 528 : i32
    %add3A_97 = arith.addi %mul3A_95, %add3A_96 : i32
    %dma_start3A_98 = arith.constant 0 : i32
    %dma_start3A_99 = tpu.memref_slice %arg16[%add3A_97, %dma_start3A_98] : memref<10112x128xf32, #tpu.memory_space<vmem_shared>> -> memref<48x128xf32, #tpu.memory_space<vmem_shared>>
    %dma_start3A_100 = arith.constant 0 : i32
    %dma_start3A_101 = tpu.memref_slice %arg16[%add3A_97, %dma_start3A_100] : memref<10112x128xf32, #tpu.memory_space<vmem_shared>> -> memref<48x128xf32, #tpu.memory_space<vmem_shared>>
    tpu.enqueue_dma source(%arg9 : memref<48x128xf32, #tpu.memory_space<vmem>>) target(%dma_start3A_101 : memref<48x128xf32, #tpu.memory_space<vmem_shared>>) target_semaphore(%arg10 : memref<!tpu.dma_semaphore, #tpu.memory_space<semaphore_mem>>)
    %mul3A_102 = arith.constant 632 : i32
    %mul3A_103 = arith.muli %arg1, %mul3A_102 : i32
    %add3A_104 = arith.constant 576 : i32
    %add3A_105 = arith.addi %mul3A_103, %add3A_104 : i32
    %dma_start3A_106 = arith.constant 0 : i32
    %dma_start3A_107 = tpu.memref_slice %arg16[%add3A_105, %dma_start3A_106] : memref<10112x128xf32, #tpu.memory_space<vmem_shared>> -> memref<48x128xf32, #tpu.memory_space<vmem_shared>>
    %dma_start3A_108 = arith.constant 0 : i32
    %dma_start3A_109 = tpu.memref_slice %arg16[%add3A_105, %dma_start3A_108] : memref<10112x128xf32, #tpu.memory_space<vmem_shared>> -> memref<48x128xf32, #tpu.memory_space<vmem_shared>>
    tpu.enqueue_dma source(%arg9 : memref<48x128xf32, #tpu.memory_space<vmem>>) target(%dma_start3A_109 : memref<48x128xf32, #tpu.memory_space<vmem_shared>>) target_semaphore(%arg10 : memref<!tpu.dma_semaphore, #tpu.memory_space<semaphore_mem>>)
    %mul3A_110 = arith.constant 632 : i32
    %mul3A_111 = arith.muli %arg1, %mul3A_110 : i32
    %add3A_112 = arith.constant 624 : i32
    %add3A_113 = arith.addi %mul3A_111, %add3A_112 : i32
    %dma_start3A_114 = arith.constant 0 : i32
    %dma_start3A_115 = arith.constant 0 : i32
    %dma_start3A_116 = tpu.memref_slice %arg9[%dma_start3A_114, %dma_start3A_115] : memref<48x128xf32, #tpu.memory_space<vmem>> -> memref<8x128xf32, #tpu.memory_space<vmem>>
    %dma_start3A_117 = arith.constant 0 : i32
    %dma_start3A_118 = tpu.memref_slice %arg16[%add3A_113, %dma_start3A_117] : memref<10112x128xf32, #tpu.memory_space<vmem_shared>> -> memref<8x128xf32, #tpu.memory_space<vmem_shared>>
    %dma_start3A_119 = arith.constant 0 : i32
    %dma_start3A_120 = tpu.memref_slice %arg16[%add3A_113, %dma_start3A_119] : memref<10112x128xf32, #tpu.memory_space<vmem_shared>> -> memref<8x128xf32, #tpu.memory_space<vmem_shared>>
    %dma_start3A_121 = arith.constant 0 : i32
    %dma_start3A_122 = arith.constant 0 : i32
    %dma_start3A_123 = tpu.memref_slice %arg9[%dma_start3A_121, %dma_start3A_122] : memref<48x128xf32, #tpu.memory_space<vmem>> -> memref<8x128xf32, #tpu.memory_space<vmem>>
    tpu.enqueue_dma source(%dma_start3A_123 : memref<8x128xf32, #tpu.memory_space<vmem>>) target(%dma_start3A_120 : memref<8x128xf32, #tpu.memory_space<vmem_shared>>) target_semaphore(%arg10 : memref<!tpu.dma_semaphore, #tpu.memory_space<semaphore_mem>>)
    "tpu.region"() ({
      %run_scoped3A = tpu.sem_alloc : memref<!tpu.dma_semaphore, #tpu.memory_space<semaphore_mem>>
      %dma_start3A_277 = arith.constant 0 : i32
      %dma_start3A_278 = arith.constant 0 : i32
      %dma_start3A_279 = tpu.memref_slice %arg3[%add3A, %dma_start3A_277, %dma_start3A_278] : memref<32x80x125xi32, #tpu.memory_space<hbm>> -> memref<1x80x125xi32, #tpu.memory_space<hbm>>
      %dma_start3A_280 = tpu.memref_squeeze %dma_start3A_279 : memref<1x80x125xi32, #tpu.memory_space<hbm>> -> memref<80x125xi32, #tpu.memory_space<hbm>>
      %dma_start3A_281 = arith.constant 0 : i32
      %dma_start3A_282 = arith.constant 0 : i32
      %dma_start3A_283 = tpu.memref_slice %arg3[%add3A, %dma_start3A_281, %dma_start3A_282] : memref<32x80x125xi32, #tpu.memory_space<hbm>> -> memref<1x80x125xi32, #tpu.memory_space<hbm>>
      %dma_start3A_284 = tpu.memref_squeeze %dma_start3A_283 : memref<1x80x125xi32, #tpu.memory_space<hbm>> -> memref<80x125xi32, #tpu.memory_space<hbm>>
      tpu.enqueue_dma source(%dma_start3A_284 : memref<80x125xi32, #tpu.memory_space<hbm>>) target(%arg6 : memref<80x125xi32, #tpu.memory_space<vmem>>) target_semaphore(%run_scoped3A : memref<!tpu.dma_semaphore, #tpu.memory_space<semaphore_mem>>)
      %dma_wait3A_285 = arith.constant 0 : i32
      %dma_wait3A_286 = arith.constant 0 : i32
      %dma_wait3A_287 = tpu.memref_slice %arg3[%add3A, %dma_wait3A_285, %dma_wait3A_286] : memref<32x80x125xi32, #tpu.memory_space<hbm>> -> memref<1x80x125xi32, #tpu.memory_space<hbm>>
      %dma_wait3A_288 = tpu.memref_squeeze %dma_wait3A_287 : memref<1x80x125xi32, #tpu.memory_space<hbm>> -> memref<80x125xi32, #tpu.memory_space<hbm>>
      %dma_wait3A_289 = arith.constant 0 : i32
      %dma_wait3A_290 = arith.constant 0 : i32
      %dma_wait3A_291 = tpu.memref_slice %arg3[%add3A, %dma_wait3A_289, %dma_wait3A_290] : memref<32x80x125xi32, #tpu.memory_space<hbm>> -> memref<1x80x125xi32, #tpu.memory_space<hbm>>
      %dma_wait3A_292 = tpu.memref_squeeze %dma_wait3A_291 : memref<1x80x125xi32, #tpu.memory_space<hbm>> -> memref<80x125xi32, #tpu.memory_space<hbm>>
      tpu.wait_dma2 semaphore(%run_scoped3A : memref<!tpu.dma_semaphore, #tpu.memory_space<semaphore_mem>>) src(%dma_wait3A_292 : memref<80x125xi32, #tpu.memory_space<hbm>>) dst(%arg6 : memref<80x125xi32, #tpu.memory_space<vmem>>)
      tpu.yield
    }) : () -> ()
    %dma_wait3A = arith.constant 0 : i32
    %dma_wait3A_124 = tpu.memref_slice %arg16[%add3A_10, %dma_wait3A] : memref<10112x128xf32, #tpu.memory_space<vmem_shared>> -> memref<48x128xf32, #tpu.memory_space<vmem_shared>>
    %dma_wait3A_125 = arith.constant 0 : i32
    %dma_wait3A_126 = tpu.memref_slice %arg16[%add3A_10, %dma_wait3A_125] : memref<10112x128xf32, #tpu.memory_space<vmem_shared>> -> memref<48x128xf32, #tpu.memory_space<vmem_shared>>
    tpu.wait_dma2 semaphore(%arg10 : memref<!tpu.dma_semaphore, #tpu.memory_space<semaphore_mem>>) src(%arg9 : memref<48x128xf32, #tpu.memory_space<vmem>>) dst(%dma_wait3A_126 : memref<48x128xf32, #tpu.memory_space<vmem_shared>>)
    %dma_wait3A_127 = arith.constant 0 : i32
    %dma_wait3A_128 = tpu.memref_slice %arg16[%add3A_17, %dma_wait3A_127] : memref<10112x128xf32, #tpu.memory_space<vmem_shared>> -> memref<48x128xf32, #tpu.memory_space<vmem_shared>>
    %dma_wait3A_129 = arith.constant 0 : i32
    %dma_wait3A_130 = tpu.memref_slice %arg16[%add3A_17, %dma_wait3A_129] : memref<10112x128xf32, #tpu.memory_space<vmem_shared>> -> memref<48x128xf32, #tpu.memory_space<vmem_shared>>
    tpu.wait_dma2 semaphore(%arg10 : memref<!tpu.dma_semaphore, #tpu.memory_space<semaphore_mem>>) src(%arg9 : memref<48x128xf32, #tpu.memory_space<vmem>>) dst(%dma_wait3A_130 : memref<48x128xf32, #tpu.memory_space<vmem_shared>>)
    %dma_wait3A_131 = arith.constant 0 : i32
    %dma_wait3A_132 = tpu.memref_slice %arg16[%add3A_25, %dma_wait3A_131] : memref<10112x128xf32, #tpu.memory_space<vmem_shared>> -> memref<48x128xf32, #tpu.memory_space<vmem_shared>>
    %dma_wait3A_133 = arith.constant 0 : i32
    %dma_wait3A_134 = tpu.memref_slice %arg16[%add3A_25, %dma_wait3A_133] : memref<10112x128xf32, #tpu.memory_space<vmem_shared>> -> memref<48x128xf32, #tpu.memory_space<vmem_shared>>
    tpu.wait_dma2 semaphore(%arg10 : memref<!tpu.dma_semaphore, #tpu.memory_space<semaphore_mem>>) src(%arg9 : memref<48x128xf32, #tpu.memory_space<vmem>>) dst(%dma_wait3A_134 : memref<48x128xf32, #tpu.memory_space<vmem_shared>>)
    %dma_wait3A_135 = arith.constant 0 : i32
    %dma_wait3A_136 = tpu.memref_slice %arg16[%add3A_33, %dma_wait3A_135] : memref<10112x128xf32, #tpu.memory_space<vmem_shared>> -> memref<48x128xf32, #tpu.memory_space<vmem_shared>>
    %dma_wait3A_137 = arith.constant 0 : i32
    %dma_wait3A_138 = tpu.memref_slice %arg16[%add3A_33, %dma_wait3A_137] : memref<10112x128xf32, #tpu.memory_space<vmem_shared>> -> memref<48x128xf32, #tpu.memory_space<vmem_shared>>
    tpu.wait_dma2 semaphore(%arg10 : memref<!tpu.dma_semaphore, #tpu.memory_space<semaphore_mem>>) src(%arg9 : memref<48x128xf32, #tpu.memory_space<vmem>>) dst(%dma_wait3A_138 : memref<48x128xf32, #tpu.memory_space<vmem_shared>>)
    %dma_wait3A_139 = arith.constant 0 : i32
    %dma_wait3A_140 = tpu.memref_slice %arg16[%add3A_41, %dma_wait3A_139] : memref<10112x128xf32, #tpu.memory_space<vmem_shared>> -> memref<48x128xf32, #tpu.memory_space<vmem_shared>>
    %dma_wait3A_141 = arith.constant 0 : i32
    %dma_wait3A_142 = tpu.memref_slice %arg16[%add3A_41, %dma_wait3A_141] : memref<10112x128xf32, #tpu.memory_space<vmem_shared>> -> memref<48x128xf32, #tpu.memory_space<vmem_shared>>
    tpu.wait_dma2 semaphore(%arg10 : memref<!tpu.dma_semaphore, #tpu.memory_space<semaphore_mem>>) src(%arg9 : memref<48x128xf32, #tpu.memory_space<vmem>>) dst(%dma_wait3A_142 : memref<48x128xf32, #tpu.memory_space<vmem_shared>>)
    %dma_wait3A_143 = arith.constant 0 : i32
    %dma_wait3A_144 = tpu.memref_slice %arg16[%add3A_49, %dma_wait3A_143] : memref<10112x128xf32, #tpu.memory_space<vmem_shared>> -> memref<48x128xf32, #tpu.memory_space<vmem_shared>>
    %dma_wait3A_145 = arith.constant 0 : i32
    %dma_wait3A_146 = tpu.memref_slice %arg16[%add3A_49, %dma_wait3A_145] : memref<10112x128xf32, #tpu.memory_space<vmem_shared>> -> memref<48x128xf32, #tpu.memory_space<vmem_shared>>
    tpu.wait_dma2 semaphore(%arg10 : memref<!tpu.dma_semaphore, #tpu.memory_space<semaphore_mem>>) src(%arg9 : memref<48x128xf32, #tpu.memory_space<vmem>>) dst(%dma_wait3A_146 : memref<48x128xf32, #tpu.memory_space<vmem_shared>>)
    %dma_wait3A_147 = arith.constant 0 : i32
    %dma_wait3A_148 = tpu.memref_slice %arg16[%add3A_57, %dma_wait3A_147] : memref<10112x128xf32, #tpu.memory_space<vmem_shared>> -> memref<48x128xf32, #tpu.memory_space<vmem_shared>>
    %dma_wait3A_149 = arith.constant 0 : i32
    %dma_wait3A_150 = tpu.memref_slice %arg16[%add3A_57, %dma_wait3A_149] : memref<10112x128xf32, #tpu.memory_space<vmem_shared>> -> memref<48x128xf32, #tpu.memory_space<vmem_shared>>
    tpu.wait_dma2 semaphore(%arg10 : memref<!tpu.dma_semaphore, #tpu.memory_space<semaphore_mem>>) src(%arg9 : memref<48x128xf32, #tpu.memory_space<vmem>>) dst(%dma_wait3A_150 : memref<48x128xf32, #tpu.memory_space<vmem_shared>>)
    %dma_wait3A_151 = arith.constant 0 : i32
    %dma_wait3A_152 = tpu.memref_slice %arg16[%add3A_65, %dma_wait3A_151] : memref<10112x128xf32, #tpu.memory_space<vmem_shared>> -> memref<48x128xf32, #tpu.memory_space<vmem_shared>>
    %dma_wait3A_153 = arith.constant 0 : i32
    %dma_wait3A_154 = tpu.memref_slice %arg16[%add3A_65, %dma_wait3A_153] : memref<10112x128xf32, #tpu.memory_space<vmem_shared>> -> memref<48x128xf32, #tpu.memory_space<vmem_shared>>
    tpu.wait_dma2 semaphore(%arg10 : memref<!tpu.dma_semaphore, #tpu.memory_space<semaphore_mem>>) src(%arg9 : memref<48x128xf32, #tpu.memory_space<vmem>>) dst(%dma_wait3A_154 : memref<48x128xf32, #tpu.memory_space<vmem_shared>>)
    %dma_wait3A_155 = arith.constant 0 : i32
    %dma_wait3A_156 = tpu.memref_slice %arg16[%add3A_73, %dma_wait3A_155] : memref<10112x128xf32, #tpu.memory_space<vmem_shared>> -> memref<48x128xf32, #tpu.memory_space<vmem_shared>>
    %dma_wait3A_157 = arith.constant 0 : i32
    %dma_wait3A_158 = tpu.memref_slice %arg16[%add3A_73, %dma_wait3A_157] : memref<10112x128xf32, #tpu.memory_space<vmem_shared>> -> memref<48x128xf32, #tpu.memory_space<vmem_shared>>
    tpu.wait_dma2 semaphore(%arg10 : memref<!tpu.dma_semaphore, #tpu.memory_space<semaphore_mem>>) src(%arg9 : memref<48x128xf32, #tpu.memory_space<vmem>>) dst(%dma_wait3A_158 : memref<48x128xf32, #tpu.memory_space<vmem_shared>>)
    %dma_wait3A_159 = arith.constant 0 : i32
    %dma_wait3A_160 = tpu.memref_slice %arg16[%add3A_81, %dma_wait3A_159] : memref<10112x128xf32, #tpu.memory_space<vmem_shared>> -> memref<48x128xf32, #tpu.memory_space<vmem_shared>>
    %dma_wait3A_161 = arith.constant 0 : i32
    %dma_wait3A_162 = tpu.memref_slice %arg16[%add3A_81, %dma_wait3A_161] : memref<10112x128xf32, #tpu.memory_space<vmem_shared>> -> memref<48x128xf32, #tpu.memory_space<vmem_shared>>
    tpu.wait_dma2 semaphore(%arg10 : memref<!tpu.dma_semaphore, #tpu.memory_space<semaphore_mem>>) src(%arg9 : memref<48x128xf32, #tpu.memory_space<vmem>>) dst(%dma_wait3A_162 : memref<48x128xf32, #tpu.memory_space<vmem_shared>>)
    %dma_wait3A_163 = arith.constant 0 : i32
    %dma_wait3A_164 = tpu.memref_slice %arg16[%add3A_89, %dma_wait3A_163] : memref<10112x128xf32, #tpu.memory_space<vmem_shared>> -> memref<48x128xf32, #tpu.memory_space<vmem_shared>>
    %dma_wait3A_165 = arith.constant 0 : i32
    %dma_wait3A_166 = tpu.memref_slice %arg16[%add3A_89, %dma_wait3A_165] : memref<10112x128xf32, #tpu.memory_space<vmem_shared>> -> memref<48x128xf32, #tpu.memory_space<vmem_shared>>
    tpu.wait_dma2 semaphore(%arg10 : memref<!tpu.dma_semaphore, #tpu.memory_space<semaphore_mem>>) src(%arg9 : memref<48x128xf32, #tpu.memory_space<vmem>>) dst(%dma_wait3A_166 : memref<48x128xf32, #tpu.memory_space<vmem_shared>>)
    %dma_wait3A_167 = arith.constant 0 : i32
    %dma_wait3A_168 = tpu.memref_slice %arg16[%add3A_97, %dma_wait3A_167] : memref<10112x128xf32, #tpu.memory_space<vmem_shared>> -> memref<48x128xf32, #tpu.memory_space<vmem_shared>>
    %dma_wait3A_169 = arith.constant 0 : i32
    %dma_wait3A_170 = tpu.memref_slice %arg16[%add3A_97, %dma_wait3A_169] : memref<10112x128xf32, #tpu.memory_space<vmem_shared>> -> memref<48x128xf32, #tpu.memory_space<vmem_shared>>
    tpu.wait_dma2 semaphore(%arg10 : memref<!tpu.dma_semaphore, #tpu.memory_space<semaphore_mem>>) src(%arg9 : memref<48x128xf32, #tpu.memory_space<vmem>>) dst(%dma_wait3A_170 : memref<48x128xf32, #tpu.memory_space<vmem_shared>>)
    %dma_wait3A_171 = arith.constant 0 : i32
    %dma_wait3A_172 = tpu.memref_slice %arg16[%add3A_105, %dma_wait3A_171] : memref<10112x128xf32, #tpu.memory_space<vmem_shared>> -> memref<48x128xf32, #tpu.memory_space<vmem_shared>>
    %dma_wait3A_173 = arith.constant 0 : i32
    %dma_wait3A_174 = tpu.memref_slice %arg16[%add3A_105, %dma_wait3A_173] : memref<10112x128xf32, #tpu.memory_space<vmem_shared>> -> memref<48x128xf32, #tpu.memory_space<vmem_shared>>
    tpu.wait_dma2 semaphore(%arg10 : memref<!tpu.dma_semaphore, #tpu.memory_space<semaphore_mem>>) src(%arg9 : memref<48x128xf32, #tpu.memory_space<vmem>>) dst(%dma_wait3A_174 : memref<48x128xf32, #tpu.memory_space<vmem_shared>>)
    %dma_wait3A_175 = arith.constant 0 : i32
    %dma_wait3A_176 = arith.constant 0 : i32
    %dma_wait3A_177 = tpu.memref_slice %arg9[%dma_wait3A_175, %dma_wait3A_176] : memref<48x128xf32, #tpu.memory_space<vmem>> -> memref<8x128xf32, #tpu.memory_space<vmem>>
    %dma_wait3A_178 = arith.constant 0 : i32
    %dma_wait3A_179 = tpu.memref_slice %arg16[%add3A_113, %dma_wait3A_178] : memref<10112x128xf32, #tpu.memory_space<vmem_shared>> -> memref<8x128xf32, #tpu.memory_space<vmem_shared>>
    %dma_wait3A_180 = arith.constant 0 : i32
    %dma_wait3A_181 = tpu.memref_slice %arg16[%add3A_113, %dma_wait3A_180] : memref<10112x128xf32, #tpu.memory_space<vmem_shared>> -> memref<8x128xf32, #tpu.memory_space<vmem_shared>>
    %dma_wait3A_182 = arith.constant 0 : i32
    %dma_wait3A_183 = arith.constant 0 : i32
    %dma_wait3A_184 = tpu.memref_slice %arg9[%dma_wait3A_182, %dma_wait3A_183] : memref<48x128xf32, #tpu.memory_space<vmem>> -> memref<8x128xf32, #tpu.memory_space<vmem>>
    tpu.wait_dma2 semaphore(%arg10 : memref<!tpu.dma_semaphore, #tpu.memory_space<semaphore_mem>>) src(%dma_wait3A_184 : memref<8x128xf32, #tpu.memory_space<vmem>>) dst(%dma_wait3A_181 : memref<8x128xf32, #tpu.memory_space<vmem_shared>>)
    %barrier3A = arith.constant 0 : index
    tpu.barrier barrier_id(%barrier3A)
    %dma_start3A_185 = arith.constant 0 : i32
    %dma_start3A_186 = arith.constant 0 : i32
    %dma_start3A_187 = arith.constant 0 : i32
    %dma_start3A_188 = tpu.memref_slice %arg7[%dma_start3A_186, %dma_start3A_187] : memref<4x125xi32, #tpu.memory_space<vmem>> -> memref<1x125xi32, #tpu.memory_space<vmem>>
    %dma_start3A_189 = tpu.memref_squeeze %dma_start3A_188 : memref<1x125xi32, #tpu.memory_space<vmem>> -> memref<125xi32, #tpu.memory_space<vmem>>
    %dma_start3A_190 = arith.constant 0 : i32
    %dma_start3A_191 = tpu.memref_slice %arg4[%add3A, %dma_start3A_185, %dma_start3A_190] : memref<32x80x125xi32, #tpu.memory_space<hbm>> -> memref<1x1x125xi32, #tpu.memory_space<hbm>>
    %dma_start3A_192 = tpu.memref_squeeze %dma_start3A_191 : memref<1x1x125xi32, #tpu.memory_space<hbm>> -> memref<125xi32, #tpu.memory_space<hbm>>
    %dma_start3A_193 = arith.constant 0 : i32
    %dma_start3A_194 = tpu.memref_slice %arg7[%dma_start3A_186, %dma_start3A_193] : memref<4x125xi32, #tpu.memory_space<vmem>> -> memref<1x125xi32, #tpu.memory_space<vmem>>
    %dma_start3A_195 = tpu.memref_squeeze %dma_start3A_194 : memref<1x125xi32, #tpu.memory_space<vmem>> -> memref<125xi32, #tpu.memory_space<vmem>>
    %dma_start3A_196 = arith.constant 0 : i32
    %dma_start3A_197 = tpu.memref_slice %arg4[%add3A, %dma_start3A_185, %dma_start3A_196] : memref<32x80x125xi32, #tpu.memory_space<hbm>> -> memref<1x1x125xi32, #tpu.memory_space<hbm>>
    %dma_start3A_198 = tpu.memref_squeeze %dma_start3A_197 : memref<1x1x125xi32, #tpu.memory_space<hbm>> -> memref<125xi32, #tpu.memory_space<hbm>>
    tpu.enqueue_dma source(%dma_start3A_198 : memref<125xi32, #tpu.memory_space<hbm>>) target(%dma_start3A_195 : memref<125xi32, #tpu.memory_space<vmem>>) target_semaphore(%arg12 : memref<!tpu.dma_semaphore, #tpu.memory_space<semaphore_mem>>)
    %dma_start3A_199 = arith.constant 1 : i32
    %dma_start3A_200 = arith.constant 1 : i32
    %dma_start3A_201 = arith.constant 0 : i32
    %dma_start3A_202 = tpu.memref_slice %arg7[%dma_start3A_200, %dma_start3A_201] : memref<4x125xi32, #tpu.memory_space<vmem>> -> memref<1x125xi32, #tpu.memory_space<vmem>>
    %dma_start3A_203 = tpu.memref_squeeze %dma_start3A_202 : memref<1x125xi32, #tpu.memory_space<vmem>> -> memref<125xi32, #tpu.memory_space<vmem>>
    %dma_start3A_204 = arith.constant 0 : i32
    %dma_start3A_205 = tpu.memref_slice %arg4[%add3A, %dma_start3A_199, %dma_start3A_204] : memref<32x80x125xi32, #tpu.memory_space<hbm>> -> memref<1x1x125xi32, #tpu.memory_space<hbm>>
    %dma_start3A_206 = tpu.memref_squeeze %dma_start3A_205 : memref<1x1x125xi32, #tpu.memory_space<hbm>> -> memref<125xi32, #tpu.memory_space<hbm>>
    %dma_start3A_207 = arith.constant 0 : i32
    %dma_start3A_208 = tpu.memref_slice %arg7[%dma_start3A_200, %dma_start3A_207] : memref<4x125xi32, #tpu.memory_space<vmem>> -> memref<1x125xi32, #tpu.memory_space<vmem>>
    %dma_start3A_209 = tpu.memref_squeeze %dma_start3A_208 : memref<1x125xi32, #tpu.memory_space<vmem>> -> memref<125xi32, #tpu.memory_space<vmem>>
    %dma_start3A_210 = arith.constant 0 : i32
    %dma_start3A_211 = tpu.memref_slice %arg4[%add3A, %dma_start3A_199, %dma_start3A_210] : memref<32x80x125xi32, #tpu.memory_space<hbm>> -> memref<1x1x125xi32, #tpu.memory_space<hbm>>
    %dma_start3A_212 = tpu.memref_squeeze %dma_start3A_211 : memref<1x1x125xi32, #tpu.memory_space<hbm>> -> memref<125xi32, #tpu.memory_space<hbm>>
    tpu.enqueue_dma source(%dma_start3A_212 : memref<125xi32, #tpu.memory_space<hbm>>) target(%dma_start3A_209 : memref<125xi32, #tpu.memory_space<vmem>>) target_semaphore(%arg13 : memref<!tpu.dma_semaphore, #tpu.memory_space<semaphore_mem>>)
    %dma_start3A_213 = arith.constant 2 : i32
    %dma_start3A_214 = arith.constant 2 : i32
    %dma_start3A_215 = arith.constant 0 : i32
    %dma_start3A_216 = tpu.memref_slice %arg7[%dma_start3A_214, %dma_start3A_215] : memref<4x125xi32, #tpu.memory_space<vmem>> -> memref<1x125xi32, #tpu.memory_space<vmem>>
    %dma_start3A_217 = tpu.memref_squeeze %dma_start3A_216 : memref<1x125xi32, #tpu.memory_space<vmem>> -> memref<125xi32, #tpu.memory_space<vmem>>
    %dma_start3A_218 = arith.constant 0 : i32
    %dma_start3A_219 = tpu.memref_slice %arg4[%add3A, %dma_start3A_213, %dma_start3A_218] : memref<32x80x125xi32, #tpu.memory_space<hbm>> -> memref<1x1x125xi32, #tpu.memory_space<hbm>>
    %dma_start3A_220 = tpu.memref_squeeze %dma_start3A_219 : memref<1x1x125xi32, #tpu.memory_space<hbm>> -> memref<125xi32, #tpu.memory_space<hbm>>
    %dma_start3A_221 = arith.constant 0 : i32
    %dma_start3A_222 = tpu.memref_slice %arg7[%dma_start3A_214, %dma_start3A_221] : memref<4x125xi32, #tpu.memory_space<vmem>> -> memref<1x125xi32, #tpu.memory_space<vmem>>
    %dma_start3A_223 = tpu.memref_squeeze %dma_start3A_222 : memref<1x125xi32, #tpu.memory_space<vmem>> -> memref<125xi32, #tpu.memory_space<vmem>>
    %dma_start3A_224 = arith.constant 0 : i32
    %dma_start3A_225 = tpu.memref_slice %arg4[%add3A, %dma_start3A_213, %dma_start3A_224] : memref<32x80x125xi32, #tpu.memory_space<hbm>> -> memref<1x1x125xi32, #tpu.memory_space<hbm>>
    %dma_start3A_226 = tpu.memref_squeeze %dma_start3A_225 : memref<1x1x125xi32, #tpu.memory_space<hbm>> -> memref<125xi32, #tpu.memory_space<hbm>>
    tpu.enqueue_dma source(%dma_start3A_226 : memref<125xi32, #tpu.memory_space<hbm>>) target(%dma_start3A_223 : memref<125xi32, #tpu.memory_space<vmem>>) target_semaphore(%arg14 : memref<!tpu.dma_semaphore, #tpu.memory_space<semaphore_mem>>)
    %dma_start3A_227 = arith.constant 3 : i32
    %dma_start3A_228 = arith.constant 3 : i32
    %dma_start3A_229 = arith.constant 0 : i32
    %dma_start3A_230 = tpu.memref_slice %arg7[%dma_start3A_228, %dma_start3A_229] : memref<4x125xi32, #tpu.memory_space<vmem>> -> memref<1x125xi32, #tpu.memory_space<vmem>>
    %dma_start3A_231 = tpu.memref_squeeze %dma_start3A_230 : memref<1x125xi32, #tpu.memory_space<vmem>> -> memref<125xi32, #tpu.memory_space<vmem>>
    %dma_start3A_232 = arith.constant 0 : i32
    %dma_start3A_233 = tpu.memref_slice %arg4[%add3A, %dma_start3A_227, %dma_start3A_232] : memref<32x80x125xi32, #tpu.memory_space<hbm>> -> memref<1x1x125xi32, #tpu.memory_space<hbm>>
    %dma_start3A_234 = tpu.memref_squeeze %dma_start3A_233 : memref<1x1x125xi32, #tpu.memory_space<hbm>> -> memref<125xi32, #tpu.memory_space<hbm>>
    %dma_start3A_235 = arith.constant 0 : i32
    %dma_start3A_236 = tpu.memref_slice %arg7[%dma_start3A_228, %dma_start3A_235] : memref<4x125xi32, #tpu.memory_space<vmem>> -> memref<1x125xi32, #tpu.memory_space<vmem>>
    %dma_start3A_237 = tpu.memref_squeeze %dma_start3A_236 : memref<1x125xi32, #tpu.memory_space<vmem>> -> memref<125xi32, #tpu.memory_space<vmem>>
    %dma_start3A_238 = arith.constant 0 : i32
    %dma_start3A_239 = tpu.memref_slice %arg4[%add3A, %dma_start3A_227, %dma_start3A_238] : memref<32x80x125xi32, #tpu.memory_space<hbm>> -> memref<1x1x125xi32, #tpu.memory_space<hbm>>
    %dma_start3A_240 = tpu.memref_squeeze %dma_start3A_239 : memref<1x1x125xi32, #tpu.memory_space<hbm>> -> memref<125xi32, #tpu.memory_space<hbm>>
    tpu.enqueue_dma source(%dma_start3A_240 : memref<125xi32, #tpu.memory_space<hbm>>) target(%dma_start3A_237 : memref<125xi32, #tpu.memory_space<vmem>>) target_semaphore(%arg15 : memref<!tpu.dma_semaphore, #tpu.memory_space<semaphore_mem>>)
    %dma_start3A_241 = arith.constant 0 : i32
    %dma_start3A_242 = arith.constant 0 : i32
    %dma_start3A_243 = arith.constant 0 : i32
    %dma_start3A_244 = arith.constant 0 : i32
    %dma_start3A_245 = tpu.memref_slice %arg8[%dma_start3A_242, %dma_start3A_243, %dma_start3A_244] : memref<2x125x128xf32, #tpu.memory_space<vmem>> -> memref<1x125x128xf32, #tpu.memory_space<vmem>>
    %dma_start3A_246 = tpu.memref_squeeze %dma_start3A_245 : memref<1x125x128xf32, #tpu.memory_space<vmem>> -> memref<125x128xf32, #tpu.memory_space<vmem>>
    %dma_start3A_247 = arith.constant 0 : i32
    %dma_start3A_248 = tpu.memref_slice %arg6[%dma_start3A_241, %dma_start3A_247] : memref<80x125xi32, #tpu.memory_space<vmem>> -> memref<1x125xi32, #tpu.memory_space<vmem>>
    %dma_start3A_249 = tpu.memref_squeeze %dma_start3A_248 : memref<1x125xi32, #tpu.memory_space<vmem>> -> memref<125xi32, #tpu.memory_space<vmem>>
    %dma_start3A_250 = arith.constant 0 : i32
    %dma_start3A_251 = arith.constant 0 : i32
    %dma_start3A_252 = tpu.memref_slice %arg2[%dma_start3A_250, %dma_start3A_251] : memref<10000x128xf32, #tpu.memory_space<hbm>> -> memref<10000x128xf32, #tpu.memory_space<hbm>>
    tpu.enqueue_indirect_dma source(%dma_start3A_252 : memref<10000x128xf32, #tpu.memory_space<hbm>>) target(%dma_start3A_246 : memref<125x128xf32, #tpu.memory_space<vmem>>) offsets(%dma_start3A_249 : memref<125xi32, #tpu.memory_space<vmem>>) semaphore(%arg10 : memref<!tpu.dma_semaphore, #tpu.memory_space<semaphore_mem>>)
    %dma_start3A_253 = arith.constant 1 : i32
    %dma_start3A_254 = arith.constant 1 : i32
    %dma_start3A_255 = arith.constant 0 : i32
    %dma_start3A_256 = arith.constant 0 : i32
    %dma_start3A_257 = tpu.memref_slice %arg8[%dma_start3A_254, %dma_start3A_255, %dma_start3A_256] : memref<2x125x128xf32, #tpu.memory_space<vmem>> -> memref<1x125x128xf32, #tpu.memory_space<vmem>>
    %dma_start3A_258 = tpu.memref_squeeze %dma_start3A_257 : memref<1x125x128xf32, #tpu.memory_space<vmem>> -> memref<125x128xf32, #tpu.memory_space<vmem>>
    %dma_start3A_259 = arith.constant 0 : i32
    %dma_start3A_260 = tpu.memref_slice %arg6[%dma_start3A_253, %dma_start3A_259] : memref<80x125xi32, #tpu.memory_space<vmem>> -> memref<1x125xi32, #tpu.memory_space<vmem>>
    %dma_start3A_261 = tpu.memref_squeeze %dma_start3A_260 : memref<1x125xi32, #tpu.memory_space<vmem>> -> memref<125xi32, #tpu.memory_space<vmem>>
    %dma_start3A_262 = arith.constant 0 : i32
    %dma_start3A_263 = arith.constant 0 : i32
    %dma_start3A_264 = tpu.memref_slice %arg2[%dma_start3A_262, %dma_start3A_263] : memref<10000x128xf32, #tpu.memory_space<hbm>> -> memref<10000x128xf32, #tpu.memory_space<hbm>>
    tpu.enqueue_indirect_dma source(%dma_start3A_264 : memref<10000x128xf32, #tpu.memory_space<hbm>>) target(%dma_start3A_258 : memref<125x128xf32, #tpu.memory_space<vmem>>) offsets(%dma_start3A_261 : memref<125xi32, #tpu.memory_space<vmem>>) semaphore(%arg11 : memref<!tpu.dma_semaphore, #tpu.memory_space<semaphore_mem>>)
    %scan3A_265 = arith.constant 0 : i32
    %scan3A_266 = arith.constant 0 : i32
    %scan3A_267 = arith.constant 20 : i32
    %scan3A_268 = arith.addi %scan3A_266, %scan3A_267 : i32
    %scan3A_269 = arith.constant 1 : i32
    %scan3A_270 = scf.for %scan3A_277 = %scan3A_266 to %scan3A_268 step %scan3A_269 iter_args(%scan3A_278 = %scan3A_265) -> (i32)  : i32 {
      %mul3A_279 = arith.constant 4 : i32
      %mul3A_280 = arith.muli %scan3A_277, %mul3A_279 : i32
      %add3A_281 = arith.constant 0 : i32
      %add3A_282 = arith.addi %mul3A_280, %add3A_281 : i32
      %dma_wait3A_283 = arith.constant 0 : i32
      %dma_wait3A_284 = arith.constant 0 : i32
      %dma_wait3A_285 = arith.constant 0 : i32
      %dma_wait3A_286 = arith.constant 0 : i32
      %dma_wait3A_287 = tpu.memref_slice %arg8[%dma_wait3A_284, %dma_wait3A_285, %dma_wait3A_286] : memref<2x125x128xf32, #tpu.memory_space<vmem>> -> memref<1x125x128xf32, #tpu.memory_space<vmem>>
      %dma_wait3A_288 = tpu.memref_squeeze %dma_wait3A_287 : memref<1x125x128xf32, #tpu.memory_space<vmem>> -> memref<125x128xf32, #tpu.memory_space<vmem>>
      %dma_wait3A_289 = arith.constant 0 : i32
      %dma_wait3A_290 = tpu.memref_slice %arg6[%dma_wait3A_283, %dma_wait3A_289] : memref<80x125xi32, #tpu.memory_space<vmem>> -> memref<1x125xi32, #tpu.memory_space<vmem>>
      %dma_wait3A_291 = tpu.memref_squeeze %dma_wait3A_290 : memref<1x125xi32, #tpu.memory_space<vmem>> -> memref<125xi32, #tpu.memory_space<vmem>>
      %dma_wait3A_292 = arith.constant 0 : i32
      %dma_wait3A_293 = arith.constant 0 : i32
      %dma_wait3A_294 = tpu.memref_slice %arg2[%dma_wait3A_292, %dma_wait3A_293] : memref<10000x128xf32, #tpu.memory_space<hbm>> -> memref<10000x128xf32, #tpu.memory_space<hbm>>
      tpu.wait_indirect_dma semaphore(%arg10 : memref<!tpu.dma_semaphore, #tpu.memory_space<semaphore_mem>>) src(%dma_wait3A_294 : memref<10000x128xf32, #tpu.memory_space<hbm>>) dst(%dma_wait3A_288 : memref<125x128xf32, #tpu.memory_space<vmem>>)
      %dma_wait3A_295 = arith.constant 0 : i32
      %dma_wait3A_296 = arith.constant 0 : i32
      %dma_wait3A_297 = arith.constant 0 : i32
      %dma_wait3A_298 = arith.constant 0 : i32
      %dma_wait3A_299 = tpu.memref_slice %arg7[%dma_wait3A_297, %dma_wait3A_298] : memref<4x125xi32, #tpu.memory_space<vmem>> -> memref<1x125xi32, #tpu.memory_space<vmem>>
      %dma_wait3A_300 = tpu.memref_squeeze %dma_wait3A_299 : memref<1x125xi32, #tpu.memory_space<vmem>> -> memref<125xi32, #tpu.memory_space<vmem>>
      %dma_wait3A_301 = arith.constant 0 : i32
      %dma_wait3A_302 = tpu.memref_slice %arg4[%dma_wait3A_295, %dma_wait3A_296, %dma_wait3A_301] : memref<32x80x125xi32, #tpu.memory_space<hbm>> -> memref<1x1x125xi32, #tpu.memory_space<hbm>>
      %dma_wait3A_303 = tpu.memref_squeeze %dma_wait3A_302 : memref<1x1x125xi32, #tpu.memory_space<hbm>> -> memref<125xi32, #tpu.memory_space<hbm>>
      %dma_wait3A_304 = arith.constant 0 : i32
      %dma_wait3A_305 = tpu.memref_slice %arg7[%dma_wait3A_297, %dma_wait3A_304] : memref<4x125xi32, #tpu.memory_space<vmem>> -> memref<1x125xi32, #tpu.memory_space<vmem>>
      %dma_wait3A_306 = tpu.memref_squeeze %dma_wait3A_305 : memref<1x125xi32, #tpu.memory_space<vmem>> -> memref<125xi32, #tpu.memory_space<vmem>>
      %dma_wait3A_307 = arith.constant 0 : i32
      %dma_wait3A_308 = tpu.memref_slice %arg4[%dma_wait3A_295, %dma_wait3A_296, %dma_wait3A_307] : memref<32x80x125xi32, #tpu.memory_space<hbm>> -> memref<1x1x125xi32, #tpu.memory_space<hbm>>
      %dma_wait3A_309 = tpu.memref_squeeze %dma_wait3A_308 : memref<1x1x125xi32, #tpu.memory_space<hbm>> -> memref<125xi32, #tpu.memory_space<hbm>>
      tpu.wait_dma2 semaphore(%arg12 : memref<!tpu.dma_semaphore, #tpu.memory_space<semaphore_mem>>) src(%dma_wait3A_309 : memref<125xi32, #tpu.memory_space<hbm>>) dst(%dma_wait3A_306 : memref<125xi32, #tpu.memory_space<vmem>>)
      %run_scoped3A = arith.constant 0 : i32
      %run_scoped3A_310 = arith.constant 0 : i32
      "tpu.region"() ({
        %run_scoped3A_464 = tpu.sem_alloc : memref<!tpu.dma_semaphore, #tpu.memory_space<semaphore_mem>>
        %dma_start3A_465 = arith.constant 0 : i32
        %dma_start3A_466 = arith.constant 0 : i32
        %dma_start3A_467 = tpu.memref_slice %arg8[%run_scoped3A, %dma_start3A_465, %dma_start3A_466] : memref<2x125x128xf32, #tpu.memory_space<vmem>> -> memref<1x125x128xf32, #tpu.memory_space<vmem>>
        %dma_start3A_468 = tpu.memref_squeeze %dma_start3A_467 : memref<1x125x128xf32, #tpu.memory_space<vmem>> -> memref<125x128xf32, #tpu.memory_space<vmem>>
        %dma_start3A_469 = arith.constant 0 : i32
        %dma_start3A_470 = tpu.memref_slice %arg7[%run_scoped3A_310, %dma_start3A_469] : memref<4x125xi32, #tpu.memory_space<vmem>> -> memref<1x125xi32, #tpu.memory_space<vmem>>
        %dma_start3A_471 = tpu.memref_squeeze %dma_start3A_470 : memref<1x125xi32, #tpu.memory_space<vmem>> -> memref<125xi32, #tpu.memory_space<vmem>>
        %dma_start3A_472 = arith.constant 0 : i32
        %dma_start3A_473 = arith.constant 0 : i32
        %dma_start3A_474 = tpu.memref_slice %arg16[%dma_start3A_472, %dma_start3A_473] : memref<10112x128xf32, #tpu.memory_space<vmem_shared>> -> memref<10112x128xf32, #tpu.memory_space<vmem_shared>>
        tpu.enqueue_indirect_dma source(%dma_start3A_468 : memref<125x128xf32, #tpu.memory_space<vmem>>) target(%dma_start3A_474 : memref<10112x128xf32, #tpu.memory_space<vmem_shared>>) offsets(%dma_start3A_471 : memref<125xi32, #tpu.memory_space<vmem>>) semaphore(%run_scoped3A_464 : memref<!tpu.dma_semaphore, #tpu.memory_space<semaphore_mem>>) {add = true}
        %dma_wait3A_475 = arith.constant 0 : i32
        %dma_wait3A_476 = arith.constant 0 : i32
        %dma_wait3A_477 = tpu.memref_slice %arg8[%run_scoped3A, %dma_wait3A_475, %dma_wait3A_476] : memref<2x125x128xf32, #tpu.memory_space<vmem>> -> memref<1x125x128xf32, #tpu.memory_space<vmem>>
        %dma_wait3A_478 = tpu.memref_squeeze %dma_wait3A_477 : memref<1x125x128xf32, #tpu.memory_space<vmem>> -> memref<125x128xf32, #tpu.memory_space<vmem>>
        %dma_wait3A_479 = arith.constant 0 : i32
        %dma_wait3A_480 = tpu.memref_slice %arg7[%run_scoped3A_310, %dma_wait3A_479] : memref<4x125xi32, #tpu.memory_space<vmem>> -> memref<1x125xi32, #tpu.memory_space<vmem>>
        %dma_wait3A_481 = tpu.memref_squeeze %dma_wait3A_480 : memref<1x125xi32, #tpu.memory_space<vmem>> -> memref<125xi32, #tpu.memory_space<vmem>>
        %dma_wait3A_482 = arith.constant 0 : i32
        %dma_wait3A_483 = arith.constant 0 : i32
        %dma_wait3A_484 = tpu.memref_slice %arg16[%dma_wait3A_482, %dma_wait3A_483] : memref<10112x128xf32, #tpu.memory_space<vmem_shared>> -> memref<10112x128xf32, #tpu.memory_space<vmem_shared>>
        tpu.wait_indirect_dma semaphore(%run_scoped3A_464 : memref<!tpu.dma_semaphore, #tpu.memory_space<semaphore_mem>>) src(%dma_wait3A_478 : memref<125x128xf32, #tpu.memory_space<vmem>>) dst(%dma_wait3A_484 : memref<10112x128xf32, #tpu.memory_space<vmem_shared>>)
        tpu.yield
      }) : () -> ()
      %add3A_311 = arith.constant 2 : i32
      %add3A_312 = arith.addi %add3A_282, %add3A_311 : i32
      %lt3A = arith.constant 80 : i32
      %lt3A_313 = arith.cmpi slt, %add3A_312, %lt3A : i32
      %convert_element_type3A = arith.extui %lt3A_313 : i1 to i32
      %cond3A = arith.constant 0 : i32
      %cond3A_314 = arith.cmpi ne, %convert_element_type3A, %cond3A : i32
      scf.if %cond3A_314 {
        %add3A_464 = arith.constant 2 : i32
        %add3A_465 = arith.addi %add3A_282, %add3A_464 : i32
        %dma_start3A_466 = arith.constant 0 : i32
        %dma_start3A_467 = arith.constant 0 : i32
        %dma_start3A_468 = arith.constant 0 : i32
        %dma_start3A_469 = tpu.memref_slice %arg8[%dma_start3A_466, %dma_start3A_467, %dma_start3A_468] : memref<2x125x128xf32, #tpu.memory_space<vmem>> -> memref<1x125x128xf32, #tpu.memory_space<vmem>>
        %dma_start3A_470 = tpu.memref_squeeze %dma_start3A_469 : memref<1x125x128xf32, #tpu.memory_space<vmem>> -> memref<125x128xf32, #tpu.memory_space<vmem>>
        %dma_start3A_471 = arith.constant 0 : i32
        %dma_start3A_472 = tpu.memref_slice %arg6[%add3A_465, %dma_start3A_471] : memref<80x125xi32, #tpu.memory_space<vmem>> -> memref<1x125xi32, #tpu.memory_space<vmem>>
        %dma_start3A_473 = tpu.memref_squeeze %dma_start3A_472 : memref<1x125xi32, #tpu.memory_space<vmem>> -> memref<125xi32, #tpu.memory_space<vmem>>
        %dma_start3A_474 = arith.constant 0 : i32
        %dma_start3A_475 = arith.constant 0 : i32
        %dma_start3A_476 = tpu.memref_slice %arg2[%dma_start3A_474, %dma_start3A_475] : memref<10000x128xf32, #tpu.memory_space<hbm>> -> memref<10000x128xf32, #tpu.memory_space<hbm>>
        tpu.enqueue_indirect_dma source(%dma_start3A_476 : memref<10000x128xf32, #tpu.memory_space<hbm>>) target(%dma_start3A_470 : memref<125x128xf32, #tpu.memory_space<vmem>>) offsets(%dma_start3A_473 : memref<125xi32, #tpu.memory_space<vmem>>) semaphore(%arg10 : memref<!tpu.dma_semaphore, #tpu.memory_space<semaphore_mem>>)
      } else {
      }
      %add3A_315 = arith.constant 4 : i32
      %add3A_316 = arith.addi %add3A_282, %add3A_315 : i32
      %lt3A_317 = arith.constant 80 : i32
      %lt3A_318 = arith.cmpi slt, %add3A_316, %lt3A_317 : i32
      %convert_element_type3A_319 = arith.extui %lt3A_318 : i1 to i32
      %cond3A_320 = arith.constant 0 : i32
      %cond3A_321 = arith.cmpi ne, %convert_element_type3A_319, %cond3A_320 : i32
      scf.if %cond3A_321 {
        %add3A_464 = arith.constant 4 : i32
        %add3A_465 = arith.addi %add3A_282, %add3A_464 : i32
        %dma_start3A_466 = arith.constant 0 : i32
        %dma_start3A_467 = arith.constant 0 : i32
        %dma_start3A_468 = tpu.memref_slice %arg7[%dma_start3A_466, %dma_start3A_467] : memref<4x125xi32, #tpu.memory_space<vmem>> -> memref<1x125xi32, #tpu.memory_space<vmem>>
        %dma_start3A_469 = tpu.memref_squeeze %dma_start3A_468 : memref<1x125xi32, #tpu.memory_space<vmem>> -> memref<125xi32, #tpu.memory_space<vmem>>
        %dma_start3A_470 = arith.constant 0 : i32
        %dma_start3A_471 = tpu.memref_slice %arg4[%add3A, %add3A_465, %dma_start3A_470] : memref<32x80x125xi32, #tpu.memory_space<hbm>> -> memref<1x1x125xi32, #tpu.memory_space<hbm>>
        %dma_start3A_472 = tpu.memref_squeeze %dma_start3A_471 : memref<1x1x125xi32, #tpu.memory_space<hbm>> -> memref<125xi32, #tpu.memory_space<hbm>>
        %dma_start3A_473 = arith.constant 0 : i32
        %dma_start3A_474 = tpu.memref_slice %arg7[%dma_start3A_466, %dma_start3A_473] : memref<4x125xi32, #tpu.memory_space<vmem>> -> memref<1x125xi32, #tpu.memory_space<vmem>>
        %dma_start3A_475 = tpu.memref_squeeze %dma_start3A_474 : memref<1x125xi32, #tpu.memory_space<vmem>> -> memref<125xi32, #tpu.memory_space<vmem>>
        %dma_start3A_476 = arith.constant 0 : i32
        %dma_start3A_477 = tpu.memref_slice %arg4[%add3A, %add3A_465, %dma_start3A_476] : memref<32x80x125xi32, #tpu.memory_space<hbm>> -> memref<1x1x125xi32, #tpu.memory_space<hbm>>
        %dma_start3A_478 = tpu.memref_squeeze %dma_start3A_477 : memref<1x1x125xi32, #tpu.memory_space<hbm>> -> memref<125xi32, #tpu.memory_space<hbm>>
        tpu.enqueue_dma source(%dma_start3A_478 : memref<125xi32, #tpu.memory_space<hbm>>) target(%dma_start3A_475 : memref<125xi32, #tpu.memory_space<vmem>>) target_semaphore(%arg12 : memref<!tpu.dma_semaphore, #tpu.memory_space<semaphore_mem>>)
      } else {
      }
      %mul3A_322 = arith.constant 4 : i32
      %mul3A_323 = arith.muli %scan3A_277, %mul3A_322 : i32
      %add3A_324 = arith.constant 1 : i32
      %add3A_325 = arith.addi %mul3A_323, %add3A_324 : i32
      %dma_wait3A_326 = arith.constant 0 : i32
      %dma_wait3A_327 = arith.constant 1 : i32
      %dma_wait3A_328 = arith.constant 0 : i32
      %dma_wait3A_329 = arith.constant 0 : i32
      %dma_wait3A_330 = tpu.memref_slice %arg8[%dma_wait3A_327, %dma_wait3A_328, %dma_wait3A_329] : memref<2x125x128xf32, #tpu.memory_space<vmem>> -> memref<1x125x128xf32, #tpu.memory_space<vmem>>
      %dma_wait3A_331 = tpu.memref_squeeze %dma_wait3A_330 : memref<1x125x128xf32, #tpu.memory_space<vmem>> -> memref<125x128xf32, #tpu.memory_space<vmem>>
      %dma_wait3A_332 = arith.constant 0 : i32
      %dma_wait3A_333 = tpu.memref_slice %arg6[%dma_wait3A_326, %dma_wait3A_332] : memref<80x125xi32, #tpu.memory_space<vmem>> -> memref<1x125xi32, #tpu.memory_space<vmem>>
      %dma_wait3A_334 = tpu.memref_squeeze %dma_wait3A_333 : memref<1x125xi32, #tpu.memory_space<vmem>> -> memref<125xi32, #tpu.memory_space<vmem>>
      %dma_wait3A_335 = arith.constant 0 : i32
      %dma_wait3A_336 = arith.constant 0 : i32
      %dma_wait3A_337 = tpu.memref_slice %arg2[%dma_wait3A_335, %dma_wait3A_336] : memref<10000x128xf32, #tpu.memory_space<hbm>> -> memref<10000x128xf32, #tpu.memory_space<hbm>>
      tpu.wait_indirect_dma semaphore(%arg11 : memref<!tpu.dma_semaphore, #tpu.memory_space<semaphore_mem>>) src(%dma_wait3A_337 : memref<10000x128xf32, #tpu.memory_space<hbm>>) dst(%dma_wait3A_331 : memref<125x128xf32, #tpu.memory_space<vmem>>)
      %dma_wait3A_338 = arith.constant 0 : i32
      %dma_wait3A_339 = arith.constant 0 : i32
      %dma_wait3A_340 = arith.constant 1 : i32
      %dma_wait3A_341 = arith.constant 0 : i32
      %dma_wait3A_342 = tpu.memref_slice %arg7[%dma_wait3A_340, %dma_wait3A_341] : memref<4x125xi32, #tpu.memory_space<vmem>> -> memref<1x125xi32, #tpu.memory_space<vmem>>
      %dma_wait3A_343 = tpu.memref_squeeze %dma_wait3A_342 : memref<1x125xi32, #tpu.memory_space<vmem>> -> memref<125xi32, #tpu.memory_space<vmem>>
      %dma_wait3A_344 = arith.constant 0 : i32
      %dma_wait3A_345 = tpu.memref_slice %arg4[%dma_wait3A_338, %dma_wait3A_339, %dma_wait3A_344] : memref<32x80x125xi32, #tpu.memory_space<hbm>> -> memref<1x1x125xi32, #tpu.memory_space<hbm>>
      %dma_wait3A_346 = tpu.memref_squeeze %dma_wait3A_345 : memref<1x1x125xi32, #tpu.memory_space<hbm>> -> memref<125xi32, #tpu.memory_space<hbm>>
      %dma_wait3A_347 = arith.constant 0 : i32
      %dma_wait3A_348 = tpu.memref_slice %arg7[%dma_wait3A_340, %dma_wait3A_347] : memref<4x125xi32, #tpu.memory_space<vmem>> -> memref<1x125xi32, #tpu.memory_space<vmem>>
      %dma_wait3A_349 = tpu.memref_squeeze %dma_wait3A_348 : memref<1x125xi32, #tpu.memory_space<vmem>> -> memref<125xi32, #tpu.memory_space<vmem>>
      %dma_wait3A_350 = arith.constant 0 : i32
      %dma_wait3A_351 = tpu.memref_slice %arg4[%dma_wait3A_338, %dma_wait3A_339, %dma_wait3A_350] : memref<32x80x125xi32, #tpu.memory_space<hbm>> -> memref<1x1x125xi32, #tpu.memory_space<hbm>>
      %dma_wait3A_352 = tpu.memref_squeeze %dma_wait3A_351 : memref<1x1x125xi32, #tpu.memory_space<hbm>> -> memref<125xi32, #tpu.memory_space<hbm>>
      tpu.wait_dma2 semaphore(%arg13 : memref<!tpu.dma_semaphore, #tpu.memory_space<semaphore_mem>>) src(%dma_wait3A_352 : memref<125xi32, #tpu.memory_space<hbm>>) dst(%dma_wait3A_349 : memref<125xi32, #tpu.memory_space<vmem>>)
      %run_scoped3A_353 = arith.constant 1 : i32
      %run_scoped3A_354 = arith.constant 1 : i32
      "tpu.region"() ({
        %run_scoped3A_464 = tpu.sem_alloc : memref<!tpu.dma_semaphore, #tpu.memory_space<semaphore_mem>>
        %dma_start3A_465 = arith.constant 0 : i32
        %dma_start3A_466 = arith.constant 0 : i32
        %dma_start3A_467 = tpu.memref_slice %arg8[%run_scoped3A_353, %dma_start3A_465, %dma_start3A_466] : memref<2x125x128xf32, #tpu.memory_space<vmem>> -> memref<1x125x128xf32, #tpu.memory_space<vmem>>
        %dma_start3A_468 = tpu.memref_squeeze %dma_start3A_467 : memref<1x125x128xf32, #tpu.memory_space<vmem>> -> memref<125x128xf32, #tpu.memory_space<vmem>>
        %dma_start3A_469 = arith.constant 0 : i32
        %dma_start3A_470 = tpu.memref_slice %arg7[%run_scoped3A_354, %dma_start3A_469] : memref<4x125xi32, #tpu.memory_space<vmem>> -> memref<1x125xi32, #tpu.memory_space<vmem>>
        %dma_start3A_471 = tpu.memref_squeeze %dma_start3A_470 : memref<1x125xi32, #tpu.memory_space<vmem>> -> memref<125xi32, #tpu.memory_space<vmem>>
        %dma_start3A_472 = arith.constant 0 : i32
        %dma_start3A_473 = arith.constant 0 : i32
        %dma_start3A_474 = tpu.memref_slice %arg16[%dma_start3A_472, %dma_start3A_473] : memref<10112x128xf32, #tpu.memory_space<vmem_shared>> -> memref<10112x128xf32, #tpu.memory_space<vmem_shared>>
        tpu.enqueue_indirect_dma source(%dma_start3A_468 : memref<125x128xf32, #tpu.memory_space<vmem>>) target(%dma_start3A_474 : memref<10112x128xf32, #tpu.memory_space<vmem_shared>>) offsets(%dma_start3A_471 : memref<125xi32, #tpu.memory_space<vmem>>) semaphore(%run_scoped3A_464 : memref<!tpu.dma_semaphore, #tpu.memory_space<semaphore_mem>>) {add = true}
        %dma_wait3A_475 = arith.constant 0 : i32
        %dma_wait3A_476 = arith.constant 0 : i32
        %dma_wait3A_477 = tpu.memref_slice %arg8[%run_scoped3A_353, %dma_wait3A_475, %dma_wait3A_476] : memref<2x125x128xf32, #tpu.memory_space<vmem>> -> memref<1x125x128xf32, #tpu.memory_space<vmem>>
        %dma_wait3A_478 = tpu.memref_squeeze %dma_wait3A_477 : memref<1x125x128xf32, #tpu.memory_space<vmem>> -> memref<125x128xf32, #tpu.memory_space<vmem>>
        %dma_wait3A_479 = arith.constant 0 : i32
        %dma_wait3A_480 = tpu.memref_slice %arg7[%run_scoped3A_354, %dma_wait3A_479] : memref<4x125xi32, #tpu.memory_space<vmem>> -> memref<1x125xi32, #tpu.memory_space<vmem>>
        %dma_wait3A_481 = tpu.memref_squeeze %dma_wait3A_480 : memref<1x125xi32, #tpu.memory_space<vmem>> -> memref<125xi32, #tpu.memory_space<vmem>>
        %dma_wait3A_482 = arith.constant 0 : i32
        %dma_wait3A_483 = arith.constant 0 : i32
        %dma_wait3A_484 = tpu.memref_slice %arg16[%dma_wait3A_482, %dma_wait3A_483] : memref<10112x128xf32, #tpu.memory_space<vmem_shared>> -> memref<10112x128xf32, #tpu.memory_space<vmem_shared>>
        tpu.wait_indirect_dma semaphore(%run_scoped3A_464 : memref<!tpu.dma_semaphore, #tpu.memory_space<semaphore_mem>>) src(%dma_wait3A_478 : memref<125x128xf32, #tpu.memory_space<vmem>>) dst(%dma_wait3A_484 : memref<10112x128xf32, #tpu.memory_space<vmem_shared>>)
        tpu.yield
      }) : () -> ()
      %add3A_355 = arith.constant 2 : i32
      %add3A_356 = arith.addi %add3A_325, %add3A_355 : i32
      %lt3A_357 = arith.constant 80 : i32
      %lt3A_358 = arith.cmpi slt, %add3A_356, %lt3A_357 : i32
      %convert_element_type3A_359 = arith.extui %lt3A_358 : i1 to i32
      %cond3A_360 = arith.constant 0 : i32
      %cond3A_361 = arith.cmpi ne, %convert_element_type3A_359, %cond3A_360 : i32
      scf.if %cond3A_361 {
        %add3A_464 = arith.constant 2 : i32
        %add3A_465 = arith.addi %add3A_325, %add3A_464 : i32
        %dma_start3A_466 = arith.constant 1 : i32
        %dma_start3A_467 = arith.constant 0 : i32
        %dma_start3A_468 = arith.constant 0 : i32
        %dma_start3A_469 = tpu.memref_slice %arg8[%dma_start3A_466, %dma_start3A_467, %dma_start3A_468] : memref<2x125x128xf32, #tpu.memory_space<vmem>> -> memref<1x125x128xf32, #tpu.memory_space<vmem>>
        %dma_start3A_470 = tpu.memref_squeeze %dma_start3A_469 : memref<1x125x128xf32, #tpu.memory_space<vmem>> -> memref<125x128xf32, #tpu.memory_space<vmem>>
        %dma_start3A_471 = arith.constant 0 : i32
        %dma_start3A_472 = tpu.memref_slice %arg6[%add3A_465, %dma_start3A_471] : memref<80x125xi32, #tpu.memory_space<vmem>> -> memref<1x125xi32, #tpu.memory_space<vmem>>
        %dma_start3A_473 = tpu.memref_squeeze %dma_start3A_472 : memref<1x125xi32, #tpu.memory_space<vmem>> -> memref<125xi32, #tpu.memory_space<vmem>>
        %dma_start3A_474 = arith.constant 0 : i32
        %dma_start3A_475 = arith.constant 0 : i32
        %dma_start3A_476 = tpu.memref_slice %arg2[%dma_start3A_474, %dma_start3A_475] : memref<10000x128xf32, #tpu.memory_space<hbm>> -> memref<10000x128xf32, #tpu.memory_space<hbm>>
        tpu.enqueue_indirect_dma source(%dma_start3A_476 : memref<10000x128xf32, #tpu.memory_space<hbm>>) target(%dma_start3A_470 : memref<125x128xf32, #tpu.memory_space<vmem>>) offsets(%dma_start3A_473 : memref<125xi32, #tpu.memory_space<vmem>>) semaphore(%arg11 : memref<!tpu.dma_semaphore, #tpu.memory_space<semaphore_mem>>)
      } else {
      }
      %add3A_362 = arith.constant 4 : i32
      %add3A_363 = arith.addi %add3A_325, %add3A_362 : i32
      %lt3A_364 = arith.constant 80 : i32
      %lt3A_365 = arith.cmpi slt, %add3A_363, %lt3A_364 : i32
      %convert_element_type3A_366 = arith.extui %lt3A_365 : i1 to i32
      %cond3A_367 = arith.constant 0 : i32
      %cond3A_368 = arith.cmpi ne, %convert_element_type3A_366, %cond3A_367 : i32
      scf.if %cond3A_368 {
        %add3A_464 = arith.constant 4 : i32
        %add3A_465 = arith.addi %add3A_325, %add3A_464 : i32
        %dma_start3A_466 = arith.constant 1 : i32
        %dma_start3A_467 = arith.constant 0 : i32
        %dma_start3A_468 = tpu.memref_slice %arg7[%dma_start3A_466, %dma_start3A_467] : memref<4x125xi32, #tpu.memory_space<vmem>> -> memref<1x125xi32, #tpu.memory_space<vmem>>
        %dma_start3A_469 = tpu.memref_squeeze %dma_start3A_468 : memref<1x125xi32, #tpu.memory_space<vmem>> -> memref<125xi32, #tpu.memory_space<vmem>>
        %dma_start3A_470 = arith.constant 0 : i32
        %dma_start3A_471 = tpu.memref_slice %arg4[%add3A, %add3A_465, %dma_start3A_470] : memref<32x80x125xi32, #tpu.memory_space<hbm>> -> memref<1x1x125xi32, #tpu.memory_space<hbm>>
        %dma_start3A_472 = tpu.memref_squeeze %dma_start3A_471 : memref<1x1x125xi32, #tpu.memory_space<hbm>> -> memref<125xi32, #tpu.memory_space<hbm>>
        %dma_start3A_473 = arith.constant 0 : i32
        %dma_start3A_474 = tpu.memref_slice %arg7[%dma_start3A_466, %dma_start3A_473] : memref<4x125xi32, #tpu.memory_space<vmem>> -> memref<1x125xi32, #tpu.memory_space<vmem>>
        %dma_start3A_475 = tpu.memref_squeeze %dma_start3A_474 : memref<1x125xi32, #tpu.memory_space<vmem>> -> memref<125xi32, #tpu.memory_space<vmem>>
        %dma_start3A_476 = arith.constant 0 : i32
        %dma_start3A_477 = tpu.memref_slice %arg4[%add3A, %add3A_465, %dma_start3A_476] : memref<32x80x125xi32, #tpu.memory_space<hbm>> -> memref<1x1x125xi32, #tpu.memory_space<hbm>>
        %dma_start3A_478 = tpu.memref_squeeze %dma_start3A_477 : memref<1x1x125xi32, #tpu.memory_space<hbm>> -> memref<125xi32, #tpu.memory_space<hbm>>
        tpu.enqueue_dma source(%dma_start3A_478 : memref<125xi32, #tpu.memory_space<hbm>>) target(%dma_start3A_475 : memref<125xi32, #tpu.memory_space<vmem>>) target_semaphore(%arg13 : memref<!tpu.dma_semaphore, #tpu.memory_space<semaphore_mem>>)
      } else {
      }
      %mul3A_369 = arith.constant 4 : i32
      %mul3A_370 = arith.muli %scan3A_277, %mul3A_369 : i32
      %add3A_371 = arith.constant 2 : i32
      %add3A_372 = arith.addi %mul3A_370, %add3A_371 : i32
      %dma_wait3A_373 = arith.constant 0 : i32
      %dma_wait3A_374 = arith.constant 0 : i32
      %dma_wait3A_375 = arith.constant 0 : i32
      %dma_wait3A_376 = arith.constant 0 : i32
      %dma_wait3A_377 = tpu.memref_slice %arg8[%dma_wait3A_374, %dma_wait3A_375, %dma_wait3A_376] : memref<2x125x128xf32, #tpu.memory_space<vmem>> -> memref<1x125x128xf32, #tpu.memory_space<vmem>>
      %dma_wait3A_378 = tpu.memref_squeeze %dma_wait3A_377 : memref<1x125x128xf32, #tpu.memory_space<vmem>> -> memref<125x128xf32, #tpu.memory_space<vmem>>
      %dma_wait3A_379 = arith.constant 0 : i32
      %dma_wait3A_380 = tpu.memref_slice %arg6[%dma_wait3A_373, %dma_wait3A_379] : memref<80x125xi32, #tpu.memory_space<vmem>> -> memref<1x125xi32, #tpu.memory_space<vmem>>
      %dma_wait3A_381 = tpu.memref_squeeze %dma_wait3A_380 : memref<1x125xi32, #tpu.memory_space<vmem>> -> memref<125xi32, #tpu.memory_space<vmem>>
      %dma_wait3A_382 = arith.constant 0 : i32
      %dma_wait3A_383 = arith.constant 0 : i32
      %dma_wait3A_384 = tpu.memref_slice %arg2[%dma_wait3A_382, %dma_wait3A_383] : memref<10000x128xf32, #tpu.memory_space<hbm>> -> memref<10000x128xf32, #tpu.memory_space<hbm>>
      tpu.wait_indirect_dma semaphore(%arg10 : memref<!tpu.dma_semaphore, #tpu.memory_space<semaphore_mem>>) src(%dma_wait3A_384 : memref<10000x128xf32, #tpu.memory_space<hbm>>) dst(%dma_wait3A_378 : memref<125x128xf32, #tpu.memory_space<vmem>>)
      %dma_wait3A_385 = arith.constant 0 : i32
      %dma_wait3A_386 = arith.constant 0 : i32
      %dma_wait3A_387 = arith.constant 2 : i32
      %dma_wait3A_388 = arith.constant 0 : i32
      %dma_wait3A_389 = tpu.memref_slice %arg7[%dma_wait3A_387, %dma_wait3A_388] : memref<4x125xi32, #tpu.memory_space<vmem>> -> memref<1x125xi32, #tpu.memory_space<vmem>>
      %dma_wait3A_390 = tpu.memref_squeeze %dma_wait3A_389 : memref<1x125xi32, #tpu.memory_space<vmem>> -> memref<125xi32, #tpu.memory_space<vmem>>
      %dma_wait3A_391 = arith.constant 0 : i32
      %dma_wait3A_392 = tpu.memref_slice %arg4[%dma_wait3A_385, %dma_wait3A_386, %dma_wait3A_391] : memref<32x80x125xi32, #tpu.memory_space<hbm>> -> memref<1x1x125xi32, #tpu.memory_space<hbm>>
      %dma_wait3A_393 = tpu.memref_squeeze %dma_wait3A_392 : memref<1x1x125xi32, #tpu.memory_space<hbm>> -> memref<125xi32, #tpu.memory_space<hbm>>
      %dma_wait3A_394 = arith.constant 0 : i32
      %dma_wait3A_395 = tpu.memref_slice %arg7[%dma_wait3A_387, %dma_wait3A_394] : memref<4x125xi32, #tpu.memory_space<vmem>> -> memref<1x125xi32, #tpu.memory_space<vmem>>
      %dma_wait3A_396 = tpu.memref_squeeze %dma_wait3A_395 : memref<1x125xi32, #tpu.memory_space<vmem>> -> memref<125xi32, #tpu.memory_space<vmem>>
      %dma_wait3A_397 = arith.constant 0 : i32
      %dma_wait3A_398 = tpu.memref_slice %arg4[%dma_wait3A_385, %dma_wait3A_386, %dma_wait3A_397] : memref<32x80x125xi32, #tpu.memory_space<hbm>> -> memref<1x1x125xi32, #tpu.memory_space<hbm>>
      %dma_wait3A_399 = tpu.memref_squeeze %dma_wait3A_398 : memref<1x1x125xi32, #tpu.memory_space<hbm>> -> memref<125xi32, #tpu.memory_space<hbm>>
      tpu.wait_dma2 semaphore(%arg14 : memref<!tpu.dma_semaphore, #tpu.memory_space<semaphore_mem>>) src(%dma_wait3A_399 : memref<125xi32, #tpu.memory_space<hbm>>) dst(%dma_wait3A_396 : memref<125xi32, #tpu.memory_space<vmem>>)
      %run_scoped3A_400 = arith.constant 0 : i32
      %run_scoped3A_401 = arith.constant 2 : i32
      "tpu.region"() ({
        %run_scoped3A_464 = tpu.sem_alloc : memref<!tpu.dma_semaphore, #tpu.memory_space<semaphore_mem>>
        %dma_start3A_465 = arith.constant 0 : i32
        %dma_start3A_466 = arith.constant 0 : i32
        %dma_start3A_467 = tpu.memref_slice %arg8[%run_scoped3A_400, %dma_start3A_465, %dma_start3A_466] : memref<2x125x128xf32, #tpu.memory_space<vmem>> -> memref<1x125x128xf32, #tpu.memory_space<vmem>>
        %dma_start3A_468 = tpu.memref_squeeze %dma_start3A_467 : memref<1x125x128xf32, #tpu.memory_space<vmem>> -> memref<125x128xf32, #tpu.memory_space<vmem>>
        %dma_start3A_469 = arith.constant 0 : i32
        %dma_start3A_470 = tpu.memref_slice %arg7[%run_scoped3A_401, %dma_start3A_469] : memref<4x125xi32, #tpu.memory_space<vmem>> -> memref<1x125xi32, #tpu.memory_space<vmem>>
        %dma_start3A_471 = tpu.memref_squeeze %dma_start3A_470 : memref<1x125xi32, #tpu.memory_space<vmem>> -> memref<125xi32, #tpu.memory_space<vmem>>
        %dma_start3A_472 = arith.constant 0 : i32
        %dma_start3A_473 = arith.constant 0 : i32
        %dma_start3A_474 = tpu.memref_slice %arg16[%dma_start3A_472, %dma_start3A_473] : memref<10112x128xf32, #tpu.memory_space<vmem_shared>> -> memref<10112x128xf32, #tpu.memory_space<vmem_shared>>
        tpu.enqueue_indirect_dma source(%dma_start3A_468 : memref<125x128xf32, #tpu.memory_space<vmem>>) target(%dma_start3A_474 : memref<10112x128xf32, #tpu.memory_space<vmem_shared>>) offsets(%dma_start3A_471 : memref<125xi32, #tpu.memory_space<vmem>>) semaphore(%run_scoped3A_464 : memref<!tpu.dma_semaphore, #tpu.memory_space<semaphore_mem>>) {add = true}
        %dma_wait3A_475 = arith.constant 0 : i32
        %dma_wait3A_476 = arith.constant 0 : i32
        %dma_wait3A_477 = tpu.memref_slice %arg8[%run_scoped3A_400, %dma_wait3A_475, %dma_wait3A_476] : memref<2x125x128xf32, #tpu.memory_space<vmem>> -> memref<1x125x128xf32, #tpu.memory_space<vmem>>
        %dma_wait3A_478 = tpu.memref_squeeze %dma_wait3A_477 : memref<1x125x128xf32, #tpu.memory_space<vmem>> -> memref<125x128xf32, #tpu.memory_space<vmem>>
        %dma_wait3A_479 = arith.constant 0 : i32
        %dma_wait3A_480 = tpu.memref_slice %arg7[%run_scoped3A_401, %dma_wait3A_479] : memref<4x125xi32, #tpu.memory_space<vmem>> -> memref<1x125xi32, #tpu.memory_space<vmem>>
        %dma_wait3A_481 = tpu.memref_squeeze %dma_wait3A_480 : memref<1x125xi32, #tpu.memory_space<vmem>> -> memref<125xi32, #tpu.memory_space<vmem>>
        %dma_wait3A_482 = arith.constant 0 : i32
        %dma_wait3A_483 = arith.constant 0 : i32
        %dma_wait3A_484 = tpu.memref_slice %arg16[%dma_wait3A_482, %dma_wait3A_483] : memref<10112x128xf32, #tpu.memory_space<vmem_shared>> -> memref<10112x128xf32, #tpu.memory_space<vmem_shared>>
        tpu.wait_indirect_dma semaphore(%run_scoped3A_464 : memref<!tpu.dma_semaphore, #tpu.memory_space<semaphore_mem>>) src(%dma_wait3A_478 : memref<125x128xf32, #tpu.memory_space<vmem>>) dst(%dma_wait3A_484 : memref<10112x128xf32, #tpu.memory_space<vmem_shared>>)
        tpu.yield
      }) : () -> ()
      %add3A_402 = arith.constant 2 : i32
      %add3A_403 = arith.addi %add3A_372, %add3A_402 : i32
      %lt3A_404 = arith.constant 80 : i32
      %lt3A_405 = arith.cmpi slt, %add3A_403, %lt3A_404 : i32
      %convert_element_type3A_406 = arith.extui %lt3A_405 : i1 to i32
      %cond3A_407 = arith.constant 0 : i32
      %cond3A_408 = arith.cmpi ne, %convert_element_type3A_406, %cond3A_407 : i32
      scf.if %cond3A_408 {
        %add3A_464 = arith.constant 2 : i32
        %add3A_465 = arith.addi %add3A_372, %add3A_464 : i32
        %dma_start3A_466 = arith.constant 0 : i32
        %dma_start3A_467 = arith.constant 0 : i32
        %dma_start3A_468 = arith.constant 0 : i32
        %dma_start3A_469 = tpu.memref_slice %arg8[%dma_start3A_466, %dma_start3A_467, %dma_start3A_468] : memref<2x125x128xf32, #tpu.memory_space<vmem>> -> memref<1x125x128xf32, #tpu.memory_space<vmem>>
        %dma_start3A_470 = tpu.memref_squeeze %dma_start3A_469 : memref<1x125x128xf32, #tpu.memory_space<vmem>> -> memref<125x128xf32, #tpu.memory_space<vmem>>
        %dma_start3A_471 = arith.constant 0 : i32
        %dma_start3A_472 = tpu.memref_slice %arg6[%add3A_465, %dma_start3A_471] : memref<80x125xi32, #tpu.memory_space<vmem>> -> memref<1x125xi32, #tpu.memory_space<vmem>>
        %dma_start3A_473 = tpu.memref_squeeze %dma_start3A_472 : memref<1x125xi32, #tpu.memory_space<vmem>> -> memref<125xi32, #tpu.memory_space<vmem>>
        %dma_start3A_474 = arith.constant 0 : i32
        %dma_start3A_475 = arith.constant 0 : i32
        %dma_start3A_476 = tpu.memref_slice %arg2[%dma_start3A_474, %dma_start3A_475] : memref<10000x128xf32, #tpu.memory_space<hbm>> -> memref<10000x128xf32, #tpu.memory_space<hbm>>
        tpu.enqueue_indirect_dma source(%dma_start3A_476 : memref<10000x128xf32, #tpu.memory_space<hbm>>) target(%dma_start3A_470 : memref<125x128xf32, #tpu.memory_space<vmem>>) offsets(%dma_start3A_473 : memref<125xi32, #tpu.memory_space<vmem>>) semaphore(%arg10 : memref<!tpu.dma_semaphore, #tpu.memory_space<semaphore_mem>>)
      } else {
      }
      %add3A_409 = arith.constant 4 : i32
      %add3A_410 = arith.addi %add3A_372, %add3A_409 : i32
      %lt3A_411 = arith.constant 80 : i32
      %lt3A_412 = arith.cmpi slt, %add3A_410, %lt3A_411 : i32
      %convert_element_type3A_413 = arith.extui %lt3A_412 : i1 to i32
      %cond3A_414 = arith.constant 0 : i32
      %cond3A_415 = arith.cmpi ne, %convert_element_type3A_413, %cond3A_414 : i32
      scf.if %cond3A_415 {
        %add3A_464 = arith.constant 4 : i32
        %add3A_465 = arith.addi %add3A_372, %add3A_464 : i32
        %dma_start3A_466 = arith.constant 2 : i32
        %dma_start3A_467 = arith.constant 0 : i32
        %dma_start3A_468 = tpu.memref_slice %arg7[%dma_start3A_466, %dma_start3A_467] : memref<4x125xi32, #tpu.memory_space<vmem>> -> memref<1x125xi32, #tpu.memory_space<vmem>>
        %dma_start3A_469 = tpu.memref_squeeze %dma_start3A_468 : memref<1x125xi32, #tpu.memory_space<vmem>> -> memref<125xi32, #tpu.memory_space<vmem>>
        %dma_start3A_470 = arith.constant 0 : i32
        %dma_start3A_471 = tpu.memref_slice %arg4[%add3A, %add3A_465, %dma_start3A_470] : memref<32x80x125xi32, #tpu.memory_space<hbm>> -> memref<1x1x125xi32, #tpu.memory_space<hbm>>
        %dma_start3A_472 = tpu.memref_squeeze %dma_start3A_471 : memref<1x1x125xi32, #tpu.memory_space<hbm>> -> memref<125xi32, #tpu.memory_space<hbm>>
        %dma_start3A_473 = arith.constant 0 : i32
        %dma_start3A_474 = tpu.memref_slice %arg7[%dma_start3A_466, %dma_start3A_473] : memref<4x125xi32, #tpu.memory_space<vmem>> -> memref<1x125xi32, #tpu.memory_space<vmem>>
        %dma_start3A_475 = tpu.memref_squeeze %dma_start3A_474 : memref<1x125xi32, #tpu.memory_space<vmem>> -> memref<125xi32, #tpu.memory_space<vmem>>
        %dma_start3A_476 = arith.constant 0 : i32
        %dma_start3A_477 = tpu.memref_slice %arg4[%add3A, %add3A_465, %dma_start3A_476] : memref<32x80x125xi32, #tpu.memory_space<hbm>> -> memref<1x1x125xi32, #tpu.memory_space<hbm>>
        %dma_start3A_478 = tpu.memref_squeeze %dma_start3A_477 : memref<1x1x125xi32, #tpu.memory_space<hbm>> -> memref<125xi32, #tpu.memory_space<hbm>>
        tpu.enqueue_dma source(%dma_start3A_478 : memref<125xi32, #tpu.memory_space<hbm>>) target(%dma_start3A_475 : memref<125xi32, #tpu.memory_space<vmem>>) target_semaphore(%arg14 : memref<!tpu.dma_semaphore, #tpu.memory_space<semaphore_mem>>)
      } else {
      }
      %mul3A_416 = arith.constant 4 : i32
      %mul3A_417 = arith.muli %scan3A_277, %mul3A_416 : i32
      %add3A_418 = arith.constant 3 : i32
      %add3A_419 = arith.addi %mul3A_417, %add3A_418 : i32
      %dma_wait3A_420 = arith.constant 0 : i32
      %dma_wait3A_421 = arith.constant 1 : i32
      %dma_wait3A_422 = arith.constant 0 : i32
      %dma_wait3A_423 = arith.constant 0 : i32
      %dma_wait3A_424 = tpu.memref_slice %arg8[%dma_wait3A_421, %dma_wait3A_422, %dma_wait3A_423] : memref<2x125x128xf32, #tpu.memory_space<vmem>> -> memref<1x125x128xf32, #tpu.memory_space<vmem>>
      %dma_wait3A_425 = tpu.memref_squeeze %dma_wait3A_424 : memref<1x125x128xf32, #tpu.memory_space<vmem>> -> memref<125x128xf32, #tpu.memory_space<vmem>>
      %dma_wait3A_426 = arith.constant 0 : i32
      %dma_wait3A_427 = tpu.memref_slice %arg6[%dma_wait3A_420, %dma_wait3A_426] : memref<80x125xi32, #tpu.memory_space<vmem>> -> memref<1x125xi32, #tpu.memory_space<vmem>>
      %dma_wait3A_428 = tpu.memref_squeeze %dma_wait3A_427 : memref<1x125xi32, #tpu.memory_space<vmem>> -> memref<125xi32, #tpu.memory_space<vmem>>
      %dma_wait3A_429 = arith.constant 0 : i32
      %dma_wait3A_430 = arith.constant 0 : i32
      %dma_wait3A_431 = tpu.memref_slice %arg2[%dma_wait3A_429, %dma_wait3A_430] : memref<10000x128xf32, #tpu.memory_space<hbm>> -> memref<10000x128xf32, #tpu.memory_space<hbm>>
      tpu.wait_indirect_dma semaphore(%arg11 : memref<!tpu.dma_semaphore, #tpu.memory_space<semaphore_mem>>) src(%dma_wait3A_431 : memref<10000x128xf32, #tpu.memory_space<hbm>>) dst(%dma_wait3A_425 : memref<125x128xf32, #tpu.memory_space<vmem>>)
      %dma_wait3A_432 = arith.constant 0 : i32
      %dma_wait3A_433 = arith.constant 0 : i32
      %dma_wait3A_434 = arith.constant 3 : i32
      %dma_wait3A_435 = arith.constant 0 : i32
      %dma_wait3A_436 = tpu.memref_slice %arg7[%dma_wait3A_434, %dma_wait3A_435] : memref<4x125xi32, #tpu.memory_space<vmem>> -> memref<1x125xi32, #tpu.memory_space<vmem>>
      %dma_wait3A_437 = tpu.memref_squeeze %dma_wait3A_436 : memref<1x125xi32, #tpu.memory_space<vmem>> -> memref<125xi32, #tpu.memory_space<vmem>>
      %dma_wait3A_438 = arith.constant 0 : i32
      %dma_wait3A_439 = tpu.memref_slice %arg4[%dma_wait3A_432, %dma_wait3A_433, %dma_wait3A_438] : memref<32x80x125xi32, #tpu.memory_space<hbm>> -> memref<1x1x125xi32, #tpu.memory_space<hbm>>
      %dma_wait3A_440 = tpu.memref_squeeze %dma_wait3A_439 : memref<1x1x125xi32, #tpu.memory_space<hbm>> -> memref<125xi32, #tpu.memory_space<hbm>>
      %dma_wait3A_441 = arith.constant 0 : i32
      %dma_wait3A_442 = tpu.memref_slice %arg7[%dma_wait3A_434, %dma_wait3A_441] : memref<4x125xi32, #tpu.memory_space<vmem>> -> memref<1x125xi32, #tpu.memory_space<vmem>>
      %dma_wait3A_443 = tpu.memref_squeeze %dma_wait3A_442 : memref<1x125xi32, #tpu.memory_space<vmem>> -> memref<125xi32, #tpu.memory_space<vmem>>
      %dma_wait3A_444 = arith.constant 0 : i32
      %dma_wait3A_445 = tpu.memref_slice %arg4[%dma_wait3A_432, %dma_wait3A_433, %dma_wait3A_444] : memref<32x80x125xi32, #tpu.memory_space<hbm>> -> memref<1x1x125xi32, #tpu.memory_space<hbm>>
      %dma_wait3A_446 = tpu.memref_squeeze %dma_wait3A_445 : memref<1x1x125xi32, #tpu.memory_space<hbm>> -> memref<125xi32, #tpu.memory_space<hbm>>
      tpu.wait_dma2 semaphore(%arg15 : memref<!tpu.dma_semaphore, #tpu.memory_space<semaphore_mem>>) src(%dma_wait3A_446 : memref<125xi32, #tpu.memory_space<hbm>>) dst(%dma_wait3A_443 : memref<125xi32, #tpu.memory_space<vmem>>)
      %run_scoped3A_447 = arith.constant 1 : i32
      %run_scoped3A_448 = arith.constant 3 : i32
      "tpu.region"() ({
        %run_scoped3A_464 = tpu.sem_alloc : memref<!tpu.dma_semaphore, #tpu.memory_space<semaphore_mem>>
        %dma_start3A_465 = arith.constant 0 : i32
        %dma_start3A_466 = arith.constant 0 : i32
        %dma_start3A_467 = tpu.memref_slice %arg8[%run_scoped3A_447, %dma_start3A_465, %dma_start3A_466] : memref<2x125x128xf32, #tpu.memory_space<vmem>> -> memref<1x125x128xf32, #tpu.memory_space<vmem>>
        %dma_start3A_468 = tpu.memref_squeeze %dma_start3A_467 : memref<1x125x128xf32, #tpu.memory_space<vmem>> -> memref<125x128xf32, #tpu.memory_space<vmem>>
        %dma_start3A_469 = arith.constant 0 : i32
        %dma_start3A_470 = tpu.memref_slice %arg7[%run_scoped3A_448, %dma_start3A_469] : memref<4x125xi32, #tpu.memory_space<vmem>> -> memref<1x125xi32, #tpu.memory_space<vmem>>
        %dma_start3A_471 = tpu.memref_squeeze %dma_start3A_470 : memref<1x125xi32, #tpu.memory_space<vmem>> -> memref<125xi32, #tpu.memory_space<vmem>>
        %dma_start3A_472 = arith.constant 0 : i32
        %dma_start3A_473 = arith.constant 0 : i32
        %dma_start3A_474 = tpu.memref_slice %arg16[%dma_start3A_472, %dma_start3A_473] : memref<10112x128xf32, #tpu.memory_space<vmem_shared>> -> memref<10112x128xf32, #tpu.memory_space<vmem_shared>>
        tpu.enqueue_indirect_dma source(%dma_start3A_468 : memref<125x128xf32, #tpu.memory_space<vmem>>) target(%dma_start3A_474 : memref<10112x128xf32, #tpu.memory_space<vmem_shared>>) offsets(%dma_start3A_471 : memref<125xi32, #tpu.memory_space<vmem>>) semaphore(%run_scoped3A_464 : memref<!tpu.dma_semaphore, #tpu.memory_space<semaphore_mem>>) {add = true}
        %dma_wait3A_475 = arith.constant 0 : i32
        %dma_wait3A_476 = arith.constant 0 : i32
        %dma_wait3A_477 = tpu.memref_slice %arg8[%run_scoped3A_447, %dma_wait3A_475, %dma_wait3A_476] : memref<2x125x128xf32, #tpu.memory_space<vmem>> -> memref<1x125x128xf32, #tpu.memory_space<vmem>>
        %dma_wait3A_478 = tpu.memref_squeeze %dma_wait3A_477 : memref<1x125x128xf32, #tpu.memory_space<vmem>> -> memref<125x128xf32, #tpu.memory_space<vmem>>
        %dma_wait3A_479 = arith.constant 0 : i32
        %dma_wait3A_480 = tpu.memref_slice %arg7[%run_scoped3A_448, %dma_wait3A_479] : memref<4x125xi32, #tpu.memory_space<vmem>> -> memref<1x125xi32, #tpu.memory_space<vmem>>
        %dma_wait3A_481 = tpu.memref_squeeze %dma_wait3A_480 : memref<1x125xi32, #tpu.memory_space<vmem>> -> memref<125xi32, #tpu.memory_space<vmem>>
        %dma_wait3A_482 = arith.constant 0 : i32
        %dma_wait3A_483 = arith.constant 0 : i32
        %dma_wait3A_484 = tpu.memref_slice %arg16[%dma_wait3A_482, %dma_wait3A_483] : memref<10112x128xf32, #tpu.memory_space<vmem_shared>> -> memref<10112x128xf32, #tpu.memory_space<vmem_shared>>
        tpu.wait_indirect_dma semaphore(%run_scoped3A_464 : memref<!tpu.dma_semaphore, #tpu.memory_space<semaphore_mem>>) src(%dma_wait3A_478 : memref<125x128xf32, #tpu.memory_space<vmem>>) dst(%dma_wait3A_484 : memref<10112x128xf32, #tpu.memory_space<vmem_shared>>)
        tpu.yield
      }) : () -> ()
      %add3A_449 = arith.constant 2 : i32
      %add3A_450 = arith.addi %add3A_419, %add3A_449 : i32
      %lt3A_451 = arith.constant 80 : i32
      %lt3A_452 = arith.cmpi slt, %add3A_450, %lt3A_451 : i32
      %convert_element_type3A_453 = arith.extui %lt3A_452 : i1 to i32
      %cond3A_454 = arith.constant 0 : i32
      %cond3A_455 = arith.cmpi ne, %convert_element_type3A_453, %cond3A_454 : i32
      scf.if %cond3A_455 {
        %add3A_464 = arith.constant 2 : i32
        %add3A_465 = arith.addi %add3A_419, %add3A_464 : i32
        %dma_start3A_466 = arith.constant 1 : i32
        %dma_start3A_467 = arith.constant 0 : i32
        %dma_start3A_468 = arith.constant 0 : i32
        %dma_start3A_469 = tpu.memref_slice %arg8[%dma_start3A_466, %dma_start3A_467, %dma_start3A_468] : memref<2x125x128xf32, #tpu.memory_space<vmem>> -> memref<1x125x128xf32, #tpu.memory_space<vmem>>
        %dma_start3A_470 = tpu.memref_squeeze %dma_start3A_469 : memref<1x125x128xf32, #tpu.memory_space<vmem>> -> memref<125x128xf32, #tpu.memory_space<vmem>>
        %dma_start3A_471 = arith.constant 0 : i32
        %dma_start3A_472 = tpu.memref_slice %arg6[%add3A_465, %dma_start3A_471] : memref<80x125xi32, #tpu.memory_space<vmem>> -> memref<1x125xi32, #tpu.memory_space<vmem>>
        %dma_start3A_473 = tpu.memref_squeeze %dma_start3A_472 : memref<1x125xi32, #tpu.memory_space<vmem>> -> memref<125xi32, #tpu.memory_space<vmem>>
        %dma_start3A_474 = arith.constant 0 : i32
        %dma_start3A_475 = arith.constant 0 : i32
        %dma_start3A_476 = tpu.memref_slice %arg2[%dma_start3A_474, %dma_start3A_475] : memref<10000x128xf32, #tpu.memory_space<hbm>> -> memref<10000x128xf32, #tpu.memory_space<hbm>>
        tpu.enqueue_indirect_dma source(%dma_start3A_476 : memref<10000x128xf32, #tpu.memory_space<hbm>>) target(%dma_start3A_470 : memref<125x128xf32, #tpu.memory_space<vmem>>) offsets(%dma_start3A_473 : memref<125xi32, #tpu.memory_space<vmem>>) semaphore(%arg11 : memref<!tpu.dma_semaphore, #tpu.memory_space<semaphore_mem>>)
      } else {
      }
      %add3A_456 = arith.constant 4 : i32
      %add3A_457 = arith.addi %add3A_419, %add3A_456 : i32
      %lt3A_458 = arith.constant 80 : i32
      %lt3A_459 = arith.cmpi slt, %add3A_457, %lt3A_458 : i32
      %convert_element_type3A_460 = arith.extui %lt3A_459 : i1 to i32
      %cond3A_461 = arith.constant 0 : i32
      %cond3A_462 = arith.cmpi ne, %convert_element_type3A_460, %cond3A_461 : i32
      scf.if %cond3A_462 {
        %add3A_464 = arith.constant 4 : i32
        %add3A_465 = arith.addi %add3A_419, %add3A_464 : i32
        %dma_start3A_466 = arith.constant 3 : i32
        %dma_start3A_467 = arith.constant 0 : i32
        %dma_start3A_468 = tpu.memref_slice %arg7[%dma_start3A_466, %dma_start3A_467] : memref<4x125xi32, #tpu.memory_space<vmem>> -> memref<1x125xi32, #tpu.memory_space<vmem>>
        %dma_start3A_469 = tpu.memref_squeeze %dma_start3A_468 : memref<1x125xi32, #tpu.memory_space<vmem>> -> memref<125xi32, #tpu.memory_space<vmem>>
        %dma_start3A_470 = arith.constant 0 : i32
        %dma_start3A_471 = tpu.memref_slice %arg4[%add3A, %add3A_465, %dma_start3A_470] : memref<32x80x125xi32, #tpu.memory_space<hbm>> -> memref<1x1x125xi32, #tpu.memory_space<hbm>>
        %dma_start3A_472 = tpu.memref_squeeze %dma_start3A_471 : memref<1x1x125xi32, #tpu.memory_space<hbm>> -> memref<125xi32, #tpu.memory_space<hbm>>
        %dma_start3A_473 = arith.constant 0 : i32
        %dma_start3A_474 = tpu.memref_slice %arg7[%dma_start3A_466, %dma_start3A_473] : memref<4x125xi32, #tpu.memory_space<vmem>> -> memref<1x125xi32, #tpu.memory_space<vmem>>
        %dma_start3A_475 = tpu.memref_squeeze %dma_start3A_474 : memref<1x125xi32, #tpu.memory_space<vmem>> -> memref<125xi32, #tpu.memory_space<vmem>>
        %dma_start3A_476 = arith.constant 0 : i32
        %dma_start3A_477 = tpu.memref_slice %arg4[%add3A, %add3A_465, %dma_start3A_476] : memref<32x80x125xi32, #tpu.memory_space<hbm>> -> memref<1x1x125xi32, #tpu.memory_space<hbm>>
        %dma_start3A_478 = tpu.memref_squeeze %dma_start3A_477 : memref<1x1x125xi32, #tpu.memory_space<hbm>> -> memref<125xi32, #tpu.memory_space<hbm>>
        tpu.enqueue_dma source(%dma_start3A_478 : memref<125xi32, #tpu.memory_space<hbm>>) target(%dma_start3A_475 : memref<125xi32, #tpu.memory_space<vmem>>) target_semaphore(%arg15 : memref<!tpu.dma_semaphore, #tpu.memory_space<semaphore_mem>>)
      } else {
      }
      %scan3A_463 = arith.constant 0 : i32
      scf.yield %scan3A_463 : i32
    }
    %scan3A_271 = arith.constant 20 : i32
    %barrier3A_272 = arith.constant 0 : index
    tpu.barrier barrier_id(%barrier3A_272)
    %mul3A_273 = arith.constant 632 : i32
    %mul3A_274 = arith.muli %arg1, %mul3A_273 : i32
    %mul3A_275 = arith.constant 632 : i32
    %mul3A_276 = arith.muli %arg1, %mul3A_275 : i32
    "tpu.region"() ({
      %run_scoped3A = tpu.sem_alloc : memref<!tpu.dma_semaphore, #tpu.memory_space<semaphore_mem>>
      %dma_start3A_277 = arith.constant 0 : i32
      %dma_start3A_278 = tpu.memref_slice %arg5[%arg0, %mul3A_276, %dma_start3A_277] : memref<2x10112x128xf32, #tpu.memory_space<hbm>> -> memref<1x632x128xf32, #tpu.memory_space<hbm>>
      %dma_start3A_279 = tpu.memref_squeeze %dma_start3A_278 : memref<1x632x128xf32, #tpu.memory_space<hbm>> -> memref<632x128xf32, #tpu.memory_space<hbm>>
      %dma_start3A_280 = arith.constant 0 : i32
      %dma_start3A_281 = tpu.memref_slice %arg16[%mul3A_274, %dma_start3A_280] : memref<10112x128xf32, #tpu.memory_space<vmem_shared>> -> memref<632x128xf32, #tpu.memory_space<vmem_shared>>
      tpu.enqueue_dma source(%dma_start3A_281 : memref<632x128xf32, #tpu.memory_space<vmem_shared>>) target(%dma_start3A_279 : memref<632x128xf32, #tpu.memory_space<hbm>>) target_semaphore(%run_scoped3A : memref<!tpu.dma_semaphore, #tpu.memory_space<semaphore_mem>>)
      %dma_wait3A_282 = arith.constant 0 : i32
      %dma_wait3A_283 = tpu.memref_slice %arg5[%arg0, %mul3A_276, %dma_wait3A_282] : memref<2x10112x128xf32, #tpu.memory_space<hbm>> -> memref<1x632x128xf32, #tpu.memory_space<hbm>>
      %dma_wait3A_284 = tpu.memref_squeeze %dma_wait3A_283 : memref<1x632x128xf32, #tpu.memory_space<hbm>> -> memref<632x128xf32, #tpu.memory_space<hbm>>
      %dma_wait3A_285 = arith.constant 0 : i32
      %dma_wait3A_286 = tpu.memref_slice %arg16[%mul3A_274, %dma_wait3A_285] : memref<10112x128xf32, #tpu.memory_space<vmem_shared>> -> memref<632x128xf32, #tpu.memory_space<vmem_shared>>
      tpu.wait_dma2 semaphore(%run_scoped3A : memref<!tpu.dma_semaphore, #tpu.memory_space<semaphore_mem>>) src(%dma_wait3A_286 : memref<632x128xf32, #tpu.memory_space<vmem_shared>>) dst(%dma_wait3A_284 : memref<632x128xf32, #tpu.memory_space<hbm>>)
      tpu.yield
    }) : () -> ()
    return
  }
}

#map = affine_map<(d0, d1) -> (0, 0, 0)>
#map1 = affine_map<(d0, d1) -> (0, 0)>
module attributes {stable_mosaic.version = 14 : i64} {
  func.func @_deg_body(%arg0: i32, %arg1: i32, %arg2: memref<32x80x125xi32, #tpu.memory_space<hbm>>, %arg3: memref<2x10240xf32, #tpu.memory_space<hbm>>, %arg4: memref<80x125xi32, #tpu.memory_space<vmem>>, %arg5: memref<128xf32, #tpu.memory_space<vmem>>, %arg6: memref<640xf32, #tpu.memory_space<vmem>>, %arg7: memref<10240xf32, #tpu.memory_space<vmem_shared>>) attributes {dimension_semantics = [#tpu.dimension_semantics<core_parallel>, #tpu.dimension_semantics<subcore_parallel>], iteration_bounds = array<i64: 2, 16>, scalar_prefetch = 0 : i64, scratch_operands = 4 : i64, tpu.core_type = #tpu.core_type<sc_vector_subcore>, window_params = [{transform_indices = #map}, {transform_indices = #map1}]} {
    %mul3A = arith.constant 2 : i32
    %mul3A_0 = arith.muli %arg1, %mul3A : i32
    %add3A = arith.addi %mul3A_0, %arg0 : i32
    %scan3A = arith.constant 0 : i32
    %scan3A_1 = arith.constant 0 : i32
    %scan3A_2 = arith.constant 8 : i32
    %scan3A_3 = arith.addi %scan3A_1, %scan3A_2 : i32
    %scan3A_4 = arith.constant 1 : i32
    %scan3A_5 = scf.for %scan3A_28 = %scan3A_1 to %scan3A_3 step %scan3A_4 iter_args(%scan3A_29 = %scan3A) -> (i32)  : i32 {
      %broadcast_in_dim3A = arith.constant 1.000000e+00 : f32
      %broadcast_in_dim3A_30 = vector.broadcast %broadcast_in_dim3A : f32 to vector<16xf32>
      %mul3A_31 = arith.constant 16 : i32
      %mul3A_32 = arith.muli %scan3A_28, %mul3A_31 : i32
      %multiple_of3A = tpu.assume_multiple %mul3A_32, 16 : i32
      %swap3A = arith.index_cast %multiple_of3A : i32 to index
      %swap3A_33 = tpu.vector_load %arg5[%swap3A] {strides = array<i32>} : memref<128xf32, #tpu.memory_space<vmem>>, vector<16xf32>,
      %swap3A_34 = vector.shape_cast %swap3A_33 : vector<16xf32> to vector<16xf32>
      %swap3A_35 = vector.shape_cast %broadcast_in_dim3A_30 : vector<16xf32> to vector<16xf32>
      tpu.vector_store %arg5[%swap3A], %swap3A_35 {strides = array<i32>} : memref<128xf32, #tpu.memory_space<vmem>>, vector<16xf32>,
      %scan3A_36 = arith.constant 0 : i32
      scf.yield %scan3A_36 : i32
    }
    %scan3A_6 = arith.constant 8 : i32
    %scan3A_7 = arith.constant 0 : i32
    %scan3A_8 = arith.constant 0 : i32
    %scan3A_9 = arith.constant 40 : i32
    %scan3A_10 = arith.addi %scan3A_8, %scan3A_9 : i32
    %scan3A_11 = arith.constant 1 : i32
    %scan3A_12 = scf.for %scan3A_28 = %scan3A_8 to %scan3A_10 step %scan3A_11 iter_args(%scan3A_29 = %scan3A_7) -> (i32)  : i32 {
      %broadcast_in_dim3A = arith.constant 0.000000e+00 : f32
      %broadcast_in_dim3A_30 = vector.broadcast %broadcast_in_dim3A : f32 to vector<16xf32>
      %mul3A_31 = arith.constant 16 : i32
      %mul3A_32 = arith.muli %scan3A_28, %mul3A_31 : i32
      %multiple_of3A = tpu.assume_multiple %mul3A_32, 16 : i32
      %swap3A = arith.index_cast %multiple_of3A : i32 to index
      %swap3A_33 = tpu.vector_load %arg6[%swap3A] {strides = array<i32>} : memref<640xf32, #tpu.memory_space<vmem>>, vector<16xf32>,
      %swap3A_34 = vector.shape_cast %swap3A_33 : vector<16xf32> to vector<16xf32>
      %swap3A_35 = vector.shape_cast %broadcast_in_dim3A_30 : vector<16xf32> to vector<16xf32>
      tpu.vector_store %arg6[%swap3A], %swap3A_35 {strides = array<i32>} : memref<640xf32, #tpu.memory_space<vmem>>, vector<16xf32>,
      %scan3A_36 = arith.constant 0 : i32
      scf.yield %scan3A_36 : i32
    }
    %scan3A_13 = arith.constant 40 : i32
    %mul3A_14 = arith.constant 640 : i32
    %mul3A_15 = arith.muli %arg1, %mul3A_14 : i32
    "tpu.region"() ({
      %run_scoped3A = tpu.sem_alloc : memref<!tpu.dma_semaphore, #tpu.memory_space<semaphore_mem>>
      %dma_start3A = tpu.memref_slice %arg7[%mul3A_15] : memref<10240xf32, #tpu.memory_space<vmem_shared>> -> memref<640xf32, #tpu.memory_space<vmem_shared>>
      %dma_start3A_28 = tpu.memref_slice %arg7[%mul3A_15] : memref<10240xf32, #tpu.memory_space<vmem_shared>> -> memref<640xf32, #tpu.memory_space<vmem_shared>>
      tpu.enqueue_dma source(%arg6 : memref<640xf32, #tpu.memory_space<vmem>>) target(%dma_start3A_28 : memref<640xf32, #tpu.memory_space<vmem_shared>>) target_semaphore(%run_scoped3A : memref<!tpu.dma_semaphore, #tpu.memory_space<semaphore_mem>>)
      %dma_wait3A = tpu.memref_slice %arg7[%mul3A_15] : memref<10240xf32, #tpu.memory_space<vmem_shared>> -> memref<640xf32, #tpu.memory_space<vmem_shared>>
      %dma_wait3A_29 = tpu.memref_slice %arg7[%mul3A_15] : memref<10240xf32, #tpu.memory_space<vmem_shared>> -> memref<640xf32, #tpu.memory_space<vmem_shared>>
      tpu.wait_dma2 semaphore(%run_scoped3A : memref<!tpu.dma_semaphore, #tpu.memory_space<semaphore_mem>>) src(%arg6 : memref<640xf32, #tpu.memory_space<vmem>>) dst(%dma_wait3A_29 : memref<640xf32, #tpu.memory_space<vmem_shared>>)
      tpu.yield
    }) : () -> ()
    "tpu.region"() ({
      %run_scoped3A = tpu.sem_alloc : memref<!tpu.dma_semaphore, #tpu.memory_space<semaphore_mem>>
      %dma_start3A = arith.constant 0 : i32
      %dma_start3A_28 = arith.constant 0 : i32
      %dma_start3A_29 = tpu.memref_slice %arg2[%add3A, %dma_start3A, %dma_start3A_28] : memref<32x80x125xi32, #tpu.memory_space<hbm>> -> memref<1x80x125xi32, #tpu.memory_space<hbm>>
      %dma_start3A_30 = tpu.memref_squeeze %dma_start3A_29 : memref<1x80x125xi32, #tpu.memory_space<hbm>> -> memref<80x125xi32, #tpu.memory_space<hbm>>
      %dma_start3A_31 = arith.constant 0 : i32
      %dma_start3A_32 = arith.constant 0 : i32
      %dma_start3A_33 = tpu.memref_slice %arg2[%add3A, %dma_start3A_31, %dma_start3A_32] : memref<32x80x125xi32, #tpu.memory_space<hbm>> -> memref<1x80x125xi32, #tpu.memory_space<hbm>>
      %dma_start3A_34 = tpu.memref_squeeze %dma_start3A_33 : memref<1x80x125xi32, #tpu.memory_space<hbm>> -> memref<80x125xi32, #tpu.memory_space<hbm>>
      tpu.enqueue_dma source(%dma_start3A_34 : memref<80x125xi32, #tpu.memory_space<hbm>>) target(%arg4 : memref<80x125xi32, #tpu.memory_space<vmem>>) target_semaphore(%run_scoped3A : memref<!tpu.dma_semaphore, #tpu.memory_space<semaphore_mem>>)
      %dma_wait3A = arith.constant 0 : i32
      %dma_wait3A_35 = arith.constant 0 : i32
      %dma_wait3A_36 = tpu.memref_slice %arg2[%add3A, %dma_wait3A, %dma_wait3A_35] : memref<32x80x125xi32, #tpu.memory_space<hbm>> -> memref<1x80x125xi32, #tpu.memory_space<hbm>>
      %dma_wait3A_37 = tpu.memref_squeeze %dma_wait3A_36 : memref<1x80x125xi32, #tpu.memory_space<hbm>> -> memref<80x125xi32, #tpu.memory_space<hbm>>
      %dma_wait3A_38 = arith.constant 0 : i32
      %dma_wait3A_39 = arith.constant 0 : i32
      %dma_wait3A_40 = tpu.memref_slice %arg2[%add3A, %dma_wait3A_38, %dma_wait3A_39] : memref<32x80x125xi32, #tpu.memory_space<hbm>> -> memref<1x80x125xi32, #tpu.memory_space<hbm>>
      %dma_wait3A_41 = tpu.memref_squeeze %dma_wait3A_40 : memref<1x80x125xi32, #tpu.memory_space<hbm>> -> memref<80x125xi32, #tpu.memory_space<hbm>>
      tpu.wait_dma2 semaphore(%run_scoped3A : memref<!tpu.dma_semaphore, #tpu.memory_space<semaphore_mem>>) src(%dma_wait3A_41 : memref<80x125xi32, #tpu.memory_space<hbm>>) dst(%arg4 : memref<80x125xi32, #tpu.memory_space<vmem>>)
      tpu.yield
    }) : () -> ()
    %barrier3A = arith.constant 0 : index
    tpu.barrier barrier_id(%barrier3A)
    %scan3A_16 = arith.constant 0 : i32
    %scan3A_17 = arith.constant 0 : i32
    %scan3A_18 = arith.constant 80 : i32
    %scan3A_19 = arith.addi %scan3A_17, %scan3A_18 : i32
    %scan3A_20 = arith.constant 1 : i32
    %scan3A_21 = scf.for %scan3A_28 = %scan3A_17 to %scan3A_19 step %scan3A_20 iter_args(%scan3A_29 = %scan3A_16) -> (i32)  : i32 {
      "tpu.region"() ({
        %run_scoped3A = tpu.sem_alloc : memref<!tpu.dma_semaphore, #tpu.memory_space<semaphore_mem>>
        %dma_start3A = arith.constant 0 : i32
        %dma_start3A_31 = tpu.memref_slice %arg5[%dma_start3A] : memref<128xf32, #tpu.memory_space<vmem>> -> memref<125xf32, #tpu.memory_space<vmem>>
        %dma_start3A_32 = arith.constant 0 : i32
        %dma_start3A_33 = tpu.memref_slice %arg4[%scan3A_28, %dma_start3A_32] : memref<80x125xi32, #tpu.memory_space<vmem>> -> memref<1x125xi32, #tpu.memory_space<vmem>>
        %dma_start3A_34 = tpu.memref_squeeze %dma_start3A_33 : memref<1x125xi32, #tpu.memory_space<vmem>> -> memref<125xi32, #tpu.memory_space<vmem>>
        %dma_start3A_35 = arith.constant 0 : i32
        %dma_start3A_36 = tpu.memref_slice %arg7[%dma_start3A_35] : memref<10240xf32, #tpu.memory_space<vmem_shared>> -> memref<10240xf32, #tpu.memory_space<vmem_shared>>
        tpu.enqueue_indirect_dma source(%dma_start3A_31 : memref<125xf32, #tpu.memory_space<vmem>>) target(%dma_start3A_36 : memref<10240xf32, #tpu.memory_space<vmem_shared>>) offsets(%dma_start3A_34 : memref<125xi32, #tpu.memory_space<vmem>>) semaphore(%run_scoped3A : memref<!tpu.dma_semaphore, #tpu.memory_space<semaphore_mem>>) {add = true}
        %dma_wait3A = arith.constant 0 : i32
        %dma_wait3A_37 = tpu.memref_slice %arg5[%dma_wait3A] : memref<128xf32, #tpu.memory_space<vmem>> -> memref<125xf32, #tpu.memory_space<vmem>>
        %dma_wait3A_38 = arith.constant 0 : i32
        %dma_wait3A_39 = tpu.memref_slice %arg4[%scan3A_28, %dma_wait3A_38] : memref<80x125xi32, #tpu.memory_space<vmem>> -> memref<1x125xi32, #tpu.memory_space<vmem>>
        %dma_wait3A_40 = tpu.memref_squeeze %dma_wait3A_39 : memref<1x125xi32, #tpu.memory_space<vmem>> -> memref<125xi32, #tpu.memory_space<vmem>>
        %dma_wait3A_41 = arith.constant 0 : i32
        %dma_wait3A_42 = tpu.memref_slice %arg7[%dma_wait3A_41] : memref<10240xf32, #tpu.memory_space<vmem_shared>> -> memref<10240xf32, #tpu.memory_space<vmem_shared>>
        tpu.wait_indirect_dma semaphore(%run_scoped3A : memref<!tpu.dma_semaphore, #tpu.memory_space<semaphore_mem>>) src(%dma_wait3A_37 : memref<125xf32, #tpu.memory_space<vmem>>) dst(%dma_wait3A_42 : memref<10240xf32, #tpu.memory_space<vmem_shared>>)
        tpu.yield
      }) : () -> ()
      %scan3A_30 = arith.constant 0 : i32
      scf.yield %scan3A_30 : i32
    }
    %scan3A_22 = arith.constant 80 : i32
    %barrier3A_23 = arith.constant 0 : index
    tpu.barrier barrier_id(%barrier3A_23)
    %mul3A_24 = arith.constant 640 : i32
    %mul3A_25 = arith.muli %arg1, %mul3A_24 : i32
    %mul3A_26 = arith.constant 640 : i32
    %mul3A_27 = arith.muli %arg1, %mul3A_26 : i32
    "tpu.region"() ({
      %run_scoped3A = tpu.sem_alloc : memref<!tpu.dma_semaphore, #tpu.memory_space<semaphore_mem>>
      %dma_start3A = tpu.memref_slice %arg3[%arg0, %mul3A_27] : memref<2x10240xf32, #tpu.memory_space<hbm>> -> memref<1x640xf32, #tpu.memory_space<hbm>>
      %dma_start3A_28 = tpu.memref_squeeze %dma_start3A : memref<1x640xf32, #tpu.memory_space<hbm>> -> memref<640xf32, #tpu.memory_space<hbm>>
      %dma_start3A_29 = tpu.memref_slice %arg7[%mul3A_25] : memref<10240xf32, #tpu.memory_space<vmem_shared>> -> memref<640xf32, #tpu.memory_space<vmem_shared>>
      tpu.enqueue_dma source(%dma_start3A_29 : memref<640xf32, #tpu.memory_space<vmem_shared>>) target(%dma_start3A_28 : memref<640xf32, #tpu.memory_space<hbm>>) target_semaphore(%run_scoped3A : memref<!tpu.dma_semaphore, #tpu.memory_space<semaphore_mem>>)
      %dma_wait3A = tpu.memref_slice %arg3[%arg0, %mul3A_27] : memref<2x10240xf32, #tpu.memory_space<hbm>> -> memref<1x640xf32, #tpu.memory_space<hbm>>
      %dma_wait3A_30 = tpu.memref_squeeze %dma_wait3A : memref<1x640xf32, #tpu.memory_space<hbm>> -> memref<640xf32, #tpu.memory_space<hbm>>
      %dma_wait3A_31 = tpu.memref_slice %arg7[%mul3A_25] : memref<10240xf32, #tpu.memory_space<vmem_shared>> -> memref<640xf32, #tpu.memory_space<vmem_shared>>
      tpu.wait_dma2 semaphore(%run_scoped3A : memref<!tpu.dma_semaphore, #tpu.memory_space<semaphore_mem>>) src(%dma_wait3A_31 : memref<640xf32, #tpu.memory_space<vmem_shared>>) dst(%dma_wait3A_30 : memref<640xf32, #tpu.memory_space<hbm>>)
      tpu.yield
    }) : () -> ()
    return
  }
}

#map = affine_map<(d0, d1) -> (0, 0)>
#map1 = affine_map<(d0, d1) -> (0, 0, 0)>
module attributes {stable_mosaic.version = 14 : i64} {
  func.func @_agg_body(%arg0: i32, %arg1: i32, %arg2: memref<10000x128xf32, #tpu.memory_space<hbm>>, %arg3: memref<32x80x125xi32, #tpu.memory_space<hbm>>, %arg4: memref<32x80x125xi32, #tpu.memory_space<hbm>>, %arg5: memref<2x10112x128xf32, #tpu.memory_space<hbm>>, %arg6: memref<80x125xi32, #tpu.memory_space<vmem>>, %arg7: memref<4x125xi32, #tpu.memory_space<vmem>>, %arg8: memref<2x125x128xf32, #tpu.memory_space<vmem>>, %arg9: memref<48x128xf32, #tpu.memory_space<vmem>>, %arg10: memref<!tpu.dma_semaphore, #tpu.memory_space<semaphore_mem>>, %arg11: memref<!tpu.dma_semaphore, #tpu.memory_space<semaphore_mem>>, %arg12: memref<!tpu.dma_semaphore, #tpu.memory_space<semaphore_mem>>, %arg13: memref<!tpu.dma_semaphore, #tpu.memory_space<semaphore_mem>>, %arg14: memref<!tpu.dma_semaphore, #tpu.memory_space<semaphore_mem>>, %arg15: memref<!tpu.dma_semaphore, #tpu.memory_space<semaphore_mem>>, %arg16: memref<10112x128xf32, #tpu.memory_space<vmem_shared>>) attributes {dimension_semantics = [#tpu.dimension_semantics<core_parallel>, #tpu.dimension_semantics<subcore_parallel>], iteration_bounds = array<i64: 2, 16>, scalar_prefetch = 0 : i64, scratch_operands = 11 : i64, tpu.core_type = #tpu.core_type<sc_vector_subcore>, window_params = [{transform_indices = #map}, {transform_indices = #map1}, {transform_indices = #map1}, {transform_indices = #map1}]} {
    %mul3A = arith.constant 2 : i32
    %mul3A_0 = arith.muli %arg1, %mul3A : i32
    %add3A = arith.addi %mul3A_0, %arg0 : i32
    %scan3A = arith.constant 0 : i32
    %scan3A_1 = arith.constant 0 : i32
    %scan3A_2 = arith.constant 48 : i32
    %scan3A_3 = arith.addi %scan3A_1, %scan3A_2 : i32
    %scan3A_4 = arith.constant 1 : i32
    %scan3A_5 = scf.for %scan3A_277 = %scan3A_1 to %scan3A_3 step %scan3A_4 iter_args(%scan3A_278 = %scan3A) -> (i32)  : i32 {
      %broadcast_in_dim3A = arith.constant 0.000000e+00 : f32
      %broadcast_in_dim3A_279 = vector.broadcast %broadcast_in_dim3A : f32 to vector<16xf32>
      %swap3A = arith.index_cast %scan3A_277 : i32 to index
      %swap3A_280 = arith.constant 0 : index
      %swap3A_281 = tpu.vector_load %arg9[%swap3A, %swap3A_280] {strides = array<i32>} : memref<48x128xf32, #tpu.memory_space<vmem>>, vector<1x16xf32>,
      %swap3A_282 = vector.shape_cast %swap3A_281 : vector<1x16xf32> to vector<16xf32>
      %swap3A_283 = vector.shape_cast %broadcast_in_dim3A_279 : vector<16xf32> to vector<1x16xf32>
      tpu.vector_store %arg9[%swap3A, %swap3A_280], %swap3A_283 {strides = array<i32>} : memref<48x128xf32, #tpu.memory_space<vmem>>, vector<1x16xf32>,
      %broadcast_in_dim3A_284 = arith.constant 0.000000e+00 : f32
      %broadcast_in_dim3A_285 = vector.broadcast %broadcast_in_dim3A_284 : f32 to vector<16xf32>
      %swap3A_286 = arith.index_cast %scan3A_277 : i32 to index
      %swap3A_287 = arith.constant 16 : index
      %swap3A_288 = tpu.vector_load %arg9[%swap3A_286, %swap3A_287] {strides = array<i32>} : memref<48x128xf32, #tpu.memory_space<vmem>>, vector<1x16xf32>,
      %swap3A_289 = vector.shape_cast %swap3A_288 : vector<1x16xf32> to vector<16xf32>
      %swap3A_290 = vector.shape_cast %broadcast_in_dim3A_285 : vector<16xf32> to vector<1x16xf32>
      tpu.vector_store %arg9[%swap3A_286, %swap3A_287], %swap3A_290 {strides = array<i32>} : memref<48x128xf32, #tpu.memory_space<vmem>>, vector<1x16xf32>,
      %broadcast_in_dim3A_291 = arith.constant 0.000000e+00 : f32
      %broadcast_in_dim3A_292 = vector.broadcast %broadcast_in_dim3A_291 : f32 to vector<16xf32>
      %swap3A_293 = arith.index_cast %scan3A_277 : i32 to index
      %swap3A_294 = arith.constant 32 : index
      %swap3A_295 = tpu.vector_load %arg9[%swap3A_293, %swap3A_294] {strides = array<i32>} : memref<48x128xf32, #tpu.memory_space<vmem>>, vector<1x16xf32>,
      %swap3A_296 = vector.shape_cast %swap3A_295 : vector<1x16xf32> to vector<16xf32>
      %swap3A_297 = vector.shape_cast %broadcast_in_dim3A_292 : vector<16xf32> to vector<1x16xf32>
      tpu.vector_store %arg9[%swap3A_293, %swap3A_294], %swap3A_297 {strides = array<i32>} : memref<48x128xf32, #tpu.memory_space<vmem>>, vector<1x16xf32>,
      %broadcast_in_dim3A_298 = arith.constant 0.000000e+00 : f32
      %broadcast_in_dim3A_299 = vector.broadcast %broadcast_in_dim3A_298 : f32 to vector<16xf32>
      %swap3A_300 = arith.index_cast %scan3A_277 : i32 to index
      %swap3A_301 = arith.constant 48 : index
      %swap3A_302 = tpu.vector_load %arg9[%swap3A_300, %swap3A_301] {strides = array<i32>} : memref<48x128xf32, #tpu.memory_space<vmem>>, vector<1x16xf32>,
      %swap3A_303 = vector.shape_cast %swap3A_302 : vector<1x16xf32> to vector<16xf32>
      %swap3A_304 = vector.shape_cast %broadcast_in_dim3A_299 : vector<16xf32> to vector<1x16xf32>
      tpu.vector_store %arg9[%swap3A_300, %swap3A_301], %swap3A_304 {strides = array<i32>} : memref<48x128xf32, #tpu.memory_space<vmem>>, vector<1x16xf32>,
      %broadcast_in_dim3A_305 = arith.constant 0.000000e+00 : f32
      %broadcast_in_dim3A_306 = vector.broadcast %broadcast_in_dim3A_305 : f32 to vector<16xf32>
      %swap3A_307 = arith.index_cast %scan3A_277 : i32 to index
      %swap3A_308 = arith.constant 64 : index
      %swap3A_309 = tpu.vector_load %arg9[%swap3A_307, %swap3A_308] {strides = array<i32>} : memref<48x128xf32, #tpu.memory_space<vmem>>, vector<1x16xf32>,
      %swap3A_310 = vector.shape_cast %swap3A_309 : vector<1x16xf32> to vector<16xf32>
      %swap3A_311 = vector.shape_cast %broadcast_in_dim3A_306 : vector<16xf32> to vector<1x16xf32>
      tpu.vector_store %arg9[%swap3A_307, %swap3A_308], %swap3A_311 {strides = array<i32>} : memref<48x128xf32, #tpu.memory_space<vmem>>, vector<1x16xf32>,
      %broadcast_in_dim3A_312 = arith.constant 0.000000e+00 : f32
      %broadcast_in_dim3A_313 = vector.broadcast %broadcast_in_dim3A_312 : f32 to vector<16xf32>
      %swap3A_314 = arith.index_cast %scan3A_277 : i32 to index
      %swap3A_315 = arith.constant 80 : index
      %swap3A_316 = tpu.vector_load %arg9[%swap3A_314, %swap3A_315] {strides = array<i32>} : memref<48x128xf32, #tpu.memory_space<vmem>>, vector<1x16xf32>,
      %swap3A_317 = vector.shape_cast %swap3A_316 : vector<1x16xf32> to vector<16xf32>
      %swap3A_318 = vector.shape_cast %broadcast_in_dim3A_313 : vector<16xf32> to vector<1x16xf32>
      tpu.vector_store %arg9[%swap3A_314, %swap3A_315], %swap3A_318 {strides = array<i32>} : memref<48x128xf32, #tpu.memory_space<vmem>>, vector<1x16xf32>,
      %broadcast_in_dim3A_319 = arith.constant 0.000000e+00 : f32
      %broadcast_in_dim3A_320 = vector.broadcast %broadcast_in_dim3A_319 : f32 to vector<16xf32>
      %swap3A_321 = arith.index_cast %scan3A_277 : i32 to index
      %swap3A_322 = arith.constant 96 : index
      %swap3A_323 = tpu.vector_load %arg9[%swap3A_321, %swap3A_322] {strides = array<i32>} : memref<48x128xf32, #tpu.memory_space<vmem>>, vector<1x16xf32>,
      %swap3A_324 = vector.shape_cast %swap3A_323 : vector<1x16xf32> to vector<16xf32>
      %swap3A_325 = vector.shape_cast %broadcast_in_dim3A_320 : vector<16xf32> to vector<1x16xf32>
      tpu.vector_store %arg9[%swap3A_321, %swap3A_322], %swap3A_325 {strides = array<i32>} : memref<48x128xf32, #tpu.memory_space<vmem>>, vector<1x16xf32>,
      %broadcast_in_dim3A_326 = arith.constant 0.000000e+00 : f32
      %broadcast_in_dim3A_327 = vector.broadcast %broadcast_in_dim3A_326 : f32 to vector<16xf32>
      %swap3A_328 = arith.index_cast %scan3A_277 : i32 to index
      %swap3A_329 = arith.constant 112 : index
      %swap3A_330 = tpu.vector_load %arg9[%swap3A_328, %swap3A_329] {strides = array<i32>} : memref<48x128xf32, #tpu.memory_space<vmem>>, vector<1x16xf32>,
      %swap3A_331 = vector.shape_cast %swap3A_330 : vector<1x16xf32> to vector<16xf32>
      %swap3A_332 = vector.shape_cast %broadcast_in_dim3A_327 : vector<16xf32> to vector<1x16xf32>
      tpu.vector_store %arg9[%swap3A_328, %swap3A_329], %swap3A_332 {strides = array<i32>} : memref<48x128xf32, #tpu.memory_space<vmem>>, vector<1x16xf32>,
      %scan3A_333 = arith.constant 0 : i32
      scf.yield %scan3A_333 : i32
    }
    %scan3A_6 = arith.constant 48 : i32
    %mul3A_7 = arith.constant 632 : i32
    %mul3A_8 = arith.muli %arg1, %mul3A_7 : i32
    %add3A_9 = arith.constant 0 : i32
    %add3A_10 = arith.addi %mul3A_8, %add3A_9 : i32
    %dma_start3A = arith.constant 0 : i32
    %dma_start3A_11 = tpu.memref_slice %arg16[%add3A_10, %dma_start3A] : memref<10112x128xf32, #tpu.memory_space<vmem_shared>> -> memref<48x128xf32, #tpu.memory_space<vmem_shared>>
    %dma_start3A_12 = arith.constant 0 : i32
    %dma_start3A_13 = tpu.memref_slice %arg16[%add3A_10, %dma_start3A_12] : memref<10112x128xf32, #tpu.memory_space<vmem_shared>> -> memref<48x128xf32, #tpu.memory_space<vmem_shared>>
    tpu.enqueue_dma source(%arg9 : memref<48x128xf32, #tpu.memory_space<vmem>>) target(%dma_start3A_13 : memref<48x128xf32, #tpu.memory_space<vmem_shared>>) target_semaphore(%arg10 : memref<!tpu.dma_semaphore, #tpu.memory_space<semaphore_mem>>)
    %mul3A_14 = arith.constant 632 : i32
    %mul3A_15 = arith.muli %arg1, %mul3A_14 : i32
    %add3A_16 = arith.constant 48 : i32
    %add3A_17 = arith.addi %mul3A_15, %add3A_16 : i32
    %dma_start3A_18 = arith.constant 0 : i32
    %dma_start3A_19 = tpu.memref_slice %arg16[%add3A_17, %dma_start3A_18] : memref<10112x128xf32, #tpu.memory_space<vmem_shared>> -> memref<48x128xf32, #tpu.memory_space<vmem_shared>>
    %dma_start3A_20 = arith.constant 0 : i32
    %dma_start3A_21 = tpu.memref_slice %arg16[%add3A_17, %dma_start3A_20] : memref<10112x128xf32, #tpu.memory_space<vmem_shared>> -> memref<48x128xf32, #tpu.memory_space<vmem_shared>>
    tpu.enqueue_dma source(%arg9 : memref<48x128xf32, #tpu.memory_space<vmem>>) target(%dma_start3A_21 : memref<48x128xf32, #tpu.memory_space<vmem_shared>>) target_semaphore(%arg10 : memref<!tpu.dma_semaphore, #tpu.memory_space<semaphore_mem>>)
    %mul3A_22 = arith.constant 632 : i32
    %mul3A_23 = arith.muli %arg1, %mul3A_22 : i32
    %add3A_24 = arith.constant 96 : i32
    %add3A_25 = arith.addi %mul3A_23, %add3A_24 : i32
    %dma_start3A_26 = arith.constant 0 : i32
    %dma_start3A_27 = tpu.memref_slice %arg16[%add3A_25, %dma_start3A_26] : memref<10112x128xf32, #tpu.memory_space<vmem_shared>> -> memref<48x128xf32, #tpu.memory_space<vmem_shared>>
    %dma_start3A_28 = arith.constant 0 : i32
    %dma_start3A_29 = tpu.memref_slice %arg16[%add3A_25, %dma_start3A_28] : memref<10112x128xf32, #tpu.memory_space<vmem_shared>> -> memref<48x128xf32, #tpu.memory_space<vmem_shared>>
    tpu.enqueue_dma source(%arg9 : memref<48x128xf32, #tpu.memory_space<vmem>>) target(%dma_start3A_29 : memref<48x128xf32, #tpu.memory_space<vmem_shared>>) target_semaphore(%arg10 : memref<!tpu.dma_semaphore, #tpu.memory_space<semaphore_mem>>)
    %mul3A_30 = arith.constant 632 : i32
    %mul3A_31 = arith.muli %arg1, %mul3A_30 : i32
    %add3A_32 = arith.constant 144 : i32
    %add3A_33 = arith.addi %mul3A_31, %add3A_32 : i32
    %dma_start3A_34 = arith.constant 0 : i32
    %dma_start3A_35 = tpu.memref_slice %arg16[%add3A_33, %dma_start3A_34] : memref<10112x128xf32, #tpu.memory_space<vmem_shared>> -> memref<48x128xf32, #tpu.memory_space<vmem_shared>>
    %dma_start3A_36 = arith.constant 0 : i32
    %dma_start3A_37 = tpu.memref_slice %arg16[%add3A_33, %dma_start3A_36] : memref<10112x128xf32, #tpu.memory_space<vmem_shared>> -> memref<48x128xf32, #tpu.memory_space<vmem_shared>>
    tpu.enqueue_dma source(%arg9 : memref<48x128xf32, #tpu.memory_space<vmem>>) target(%dma_start3A_37 : memref<48x128xf32, #tpu.memory_space<vmem_shared>>) target_semaphore(%arg10 : memref<!tpu.dma_semaphore, #tpu.memory_space<semaphore_mem>>)
    %mul3A_38 = arith.constant 632 : i32
    %mul3A_39 = arith.muli %arg1, %mul3A_38 : i32
    %add3A_40 = arith.constant 192 : i32
    %add3A_41 = arith.addi %mul3A_39, %add3A_40 : i32
    %dma_start3A_42 = arith.constant 0 : i32
    %dma_start3A_43 = tpu.memref_slice %arg16[%add3A_41, %dma_start3A_42] : memref<10112x128xf32, #tpu.memory_space<vmem_shared>> -> memref<48x128xf32, #tpu.memory_space<vmem_shared>>
    %dma_start3A_44 = arith.constant 0 : i32
    %dma_start3A_45 = tpu.memref_slice %arg16[%add3A_41, %dma_start3A_44] : memref<10112x128xf32, #tpu.memory_space<vmem_shared>> -> memref<48x128xf32, #tpu.memory_space<vmem_shared>>
    tpu.enqueue_dma source(%arg9 : memref<48x128xf32, #tpu.memory_space<vmem>>) target(%dma_start3A_45 : memref<48x128xf32, #tpu.memory_space<vmem_shared>>) target_semaphore(%arg10 : memref<!tpu.dma_semaphore, #tpu.memory_space<semaphore_mem>>)
    %mul3A_46 = arith.constant 632 : i32
    %mul3A_47 = arith.muli %arg1, %mul3A_46 : i32
    %add3A_48 = arith.constant 240 : i32
    %add3A_49 = arith.addi %mul3A_47, %add3A_48 : i32
    %dma_start3A_50 = arith.constant 0 : i32
    %dma_start3A_51 = tpu.memref_slice %arg16[%add3A_49, %dma_start3A_50] : memref<10112x128xf32, #tpu.memory_space<vmem_shared>> -> memref<48x128xf32, #tpu.memory_space<vmem_shared>>
    %dma_start3A_52 = arith.constant 0 : i32
    %dma_start3A_53 = tpu.memref_slice %arg16[%add3A_49, %dma_start3A_52] : memref<10112x128xf32, #tpu.memory_space<vmem_shared>> -> memref<48x128xf32, #tpu.memory_space<vmem_shared>>
    tpu.enqueue_dma source(%arg9 : memref<48x128xf32, #tpu.memory_space<vmem>>) target(%dma_start3A_53 : memref<48x128xf32, #tpu.memory_space<vmem_shared>>) target_semaphore(%arg10 : memref<!tpu.dma_semaphore, #tpu.memory_space<semaphore_mem>>)
    %mul3A_54 = arith.constant 632 : i32
    %mul3A_55 = arith.muli %arg1, %mul3A_54 : i32
    %add3A_56 = arith.constant 288 : i32
    %add3A_57 = arith.addi %mul3A_55, %add3A_56 : i32
    %dma_start3A_58 = arith.constant 0 : i32
    %dma_start3A_59 = tpu.memref_slice %arg16[%add3A_57, %dma_start3A_58] : memref<10112x128xf32, #tpu.memory_space<vmem_shared>> -> memref<48x128xf32, #tpu.memory_space<vmem_shared>>
    %dma_start3A_60 = arith.constant 0 : i32
    %dma_start3A_61 = tpu.memref_slice %arg16[%add3A_57, %dma_start3A_60] : memref<10112x128xf32, #tpu.memory_space<vmem_shared>> -> memref<48x128xf32, #tpu.memory_space<vmem_shared>>
    tpu.enqueue_dma source(%arg9 : memref<48x128xf32, #tpu.memory_space<vmem>>) target(%dma_start3A_61 : memref<48x128xf32, #tpu.memory_space<vmem_shared>>) target_semaphore(%arg10 : memref<!tpu.dma_semaphore, #tpu.memory_space<semaphore_mem>>)
    %mul3A_62 = arith.constant 632 : i32
    %mul3A_63 = arith.muli %arg1, %mul3A_62 : i32
    %add3A_64 = arith.constant 336 : i32
    %add3A_65 = arith.addi %mul3A_63, %add3A_64 : i32
    %dma_start3A_66 = arith.constant 0 : i32
    %dma_start3A_67 = tpu.memref_slice %arg16[%add3A_65, %dma_start3A_66] : memref<10112x128xf32, #tpu.memory_space<vmem_shared>> -> memref<48x128xf32, #tpu.memory_space<vmem_shared>>
    %dma_start3A_68 = arith.constant 0 : i32
    %dma_start3A_69 = tpu.memref_slice %arg16[%add3A_65, %dma_start3A_68] : memref<10112x128xf32, #tpu.memory_space<vmem_shared>> -> memref<48x128xf32, #tpu.memory_space<vmem_shared>>
    tpu.enqueue_dma source(%arg9 : memref<48x128xf32, #tpu.memory_space<vmem>>) target(%dma_start3A_69 : memref<48x128xf32, #tpu.memory_space<vmem_shared>>) target_semaphore(%arg10 : memref<!tpu.dma_semaphore, #tpu.memory_space<semaphore_mem>>)
    %mul3A_70 = arith.constant 632 : i32
    %mul3A_71 = arith.muli %arg1, %mul3A_70 : i32
    %add3A_72 = arith.constant 384 : i32
    %add3A_73 = arith.addi %mul3A_71, %add3A_72 : i32
    %dma_start3A_74 = arith.constant 0 : i32
    %dma_start3A_75 = tpu.memref_slice %arg16[%add3A_73, %dma_start3A_74] : memref<10112x128xf32, #tpu.memory_space<vmem_shared>> -> memref<48x128xf32, #tpu.memory_space<vmem_shared>>
    %dma_start3A_76 = arith.constant 0 : i32
    %dma_start3A_77 = tpu.memref_slice %arg16[%add3A_73, %dma_start3A_76] : memref<10112x128xf32, #tpu.memory_space<vmem_shared>> -> memref<48x128xf32, #tpu.memory_space<vmem_shared>>
    tpu.enqueue_dma source(%arg9 : memref<48x128xf32, #tpu.memory_space<vmem>>) target(%dma_start3A_77 : memref<48x128xf32, #tpu.memory_space<vmem_shared>>) target_semaphore(%arg10 : memref<!tpu.dma_semaphore, #tpu.memory_space<semaphore_mem>>)
    %mul3A_78 = arith.constant 632 : i32
    %mul3A_79 = arith.muli %arg1, %mul3A_78 : i32
    %add3A_80 = arith.constant 432 : i32
    %add3A_81 = arith.addi %mul3A_79, %add3A_80 : i32
    %dma_start3A_82 = arith.constant 0 : i32
    %dma_start3A_83 = tpu.memref_slice %arg16[%add3A_81, %dma_start3A_82] : memref<10112x128xf32, #tpu.memory_space<vmem_shared>> -> memref<48x128xf32, #tpu.memory_space<vmem_shared>>
    %dma_start3A_84 = arith.constant 0 : i32
    %dma_start3A_85 = tpu.memref_slice %arg16[%add3A_81, %dma_start3A_84] : memref<10112x128xf32, #tpu.memory_space<vmem_shared>> -> memref<48x128xf32, #tpu.memory_space<vmem_shared>>
    tpu.enqueue_dma source(%arg9 : memref<48x128xf32, #tpu.memory_space<vmem>>) target(%dma_start3A_85 : memref<48x128xf32, #tpu.memory_space<vmem_shared>>) target_semaphore(%arg10 : memref<!tpu.dma_semaphore, #tpu.memory_space<semaphore_mem>>)
    %mul3A_86 = arith.constant 632 : i32
    %mul3A_87 = arith.muli %arg1, %mul3A_86 : i32
    %add3A_88 = arith.constant 480 : i32
    %add3A_89 = arith.addi %mul3A_87, %add3A_88 : i32
    %dma_start3A_90 = arith.constant 0 : i32
    %dma_start3A_91 = tpu.memref_slice %arg16[%add3A_89, %dma_start3A_90] : memref<10112x128xf32, #tpu.memory_space<vmem_shared>> -> memref<48x128xf32, #tpu.memory_space<vmem_shared>>
    %dma_start3A_92 = arith.constant 0 : i32
    %dma_start3A_93 = tpu.memref_slice %arg16[%add3A_89, %dma_start3A_92] : memref<10112x128xf32, #tpu.memory_space<vmem_shared>> -> memref<48x128xf32, #tpu.memory_space<vmem_shared>>
    tpu.enqueue_dma source(%arg9 : memref<48x128xf32, #tpu.memory_space<vmem>>) target(%dma_start3A_93 : memref<48x128xf32, #tpu.memory_space<vmem_shared>>) target_semaphore(%arg10 : memref<!tpu.dma_semaphore, #tpu.memory_space<semaphore_mem>>)
    %mul3A_94 = arith.constant 632 : i32
    %mul3A_95 = arith.muli %arg1, %mul3A_94 : i32
    %add3A_96 = arith.constant 528 : i32
    %add3A_97 = arith.addi %mul3A_95, %add3A_96 : i32
    %dma_start3A_98 = arith.constant 0 : i32
    %dma_start3A_99 = tpu.memref_slice %arg16[%add3A_97, %dma_start3A_98] : memref<10112x128xf32, #tpu.memory_space<vmem_shared>> -> memref<48x128xf32, #tpu.memory_space<vmem_shared>>
    %dma_start3A_100 = arith.constant 0 : i32
    %dma_start3A_101 = tpu.memref_slice %arg16[%add3A_97, %dma_start3A_100] : memref<10112x128xf32, #tpu.memory_space<vmem_shared>> -> memref<48x128xf32, #tpu.memory_space<vmem_shared>>
    tpu.enqueue_dma source(%arg9 : memref<48x128xf32, #tpu.memory_space<vmem>>) target(%dma_start3A_101 : memref<48x128xf32, #tpu.memory_space<vmem_shared>>) target_semaphore(%arg10 : memref<!tpu.dma_semaphore, #tpu.memory_space<semaphore_mem>>)
    %mul3A_102 = arith.constant 632 : i32
    %mul3A_103 = arith.muli %arg1, %mul3A_102 : i32
    %add3A_104 = arith.constant 576 : i32
    %add3A_105 = arith.addi %mul3A_103, %add3A_104 : i32
    %dma_start3A_106 = arith.constant 0 : i32
    %dma_start3A_107 = tpu.memref_slice %arg16[%add3A_105, %dma_start3A_106] : memref<10112x128xf32, #tpu.memory_space<vmem_shared>> -> memref<48x128xf32, #tpu.memory_space<vmem_shared>>
    %dma_start3A_108 = arith.constant 0 : i32
    %dma_start3A_109 = tpu.memref_slice %arg16[%add3A_105, %dma_start3A_108] : memref<10112x128xf32, #tpu.memory_space<vmem_shared>> -> memref<48x128xf32, #tpu.memory_space<vmem_shared>>
    tpu.enqueue_dma source(%arg9 : memref<48x128xf32, #tpu.memory_space<vmem>>) target(%dma_start3A_109 : memref<48x128xf32, #tpu.memory_space<vmem_shared>>) target_semaphore(%arg10 : memref<!tpu.dma_semaphore, #tpu.memory_space<semaphore_mem>>)
    %mul3A_110 = arith.constant 632 : i32
    %mul3A_111 = arith.muli %arg1, %mul3A_110 : i32
    %add3A_112 = arith.constant 624 : i32
    %add3A_113 = arith.addi %mul3A_111, %add3A_112 : i32
    %dma_start3A_114 = arith.constant 0 : i32
    %dma_start3A_115 = arith.constant 0 : i32
    %dma_start3A_116 = tpu.memref_slice %arg9[%dma_start3A_114, %dma_start3A_115] : memref<48x128xf32, #tpu.memory_space<vmem>> -> memref<8x128xf32, #tpu.memory_space<vmem>>
    %dma_start3A_117 = arith.constant 0 : i32
    %dma_start3A_118 = tpu.memref_slice %arg16[%add3A_113, %dma_start3A_117] : memref<10112x128xf32, #tpu.memory_space<vmem_shared>> -> memref<8x128xf32, #tpu.memory_space<vmem_shared>>
    %dma_start3A_119 = arith.constant 0 : i32
    %dma_start3A_120 = tpu.memref_slice %arg16[%add3A_113, %dma_start3A_119] : memref<10112x128xf32, #tpu.memory_space<vmem_shared>> -> memref<8x128xf32, #tpu.memory_space<vmem_shared>>
    %dma_start3A_121 = arith.constant 0 : i32
    %dma_start3A_122 = arith.constant 0 : i32
    %dma_start3A_123 = tpu.memref_slice %arg9[%dma_start3A_121, %dma_start3A_122] : memref<48x128xf32, #tpu.memory_space<vmem>> -> memref<8x128xf32, #tpu.memory_space<vmem>>
    tpu.enqueue_dma source(%dma_start3A_123 : memref<8x128xf32, #tpu.memory_space<vmem>>) target(%dma_start3A_120 : memref<8x128xf32, #tpu.memory_space<vmem_shared>>) target_semaphore(%arg10 : memref<!tpu.dma_semaphore, #tpu.memory_space<semaphore_mem>>)
    "tpu.region"() ({
      %run_scoped3A = tpu.sem_alloc : memref<!tpu.dma_semaphore, #tpu.memory_space<semaphore_mem>>
      %dma_start3A_277 = arith.constant 0 : i32
      %dma_start3A_278 = arith.constant 0 : i32
      %dma_start3A_279 = tpu.memref_slice %arg3[%add3A, %dma_start3A_277, %dma_start3A_278] : memref<32x80x125xi32, #tpu.memory_space<hbm>> -> memref<1x80x125xi32, #tpu.memory_space<hbm>>
      %dma_start3A_280 = tpu.memref_squeeze %dma_start3A_279 : memref<1x80x125xi32, #tpu.memory_space<hbm>> -> memref<80x125xi32, #tpu.memory_space<hbm>>
      %dma_start3A_281 = arith.constant 0 : i32
      %dma_start3A_282 = arith.constant 0 : i32
      %dma_start3A_283 = tpu.memref_slice %arg3[%add3A, %dma_start3A_281, %dma_start3A_282] : memref<32x80x125xi32, #tpu.memory_space<hbm>> -> memref<1x80x125xi32, #tpu.memory_space<hbm>>
      %dma_start3A_284 = tpu.memref_squeeze %dma_start3A_283 : memref<1x80x125xi32, #tpu.memory_space<hbm>> -> memref<80x125xi32, #tpu.memory_space<hbm>>
      tpu.enqueue_dma source(%dma_start3A_284 : memref<80x125xi32, #tpu.memory_space<hbm>>) target(%arg6 : memref<80x125xi32, #tpu.memory_space<vmem>>) target_semaphore(%run_scoped3A : memref<!tpu.dma_semaphore, #tpu.memory_space<semaphore_mem>>)
      %dma_wait3A_285 = arith.constant 0 : i32
      %dma_wait3A_286 = arith.constant 0 : i32
      %dma_wait3A_287 = tpu.memref_slice %arg3[%add3A, %dma_wait3A_285, %dma_wait3A_286] : memref<32x80x125xi32, #tpu.memory_space<hbm>> -> memref<1x80x125xi32, #tpu.memory_space<hbm>>
      %dma_wait3A_288 = tpu.memref_squeeze %dma_wait3A_287 : memref<1x80x125xi32, #tpu.memory_space<hbm>> -> memref<80x125xi32, #tpu.memory_space<hbm>>
      %dma_wait3A_289 = arith.constant 0 : i32
      %dma_wait3A_290 = arith.constant 0 : i32
      %dma_wait3A_291 = tpu.memref_slice %arg3[%add3A, %dma_wait3A_289, %dma_wait3A_290] : memref<32x80x125xi32, #tpu.memory_space<hbm>> -> memref<1x80x125xi32, #tpu.memory_space<hbm>>
      %dma_wait3A_292 = tpu.memref_squeeze %dma_wait3A_291 : memref<1x80x125xi32, #tpu.memory_space<hbm>> -> memref<80x125xi32, #tpu.memory_space<hbm>>
      tpu.wait_dma2 semaphore(%run_scoped3A : memref<!tpu.dma_semaphore, #tpu.memory_space<semaphore_mem>>) src(%dma_wait3A_292 : memref<80x125xi32, #tpu.memory_space<hbm>>) dst(%arg6 : memref<80x125xi32, #tpu.memory_space<vmem>>)
      tpu.yield
    }) : () -> ()
    %dma_wait3A = arith.constant 0 : i32
    %dma_wait3A_124 = tpu.memref_slice %arg16[%add3A_10, %dma_wait3A] : memref<10112x128xf32, #tpu.memory_space<vmem_shared>> -> memref<48x128xf32, #tpu.memory_space<vmem_shared>>
    %dma_wait3A_125 = arith.constant 0 : i32
    %dma_wait3A_126 = tpu.memref_slice %arg16[%add3A_10, %dma_wait3A_125] : memref<10112x128xf32, #tpu.memory_space<vmem_shared>> -> memref<48x128xf32, #tpu.memory_space<vmem_shared>>
    tpu.wait_dma2 semaphore(%arg10 : memref<!tpu.dma_semaphore, #tpu.memory_space<semaphore_mem>>) src(%arg9 : memref<48x128xf32, #tpu.memory_space<vmem>>) dst(%dma_wait3A_126 : memref<48x128xf32, #tpu.memory_space<vmem_shared>>)
    %dma_wait3A_127 = arith.constant 0 : i32
    %dma_wait3A_128 = tpu.memref_slice %arg16[%add3A_17, %dma_wait3A_127] : memref<10112x128xf32, #tpu.memory_space<vmem_shared>> -> memref<48x128xf32, #tpu.memory_space<vmem_shared>>
    %dma_wait3A_129 = arith.constant 0 : i32
    %dma_wait3A_130 = tpu.memref_slice %arg16[%add3A_17, %dma_wait3A_129] : memref<10112x128xf32, #tpu.memory_space<vmem_shared>> -> memref<48x128xf32, #tpu.memory_space<vmem_shared>>
    tpu.wait_dma2 semaphore(%arg10 : memref<!tpu.dma_semaphore, #tpu.memory_space<semaphore_mem>>) src(%arg9 : memref<48x128xf32, #tpu.memory_space<vmem>>) dst(%dma_wait3A_130 : memref<48x128xf32, #tpu.memory_space<vmem_shared>>)
    %dma_wait3A_131 = arith.constant 0 : i32
    %dma_wait3A_132 = tpu.memref_slice %arg16[%add3A_25, %dma_wait3A_131] : memref<10112x128xf32, #tpu.memory_space<vmem_shared>> -> memref<48x128xf32, #tpu.memory_space<vmem_shared>>
    %dma_wait3A_133 = arith.constant 0 : i32
    %dma_wait3A_134 = tpu.memref_slice %arg16[%add3A_25, %dma_wait3A_133] : memref<10112x128xf32, #tpu.memory_space<vmem_shared>> -> memref<48x128xf32, #tpu.memory_space<vmem_shared>>
    tpu.wait_dma2 semaphore(%arg10 : memref<!tpu.dma_semaphore, #tpu.memory_space<semaphore_mem>>) src(%arg9 : memref<48x128xf32, #tpu.memory_space<vmem>>) dst(%dma_wait3A_134 : memref<48x128xf32, #tpu.memory_space<vmem_shared>>)
    %dma_wait3A_135 = arith.constant 0 : i32
    %dma_wait3A_136 = tpu.memref_slice %arg16[%add3A_33, %dma_wait3A_135] : memref<10112x128xf32, #tpu.memory_space<vmem_shared>> -> memref<48x128xf32, #tpu.memory_space<vmem_shared>>
    %dma_wait3A_137 = arith.constant 0 : i32
    %dma_wait3A_138 = tpu.memref_slice %arg16[%add3A_33, %dma_wait3A_137] : memref<10112x128xf32, #tpu.memory_space<vmem_shared>> -> memref<48x128xf32, #tpu.memory_space<vmem_shared>>
    tpu.wait_dma2 semaphore(%arg10 : memref<!tpu.dma_semaphore, #tpu.memory_space<semaphore_mem>>) src(%arg9 : memref<48x128xf32, #tpu.memory_space<vmem>>) dst(%dma_wait3A_138 : memref<48x128xf32, #tpu.memory_space<vmem_shared>>)
    %dma_wait3A_139 = arith.constant 0 : i32
    %dma_wait3A_140 = tpu.memref_slice %arg16[%add3A_41, %dma_wait3A_139] : memref<10112x128xf32, #tpu.memory_space<vmem_shared>> -> memref<48x128xf32, #tpu.memory_space<vmem_shared>>
    %dma_wait3A_141 = arith.constant 0 : i32
    %dma_wait3A_142 = tpu.memref_slice %arg16[%add3A_41, %dma_wait3A_141] : memref<10112x128xf32, #tpu.memory_space<vmem_shared>> -> memref<48x128xf32, #tpu.memory_space<vmem_shared>>
    tpu.wait_dma2 semaphore(%arg10 : memref<!tpu.dma_semaphore, #tpu.memory_space<semaphore_mem>>) src(%arg9 : memref<48x128xf32, #tpu.memory_space<vmem>>) dst(%dma_wait3A_142 : memref<48x128xf32, #tpu.memory_space<vmem_shared>>)
    %dma_wait3A_143 = arith.constant 0 : i32
    %dma_wait3A_144 = tpu.memref_slice %arg16[%add3A_49, %dma_wait3A_143] : memref<10112x128xf32, #tpu.memory_space<vmem_shared>> -> memref<48x128xf32, #tpu.memory_space<vmem_shared>>
    %dma_wait3A_145 = arith.constant 0 : i32
    %dma_wait3A_146 = tpu.memref_slice %arg16[%add3A_49, %dma_wait3A_145] : memref<10112x128xf32, #tpu.memory_space<vmem_shared>> -> memref<48x128xf32, #tpu.memory_space<vmem_shared>>
    tpu.wait_dma2 semaphore(%arg10 : memref<!tpu.dma_semaphore, #tpu.memory_space<semaphore_mem>>) src(%arg9 : memref<48x128xf32, #tpu.memory_space<vmem>>) dst(%dma_wait3A_146 : memref<48x128xf32, #tpu.memory_space<vmem_shared>>)
    %dma_wait3A_147 = arith.constant 0 : i32
    %dma_wait3A_148 = tpu.memref_slice %arg16[%add3A_57, %dma_wait3A_147] : memref<10112x128xf32, #tpu.memory_space<vmem_shared>> -> memref<48x128xf32, #tpu.memory_space<vmem_shared>>
    %dma_wait3A_149 = arith.constant 0 : i32
    %dma_wait3A_150 = tpu.memref_slice %arg16[%add3A_57, %dma_wait3A_149] : memref<10112x128xf32, #tpu.memory_space<vmem_shared>> -> memref<48x128xf32, #tpu.memory_space<vmem_shared>>
    tpu.wait_dma2 semaphore(%arg10 : memref<!tpu.dma_semaphore, #tpu.memory_space<semaphore_mem>>) src(%arg9 : memref<48x128xf32, #tpu.memory_space<vmem>>) dst(%dma_wait3A_150 : memref<48x128xf32, #tpu.memory_space<vmem_shared>>)
    %dma_wait3A_151 = arith.constant 0 : i32
    %dma_wait3A_152 = tpu.memref_slice %arg16[%add3A_65, %dma_wait3A_151] : memref<10112x128xf32, #tpu.memory_space<vmem_shared>> -> memref<48x128xf32, #tpu.memory_space<vmem_shared>>
    %dma_wait3A_153 = arith.constant 0 : i32
    %dma_wait3A_154 = tpu.memref_slice %arg16[%add3A_65, %dma_wait3A_153] : memref<10112x128xf32, #tpu.memory_space<vmem_shared>> -> memref<48x128xf32, #tpu.memory_space<vmem_shared>>
    tpu.wait_dma2 semaphore(%arg10 : memref<!tpu.dma_semaphore, #tpu.memory_space<semaphore_mem>>) src(%arg9 : memref<48x128xf32, #tpu.memory_space<vmem>>) dst(%dma_wait3A_154 : memref<48x128xf32, #tpu.memory_space<vmem_shared>>)
    %dma_wait3A_155 = arith.constant 0 : i32
    %dma_wait3A_156 = tpu.memref_slice %arg16[%add3A_73, %dma_wait3A_155] : memref<10112x128xf32, #tpu.memory_space<vmem_shared>> -> memref<48x128xf32, #tpu.memory_space<vmem_shared>>
    %dma_wait3A_157 = arith.constant 0 : i32
    %dma_wait3A_158 = tpu.memref_slice %arg16[%add3A_73, %dma_wait3A_157] : memref<10112x128xf32, #tpu.memory_space<vmem_shared>> -> memref<48x128xf32, #tpu.memory_space<vmem_shared>>
    tpu.wait_dma2 semaphore(%arg10 : memref<!tpu.dma_semaphore, #tpu.memory_space<semaphore_mem>>) src(%arg9 : memref<48x128xf32, #tpu.memory_space<vmem>>) dst(%dma_wait3A_158 : memref<48x128xf32, #tpu.memory_space<vmem_shared>>)
    %dma_wait3A_159 = arith.constant 0 : i32
    %dma_wait3A_160 = tpu.memref_slice %arg16[%add3A_81, %dma_wait3A_159] : memref<10112x128xf32, #tpu.memory_space<vmem_shared>> -> memref<48x128xf32, #tpu.memory_space<vmem_shared>>
    %dma_wait3A_161 = arith.constant 0 : i32
    %dma_wait3A_162 = tpu.memref_slice %arg16[%add3A_81, %dma_wait3A_161] : memref<10112x128xf32, #tpu.memory_space<vmem_shared>> -> memref<48x128xf32, #tpu.memory_space<vmem_shared>>
    tpu.wait_dma2 semaphore(%arg10 : memref<!tpu.dma_semaphore, #tpu.memory_space<semaphore_mem>>) src(%arg9 : memref<48x128xf32, #tpu.memory_space<vmem>>) dst(%dma_wait3A_162 : memref<48x128xf32, #tpu.memory_space<vmem_shared>>)
    %dma_wait3A_163 = arith.constant 0 : i32
    %dma_wait3A_164 = tpu.memref_slice %arg16[%add3A_89, %dma_wait3A_163] : memref<10112x128xf32, #tpu.memory_space<vmem_shared>> -> memref<48x128xf32, #tpu.memory_space<vmem_shared>>
    %dma_wait3A_165 = arith.constant 0 : i32
    %dma_wait3A_166 = tpu.memref_slice %arg16[%add3A_89, %dma_wait3A_165] : memref<10112x128xf32, #tpu.memory_space<vmem_shared>> -> memref<48x128xf32, #tpu.memory_space<vmem_shared>>
    tpu.wait_dma2 semaphore(%arg10 : memref<!tpu.dma_semaphore, #tpu.memory_space<semaphore_mem>>) src(%arg9 : memref<48x128xf32, #tpu.memory_space<vmem>>) dst(%dma_wait3A_166 : memref<48x128xf32, #tpu.memory_space<vmem_shared>>)
    %dma_wait3A_167 = arith.constant 0 : i32
    %dma_wait3A_168 = tpu.memref_slice %arg16[%add3A_97, %dma_wait3A_167] : memref<10112x128xf32, #tpu.memory_space<vmem_shared>> -> memref<48x128xf32, #tpu.memory_space<vmem_shared>>
    %dma_wait3A_169 = arith.constant 0 : i32
    %dma_wait3A_170 = tpu.memref_slice %arg16[%add3A_97, %dma_wait3A_169] : memref<10112x128xf32, #tpu.memory_space<vmem_shared>> -> memref<48x128xf32, #tpu.memory_space<vmem_shared>>
    tpu.wait_dma2 semaphore(%arg10 : memref<!tpu.dma_semaphore, #tpu.memory_space<semaphore_mem>>) src(%arg9 : memref<48x128xf32, #tpu.memory_space<vmem>>) dst(%dma_wait3A_170 : memref<48x128xf32, #tpu.memory_space<vmem_shared>>)
    %dma_wait3A_171 = arith.constant 0 : i32
    %dma_wait3A_172 = tpu.memref_slice %arg16[%add3A_105, %dma_wait3A_171] : memref<10112x128xf32, #tpu.memory_space<vmem_shared>> -> memref<48x128xf32, #tpu.memory_space<vmem_shared>>
    %dma_wait3A_173 = arith.constant 0 : i32
    %dma_wait3A_174 = tpu.memref_slice %arg16[%add3A_105, %dma_wait3A_173] : memref<10112x128xf32, #tpu.memory_space<vmem_shared>> -> memref<48x128xf32, #tpu.memory_space<vmem_shared>>
    tpu.wait_dma2 semaphore(%arg10 : memref<!tpu.dma_semaphore, #tpu.memory_space<semaphore_mem>>) src(%arg9 : memref<48x128xf32, #tpu.memory_space<vmem>>) dst(%dma_wait3A_174 : memref<48x128xf32, #tpu.memory_space<vmem_shared>>)
    %dma_wait3A_175 = arith.constant 0 : i32
    %dma_wait3A_176 = arith.constant 0 : i32
    %dma_wait3A_177 = tpu.memref_slice %arg9[%dma_wait3A_175, %dma_wait3A_176] : memref<48x128xf32, #tpu.memory_space<vmem>> -> memref<8x128xf32, #tpu.memory_space<vmem>>
    %dma_wait3A_178 = arith.constant 0 : i32
    %dma_wait3A_179 = tpu.memref_slice %arg16[%add3A_113, %dma_wait3A_178] : memref<10112x128xf32, #tpu.memory_space<vmem_shared>> -> memref<8x128xf32, #tpu.memory_space<vmem_shared>>
    %dma_wait3A_180 = arith.constant 0 : i32
    %dma_wait3A_181 = tpu.memref_slice %arg16[%add3A_113, %dma_wait3A_180] : memref<10112x128xf32, #tpu.memory_space<vmem_shared>> -> memref<8x128xf32, #tpu.memory_space<vmem_shared>>
    %dma_wait3A_182 = arith.constant 0 : i32
    %dma_wait3A_183 = arith.constant 0 : i32
    %dma_wait3A_184 = tpu.memref_slice %arg9[%dma_wait3A_182, %dma_wait3A_183] : memref<48x128xf32, #tpu.memory_space<vmem>> -> memref<8x128xf32, #tpu.memory_space<vmem>>
    tpu.wait_dma2 semaphore(%arg10 : memref<!tpu.dma_semaphore, #tpu.memory_space<semaphore_mem>>) src(%dma_wait3A_184 : memref<8x128xf32, #tpu.memory_space<vmem>>) dst(%dma_wait3A_181 : memref<8x128xf32, #tpu.memory_space<vmem_shared>>)
    %barrier3A = arith.constant 0 : index
    tpu.barrier barrier_id(%barrier3A)
    %dma_start3A_185 = arith.constant 0 : i32
    %dma_start3A_186 = arith.constant 0 : i32
    %dma_start3A_187 = arith.constant 0 : i32
    %dma_start3A_188 = tpu.memref_slice %arg7[%dma_start3A_186, %dma_start3A_187] : memref<4x125xi32, #tpu.memory_space<vmem>> -> memref<1x125xi32, #tpu.memory_space<vmem>>
    %dma_start3A_189 = tpu.memref_squeeze %dma_start3A_188 : memref<1x125xi32, #tpu.memory_space<vmem>> -> memref<125xi32, #tpu.memory_space<vmem>>
    %dma_start3A_190 = arith.constant 0 : i32
    %dma_start3A_191 = tpu.memref_slice %arg4[%add3A, %dma_start3A_185, %dma_start3A_190] : memref<32x80x125xi32, #tpu.memory_space<hbm>> -> memref<1x1x125xi32, #tpu.memory_space<hbm>>
    %dma_start3A_192 = tpu.memref_squeeze %dma_start3A_191 : memref<1x1x125xi32, #tpu.memory_space<hbm>> -> memref<125xi32, #tpu.memory_space<hbm>>
    %dma_start3A_193 = arith.constant 0 : i32
    %dma_start3A_194 = tpu.memref_slice %arg7[%dma_start3A_186, %dma_start3A_193] : memref<4x125xi32, #tpu.memory_space<vmem>> -> memref<1x125xi32, #tpu.memory_space<vmem>>
    %dma_start3A_195 = tpu.memref_squeeze %dma_start3A_194 : memref<1x125xi32, #tpu.memory_space<vmem>> -> memref<125xi32, #tpu.memory_space<vmem>>
    %dma_start3A_196 = arith.constant 0 : i32
    %dma_start3A_197 = tpu.memref_slice %arg4[%add3A, %dma_start3A_185, %dma_start3A_196] : memref<32x80x125xi32, #tpu.memory_space<hbm>> -> memref<1x1x125xi32, #tpu.memory_space<hbm>>
    %dma_start3A_198 = tpu.memref_squeeze %dma_start3A_197 : memref<1x1x125xi32, #tpu.memory_space<hbm>> -> memref<125xi32, #tpu.memory_space<hbm>>
    tpu.enqueue_dma source(%dma_start3A_198 : memref<125xi32, #tpu.memory_space<hbm>>) target(%dma_start3A_195 : memref<125xi32, #tpu.memory_space<vmem>>) target_semaphore(%arg12 : memref<!tpu.dma_semaphore, #tpu.memory_space<semaphore_mem>>)
    %dma_start3A_199 = arith.constant 1 : i32
    %dma_start3A_200 = arith.constant 1 : i32
    %dma_start3A_201 = arith.constant 0 : i32
    %dma_start3A_202 = tpu.memref_slice %arg7[%dma_start3A_200, %dma_start3A_201] : memref<4x125xi32, #tpu.memory_space<vmem>> -> memref<1x125xi32, #tpu.memory_space<vmem>>
    %dma_start3A_203 = tpu.memref_squeeze %dma_start3A_202 : memref<1x125xi32, #tpu.memory_space<vmem>> -> memref<125xi32, #tpu.memory_space<vmem>>
    %dma_start3A_204 = arith.constant 0 : i32
    %dma_start3A_205 = tpu.memref_slice %arg4[%add3A, %dma_start3A_199, %dma_start3A_204] : memref<32x80x125xi32, #tpu.memory_space<hbm>> -> memref<1x1x125xi32, #tpu.memory_space<hbm>>
    %dma_start3A_206 = tpu.memref_squeeze %dma_start3A_205 : memref<1x1x125xi32, #tpu.memory_space<hbm>> -> memref<125xi32, #tpu.memory_space<hbm>>
    %dma_start3A_207 = arith.constant 0 : i32
    %dma_start3A_208 = tpu.memref_slice %arg7[%dma_start3A_200, %dma_start3A_207] : memref<4x125xi32, #tpu.memory_space<vmem>> -> memref<1x125xi32, #tpu.memory_space<vmem>>
    %dma_start3A_209 = tpu.memref_squeeze %dma_start3A_208 : memref<1x125xi32, #tpu.memory_space<vmem>> -> memref<125xi32, #tpu.memory_space<vmem>>
    %dma_start3A_210 = arith.constant 0 : i32
    %dma_start3A_211 = tpu.memref_slice %arg4[%add3A, %dma_start3A_199, %dma_start3A_210] : memref<32x80x125xi32, #tpu.memory_space<hbm>> -> memref<1x1x125xi32, #tpu.memory_space<hbm>>
    %dma_start3A_212 = tpu.memref_squeeze %dma_start3A_211 : memref<1x1x125xi32, #tpu.memory_space<hbm>> -> memref<125xi32, #tpu.memory_space<hbm>>
    tpu.enqueue_dma source(%dma_start3A_212 : memref<125xi32, #tpu.memory_space<hbm>>) target(%dma_start3A_209 : memref<125xi32, #tpu.memory_space<vmem>>) target_semaphore(%arg13 : memref<!tpu.dma_semaphore, #tpu.memory_space<semaphore_mem>>)
    %dma_start3A_213 = arith.constant 2 : i32
    %dma_start3A_214 = arith.constant 2 : i32
    %dma_start3A_215 = arith.constant 0 : i32
    %dma_start3A_216 = tpu.memref_slice %arg7[%dma_start3A_214, %dma_start3A_215] : memref<4x125xi32, #tpu.memory_space<vmem>> -> memref<1x125xi32, #tpu.memory_space<vmem>>
    %dma_start3A_217 = tpu.memref_squeeze %dma_start3A_216 : memref<1x125xi32, #tpu.memory_space<vmem>> -> memref<125xi32, #tpu.memory_space<vmem>>
    %dma_start3A_218 = arith.constant 0 : i32
    %dma_start3A_219 = tpu.memref_slice %arg4[%add3A, %dma_start3A_213, %dma_start3A_218] : memref<32x80x125xi32, #tpu.memory_space<hbm>> -> memref<1x1x125xi32, #tpu.memory_space<hbm>>
    %dma_start3A_220 = tpu.memref_squeeze %dma_start3A_219 : memref<1x1x125xi32, #tpu.memory_space<hbm>> -> memref<125xi32, #tpu.memory_space<hbm>>
    %dma_start3A_221 = arith.constant 0 : i32
    %dma_start3A_222 = tpu.memref_slice %arg7[%dma_start3A_214, %dma_start3A_221] : memref<4x125xi32, #tpu.memory_space<vmem>> -> memref<1x125xi32, #tpu.memory_space<vmem>>
    %dma_start3A_223 = tpu.memref_squeeze %dma_start3A_222 : memref<1x125xi32, #tpu.memory_space<vmem>> -> memref<125xi32, #tpu.memory_space<vmem>>
    %dma_start3A_224 = arith.constant 0 : i32
    %dma_start3A_225 = tpu.memref_slice %arg4[%add3A, %dma_start3A_213, %dma_start3A_224] : memref<32x80x125xi32, #tpu.memory_space<hbm>> -> memref<1x1x125xi32, #tpu.memory_space<hbm>>
    %dma_start3A_226 = tpu.memref_squeeze %dma_start3A_225 : memref<1x1x125xi32, #tpu.memory_space<hbm>> -> memref<125xi32, #tpu.memory_space<hbm>>
    tpu.enqueue_dma source(%dma_start3A_226 : memref<125xi32, #tpu.memory_space<hbm>>) target(%dma_start3A_223 : memref<125xi32, #tpu.memory_space<vmem>>) target_semaphore(%arg14 : memref<!tpu.dma_semaphore, #tpu.memory_space<semaphore_mem>>)
    %dma_start3A_227 = arith.constant 3 : i32
    %dma_start3A_228 = arith.constant 3 : i32
    %dma_start3A_229 = arith.constant 0 : i32
    %dma_start3A_230 = tpu.memref_slice %arg7[%dma_start3A_228, %dma_start3A_229] : memref<4x125xi32, #tpu.memory_space<vmem>> -> memref<1x125xi32, #tpu.memory_space<vmem>>
    %dma_start3A_231 = tpu.memref_squeeze %dma_start3A_230 : memref<1x125xi32, #tpu.memory_space<vmem>> -> memref<125xi32, #tpu.memory_space<vmem>>
    %dma_start3A_232 = arith.constant 0 : i32
    %dma_start3A_233 = tpu.memref_slice %arg4[%add3A, %dma_start3A_227, %dma_start3A_232] : memref<32x80x125xi32, #tpu.memory_space<hbm>> -> memref<1x1x125xi32, #tpu.memory_space<hbm>>
    %dma_start3A_234 = tpu.memref_squeeze %dma_start3A_233 : memref<1x1x125xi32, #tpu.memory_space<hbm>> -> memref<125xi32, #tpu.memory_space<hbm>>
    %dma_start3A_235 = arith.constant 0 : i32
    %dma_start3A_236 = tpu.memref_slice %arg7[%dma_start3A_228, %dma_start3A_235] : memref<4x125xi32, #tpu.memory_space<vmem>> -> memref<1x125xi32, #tpu.memory_space<vmem>>
    %dma_start3A_237 = tpu.memref_squeeze %dma_start3A_236 : memref<1x125xi32, #tpu.memory_space<vmem>> -> memref<125xi32, #tpu.memory_space<vmem>>
    %dma_start3A_238 = arith.constant 0 : i32
    %dma_start3A_239 = tpu.memref_slice %arg4[%add3A, %dma_start3A_227, %dma_start3A_238] : memref<32x80x125xi32, #tpu.memory_space<hbm>> -> memref<1x1x125xi32, #tpu.memory_space<hbm>>
    %dma_start3A_240 = tpu.memref_squeeze %dma_start3A_239 : memref<1x1x125xi32, #tpu.memory_space<hbm>> -> memref<125xi32, #tpu.memory_space<hbm>>
    tpu.enqueue_dma source(%dma_start3A_240 : memref<125xi32, #tpu.memory_space<hbm>>) target(%dma_start3A_237 : memref<125xi32, #tpu.memory_space<vmem>>) target_semaphore(%arg15 : memref<!tpu.dma_semaphore, #tpu.memory_space<semaphore_mem>>)
    %dma_start3A_241 = arith.constant 0 : i32
    %dma_start3A_242 = arith.constant 0 : i32
    %dma_start3A_243 = arith.constant 0 : i32
    %dma_start3A_244 = arith.constant 0 : i32
    %dma_start3A_245 = tpu.memref_slice %arg8[%dma_start3A_242, %dma_start3A_243, %dma_start3A_244] : memref<2x125x128xf32, #tpu.memory_space<vmem>> -> memref<1x125x128xf32, #tpu.memory_space<vmem>>
    %dma_start3A_246 = tpu.memref_squeeze %dma_start3A_245 : memref<1x125x128xf32, #tpu.memory_space<vmem>> -> memref<125x128xf32, #tpu.memory_space<vmem>>
    %dma_start3A_247 = arith.constant 0 : i32
    %dma_start3A_248 = tpu.memref_slice %arg6[%dma_start3A_241, %dma_start3A_247] : memref<80x125xi32, #tpu.memory_space<vmem>> -> memref<1x125xi32, #tpu.memory_space<vmem>>
    %dma_start3A_249 = tpu.memref_squeeze %dma_start3A_248 : memref<1x125xi32, #tpu.memory_space<vmem>> -> memref<125xi32, #tpu.memory_space<vmem>>
    %dma_start3A_250 = arith.constant 0 : i32
    %dma_start3A_251 = arith.constant 0 : i32
    %dma_start3A_252 = tpu.memref_slice %arg2[%dma_start3A_250, %dma_start3A_251] : memref<10000x128xf32, #tpu.memory_space<hbm>> -> memref<10000x128xf32, #tpu.memory_space<hbm>>
    tpu.enqueue_indirect_dma source(%dma_start3A_252 : memref<10000x128xf32, #tpu.memory_space<hbm>>) target(%dma_start3A_246 : memref<125x128xf32, #tpu.memory_space<vmem>>) offsets(%dma_start3A_249 : memref<125xi32, #tpu.memory_space<vmem>>) semaphore(%arg10 : memref<!tpu.dma_semaphore, #tpu.memory_space<semaphore_mem>>)
    %dma_start3A_253 = arith.constant 1 : i32
    %dma_start3A_254 = arith.constant 1 : i32
    %dma_start3A_255 = arith.constant 0 : i32
    %dma_start3A_256 = arith.constant 0 : i32
    %dma_start3A_257 = tpu.memref_slice %arg8[%dma_start3A_254, %dma_start3A_255, %dma_start3A_256] : memref<2x125x128xf32, #tpu.memory_space<vmem>> -> memref<1x125x128xf32, #tpu.memory_space<vmem>>
    %dma_start3A_258 = tpu.memref_squeeze %dma_start3A_257 : memref<1x125x128xf32, #tpu.memory_space<vmem>> -> memref<125x128xf32, #tpu.memory_space<vmem>>
    %dma_start3A_259 = arith.constant 0 : i32
    %dma_start3A_260 = tpu.memref_slice %arg6[%dma_start3A_253, %dma_start3A_259] : memref<80x125xi32, #tpu.memory_space<vmem>> -> memref<1x125xi32, #tpu.memory_space<vmem>>
    %dma_start3A_261 = tpu.memref_squeeze %dma_start3A_260 : memref<1x125xi32, #tpu.memory_space<vmem>> -> memref<125xi32, #tpu.memory_space<vmem>>
    %dma_start3A_262 = arith.constant 0 : i32
    %dma_start3A_263 = arith.constant 0 : i32
    %dma_start3A_264 = tpu.memref_slice %arg2[%dma_start3A_262, %dma_start3A_263] : memref<10000x128xf32, #tpu.memory_space<hbm>> -> memref<10000x128xf32, #tpu.memory_space<hbm>>
    tpu.enqueue_indirect_dma source(%dma_start3A_264 : memref<10000x128xf32, #tpu.memory_space<hbm>>) target(%dma_start3A_258 : memref<125x128xf32, #tpu.memory_space<vmem>>) offsets(%dma_start3A_261 : memref<125xi32, #tpu.memory_space<vmem>>) semaphore(%arg11 : memref<!tpu.dma_semaphore, #tpu.memory_space<semaphore_mem>>)
    %scan3A_265 = arith.constant 0 : i32
    %scan3A_266 = arith.constant 0 : i32
    %scan3A_267 = arith.constant 20 : i32
    %scan3A_268 = arith.addi %scan3A_266, %scan3A_267 : i32
    %scan3A_269 = arith.constant 1 : i32
    %scan3A_270 = scf.for %scan3A_277 = %scan3A_266 to %scan3A_268 step %scan3A_269 iter_args(%scan3A_278 = %scan3A_265) -> (i32)  : i32 {
      %mul3A_279 = arith.constant 4 : i32
      %mul3A_280 = arith.muli %scan3A_277, %mul3A_279 : i32
      %add3A_281 = arith.constant 0 : i32
      %add3A_282 = arith.addi %mul3A_280, %add3A_281 : i32
      %dma_wait3A_283 = arith.constant 0 : i32
      %dma_wait3A_284 = arith.constant 0 : i32
      %dma_wait3A_285 = arith.constant 0 : i32
      %dma_wait3A_286 = arith.constant 0 : i32
      %dma_wait3A_287 = tpu.memref_slice %arg8[%dma_wait3A_284, %dma_wait3A_285, %dma_wait3A_286] : memref<2x125x128xf32, #tpu.memory_space<vmem>> -> memref<1x125x128xf32, #tpu.memory_space<vmem>>
      %dma_wait3A_288 = tpu.memref_squeeze %dma_wait3A_287 : memref<1x125x128xf32, #tpu.memory_space<vmem>> -> memref<125x128xf32, #tpu.memory_space<vmem>>
      %dma_wait3A_289 = arith.constant 0 : i32
      %dma_wait3A_290 = tpu.memref_slice %arg6[%dma_wait3A_283, %dma_wait3A_289] : memref<80x125xi32, #tpu.memory_space<vmem>> -> memref<1x125xi32, #tpu.memory_space<vmem>>
      %dma_wait3A_291 = tpu.memref_squeeze %dma_wait3A_290 : memref<1x125xi32, #tpu.memory_space<vmem>> -> memref<125xi32, #tpu.memory_space<vmem>>
      %dma_wait3A_292 = arith.constant 0 : i32
      %dma_wait3A_293 = arith.constant 0 : i32
      %dma_wait3A_294 = tpu.memref_slice %arg2[%dma_wait3A_292, %dma_wait3A_293] : memref<10000x128xf32, #tpu.memory_space<hbm>> -> memref<10000x128xf32, #tpu.memory_space<hbm>>
      tpu.wait_indirect_dma semaphore(%arg10 : memref<!tpu.dma_semaphore, #tpu.memory_space<semaphore_mem>>) src(%dma_wait3A_294 : memref<10000x128xf32, #tpu.memory_space<hbm>>) dst(%dma_wait3A_288 : memref<125x128xf32, #tpu.memory_space<vmem>>)
      %dma_wait3A_295 = arith.constant 0 : i32
      %dma_wait3A_296 = arith.constant 0 : i32
      %dma_wait3A_297 = arith.constant 0 : i32
      %dma_wait3A_298 = arith.constant 0 : i32
      %dma_wait3A_299 = tpu.memref_slice %arg7[%dma_wait3A_297, %dma_wait3A_298] : memref<4x125xi32, #tpu.memory_space<vmem>> -> memref<1x125xi32, #tpu.memory_space<vmem>>
      %dma_wait3A_300 = tpu.memref_squeeze %dma_wait3A_299 : memref<1x125xi32, #tpu.memory_space<vmem>> -> memref<125xi32, #tpu.memory_space<vmem>>
      %dma_wait3A_301 = arith.constant 0 : i32
      %dma_wait3A_302 = tpu.memref_slice %arg4[%dma_wait3A_295, %dma_wait3A_296, %dma_wait3A_301] : memref<32x80x125xi32, #tpu.memory_space<hbm>> -> memref<1x1x125xi32, #tpu.memory_space<hbm>>
      %dma_wait3A_303 = tpu.memref_squeeze %dma_wait3A_302 : memref<1x1x125xi32, #tpu.memory_space<hbm>> -> memref<125xi32, #tpu.memory_space<hbm>>
      %dma_wait3A_304 = arith.constant 0 : i32
      %dma_wait3A_305 = tpu.memref_slice %arg7[%dma_wait3A_297, %dma_wait3A_304] : memref<4x125xi32, #tpu.memory_space<vmem>> -> memref<1x125xi32, #tpu.memory_space<vmem>>
      %dma_wait3A_306 = tpu.memref_squeeze %dma_wait3A_305 : memref<1x125xi32, #tpu.memory_space<vmem>> -> memref<125xi32, #tpu.memory_space<vmem>>
      %dma_wait3A_307 = arith.constant 0 : i32
      %dma_wait3A_308 = tpu.memref_slice %arg4[%dma_wait3A_295, %dma_wait3A_296, %dma_wait3A_307] : memref<32x80x125xi32, #tpu.memory_space<hbm>> -> memref<1x1x125xi32, #tpu.memory_space<hbm>>
      %dma_wait3A_309 = tpu.memref_squeeze %dma_wait3A_308 : memref<1x1x125xi32, #tpu.memory_space<hbm>> -> memref<125xi32, #tpu.memory_space<hbm>>
      tpu.wait_dma2 semaphore(%arg12 : memref<!tpu.dma_semaphore, #tpu.memory_space<semaphore_mem>>) src(%dma_wait3A_309 : memref<125xi32, #tpu.memory_space<hbm>>) dst(%dma_wait3A_306 : memref<125xi32, #tpu.memory_space<vmem>>)
      %run_scoped3A = arith.constant 0 : i32
      %run_scoped3A_310 = arith.constant 0 : i32
      "tpu.region"() ({
        %run_scoped3A_464 = tpu.sem_alloc : memref<!tpu.dma_semaphore, #tpu.memory_space<semaphore_mem>>
        %dma_start3A_465 = arith.constant 0 : i32
        %dma_start3A_466 = arith.constant 0 : i32
        %dma_start3A_467 = tpu.memref_slice %arg8[%run_scoped3A, %dma_start3A_465, %dma_start3A_466] : memref<2x125x128xf32, #tpu.memory_space<vmem>> -> memref<1x125x128xf32, #tpu.memory_space<vmem>>
        %dma_start3A_468 = tpu.memref_squeeze %dma_start3A_467 : memref<1x125x128xf32, #tpu.memory_space<vmem>> -> memref<125x128xf32, #tpu.memory_space<vmem>>
        %dma_start3A_469 = arith.constant 0 : i32
        %dma_start3A_470 = tpu.memref_slice %arg7[%run_scoped3A_310, %dma_start3A_469] : memref<4x125xi32, #tpu.memory_space<vmem>> -> memref<1x125xi32, #tpu.memory_space<vmem>>
        %dma_start3A_471 = tpu.memref_squeeze %dma_start3A_470 : memref<1x125xi32, #tpu.memory_space<vmem>> -> memref<125xi32, #tpu.memory_space<vmem>>
        %dma_start3A_472 = arith.constant 0 : i32
        %dma_start3A_473 = arith.constant 0 : i32
        %dma_start3A_474 = tpu.memref_slice %arg16[%dma_start3A_472, %dma_start3A_473] : memref<10112x128xf32, #tpu.memory_space<vmem_shared>> -> memref<10112x128xf32, #tpu.memory_space<vmem_shared>>
        tpu.enqueue_indirect_dma source(%dma_start3A_468 : memref<125x128xf32, #tpu.memory_space<vmem>>) target(%dma_start3A_474 : memref<10112x128xf32, #tpu.memory_space<vmem_shared>>) offsets(%dma_start3A_471 : memref<125xi32, #tpu.memory_space<vmem>>) semaphore(%run_scoped3A_464 : memref<!tpu.dma_semaphore, #tpu.memory_space<semaphore_mem>>) {add = true}
        %dma_wait3A_475 = arith.constant 0 : i32
        %dma_wait3A_476 = arith.constant 0 : i32
        %dma_wait3A_477 = tpu.memref_slice %arg8[%run_scoped3A, %dma_wait3A_475, %dma_wait3A_476] : memref<2x125x128xf32, #tpu.memory_space<vmem>> -> memref<1x125x128xf32, #tpu.memory_space<vmem>>
        %dma_wait3A_478 = tpu.memref_squeeze %dma_wait3A_477 : memref<1x125x128xf32, #tpu.memory_space<vmem>> -> memref<125x128xf32, #tpu.memory_space<vmem>>
        %dma_wait3A_479 = arith.constant 0 : i32
        %dma_wait3A_480 = tpu.memref_slice %arg7[%run_scoped3A_310, %dma_wait3A_479] : memref<4x125xi32, #tpu.memory_space<vmem>> -> memref<1x125xi32, #tpu.memory_space<vmem>>
        %dma_wait3A_481 = tpu.memref_squeeze %dma_wait3A_480 : memref<1x125xi32, #tpu.memory_space<vmem>> -> memref<125xi32, #tpu.memory_space<vmem>>
        %dma_wait3A_482 = arith.constant 0 : i32
        %dma_wait3A_483 = arith.constant 0 : i32
        %dma_wait3A_484 = tpu.memref_slice %arg16[%dma_wait3A_482, %dma_wait3A_483] : memref<10112x128xf32, #tpu.memory_space<vmem_shared>> -> memref<10112x128xf32, #tpu.memory_space<vmem_shared>>
        tpu.wait_indirect_dma semaphore(%run_scoped3A_464 : memref<!tpu.dma_semaphore, #tpu.memory_space<semaphore_mem>>) src(%dma_wait3A_478 : memref<125x128xf32, #tpu.memory_space<vmem>>) dst(%dma_wait3A_484 : memref<10112x128xf32, #tpu.memory_space<vmem_shared>>)
        tpu.yield
      }) : () -> ()
      %add3A_311 = arith.constant 2 : i32
      %add3A_312 = arith.addi %add3A_282, %add3A_311 : i32
      %lt3A = arith.constant 80 : i32
      %lt3A_313 = arith.cmpi slt, %add3A_312, %lt3A : i32
      %convert_element_type3A = arith.extui %lt3A_313 : i1 to i32
      %cond3A = arith.constant 0 : i32
      %cond3A_314 = arith.cmpi ne, %convert_element_type3A, %cond3A : i32
      scf.if %cond3A_314 {
        %add3A_464 = arith.constant 2 : i32
        %add3A_465 = arith.addi %add3A_282, %add3A_464 : i32
        %dma_start3A_466 = arith.constant 0 : i32
        %dma_start3A_467 = arith.constant 0 : i32
        %dma_start3A_468 = arith.constant 0 : i32
        %dma_start3A_469 = tpu.memref_slice %arg8[%dma_start3A_466, %dma_start3A_467, %dma_start3A_468] : memref<2x125x128xf32, #tpu.memory_space<vmem>> -> memref<1x125x128xf32, #tpu.memory_space<vmem>>
        %dma_start3A_470 = tpu.memref_squeeze %dma_start3A_469 : memref<1x125x128xf32, #tpu.memory_space<vmem>> -> memref<125x128xf32, #tpu.memory_space<vmem>>
        %dma_start3A_471 = arith.constant 0 : i32
        %dma_start3A_472 = tpu.memref_slice %arg6[%add3A_465, %dma_start3A_471] : memref<80x125xi32, #tpu.memory_space<vmem>> -> memref<1x125xi32, #tpu.memory_space<vmem>>
        %dma_start3A_473 = tpu.memref_squeeze %dma_start3A_472 : memref<1x125xi32, #tpu.memory_space<vmem>> -> memref<125xi32, #tpu.memory_space<vmem>>
        %dma_start3A_474 = arith.constant 0 : i32
        %dma_start3A_475 = arith.constant 0 : i32
        %dma_start3A_476 = tpu.memref_slice %arg2[%dma_start3A_474, %dma_start3A_475] : memref<10000x128xf32, #tpu.memory_space<hbm>> -> memref<10000x128xf32, #tpu.memory_space<hbm>>
        tpu.enqueue_indirect_dma source(%dma_start3A_476 : memref<10000x128xf32, #tpu.memory_space<hbm>>) target(%dma_start3A_470 : memref<125x128xf32, #tpu.memory_space<vmem>>) offsets(%dma_start3A_473 : memref<125xi32, #tpu.memory_space<vmem>>) semaphore(%arg10 : memref<!tpu.dma_semaphore, #tpu.memory_space<semaphore_mem>>)
      } else {
      }
      %add3A_315 = arith.constant 4 : i32
      %add3A_316 = arith.addi %add3A_282, %add3A_315 : i32
      %lt3A_317 = arith.constant 80 : i32
      %lt3A_318 = arith.cmpi slt, %add3A_316, %lt3A_317 : i32
      %convert_element_type3A_319 = arith.extui %lt3A_318 : i1 to i32
      %cond3A_320 = arith.constant 0 : i32
      %cond3A_321 = arith.cmpi ne, %convert_element_type3A_319, %cond3A_320 : i32
      scf.if %cond3A_321 {
        %add3A_464 = arith.constant 4 : i32
        %add3A_465 = arith.addi %add3A_282, %add3A_464 : i32
        %dma_start3A_466 = arith.constant 0 : i32
        %dma_start3A_467 = arith.constant 0 : i32
        %dma_start3A_468 = tpu.memref_slice %arg7[%dma_start3A_466, %dma_start3A_467] : memref<4x125xi32, #tpu.memory_space<vmem>> -> memref<1x125xi32, #tpu.memory_space<vmem>>
        %dma_start3A_469 = tpu.memref_squeeze %dma_start3A_468 : memref<1x125xi32, #tpu.memory_space<vmem>> -> memref<125xi32, #tpu.memory_space<vmem>>
        %dma_start3A_470 = arith.constant 0 : i32
        %dma_start3A_471 = tpu.memref_slice %arg4[%add3A, %add3A_465, %dma_start3A_470] : memref<32x80x125xi32, #tpu.memory_space<hbm>> -> memref<1x1x125xi32, #tpu.memory_space<hbm>>
        %dma_start3A_472 = tpu.memref_squeeze %dma_start3A_471 : memref<1x1x125xi32, #tpu.memory_space<hbm>> -> memref<125xi32, #tpu.memory_space<hbm>>
        %dma_start3A_473 = arith.constant 0 : i32
        %dma_start3A_474 = tpu.memref_slice %arg7[%dma_start3A_466, %dma_start3A_473] : memref<4x125xi32, #tpu.memory_space<vmem>> -> memref<1x125xi32, #tpu.memory_space<vmem>>
        %dma_start3A_475 = tpu.memref_squeeze %dma_start3A_474 : memref<1x125xi32, #tpu.memory_space<vmem>> -> memref<125xi32, #tpu.memory_space<vmem>>
        %dma_start3A_476 = arith.constant 0 : i32
        %dma_start3A_477 = tpu.memref_slice %arg4[%add3A, %add3A_465, %dma_start3A_476] : memref<32x80x125xi32, #tpu.memory_space<hbm>> -> memref<1x1x125xi32, #tpu.memory_space<hbm>>
        %dma_start3A_478 = tpu.memref_squeeze %dma_start3A_477 : memref<1x1x125xi32, #tpu.memory_space<hbm>> -> memref<125xi32, #tpu.memory_space<hbm>>
        tpu.enqueue_dma source(%dma_start3A_478 : memref<125xi32, #tpu.memory_space<hbm>>) target(%dma_start3A_475 : memref<125xi32, #tpu.memory_space<vmem>>) target_semaphore(%arg12 : memref<!tpu.dma_semaphore, #tpu.memory_space<semaphore_mem>>)
      } else {
      }
      %mul3A_322 = arith.constant 4 : i32
      %mul3A_323 = arith.muli %scan3A_277, %mul3A_322 : i32
      %add3A_324 = arith.constant 1 : i32
      %add3A_325 = arith.addi %mul3A_323, %add3A_324 : i32
      %dma_wait3A_326 = arith.constant 0 : i32
      %dma_wait3A_327 = arith.constant 1 : i32
      %dma_wait3A_328 = arith.constant 0 : i32
      %dma_wait3A_329 = arith.constant 0 : i32
      %dma_wait3A_330 = tpu.memref_slice %arg8[%dma_wait3A_327, %dma_wait3A_328, %dma_wait3A_329] : memref<2x125x128xf32, #tpu.memory_space<vmem>> -> memref<1x125x128xf32, #tpu.memory_space<vmem>>
      %dma_wait3A_331 = tpu.memref_squeeze %dma_wait3A_330 : memref<1x125x128xf32, #tpu.memory_space<vmem>> -> memref<125x128xf32, #tpu.memory_space<vmem>>
      %dma_wait3A_332 = arith.constant 0 : i32
      %dma_wait3A_333 = tpu.memref_slice %arg6[%dma_wait3A_326, %dma_wait3A_332] : memref<80x125xi32, #tpu.memory_space<vmem>> -> memref<1x125xi32, #tpu.memory_space<vmem>>
      %dma_wait3A_334 = tpu.memref_squeeze %dma_wait3A_333 : memref<1x125xi32, #tpu.memory_space<vmem>> -> memref<125xi32, #tpu.memory_space<vmem>>
      %dma_wait3A_335 = arith.constant 0 : i32
      %dma_wait3A_336 = arith.constant 0 : i32
      %dma_wait3A_337 = tpu.memref_slice %arg2[%dma_wait3A_335, %dma_wait3A_336] : memref<10000x128xf32, #tpu.memory_space<hbm>> -> memref<10000x128xf32, #tpu.memory_space<hbm>>
      tpu.wait_indirect_dma semaphore(%arg11 : memref<!tpu.dma_semaphore, #tpu.memory_space<semaphore_mem>>) src(%dma_wait3A_337 : memref<10000x128xf32, #tpu.memory_space<hbm>>) dst(%dma_wait3A_331 : memref<125x128xf32, #tpu.memory_space<vmem>>)
      %dma_wait3A_338 = arith.constant 0 : i32
      %dma_wait3A_339 = arith.constant 0 : i32
      %dma_wait3A_340 = arith.constant 1 : i32
      %dma_wait3A_341 = arith.constant 0 : i32
      %dma_wait3A_342 = tpu.memref_slice %arg7[%dma_wait3A_340, %dma_wait3A_341] : memref<4x125xi32, #tpu.memory_space<vmem>> -> memref<1x125xi32, #tpu.memory_space<vmem>>
      %dma_wait3A_343 = tpu.memref_squeeze %dma_wait3A_342 : memref<1x125xi32, #tpu.memory_space<vmem>> -> memref<125xi32, #tpu.memory_space<vmem>>
      %dma_wait3A_344 = arith.constant 0 : i32
      %dma_wait3A_345 = tpu.memref_slice %arg4[%dma_wait3A_338, %dma_wait3A_339, %dma_wait3A_344] : memref<32x80x125xi32, #tpu.memory_space<hbm>> -> memref<1x1x125xi32, #tpu.memory_space<hbm>>
      %dma_wait3A_346 = tpu.memref_squeeze %dma_wait3A_345 : memref<1x1x125xi32, #tpu.memory_space<hbm>> -> memref<125xi32, #tpu.memory_space<hbm>>
      %dma_wait3A_347 = arith.constant 0 : i32
      %dma_wait3A_348 = tpu.memref_slice %arg7[%dma_wait3A_340, %dma_wait3A_347] : memref<4x125xi32, #tpu.memory_space<vmem>> -> memref<1x125xi32, #tpu.memory_space<vmem>>
      %dma_wait3A_349 = tpu.memref_squeeze %dma_wait3A_348 : memref<1x125xi32, #tpu.memory_space<vmem>> -> memref<125xi32, #tpu.memory_space<vmem>>
      %dma_wait3A_350 = arith.constant 0 : i32
      %dma_wait3A_351 = tpu.memref_slice %arg4[%dma_wait3A_338, %dma_wait3A_339, %dma_wait3A_350] : memref<32x80x125xi32, #tpu.memory_space<hbm>> -> memref<1x1x125xi32, #tpu.memory_space<hbm>>
      %dma_wait3A_352 = tpu.memref_squeeze %dma_wait3A_351 : memref<1x1x125xi32, #tpu.memory_space<hbm>> -> memref<125xi32, #tpu.memory_space<hbm>>
      tpu.wait_dma2 semaphore(%arg13 : memref<!tpu.dma_semaphore, #tpu.memory_space<semaphore_mem>>) src(%dma_wait3A_352 : memref<125xi32, #tpu.memory_space<hbm>>) dst(%dma_wait3A_349 : memref<125xi32, #tpu.memory_space<vmem>>)
      %run_scoped3A_353 = arith.constant 1 : i32
      %run_scoped3A_354 = arith.constant 1 : i32
      "tpu.region"() ({
        %run_scoped3A_464 = tpu.sem_alloc : memref<!tpu.dma_semaphore, #tpu.memory_space<semaphore_mem>>
        %dma_start3A_465 = arith.constant 0 : i32
        %dma_start3A_466 = arith.constant 0 : i32
        %dma_start3A_467 = tpu.memref_slice %arg8[%run_scoped3A_353, %dma_start3A_465, %dma_start3A_466] : memref<2x125x128xf32, #tpu.memory_space<vmem>> -> memref<1x125x128xf32, #tpu.memory_space<vmem>>
        %dma_start3A_468 = tpu.memref_squeeze %dma_start3A_467 : memref<1x125x128xf32, #tpu.memory_space<vmem>> -> memref<125x128xf32, #tpu.memory_space<vmem>>
        %dma_start3A_469 = arith.constant 0 : i32
        %dma_start3A_470 = tpu.memref_slice %arg7[%run_scoped3A_354, %dma_start3A_469] : memref<4x125xi32, #tpu.memory_space<vmem>> -> memref<1x125xi32, #tpu.memory_space<vmem>>
        %dma_start3A_471 = tpu.memref_squeeze %dma_start3A_470 : memref<1x125xi32, #tpu.memory_space<vmem>> -> memref<125xi32, #tpu.memory_space<vmem>>
        %dma_start3A_472 = arith.constant 0 : i32
        %dma_start3A_473 = arith.constant 0 : i32
        %dma_start3A_474 = tpu.memref_slice %arg16[%dma_start3A_472, %dma_start3A_473] : memref<10112x128xf32, #tpu.memory_space<vmem_shared>> -> memref<10112x128xf32, #tpu.memory_space<vmem_shared>>
        tpu.enqueue_indirect_dma source(%dma_start3A_468 : memref<125x128xf32, #tpu.memory_space<vmem>>) target(%dma_start3A_474 : memref<10112x128xf32, #tpu.memory_space<vmem_shared>>) offsets(%dma_start3A_471 : memref<125xi32, #tpu.memory_space<vmem>>) semaphore(%run_scoped3A_464 : memref<!tpu.dma_semaphore, #tpu.memory_space<semaphore_mem>>) {add = true}
        %dma_wait3A_475 = arith.constant 0 : i32
        %dma_wait3A_476 = arith.constant 0 : i32
        %dma_wait3A_477 = tpu.memref_slice %arg8[%run_scoped3A_353, %dma_wait3A_475, %dma_wait3A_476] : memref<2x125x128xf32, #tpu.memory_space<vmem>> -> memref<1x125x128xf32, #tpu.memory_space<vmem>>
        %dma_wait3A_478 = tpu.memref_squeeze %dma_wait3A_477 : memref<1x125x128xf32, #tpu.memory_space<vmem>> -> memref<125x128xf32, #tpu.memory_space<vmem>>
        %dma_wait3A_479 = arith.constant 0 : i32
        %dma_wait3A_480 = tpu.memref_slice %arg7[%run_scoped3A_354, %dma_wait3A_479] : memref<4x125xi32, #tpu.memory_space<vmem>> -> memref<1x125xi32, #tpu.memory_space<vmem>>
        %dma_wait3A_481 = tpu.memref_squeeze %dma_wait3A_480 : memref<1x125xi32, #tpu.memory_space<vmem>> -> memref<125xi32, #tpu.memory_space<vmem>>
        %dma_wait3A_482 = arith.constant 0 : i32
        %dma_wait3A_483 = arith.constant 0 : i32
        %dma_wait3A_484 = tpu.memref_slice %arg16[%dma_wait3A_482, %dma_wait3A_483] : memref<10112x128xf32, #tpu.memory_space<vmem_shared>> -> memref<10112x128xf32, #tpu.memory_space<vmem_shared>>
        tpu.wait_indirect_dma semaphore(%run_scoped3A_464 : memref<!tpu.dma_semaphore, #tpu.memory_space<semaphore_mem>>) src(%dma_wait3A_478 : memref<125x128xf32, #tpu.memory_space<vmem>>) dst(%dma_wait3A_484 : memref<10112x128xf32, #tpu.memory_space<vmem_shared>>)
        tpu.yield
      }) : () -> ()
      %add3A_355 = arith.constant 2 : i32
      %add3A_356 = arith.addi %add3A_325, %add3A_355 : i32
      %lt3A_357 = arith.constant 80 : i32
      %lt3A_358 = arith.cmpi slt, %add3A_356, %lt3A_357 : i32
      %convert_element_type3A_359 = arith.extui %lt3A_358 : i1 to i32
      %cond3A_360 = arith.constant 0 : i32
      %cond3A_361 = arith.cmpi ne, %convert_element_type3A_359, %cond3A_360 : i32
      scf.if %cond3A_361 {
        %add3A_464 = arith.constant 2 : i32
        %add3A_465 = arith.addi %add3A_325, %add3A_464 : i32
        %dma_start3A_466 = arith.constant 1 : i32
        %dma_start3A_467 = arith.constant 0 : i32
        %dma_start3A_468 = arith.constant 0 : i32
        %dma_start3A_469 = tpu.memref_slice %arg8[%dma_start3A_466, %dma_start3A_467, %dma_start3A_468] : memref<2x125x128xf32, #tpu.memory_space<vmem>> -> memref<1x125x128xf32, #tpu.memory_space<vmem>>
        %dma_start3A_470 = tpu.memref_squeeze %dma_start3A_469 : memref<1x125x128xf32, #tpu.memory_space<vmem>> -> memref<125x128xf32, #tpu.memory_space<vmem>>
        %dma_start3A_471 = arith.constant 0 : i32
        %dma_start3A_472 = tpu.memref_slice %arg6[%add3A_465, %dma_start3A_471] : memref<80x125xi32, #tpu.memory_space<vmem>> -> memref<1x125xi32, #tpu.memory_space<vmem>>
        %dma_start3A_473 = tpu.memref_squeeze %dma_start3A_472 : memref<1x125xi32, #tpu.memory_space<vmem>> -> memref<125xi32, #tpu.memory_space<vmem>>
        %dma_start3A_474 = arith.constant 0 : i32
        %dma_start3A_475 = arith.constant 0 : i32
        %dma_start3A_476 = tpu.memref_slice %arg2[%dma_start3A_474, %dma_start3A_475] : memref<10000x128xf32, #tpu.memory_space<hbm>> -> memref<10000x128xf32, #tpu.memory_space<hbm>>
        tpu.enqueue_indirect_dma source(%dma_start3A_476 : memref<10000x128xf32, #tpu.memory_space<hbm>>) target(%dma_start3A_470 : memref<125x128xf32, #tpu.memory_space<vmem>>) offsets(%dma_start3A_473 : memref<125xi32, #tpu.memory_space<vmem>>) semaphore(%arg11 : memref<!tpu.dma_semaphore, #tpu.memory_space<semaphore_mem>>)
      } else {
      }
      %add3A_362 = arith.constant 4 : i32
      %add3A_363 = arith.addi %add3A_325, %add3A_362 : i32
      %lt3A_364 = arith.constant 80 : i32
      %lt3A_365 = arith.cmpi slt, %add3A_363, %lt3A_364 : i32
      %convert_element_type3A_366 = arith.extui %lt3A_365 : i1 to i32
      %cond3A_367 = arith.constant 0 : i32
      %cond3A_368 = arith.cmpi ne, %convert_element_type3A_366, %cond3A_367 : i32
      scf.if %cond3A_368 {
        %add3A_464 = arith.constant 4 : i32
        %add3A_465 = arith.addi %add3A_325, %add3A_464 : i32
        %dma_start3A_466 = arith.constant 1 : i32
        %dma_start3A_467 = arith.constant 0 : i32
        %dma_start3A_468 = tpu.memref_slice %arg7[%dma_start3A_466, %dma_start3A_467] : memref<4x125xi32, #tpu.memory_space<vmem>> -> memref<1x125xi32, #tpu.memory_space<vmem>>
        %dma_start3A_469 = tpu.memref_squeeze %dma_start3A_468 : memref<1x125xi32, #tpu.memory_space<vmem>> -> memref<125xi32, #tpu.memory_space<vmem>>
        %dma_start3A_470 = arith.constant 0 : i32
        %dma_start3A_471 = tpu.memref_slice %arg4[%add3A, %add3A_465, %dma_start3A_470] : memref<32x80x125xi32, #tpu.memory_space<hbm>> -> memref<1x1x125xi32, #tpu.memory_space<hbm>>
        %dma_start3A_472 = tpu.memref_squeeze %dma_start3A_471 : memref<1x1x125xi32, #tpu.memory_space<hbm>> -> memref<125xi32, #tpu.memory_space<hbm>>
        %dma_start3A_473 = arith.constant 0 : i32
        %dma_start3A_474 = tpu.memref_slice %arg7[%dma_start3A_466, %dma_start3A_473] : memref<4x125xi32, #tpu.memory_space<vmem>> -> memref<1x125xi32, #tpu.memory_space<vmem>>
        %dma_start3A_475 = tpu.memref_squeeze %dma_start3A_474 : memref<1x125xi32, #tpu.memory_space<vmem>> -> memref<125xi32, #tpu.memory_space<vmem>>
        %dma_start3A_476 = arith.constant 0 : i32
        %dma_start3A_477 = tpu.memref_slice %arg4[%add3A, %add3A_465, %dma_start3A_476] : memref<32x80x125xi32, #tpu.memory_space<hbm>> -> memref<1x1x125xi32, #tpu.memory_space<hbm>>
        %dma_start3A_478 = tpu.memref_squeeze %dma_start3A_477 : memref<1x1x125xi32, #tpu.memory_space<hbm>> -> memref<125xi32, #tpu.memory_space<hbm>>
        tpu.enqueue_dma source(%dma_start3A_478 : memref<125xi32, #tpu.memory_space<hbm>>) target(%dma_start3A_475 : memref<125xi32, #tpu.memory_space<vmem>>) target_semaphore(%arg13 : memref<!tpu.dma_semaphore, #tpu.memory_space<semaphore_mem>>)
      } else {
      }
      %mul3A_369 = arith.constant 4 : i32
      %mul3A_370 = arith.muli %scan3A_277, %mul3A_369 : i32
      %add3A_371 = arith.constant 2 : i32
      %add3A_372 = arith.addi %mul3A_370, %add3A_371 : i32
      %dma_wait3A_373 = arith.constant 0 : i32
      %dma_wait3A_374 = arith.constant 0 : i32
      %dma_wait3A_375 = arith.constant 0 : i32
      %dma_wait3A_376 = arith.constant 0 : i32
      %dma_wait3A_377 = tpu.memref_slice %arg8[%dma_wait3A_374, %dma_wait3A_375, %dma_wait3A_376] : memref<2x125x128xf32, #tpu.memory_space<vmem>> -> memref<1x125x128xf32, #tpu.memory_space<vmem>>
      %dma_wait3A_378 = tpu.memref_squeeze %dma_wait3A_377 : memref<1x125x128xf32, #tpu.memory_space<vmem>> -> memref<125x128xf32, #tpu.memory_space<vmem>>
      %dma_wait3A_379 = arith.constant 0 : i32
      %dma_wait3A_380 = tpu.memref_slice %arg6[%dma_wait3A_373, %dma_wait3A_379] : memref<80x125xi32, #tpu.memory_space<vmem>> -> memref<1x125xi32, #tpu.memory_space<vmem>>
      %dma_wait3A_381 = tpu.memref_squeeze %dma_wait3A_380 : memref<1x125xi32, #tpu.memory_space<vmem>> -> memref<125xi32, #tpu.memory_space<vmem>>
      %dma_wait3A_382 = arith.constant 0 : i32
      %dma_wait3A_383 = arith.constant 0 : i32
      %dma_wait3A_384 = tpu.memref_slice %arg2[%dma_wait3A_382, %dma_wait3A_383] : memref<10000x128xf32, #tpu.memory_space<hbm>> -> memref<10000x128xf32, #tpu.memory_space<hbm>>
      tpu.wait_indirect_dma semaphore(%arg10 : memref<!tpu.dma_semaphore, #tpu.memory_space<semaphore_mem>>) src(%dma_wait3A_384 : memref<10000x128xf32, #tpu.memory_space<hbm>>) dst(%dma_wait3A_378 : memref<125x128xf32, #tpu.memory_space<vmem>>)
      %dma_wait3A_385 = arith.constant 0 : i32
      %dma_wait3A_386 = arith.constant 0 : i32
      %dma_wait3A_387 = arith.constant 2 : i32
      %dma_wait3A_388 = arith.constant 0 : i32
      %dma_wait3A_389 = tpu.memref_slice %arg7[%dma_wait3A_387, %dma_wait3A_388] : memref<4x125xi32, #tpu.memory_space<vmem>> -> memref<1x125xi32, #tpu.memory_space<vmem>>
      %dma_wait3A_390 = tpu.memref_squeeze %dma_wait3A_389 : memref<1x125xi32, #tpu.memory_space<vmem>> -> memref<125xi32, #tpu.memory_space<vmem>>
      %dma_wait3A_391 = arith.constant 0 : i32
      %dma_wait3A_392 = tpu.memref_slice %arg4[%dma_wait3A_385, %dma_wait3A_386, %dma_wait3A_391] : memref<32x80x125xi32, #tpu.memory_space<hbm>> -> memref<1x1x125xi32, #tpu.memory_space<hbm>>
      %dma_wait3A_393 = tpu.memref_squeeze %dma_wait3A_392 : memref<1x1x125xi32, #tpu.memory_space<hbm>> -> memref<125xi32, #tpu.memory_space<hbm>>
      %dma_wait3A_394 = arith.constant 0 : i32
      %dma_wait3A_395 = tpu.memref_slice %arg7[%dma_wait3A_387, %dma_wait3A_394] : memref<4x125xi32, #tpu.memory_space<vmem>> -> memref<1x125xi32, #tpu.memory_space<vmem>>
      %dma_wait3A_396 = tpu.memref_squeeze %dma_wait3A_395 : memref<1x125xi32, #tpu.memory_space<vmem>> -> memref<125xi32, #tpu.memory_space<vmem>>
      %dma_wait3A_397 = arith.constant 0 : i32
      %dma_wait3A_398 = tpu.memref_slice %arg4[%dma_wait3A_385, %dma_wait3A_386, %dma_wait3A_397] : memref<32x80x125xi32, #tpu.memory_space<hbm>> -> memref<1x1x125xi32, #tpu.memory_space<hbm>>
      %dma_wait3A_399 = tpu.memref_squeeze %dma_wait3A_398 : memref<1x1x125xi32, #tpu.memory_space<hbm>> -> memref<125xi32, #tpu.memory_space<hbm>>
      tpu.wait_dma2 semaphore(%arg14 : memref<!tpu.dma_semaphore, #tpu.memory_space<semaphore_mem>>) src(%dma_wait3A_399 : memref<125xi32, #tpu.memory_space<hbm>>) dst(%dma_wait3A_396 : memref<125xi32, #tpu.memory_space<vmem>>)
      %run_scoped3A_400 = arith.constant 0 : i32
      %run_scoped3A_401 = arith.constant 2 : i32
      "tpu.region"() ({
        %run_scoped3A_464 = tpu.sem_alloc : memref<!tpu.dma_semaphore, #tpu.memory_space<semaphore_mem>>
        %dma_start3A_465 = arith.constant 0 : i32
        %dma_start3A_466 = arith.constant 0 : i32
        %dma_start3A_467 = tpu.memref_slice %arg8[%run_scoped3A_400, %dma_start3A_465, %dma_start3A_466] : memref<2x125x128xf32, #tpu.memory_space<vmem>> -> memref<1x125x128xf32, #tpu.memory_space<vmem>>
        %dma_start3A_468 = tpu.memref_squeeze %dma_start3A_467 : memref<1x125x128xf32, #tpu.memory_space<vmem>> -> memref<125x128xf32, #tpu.memory_space<vmem>>
        %dma_start3A_469 = arith.constant 0 : i32
        %dma_start3A_470 = tpu.memref_slice %arg7[%run_scoped3A_401, %dma_start3A_469] : memref<4x125xi32, #tpu.memory_space<vmem>> -> memref<1x125xi32, #tpu.memory_space<vmem>>
        %dma_start3A_471 = tpu.memref_squeeze %dma_start3A_470 : memref<1x125xi32, #tpu.memory_space<vmem>> -> memref<125xi32, #tpu.memory_space<vmem>>
        %dma_start3A_472 = arith.constant 0 : i32
        %dma_start3A_473 = arith.constant 0 : i32
        %dma_start3A_474 = tpu.memref_slice %arg16[%dma_start3A_472, %dma_start3A_473] : memref<10112x128xf32, #tpu.memory_space<vmem_shared>> -> memref<10112x128xf32, #tpu.memory_space<vmem_shared>>
        tpu.enqueue_indirect_dma source(%dma_start3A_468 : memref<125x128xf32, #tpu.memory_space<vmem>>) target(%dma_start3A_474 : memref<10112x128xf32, #tpu.memory_space<vmem_shared>>) offsets(%dma_start3A_471 : memref<125xi32, #tpu.memory_space<vmem>>) semaphore(%run_scoped3A_464 : memref<!tpu.dma_semaphore, #tpu.memory_space<semaphore_mem>>) {add = true}
        %dma_wait3A_475 = arith.constant 0 : i32
        %dma_wait3A_476 = arith.constant 0 : i32
        %dma_wait3A_477 = tpu.memref_slice %arg8[%run_scoped3A_400, %dma_wait3A_475, %dma_wait3A_476] : memref<2x125x128xf32, #tpu.memory_space<vmem>> -> memref<1x125x128xf32, #tpu.memory_space<vmem>>
        %dma_wait3A_478 = tpu.memref_squeeze %dma_wait3A_477 : memref<1x125x128xf32, #tpu.memory_space<vmem>> -> memref<125x128xf32, #tpu.memory_space<vmem>>
        %dma_wait3A_479 = arith.constant 0 : i32
        %dma_wait3A_480 = tpu.memref_slice %arg7[%run_scoped3A_401, %dma_wait3A_479] : memref<4x125xi32, #tpu.memory_space<vmem>> -> memref<1x125xi32, #tpu.memory_space<vmem>>
        %dma_wait3A_481 = tpu.memref_squeeze %dma_wait3A_480 : memref<1x125xi32, #tpu.memory_space<vmem>> -> memref<125xi32, #tpu.memory_space<vmem>>
        %dma_wait3A_482 = arith.constant 0 : i32
        %dma_wait3A_483 = arith.constant 0 : i32
        %dma_wait3A_484 = tpu.memref_slice %arg16[%dma_wait3A_482, %dma_wait3A_483] : memref<10112x128xf32, #tpu.memory_space<vmem_shared>> -> memref<10112x128xf32, #tpu.memory_space<vmem_shared>>
        tpu.wait_indirect_dma semaphore(%run_scoped3A_464 : memref<!tpu.dma_semaphore, #tpu.memory_space<semaphore_mem>>) src(%dma_wait3A_478 : memref<125x128xf32, #tpu.memory_space<vmem>>) dst(%dma_wait3A_484 : memref<10112x128xf32, #tpu.memory_space<vmem_shared>>)
        tpu.yield
      }) : () -> ()
      %add3A_402 = arith.constant 2 : i32
      %add3A_403 = arith.addi %add3A_372, %add3A_402 : i32
      %lt3A_404 = arith.constant 80 : i32
      %lt3A_405 = arith.cmpi slt, %add3A_403, %lt3A_404 : i32
      %convert_element_type3A_406 = arith.extui %lt3A_405 : i1 to i32
      %cond3A_407 = arith.constant 0 : i32
      %cond3A_408 = arith.cmpi ne, %convert_element_type3A_406, %cond3A_407 : i32
      scf.if %cond3A_408 {
        %add3A_464 = arith.constant 2 : i32
        %add3A_465 = arith.addi %add3A_372, %add3A_464 : i32
        %dma_start3A_466 = arith.constant 0 : i32
        %dma_start3A_467 = arith.constant 0 : i32
        %dma_start3A_468 = arith.constant 0 : i32
        %dma_start3A_469 = tpu.memref_slice %arg8[%dma_start3A_466, %dma_start3A_467, %dma_start3A_468] : memref<2x125x128xf32, #tpu.memory_space<vmem>> -> memref<1x125x128xf32, #tpu.memory_space<vmem>>
        %dma_start3A_470 = tpu.memref_squeeze %dma_start3A_469 : memref<1x125x128xf32, #tpu.memory_space<vmem>> -> memref<125x128xf32, #tpu.memory_space<vmem>>
        %dma_start3A_471 = arith.constant 0 : i32
        %dma_start3A_472 = tpu.memref_slice %arg6[%add3A_465, %dma_start3A_471] : memref<80x125xi32, #tpu.memory_space<vmem>> -> memref<1x125xi32, #tpu.memory_space<vmem>>
        %dma_start3A_473 = tpu.memref_squeeze %dma_start3A_472 : memref<1x125xi32, #tpu.memory_space<vmem>> -> memref<125xi32, #tpu.memory_space<vmem>>
        %dma_start3A_474 = arith.constant 0 : i32
        %dma_start3A_475 = arith.constant 0 : i32
        %dma_start3A_476 = tpu.memref_slice %arg2[%dma_start3A_474, %dma_start3A_475] : memref<10000x128xf32, #tpu.memory_space<hbm>> -> memref<10000x128xf32, #tpu.memory_space<hbm>>
        tpu.enqueue_indirect_dma source(%dma_start3A_476 : memref<10000x128xf32, #tpu.memory_space<hbm>>) target(%dma_start3A_470 : memref<125x128xf32, #tpu.memory_space<vmem>>) offsets(%dma_start3A_473 : memref<125xi32, #tpu.memory_space<vmem>>) semaphore(%arg10 : memref<!tpu.dma_semaphore, #tpu.memory_space<semaphore_mem>>)
      } else {
      }
      %add3A_409 = arith.constant 4 : i32
      %add3A_410 = arith.addi %add3A_372, %add3A_409 : i32
      %lt3A_411 = arith.constant 80 : i32
      %lt3A_412 = arith.cmpi slt, %add3A_410, %lt3A_411 : i32
      %convert_element_type3A_413 = arith.extui %lt3A_412 : i1 to i32
      %cond3A_414 = arith.constant 0 : i32
      %cond3A_415 = arith.cmpi ne, %convert_element_type3A_413, %cond3A_414 : i32
      scf.if %cond3A_415 {
        %add3A_464 = arith.constant 4 : i32
        %add3A_465 = arith.addi %add3A_372, %add3A_464 : i32
        %dma_start3A_466 = arith.constant 2 : i32
        %dma_start3A_467 = arith.constant 0 : i32
        %dma_start3A_468 = tpu.memref_slice %arg7[%dma_start3A_466, %dma_start3A_467] : memref<4x125xi32, #tpu.memory_space<vmem>> -> memref<1x125xi32, #tpu.memory_space<vmem>>
        %dma_start3A_469 = tpu.memref_squeeze %dma_start3A_468 : memref<1x125xi32, #tpu.memory_space<vmem>> -> memref<125xi32, #tpu.memory_space<vmem>>
        %dma_start3A_470 = arith.constant 0 : i32
        %dma_start3A_471 = tpu.memref_slice %arg4[%add3A, %add3A_465, %dma_start3A_470] : memref<32x80x125xi32, #tpu.memory_space<hbm>> -> memref<1x1x125xi32, #tpu.memory_space<hbm>>
        %dma_start3A_472 = tpu.memref_squeeze %dma_start3A_471 : memref<1x1x125xi32, #tpu.memory_space<hbm>> -> memref<125xi32, #tpu.memory_space<hbm>>
        %dma_start3A_473 = arith.constant 0 : i32
        %dma_start3A_474 = tpu.memref_slice %arg7[%dma_start3A_466, %dma_start3A_473] : memref<4x125xi32, #tpu.memory_space<vmem>> -> memref<1x125xi32, #tpu.memory_space<vmem>>
        %dma_start3A_475 = tpu.memref_squeeze %dma_start3A_474 : memref<1x125xi32, #tpu.memory_space<vmem>> -> memref<125xi32, #tpu.memory_space<vmem>>
        %dma_start3A_476 = arith.constant 0 : i32
        %dma_start3A_477 = tpu.memref_slice %arg4[%add3A, %add3A_465, %dma_start3A_476] : memref<32x80x125xi32, #tpu.memory_space<hbm>> -> memref<1x1x125xi32, #tpu.memory_space<hbm>>
        %dma_start3A_478 = tpu.memref_squeeze %dma_start3A_477 : memref<1x1x125xi32, #tpu.memory_space<hbm>> -> memref<125xi32, #tpu.memory_space<hbm>>
        tpu.enqueue_dma source(%dma_start3A_478 : memref<125xi32, #tpu.memory_space<hbm>>) target(%dma_start3A_475 : memref<125xi32, #tpu.memory_space<vmem>>) target_semaphore(%arg14 : memref<!tpu.dma_semaphore, #tpu.memory_space<semaphore_mem>>)
      } else {
      }
      %mul3A_416 = arith.constant 4 : i32
      %mul3A_417 = arith.muli %scan3A_277, %mul3A_416 : i32
      %add3A_418 = arith.constant 3 : i32
      %add3A_419 = arith.addi %mul3A_417, %add3A_418 : i32
      %dma_wait3A_420 = arith.constant 0 : i32
      %dma_wait3A_421 = arith.constant 1 : i32
      %dma_wait3A_422 = arith.constant 0 : i32
      %dma_wait3A_423 = arith.constant 0 : i32
      %dma_wait3A_424 = tpu.memref_slice %arg8[%dma_wait3A_421, %dma_wait3A_422, %dma_wait3A_423] : memref<2x125x128xf32, #tpu.memory_space<vmem>> -> memref<1x125x128xf32, #tpu.memory_space<vmem>>
      %dma_wait3A_425 = tpu.memref_squeeze %dma_wait3A_424 : memref<1x125x128xf32, #tpu.memory_space<vmem>> -> memref<125x128xf32, #tpu.memory_space<vmem>>
      %dma_wait3A_426 = arith.constant 0 : i32
      %dma_wait3A_427 = tpu.memref_slice %arg6[%dma_wait3A_420, %dma_wait3A_426] : memref<80x125xi32, #tpu.memory_space<vmem>> -> memref<1x125xi32, #tpu.memory_space<vmem>>
      %dma_wait3A_428 = tpu.memref_squeeze %dma_wait3A_427 : memref<1x125xi32, #tpu.memory_space<vmem>> -> memref<125xi32, #tpu.memory_space<vmem>>
      %dma_wait3A_429 = arith.constant 0 : i32
      %dma_wait3A_430 = arith.constant 0 : i32
      %dma_wait3A_431 = tpu.memref_slice %arg2[%dma_wait3A_429, %dma_wait3A_430] : memref<10000x128xf32, #tpu.memory_space<hbm>> -> memref<10000x128xf32, #tpu.memory_space<hbm>>
      tpu.wait_indirect_dma semaphore(%arg11 : memref<!tpu.dma_semaphore, #tpu.memory_space<semaphore_mem>>) src(%dma_wait3A_431 : memref<10000x128xf32, #tpu.memory_space<hbm>>) dst(%dma_wait3A_425 : memref<125x128xf32, #tpu.memory_space<vmem>>)
      %dma_wait3A_432 = arith.constant 0 : i32
      %dma_wait3A_433 = arith.constant 0 : i32
      %dma_wait3A_434 = arith.constant 3 : i32
      %dma_wait3A_435 = arith.constant 0 : i32
      %dma_wait3A_436 = tpu.memref_slice %arg7[%dma_wait3A_434, %dma_wait3A_435] : memref<4x125xi32, #tpu.memory_space<vmem>> -> memref<1x125xi32, #tpu.memory_space<vmem>>
      %dma_wait3A_437 = tpu.memref_squeeze %dma_wait3A_436 : memref<1x125xi32, #tpu.memory_space<vmem>> -> memref<125xi32, #tpu.memory_space<vmem>>
      %dma_wait3A_438 = arith.constant 0 : i32
      %dma_wait3A_439 = tpu.memref_slice %arg4[%dma_wait3A_432, %dma_wait3A_433, %dma_wait3A_438] : memref<32x80x125xi32, #tpu.memory_space<hbm>> -> memref<1x1x125xi32, #tpu.memory_space<hbm>>
      %dma_wait3A_440 = tpu.memref_squeeze %dma_wait3A_439 : memref<1x1x125xi32, #tpu.memory_space<hbm>> -> memref<125xi32, #tpu.memory_space<hbm>>
      %dma_wait3A_441 = arith.constant 0 : i32
      %dma_wait3A_442 = tpu.memref_slice %arg7[%dma_wait3A_434, %dma_wait3A_441] : memref<4x125xi32, #tpu.memory_space<vmem>> -> memref<1x125xi32, #tpu.memory_space<vmem>>
      %dma_wait3A_443 = tpu.memref_squeeze %dma_wait3A_442 : memref<1x125xi32, #tpu.memory_space<vmem>> -> memref<125xi32, #tpu.memory_space<vmem>>
      %dma_wait3A_444 = arith.constant 0 : i32
      %dma_wait3A_445 = tpu.memref_slice %arg4[%dma_wait3A_432, %dma_wait3A_433, %dma_wait3A_444] : memref<32x80x125xi32, #tpu.memory_space<hbm>> -> memref<1x1x125xi32, #tpu.memory_space<hbm>>
      %dma_wait3A_446 = tpu.memref_squeeze %dma_wait3A_445 : memref<1x1x125xi32, #tpu.memory_space<hbm>> -> memref<125xi32, #tpu.memory_space<hbm>>
      tpu.wait_dma2 semaphore(%arg15 : memref<!tpu.dma_semaphore, #tpu.memory_space<semaphore_mem>>) src(%dma_wait3A_446 : memref<125xi32, #tpu.memory_space<hbm>>) dst(%dma_wait3A_443 : memref<125xi32, #tpu.memory_space<vmem>>)
      %run_scoped3A_447 = arith.constant 1 : i32
      %run_scoped3A_448 = arith.constant 3 : i32
      "tpu.region"() ({
        %run_scoped3A_464 = tpu.sem_alloc : memref<!tpu.dma_semaphore, #tpu.memory_space<semaphore_mem>>
        %dma_start3A_465 = arith.constant 0 : i32
        %dma_start3A_466 = arith.constant 0 : i32
        %dma_start3A_467 = tpu.memref_slice %arg8[%run_scoped3A_447, %dma_start3A_465, %dma_start3A_466] : memref<2x125x128xf32, #tpu.memory_space<vmem>> -> memref<1x125x128xf32, #tpu.memory_space<vmem>>
        %dma_start3A_468 = tpu.memref_squeeze %dma_start3A_467 : memref<1x125x128xf32, #tpu.memory_space<vmem>> -> memref<125x128xf32, #tpu.memory_space<vmem>>
        %dma_start3A_469 = arith.constant 0 : i32
        %dma_start3A_470 = tpu.memref_slice %arg7[%run_scoped3A_448, %dma_start3A_469] : memref<4x125xi32, #tpu.memory_space<vmem>> -> memref<1x125xi32, #tpu.memory_space<vmem>>
        %dma_start3A_471 = tpu.memref_squeeze %dma_start3A_470 : memref<1x125xi32, #tpu.memory_space<vmem>> -> memref<125xi32, #tpu.memory_space<vmem>>
        %dma_start3A_472 = arith.constant 0 : i32
        %dma_start3A_473 = arith.constant 0 : i32
        %dma_start3A_474 = tpu.memref_slice %arg16[%dma_start3A_472, %dma_start3A_473] : memref<10112x128xf32, #tpu.memory_space<vmem_shared>> -> memref<10112x128xf32, #tpu.memory_space<vmem_shared>>
        tpu.enqueue_indirect_dma source(%dma_start3A_468 : memref<125x128xf32, #tpu.memory_space<vmem>>) target(%dma_start3A_474 : memref<10112x128xf32, #tpu.memory_space<vmem_shared>>) offsets(%dma_start3A_471 : memref<125xi32, #tpu.memory_space<vmem>>) semaphore(%run_scoped3A_464 : memref<!tpu.dma_semaphore, #tpu.memory_space<semaphore_mem>>) {add = true}
        %dma_wait3A_475 = arith.constant 0 : i32
        %dma_wait3A_476 = arith.constant 0 : i32
        %dma_wait3A_477 = tpu.memref_slice %arg8[%run_scoped3A_447, %dma_wait3A_475, %dma_wait3A_476] : memref<2x125x128xf32, #tpu.memory_space<vmem>> -> memref<1x125x128xf32, #tpu.memory_space<vmem>>
        %dma_wait3A_478 = tpu.memref_squeeze %dma_wait3A_477 : memref<1x125x128xf32, #tpu.memory_space<vmem>> -> memref<125x128xf32, #tpu.memory_space<vmem>>
        %dma_wait3A_479 = arith.constant 0 : i32
        %dma_wait3A_480 = tpu.memref_slice %arg7[%run_scoped3A_448, %dma_wait3A_479] : memref<4x125xi32, #tpu.memory_space<vmem>> -> memref<1x125xi32, #tpu.memory_space<vmem>>
        %dma_wait3A_481 = tpu.memref_squeeze %dma_wait3A_480 : memref<1x125xi32, #tpu.memory_space<vmem>> -> memref<125xi32, #tpu.memory_space<vmem>>
        %dma_wait3A_482 = arith.constant 0 : i32
        %dma_wait3A_483 = arith.constant 0 : i32
        %dma_wait3A_484 = tpu.memref_slice %arg16[%dma_wait3A_482, %dma_wait3A_483] : memref<10112x128xf32, #tpu.memory_space<vmem_shared>> -> memref<10112x128xf32, #tpu.memory_space<vmem_shared>>
        tpu.wait_indirect_dma semaphore(%run_scoped3A_464 : memref<!tpu.dma_semaphore, #tpu.memory_space<semaphore_mem>>) src(%dma_wait3A_478 : memref<125x128xf32, #tpu.memory_space<vmem>>) dst(%dma_wait3A_484 : memref<10112x128xf32, #tpu.memory_space<vmem_shared>>)
        tpu.yield
      }) : () -> ()
      %add3A_449 = arith.constant 2 : i32
      %add3A_450 = arith.addi %add3A_419, %add3A_449 : i32
      %lt3A_451 = arith.constant 80 : i32
      %lt3A_452 = arith.cmpi slt, %add3A_450, %lt3A_451 : i32
      %convert_element_type3A_453 = arith.extui %lt3A_452 : i1 to i32
      %cond3A_454 = arith.constant 0 : i32
      %cond3A_455 = arith.cmpi ne, %convert_element_type3A_453, %cond3A_454 : i32
      scf.if %cond3A_455 {
        %add3A_464 = arith.constant 2 : i32
        %add3A_465 = arith.addi %add3A_419, %add3A_464 : i32
        %dma_start3A_466 = arith.constant 1 : i32
        %dma_start3A_467 = arith.constant 0 : i32
        %dma_start3A_468 = arith.constant 0 : i32
        %dma_start3A_469 = tpu.memref_slice %arg8[%dma_start3A_466, %dma_start3A_467, %dma_start3A_468] : memref<2x125x128xf32, #tpu.memory_space<vmem>> -> memref<1x125x128xf32, #tpu.memory_space<vmem>>
        %dma_start3A_470 = tpu.memref_squeeze %dma_start3A_469 : memref<1x125x128xf32, #tpu.memory_space<vmem>> -> memref<125x128xf32, #tpu.memory_space<vmem>>
        %dma_start3A_471 = arith.constant 0 : i32
        %dma_start3A_472 = tpu.memref_slice %arg6[%add3A_465, %dma_start3A_471] : memref<80x125xi32, #tpu.memory_space<vmem>> -> memref<1x125xi32, #tpu.memory_space<vmem>>
        %dma_start3A_473 = tpu.memref_squeeze %dma_start3A_472 : memref<1x125xi32, #tpu.memory_space<vmem>> -> memref<125xi32, #tpu.memory_space<vmem>>
        %dma_start3A_474 = arith.constant 0 : i32
        %dma_start3A_475 = arith.constant 0 : i32
        %dma_start3A_476 = tpu.memref_slice %arg2[%dma_start3A_474, %dma_start3A_475] : memref<10000x128xf32, #tpu.memory_space<hbm>> -> memref<10000x128xf32, #tpu.memory_space<hbm>>
        tpu.enqueue_indirect_dma source(%dma_start3A_476 : memref<10000x128xf32, #tpu.memory_space<hbm>>) target(%dma_start3A_470 : memref<125x128xf32, #tpu.memory_space<vmem>>) offsets(%dma_start3A_473 : memref<125xi32, #tpu.memory_space<vmem>>) semaphore(%arg11 : memref<!tpu.dma_semaphore, #tpu.memory_space<semaphore_mem>>)
      } else {
      }
      %add3A_456 = arith.constant 4 : i32
      %add3A_457 = arith.addi %add3A_419, %add3A_456 : i32
      %lt3A_458 = arith.constant 80 : i32
      %lt3A_459 = arith.cmpi slt, %add3A_457, %lt3A_458 : i32
      %convert_element_type3A_460 = arith.extui %lt3A_459 : i1 to i32
      %cond3A_461 = arith.constant 0 : i32
      %cond3A_462 = arith.cmpi ne, %convert_element_type3A_460, %cond3A_461 : i32
      scf.if %cond3A_462 {
        %add3A_464 = arith.constant 4 : i32
        %add3A_465 = arith.addi %add3A_419, %add3A_464 : i32
        %dma_start3A_466 = arith.constant 3 : i32
        %dma_start3A_467 = arith.constant 0 : i32
        %dma_start3A_468 = tpu.memref_slice %arg7[%dma_start3A_466, %dma_start3A_467] : memref<4x125xi32, #tpu.memory_space<vmem>> -> memref<1x125xi32, #tpu.memory_space<vmem>>
        %dma_start3A_469 = tpu.memref_squeeze %dma_start3A_468 : memref<1x125xi32, #tpu.memory_space<vmem>> -> memref<125xi32, #tpu.memory_space<vmem>>
        %dma_start3A_470 = arith.constant 0 : i32
        %dma_start3A_471 = tpu.memref_slice %arg4[%add3A, %add3A_465, %dma_start3A_470] : memref<32x80x125xi32, #tpu.memory_space<hbm>> -> memref<1x1x125xi32, #tpu.memory_space<hbm>>
        %dma_start3A_472 = tpu.memref_squeeze %dma_start3A_471 : memref<1x1x125xi32, #tpu.memory_space<hbm>> -> memref<125xi32, #tpu.memory_space<hbm>>
        %dma_start3A_473 = arith.constant 0 : i32
        %dma_start3A_474 = tpu.memref_slice %arg7[%dma_start3A_466, %dma_start3A_473] : memref<4x125xi32, #tpu.memory_space<vmem>> -> memref<1x125xi32, #tpu.memory_space<vmem>>
        %dma_start3A_475 = tpu.memref_squeeze %dma_start3A_474 : memref<1x125xi32, #tpu.memory_space<vmem>> -> memref<125xi32, #tpu.memory_space<vmem>>
        %dma_start3A_476 = arith.constant 0 : i32
        %dma_start3A_477 = tpu.memref_slice %arg4[%add3A, %add3A_465, %dma_start3A_476] : memref<32x80x125xi32, #tpu.memory_space<hbm>> -> memref<1x1x125xi32, #tpu.memory_space<hbm>>
        %dma_start3A_478 = tpu.memref_squeeze %dma_start3A_477 : memref<1x1x125xi32, #tpu.memory_space<hbm>> -> memref<125xi32, #tpu.memory_space<hbm>>
        tpu.enqueue_dma source(%dma_start3A_478 : memref<125xi32, #tpu.memory_space<hbm>>) target(%dma_start3A_475 : memref<125xi32, #tpu.memory_space<vmem>>) target_semaphore(%arg15 : memref<!tpu.dma_semaphore, #tpu.memory_space<semaphore_mem>>)
      } else {
      }
      %scan3A_463 = arith.constant 0 : i32
      scf.yield %scan3A_463 : i32
    }
    %scan3A_271 = arith.constant 20 : i32
    %barrier3A_272 = arith.constant 0 : index
    tpu.barrier barrier_id(%barrier3A_272)
    %mul3A_273 = arith.constant 632 : i32
    %mul3A_274 = arith.muli %arg1, %mul3A_273 : i32
    %mul3A_275 = arith.constant 632 : i32
    %mul3A_276 = arith.muli %arg1, %mul3A_275 : i32
    "tpu.region"() ({
      %run_scoped3A = tpu.sem_alloc : memref<!tpu.dma_semaphore, #tpu.memory_space<semaphore_mem>>
      %dma_start3A_277 = arith.constant 0 : i32
      %dma_start3A_278 = tpu.memref_slice %arg5[%arg0, %mul3A_276, %dma_start3A_277] : memref<2x10112x128xf32, #tpu.memory_space<hbm>> -> memref<1x632x128xf32, #tpu.memory_space<hbm>>
      %dma_start3A_279 = tpu.memref_squeeze %dma_start3A_278 : memref<1x632x128xf32, #tpu.memory_space<hbm>> -> memref<632x128xf32, #tpu.memory_space<hbm>>
      %dma_start3A_280 = arith.constant 0 : i32
      %dma_start3A_281 = tpu.memref_slice %arg16[%mul3A_274, %dma_start3A_280] : memref<10112x128xf32, #tpu.memory_space<vmem_shared>> -> memref<632x128xf32, #tpu.memory_space<vmem_shared>>
      tpu.enqueue_dma source(%dma_start3A_281 : memref<632x128xf32, #tpu.memory_space<vmem_shared>>) target(%dma_start3A_279 : memref<632x128xf32, #tpu.memory_space<hbm>>) target_semaphore(%run_scoped3A : memref<!tpu.dma_semaphore, #tpu.memory_space<semaphore_mem>>)
      %dma_wait3A_282 = arith.constant 0 : i32
      %dma_wait3A_283 = tpu.memref_slice %arg5[%arg0, %mul3A_276, %dma_wait3A_282] : memref<2x10112x128xf32, #tpu.memory_space<hbm>> -> memref<1x632x128xf32, #tpu.memory_space<hbm>>
      %dma_wait3A_284 = tpu.memref_squeeze %dma_wait3A_283 : memref<1x632x128xf32, #tpu.memory_space<hbm>> -> memref<632x128xf32, #tpu.memory_space<hbm>>
      %dma_wait3A_285 = arith.constant 0 : i32
      %dma_wait3A_286 = tpu.memref_slice %arg16[%mul3A_274, %dma_wait3A_285] : memref<10112x128xf32, #tpu.memory_space<vmem_shared>> -> memref<632x128xf32, #tpu.memory_space<vmem_shared>>
      tpu.wait_dma2 semaphore(%run_scoped3A : memref<!tpu.dma_semaphore, #tpu.memory_space<semaphore_mem>>) src(%dma_wait3A_286 : memref<632x128xf32, #tpu.memory_space<vmem_shared>>) dst(%dma_wait3A_284 : memref<632x128xf32, #tpu.memory_space<hbm>>)
      tpu.yield
    }) : () -> ()
    return
  }
}

#map = affine_map<(d0, d1) -> (0, 0)>
#map1 = affine_map<(d0, d1) -> (0, 0, 0)>
module attributes {stable_mosaic.version = 14 : i64} {
  func.func @_agg_body(%arg0: i32, %arg1: i32, %arg2: memref<10000x128xf32, #tpu.memory_space<hbm>>, %arg3: memref<32x80x125xi32, #tpu.memory_space<hbm>>, %arg4: memref<32x80x125xi32, #tpu.memory_space<hbm>>, %arg5: memref<2x10112x128xf32, #tpu.memory_space<hbm>>, %arg6: memref<80x125xi32, #tpu.memory_space<vmem>>, %arg7: memref<4x125xi32, #tpu.memory_space<vmem>>, %arg8: memref<2x125x128xf32, #tpu.memory_space<vmem>>, %arg9: memref<48x128xf32, #tpu.memory_space<vmem>>, %arg10: memref<!tpu.dma_semaphore, #tpu.memory_space<semaphore_mem>>, %arg11: memref<!tpu.dma_semaphore, #tpu.memory_space<semaphore_mem>>, %arg12: memref<!tpu.dma_semaphore, #tpu.memory_space<semaphore_mem>>, %arg13: memref<!tpu.dma_semaphore, #tpu.memory_space<semaphore_mem>>, %arg14: memref<!tpu.dma_semaphore, #tpu.memory_space<semaphore_mem>>, %arg15: memref<!tpu.dma_semaphore, #tpu.memory_space<semaphore_mem>>, %arg16: memref<10112x128xf32, #tpu.memory_space<vmem_shared>>) attributes {dimension_semantics = [#tpu.dimension_semantics<core_parallel>, #tpu.dimension_semantics<subcore_parallel>], iteration_bounds = array<i64: 2, 16>, scalar_prefetch = 0 : i64, scratch_operands = 11 : i64, tpu.core_type = #tpu.core_type<sc_vector_subcore>, window_params = [{transform_indices = #map}, {transform_indices = #map1}, {transform_indices = #map1}, {transform_indices = #map1}]} {
    %mul3A = arith.constant 2 : i32
    %mul3A_0 = arith.muli %arg1, %mul3A : i32
    %add3A = arith.addi %mul3A_0, %arg0 : i32
    %scan3A = arith.constant 0 : i32
    %scan3A_1 = arith.constant 0 : i32
    %scan3A_2 = arith.constant 48 : i32
    %scan3A_3 = arith.addi %scan3A_1, %scan3A_2 : i32
    %scan3A_4 = arith.constant 1 : i32
    %scan3A_5 = scf.for %scan3A_277 = %scan3A_1 to %scan3A_3 step %scan3A_4 iter_args(%scan3A_278 = %scan3A) -> (i32)  : i32 {
      %broadcast_in_dim3A = arith.constant 0.000000e+00 : f32
      %broadcast_in_dim3A_279 = vector.broadcast %broadcast_in_dim3A : f32 to vector<16xf32>
      %swap3A = arith.index_cast %scan3A_277 : i32 to index
      %swap3A_280 = arith.constant 0 : index
      %swap3A_281 = tpu.vector_load %arg9[%swap3A, %swap3A_280] {strides = array<i32>} : memref<48x128xf32, #tpu.memory_space<vmem>>, vector<1x16xf32>,
      %swap3A_282 = vector.shape_cast %swap3A_281 : vector<1x16xf32> to vector<16xf32>
      %swap3A_283 = vector.shape_cast %broadcast_in_dim3A_279 : vector<16xf32> to vector<1x16xf32>
      tpu.vector_store %arg9[%swap3A, %swap3A_280], %swap3A_283 {strides = array<i32>} : memref<48x128xf32, #tpu.memory_space<vmem>>, vector<1x16xf32>,
      %broadcast_in_dim3A_284 = arith.constant 0.000000e+00 : f32
      %broadcast_in_dim3A_285 = vector.broadcast %broadcast_in_dim3A_284 : f32 to vector<16xf32>
      %swap3A_286 = arith.index_cast %scan3A_277 : i32 to index
      %swap3A_287 = arith.constant 16 : index
      %swap3A_288 = tpu.vector_load %arg9[%swap3A_286, %swap3A_287] {strides = array<i32>} : memref<48x128xf32, #tpu.memory_space<vmem>>, vector<1x16xf32>,
      %swap3A_289 = vector.shape_cast %swap3A_288 : vector<1x16xf32> to vector<16xf32>
      %swap3A_290 = vector.shape_cast %broadcast_in_dim3A_285 : vector<16xf32> to vector<1x16xf32>
      tpu.vector_store %arg9[%swap3A_286, %swap3A_287], %swap3A_290 {strides = array<i32>} : memref<48x128xf32, #tpu.memory_space<vmem>>, vector<1x16xf32>,
      %broadcast_in_dim3A_291 = arith.constant 0.000000e+00 : f32
      %broadcast_in_dim3A_292 = vector.broadcast %broadcast_in_dim3A_291 : f32 to vector<16xf32>
      %swap3A_293 = arith.index_cast %scan3A_277 : i32 to index
      %swap3A_294 = arith.constant 32 : index
      %swap3A_295 = tpu.vector_load %arg9[%swap3A_293, %swap3A_294] {strides = array<i32>} : memref<48x128xf32, #tpu.memory_space<vmem>>, vector<1x16xf32>,
      %swap3A_296 = vector.shape_cast %swap3A_295 : vector<1x16xf32> to vector<16xf32>
      %swap3A_297 = vector.shape_cast %broadcast_in_dim3A_292 : vector<16xf32> to vector<1x16xf32>
      tpu.vector_store %arg9[%swap3A_293, %swap3A_294], %swap3A_297 {strides = array<i32>} : memref<48x128xf32, #tpu.memory_space<vmem>>, vector<1x16xf32>,
      %broadcast_in_dim3A_298 = arith.constant 0.000000e+00 : f32
      %broadcast_in_dim3A_299 = vector.broadcast %broadcast_in_dim3A_298 : f32 to vector<16xf32>
      %swap3A_300 = arith.index_cast %scan3A_277 : i32 to index
      %swap3A_301 = arith.constant 48 : index
      %swap3A_302 = tpu.vector_load %arg9[%swap3A_300, %swap3A_301] {strides = array<i32>} : memref<48x128xf32, #tpu.memory_space<vmem>>, vector<1x16xf32>,
      %swap3A_303 = vector.shape_cast %swap3A_302 : vector<1x16xf32> to vector<16xf32>
      %swap3A_304 = vector.shape_cast %broadcast_in_dim3A_299 : vector<16xf32> to vector<1x16xf32>
      tpu.vector_store %arg9[%swap3A_300, %swap3A_301], %swap3A_304 {strides = array<i32>} : memref<48x128xf32, #tpu.memory_space<vmem>>, vector<1x16xf32>,
      %broadcast_in_dim3A_305 = arith.constant 0.000000e+00 : f32
      %broadcast_in_dim3A_306 = vector.broadcast %broadcast_in_dim3A_305 : f32 to vector<16xf32>
      %swap3A_307 = arith.index_cast %scan3A_277 : i32 to index
      %swap3A_308 = arith.constant 64 : index
      %swap3A_309 = tpu.vector_load %arg9[%swap3A_307, %swap3A_308] {strides = array<i32>} : memref<48x128xf32, #tpu.memory_space<vmem>>, vector<1x16xf32>,
      %swap3A_310 = vector.shape_cast %swap3A_309 : vector<1x16xf32> to vector<16xf32>
      %swap3A_311 = vector.shape_cast %broadcast_in_dim3A_306 : vector<16xf32> to vector<1x16xf32>
      tpu.vector_store %arg9[%swap3A_307, %swap3A_308], %swap3A_311 {strides = array<i32>} : memref<48x128xf32, #tpu.memory_space<vmem>>, vector<1x16xf32>,
      %broadcast_in_dim3A_312 = arith.constant 0.000000e+00 : f32
      %broadcast_in_dim3A_313 = vector.broadcast %broadcast_in_dim3A_312 : f32 to vector<16xf32>
      %swap3A_314 = arith.index_cast %scan3A_277 : i32 to index
      %swap3A_315 = arith.constant 80 : index
      %swap3A_316 = tpu.vector_load %arg9[%swap3A_314, %swap3A_315] {strides = array<i32>} : memref<48x128xf32, #tpu.memory_space<vmem>>, vector<1x16xf32>,
      %swap3A_317 = vector.shape_cast %swap3A_316 : vector<1x16xf32> to vector<16xf32>
      %swap3A_318 = vector.shape_cast %broadcast_in_dim3A_313 : vector<16xf32> to vector<1x16xf32>
      tpu.vector_store %arg9[%swap3A_314, %swap3A_315], %swap3A_318 {strides = array<i32>} : memref<48x128xf32, #tpu.memory_space<vmem>>, vector<1x16xf32>,
      %broadcast_in_dim3A_319 = arith.constant 0.000000e+00 : f32
      %broadcast_in_dim3A_320 = vector.broadcast %broadcast_in_dim3A_319 : f32 to vector<16xf32>
      %swap3A_321 = arith.index_cast %scan3A_277 : i32 to index
      %swap3A_322 = arith.constant 96 : index
      %swap3A_323 = tpu.vector_load %arg9[%swap3A_321, %swap3A_322] {strides = array<i32>} : memref<48x128xf32, #tpu.memory_space<vmem>>, vector<1x16xf32>,
      %swap3A_324 = vector.shape_cast %swap3A_323 : vector<1x16xf32> to vector<16xf32>
      %swap3A_325 = vector.shape_cast %broadcast_in_dim3A_320 : vector<16xf32> to vector<1x16xf32>
      tpu.vector_store %arg9[%swap3A_321, %swap3A_322], %swap3A_325 {strides = array<i32>} : memref<48x128xf32, #tpu.memory_space<vmem>>, vector<1x16xf32>,
      %broadcast_in_dim3A_326 = arith.constant 0.000000e+00 : f32
      %broadcast_in_dim3A_327 = vector.broadcast %broadcast_in_dim3A_326 : f32 to vector<16xf32>
      %swap3A_328 = arith.index_cast %scan3A_277 : i32 to index
      %swap3A_329 = arith.constant 112 : index
      %swap3A_330 = tpu.vector_load %arg9[%swap3A_328, %swap3A_329] {strides = array<i32>} : memref<48x128xf32, #tpu.memory_space<vmem>>, vector<1x16xf32>,
      %swap3A_331 = vector.shape_cast %swap3A_330 : vector<1x16xf32> to vector<16xf32>
      %swap3A_332 = vector.shape_cast %broadcast_in_dim3A_327 : vector<16xf32> to vector<1x16xf32>
      tpu.vector_store %arg9[%swap3A_328, %swap3A_329], %swap3A_332 {strides = array<i32>} : memref<48x128xf32, #tpu.memory_space<vmem>>, vector<1x16xf32>,
      %scan3A_333 = arith.constant 0 : i32
      scf.yield %scan3A_333 : i32
    }
    %scan3A_6 = arith.constant 48 : i32
    %mul3A_7 = arith.constant 632 : i32
    %mul3A_8 = arith.muli %arg1, %mul3A_7 : i32
    %add3A_9 = arith.constant 0 : i32
    %add3A_10 = arith.addi %mul3A_8, %add3A_9 : i32
    %dma_start3A = arith.constant 0 : i32
    %dma_start3A_11 = tpu.memref_slice %arg16[%add3A_10, %dma_start3A] : memref<10112x128xf32, #tpu.memory_space<vmem_shared>> -> memref<48x128xf32, #tpu.memory_space<vmem_shared>>
    %dma_start3A_12 = arith.constant 0 : i32
    %dma_start3A_13 = tpu.memref_slice %arg16[%add3A_10, %dma_start3A_12] : memref<10112x128xf32, #tpu.memory_space<vmem_shared>> -> memref<48x128xf32, #tpu.memory_space<vmem_shared>>
    tpu.enqueue_dma source(%arg9 : memref<48x128xf32, #tpu.memory_space<vmem>>) target(%dma_start3A_13 : memref<48x128xf32, #tpu.memory_space<vmem_shared>>) target_semaphore(%arg10 : memref<!tpu.dma_semaphore, #tpu.memory_space<semaphore_mem>>)
    %mul3A_14 = arith.constant 632 : i32
    %mul3A_15 = arith.muli %arg1, %mul3A_14 : i32
    %add3A_16 = arith.constant 48 : i32
    %add3A_17 = arith.addi %mul3A_15, %add3A_16 : i32
    %dma_start3A_18 = arith.constant 0 : i32
    %dma_start3A_19 = tpu.memref_slice %arg16[%add3A_17, %dma_start3A_18] : memref<10112x128xf32, #tpu.memory_space<vmem_shared>> -> memref<48x128xf32, #tpu.memory_space<vmem_shared>>
    %dma_start3A_20 = arith.constant 0 : i32
    %dma_start3A_21 = tpu.memref_slice %arg16[%add3A_17, %dma_start3A_20] : memref<10112x128xf32, #tpu.memory_space<vmem_shared>> -> memref<48x128xf32, #tpu.memory_space<vmem_shared>>
    tpu.enqueue_dma source(%arg9 : memref<48x128xf32, #tpu.memory_space<vmem>>) target(%dma_start3A_21 : memref<48x128xf32, #tpu.memory_space<vmem_shared>>) target_semaphore(%arg10 : memref<!tpu.dma_semaphore, #tpu.memory_space<semaphore_mem>>)
    %mul3A_22 = arith.constant 632 : i32
    %mul3A_23 = arith.muli %arg1, %mul3A_22 : i32
    %add3A_24 = arith.constant 96 : i32
    %add3A_25 = arith.addi %mul3A_23, %add3A_24 : i32
    %dma_start3A_26 = arith.constant 0 : i32
    %dma_start3A_27 = tpu.memref_slice %arg16[%add3A_25, %dma_start3A_26] : memref<10112x128xf32, #tpu.memory_space<vmem_shared>> -> memref<48x128xf32, #tpu.memory_space<vmem_shared>>
    %dma_start3A_28 = arith.constant 0 : i32
    %dma_start3A_29 = tpu.memref_slice %arg16[%add3A_25, %dma_start3A_28] : memref<10112x128xf32, #tpu.memory_space<vmem_shared>> -> memref<48x128xf32, #tpu.memory_space<vmem_shared>>
    tpu.enqueue_dma source(%arg9 : memref<48x128xf32, #tpu.memory_space<vmem>>) target(%dma_start3A_29 : memref<48x128xf32, #tpu.memory_space<vmem_shared>>) target_semaphore(%arg10 : memref<!tpu.dma_semaphore, #tpu.memory_space<semaphore_mem>>)
    %mul3A_30 = arith.constant 632 : i32
    %mul3A_31 = arith.muli %arg1, %mul3A_30 : i32
    %add3A_32 = arith.constant 144 : i32
    %add3A_33 = arith.addi %mul3A_31, %add3A_32 : i32
    %dma_start3A_34 = arith.constant 0 : i32
    %dma_start3A_35 = tpu.memref_slice %arg16[%add3A_33, %dma_start3A_34] : memref<10112x128xf32, #tpu.memory_space<vmem_shared>> -> memref<48x128xf32, #tpu.memory_space<vmem_shared>>
    %dma_start3A_36 = arith.constant 0 : i32
    %dma_start3A_37 = tpu.memref_slice %arg16[%add3A_33, %dma_start3A_36] : memref<10112x128xf32, #tpu.memory_space<vmem_shared>> -> memref<48x128xf32, #tpu.memory_space<vmem_shared>>
    tpu.enqueue_dma source(%arg9 : memref<48x128xf32, #tpu.memory_space<vmem>>) target(%dma_start3A_37 : memref<48x128xf32, #tpu.memory_space<vmem_shared>>) target_semaphore(%arg10 : memref<!tpu.dma_semaphore, #tpu.memory_space<semaphore_mem>>)
    %mul3A_38 = arith.constant 632 : i32
    %mul3A_39 = arith.muli %arg1, %mul3A_38 : i32
    %add3A_40 = arith.constant 192 : i32
    %add3A_41 = arith.addi %mul3A_39, %add3A_40 : i32
    %dma_start3A_42 = arith.constant 0 : i32
    %dma_start3A_43 = tpu.memref_slice %arg16[%add3A_41, %dma_start3A_42] : memref<10112x128xf32, #tpu.memory_space<vmem_shared>> -> memref<48x128xf32, #tpu.memory_space<vmem_shared>>
    %dma_start3A_44 = arith.constant 0 : i32
    %dma_start3A_45 = tpu.memref_slice %arg16[%add3A_41, %dma_start3A_44] : memref<10112x128xf32, #tpu.memory_space<vmem_shared>> -> memref<48x128xf32, #tpu.memory_space<vmem_shared>>
    tpu.enqueue_dma source(%arg9 : memref<48x128xf32, #tpu.memory_space<vmem>>) target(%dma_start3A_45 : memref<48x128xf32, #tpu.memory_space<vmem_shared>>) target_semaphore(%arg10 : memref<!tpu.dma_semaphore, #tpu.memory_space<semaphore_mem>>)
    %mul3A_46 = arith.constant 632 : i32
    %mul3A_47 = arith.muli %arg1, %mul3A_46 : i32
    %add3A_48 = arith.constant 240 : i32
    %add3A_49 = arith.addi %mul3A_47, %add3A_48 : i32
    %dma_start3A_50 = arith.constant 0 : i32
    %dma_start3A_51 = tpu.memref_slice %arg16[%add3A_49, %dma_start3A_50] : memref<10112x128xf32, #tpu.memory_space<vmem_shared>> -> memref<48x128xf32, #tpu.memory_space<vmem_shared>>
    %dma_start3A_52 = arith.constant 0 : i32
    %dma_start3A_53 = tpu.memref_slice %arg16[%add3A_49, %dma_start3A_52] : memref<10112x128xf32, #tpu.memory_space<vmem_shared>> -> memref<48x128xf32, #tpu.memory_space<vmem_shared>>
    tpu.enqueue_dma source(%arg9 : memref<48x128xf32, #tpu.memory_space<vmem>>) target(%dma_start3A_53 : memref<48x128xf32, #tpu.memory_space<vmem_shared>>) target_semaphore(%arg10 : memref<!tpu.dma_semaphore, #tpu.memory_space<semaphore_mem>>)
    %mul3A_54 = arith.constant 632 : i32
    %mul3A_55 = arith.muli %arg1, %mul3A_54 : i32
    %add3A_56 = arith.constant 288 : i32
    %add3A_57 = arith.addi %mul3A_55, %add3A_56 : i32
    %dma_start3A_58 = arith.constant 0 : i32
    %dma_start3A_59 = tpu.memref_slice %arg16[%add3A_57, %dma_start3A_58] : memref<10112x128xf32, #tpu.memory_space<vmem_shared>> -> memref<48x128xf32, #tpu.memory_space<vmem_shared>>
    %dma_start3A_60 = arith.constant 0 : i32
    %dma_start3A_61 = tpu.memref_slice %arg16[%add3A_57, %dma_start3A_60] : memref<10112x128xf32, #tpu.memory_space<vmem_shared>> -> memref<48x128xf32, #tpu.memory_space<vmem_shared>>
    tpu.enqueue_dma source(%arg9 : memref<48x128xf32, #tpu.memory_space<vmem>>) target(%dma_start3A_61 : memref<48x128xf32, #tpu.memory_space<vmem_shared>>) target_semaphore(%arg10 : memref<!tpu.dma_semaphore, #tpu.memory_space<semaphore_mem>>)
    %mul3A_62 = arith.constant 632 : i32
    %mul3A_63 = arith.muli %arg1, %mul3A_62 : i32
    %add3A_64 = arith.constant 336 : i32
    %add3A_65 = arith.addi %mul3A_63, %add3A_64 : i32
    %dma_start3A_66 = arith.constant 0 : i32
    %dma_start3A_67 = tpu.memref_slice %arg16[%add3A_65, %dma_start3A_66] : memref<10112x128xf32, #tpu.memory_space<vmem_shared>> -> memref<48x128xf32, #tpu.memory_space<vmem_shared>>
    %dma_start3A_68 = arith.constant 0 : i32
    %dma_start3A_69 = tpu.memref_slice %arg16[%add3A_65, %dma_start3A_68] : memref<10112x128xf32, #tpu.memory_space<vmem_shared>> -> memref<48x128xf32, #tpu.memory_space<vmem_shared>>
    tpu.enqueue_dma source(%arg9 : memref<48x128xf32, #tpu.memory_space<vmem>>) target(%dma_start3A_69 : memref<48x128xf32, #tpu.memory_space<vmem_shared>>) target_semaphore(%arg10 : memref<!tpu.dma_semaphore, #tpu.memory_space<semaphore_mem>>)
    %mul3A_70 = arith.constant 632 : i32
    %mul3A_71 = arith.muli %arg1, %mul3A_70 : i32
    %add3A_72 = arith.constant 384 : i32
    %add3A_73 = arith.addi %mul3A_71, %add3A_72 : i32
    %dma_start3A_74 = arith.constant 0 : i32
    %dma_start3A_75 = tpu.memref_slice %arg16[%add3A_73, %dma_start3A_74] : memref<10112x128xf32, #tpu.memory_space<vmem_shared>> -> memref<48x128xf32, #tpu.memory_space<vmem_shared>>
    %dma_start3A_76 = arith.constant 0 : i32
    %dma_start3A_77 = tpu.memref_slice %arg16[%add3A_73, %dma_start3A_76] : memref<10112x128xf32, #tpu.memory_space<vmem_shared>> -> memref<48x128xf32, #tpu.memory_space<vmem_shared>>
    tpu.enqueue_dma source(%arg9 : memref<48x128xf32, #tpu.memory_space<vmem>>) target(%dma_start3A_77 : memref<48x128xf32, #tpu.memory_space<vmem_shared>>) target_semaphore(%arg10 : memref<!tpu.dma_semaphore, #tpu.memory_space<semaphore_mem>>)
    %mul3A_78 = arith.constant 632 : i32
    %mul3A_79 = arith.muli %arg1, %mul3A_78 : i32
    %add3A_80 = arith.constant 432 : i32
    %add3A_81 = arith.addi %mul3A_79, %add3A_80 : i32
    %dma_start3A_82 = arith.constant 0 : i32
    %dma_start3A_83 = tpu.memref_slice %arg16[%add3A_81, %dma_start3A_82] : memref<10112x128xf32, #tpu.memory_space<vmem_shared>> -> memref<48x128xf32, #tpu.memory_space<vmem_shared>>
    %dma_start3A_84 = arith.constant 0 : i32
    %dma_start3A_85 = tpu.memref_slice %arg16[%add3A_81, %dma_start3A_84] : memref<10112x128xf32, #tpu.memory_space<vmem_shared>> -> memref<48x128xf32, #tpu.memory_space<vmem_shared>>
    tpu.enqueue_dma source(%arg9 : memref<48x128xf32, #tpu.memory_space<vmem>>) target(%dma_start3A_85 : memref<48x128xf32, #tpu.memory_space<vmem_shared>>) target_semaphore(%arg10 : memref<!tpu.dma_semaphore, #tpu.memory_space<semaphore_mem>>)
    %mul3A_86 = arith.constant 632 : i32
    %mul3A_87 = arith.muli %arg1, %mul3A_86 : i32
    %add3A_88 = arith.constant 480 : i32
    %add3A_89 = arith.addi %mul3A_87, %add3A_88 : i32
    %dma_start3A_90 = arith.constant 0 : i32
    %dma_start3A_91 = tpu.memref_slice %arg16[%add3A_89, %dma_start3A_90] : memref<10112x128xf32, #tpu.memory_space<vmem_shared>> -> memref<48x128xf32, #tpu.memory_space<vmem_shared>>
    %dma_start3A_92 = arith.constant 0 : i32
    %dma_start3A_93 = tpu.memref_slice %arg16[%add3A_89, %dma_start3A_92] : memref<10112x128xf32, #tpu.memory_space<vmem_shared>> -> memref<48x128xf32, #tpu.memory_space<vmem_shared>>
    tpu.enqueue_dma source(%arg9 : memref<48x128xf32, #tpu.memory_space<vmem>>) target(%dma_start3A_93 : memref<48x128xf32, #tpu.memory_space<vmem_shared>>) target_semaphore(%arg10 : memref<!tpu.dma_semaphore, #tpu.memory_space<semaphore_mem>>)
    %mul3A_94 = arith.constant 632 : i32
    %mul3A_95 = arith.muli %arg1, %mul3A_94 : i32
    %add3A_96 = arith.constant 528 : i32
    %add3A_97 = arith.addi %mul3A_95, %add3A_96 : i32
    %dma_start3A_98 = arith.constant 0 : i32
    %dma_start3A_99 = tpu.memref_slice %arg16[%add3A_97, %dma_start3A_98] : memref<10112x128xf32, #tpu.memory_space<vmem_shared>> -> memref<48x128xf32, #tpu.memory_space<vmem_shared>>
    %dma_start3A_100 = arith.constant 0 : i32
    %dma_start3A_101 = tpu.memref_slice %arg16[%add3A_97, %dma_start3A_100] : memref<10112x128xf32, #tpu.memory_space<vmem_shared>> -> memref<48x128xf32, #tpu.memory_space<vmem_shared>>
    tpu.enqueue_dma source(%arg9 : memref<48x128xf32, #tpu.memory_space<vmem>>) target(%dma_start3A_101 : memref<48x128xf32, #tpu.memory_space<vmem_shared>>) target_semaphore(%arg10 : memref<!tpu.dma_semaphore, #tpu.memory_space<semaphore_mem>>)
    %mul3A_102 = arith.constant 632 : i32
    %mul3A_103 = arith.muli %arg1, %mul3A_102 : i32
    %add3A_104 = arith.constant 576 : i32
    %add3A_105 = arith.addi %mul3A_103, %add3A_104 : i32
    %dma_start3A_106 = arith.constant 0 : i32
    %dma_start3A_107 = tpu.memref_slice %arg16[%add3A_105, %dma_start3A_106] : memref<10112x128xf32, #tpu.memory_space<vmem_shared>> -> memref<48x128xf32, #tpu.memory_space<vmem_shared>>
    %dma_start3A_108 = arith.constant 0 : i32
    %dma_start3A_109 = tpu.memref_slice %arg16[%add3A_105, %dma_start3A_108] : memref<10112x128xf32, #tpu.memory_space<vmem_shared>> -> memref<48x128xf32, #tpu.memory_space<vmem_shared>>
    tpu.enqueue_dma source(%arg9 : memref<48x128xf32, #tpu.memory_space<vmem>>) target(%dma_start3A_109 : memref<48x128xf32, #tpu.memory_space<vmem_shared>>) target_semaphore(%arg10 : memref<!tpu.dma_semaphore, #tpu.memory_space<semaphore_mem>>)
    %mul3A_110 = arith.constant 632 : i32
    %mul3A_111 = arith.muli %arg1, %mul3A_110 : i32
    %add3A_112 = arith.constant 624 : i32
    %add3A_113 = arith.addi %mul3A_111, %add3A_112 : i32
    %dma_start3A_114 = arith.constant 0 : i32
    %dma_start3A_115 = arith.constant 0 : i32
    %dma_start3A_116 = tpu.memref_slice %arg9[%dma_start3A_114, %dma_start3A_115] : memref<48x128xf32, #tpu.memory_space<vmem>> -> memref<8x128xf32, #tpu.memory_space<vmem>>
    %dma_start3A_117 = arith.constant 0 : i32
    %dma_start3A_118 = tpu.memref_slice %arg16[%add3A_113, %dma_start3A_117] : memref<10112x128xf32, #tpu.memory_space<vmem_shared>> -> memref<8x128xf32, #tpu.memory_space<vmem_shared>>
    %dma_start3A_119 = arith.constant 0 : i32
    %dma_start3A_120 = tpu.memref_slice %arg16[%add3A_113, %dma_start3A_119] : memref<10112x128xf32, #tpu.memory_space<vmem_shared>> -> memref<8x128xf32, #tpu.memory_space<vmem_shared>>
    %dma_start3A_121 = arith.constant 0 : i32
    %dma_start3A_122 = arith.constant 0 : i32
    %dma_start3A_123 = tpu.memref_slice %arg9[%dma_start3A_121, %dma_start3A_122] : memref<48x128xf32, #tpu.memory_space<vmem>> -> memref<8x128xf32, #tpu.memory_space<vmem>>
    tpu.enqueue_dma source(%dma_start3A_123 : memref<8x128xf32, #tpu.memory_space<vmem>>) target(%dma_start3A_120 : memref<8x128xf32, #tpu.memory_space<vmem_shared>>) target_semaphore(%arg10 : memref<!tpu.dma_semaphore, #tpu.memory_space<semaphore_mem>>)
    "tpu.region"() ({
      %run_scoped3A = tpu.sem_alloc : memref<!tpu.dma_semaphore, #tpu.memory_space<semaphore_mem>>
      %dma_start3A_277 = arith.constant 0 : i32
      %dma_start3A_278 = arith.constant 0 : i32
      %dma_start3A_279 = tpu.memref_slice %arg3[%add3A, %dma_start3A_277, %dma_start3A_278] : memref<32x80x125xi32, #tpu.memory_space<hbm>> -> memref<1x80x125xi32, #tpu.memory_space<hbm>>
      %dma_start3A_280 = tpu.memref_squeeze %dma_start3A_279 : memref<1x80x125xi32, #tpu.memory_space<hbm>> -> memref<80x125xi32, #tpu.memory_space<hbm>>
      %dma_start3A_281 = arith.constant 0 : i32
      %dma_start3A_282 = arith.constant 0 : i32
      %dma_start3A_283 = tpu.memref_slice %arg3[%add3A, %dma_start3A_281, %dma_start3A_282] : memref<32x80x125xi32, #tpu.memory_space<hbm>> -> memref<1x80x125xi32, #tpu.memory_space<hbm>>
      %dma_start3A_284 = tpu.memref_squeeze %dma_start3A_283 : memref<1x80x125xi32, #tpu.memory_space<hbm>> -> memref<80x125xi32, #tpu.memory_space<hbm>>
      tpu.enqueue_dma source(%dma_start3A_284 : memref<80x125xi32, #tpu.memory_space<hbm>>) target(%arg6 : memref<80x125xi32, #tpu.memory_space<vmem>>) target_semaphore(%run_scoped3A : memref<!tpu.dma_semaphore, #tpu.memory_space<semaphore_mem>>)
      %dma_wait3A_285 = arith.constant 0 : i32
      %dma_wait3A_286 = arith.constant 0 : i32
      %dma_wait3A_287 = tpu.memref_slice %arg3[%add3A, %dma_wait3A_285, %dma_wait3A_286] : memref<32x80x125xi32, #tpu.memory_space<hbm>> -> memref<1x80x125xi32, #tpu.memory_space<hbm>>
      %dma_wait3A_288 = tpu.memref_squeeze %dma_wait3A_287 : memref<1x80x125xi32, #tpu.memory_space<hbm>> -> memref<80x125xi32, #tpu.memory_space<hbm>>
      %dma_wait3A_289 = arith.constant 0 : i32
      %dma_wait3A_290 = arith.constant 0 : i32
      %dma_wait3A_291 = tpu.memref_slice %arg3[%add3A, %dma_wait3A_289, %dma_wait3A_290] : memref<32x80x125xi32, #tpu.memory_space<hbm>> -> memref<1x80x125xi32, #tpu.memory_space<hbm>>
      %dma_wait3A_292 = tpu.memref_squeeze %dma_wait3A_291 : memref<1x80x125xi32, #tpu.memory_space<hbm>> -> memref<80x125xi32, #tpu.memory_space<hbm>>
      tpu.wait_dma2 semaphore(%run_scoped3A : memref<!tpu.dma_semaphore, #tpu.memory_space<semaphore_mem>>) src(%dma_wait3A_292 : memref<80x125xi32, #tpu.memory_space<hbm>>) dst(%arg6 : memref<80x125xi32, #tpu.memory_space<vmem>>)
      tpu.yield
    }) : () -> ()
    %dma_wait3A = arith.constant 0 : i32
    %dma_wait3A_124 = tpu.memref_slice %arg16[%add3A_10, %dma_wait3A] : memref<10112x128xf32, #tpu.memory_space<vmem_shared>> -> memref<48x128xf32, #tpu.memory_space<vmem_shared>>
    %dma_wait3A_125 = arith.constant 0 : i32
    %dma_wait3A_126 = tpu.memref_slice %arg16[%add3A_10, %dma_wait3A_125] : memref<10112x128xf32, #tpu.memory_space<vmem_shared>> -> memref<48x128xf32, #tpu.memory_space<vmem_shared>>
    tpu.wait_dma2 semaphore(%arg10 : memref<!tpu.dma_semaphore, #tpu.memory_space<semaphore_mem>>) src(%arg9 : memref<48x128xf32, #tpu.memory_space<vmem>>) dst(%dma_wait3A_126 : memref<48x128xf32, #tpu.memory_space<vmem_shared>>)
    %dma_wait3A_127 = arith.constant 0 : i32
    %dma_wait3A_128 = tpu.memref_slice %arg16[%add3A_17, %dma_wait3A_127] : memref<10112x128xf32, #tpu.memory_space<vmem_shared>> -> memref<48x128xf32, #tpu.memory_space<vmem_shared>>
    %dma_wait3A_129 = arith.constant 0 : i32
    %dma_wait3A_130 = tpu.memref_slice %arg16[%add3A_17, %dma_wait3A_129] : memref<10112x128xf32, #tpu.memory_space<vmem_shared>> -> memref<48x128xf32, #tpu.memory_space<vmem_shared>>
    tpu.wait_dma2 semaphore(%arg10 : memref<!tpu.dma_semaphore, #tpu.memory_space<semaphore_mem>>) src(%arg9 : memref<48x128xf32, #tpu.memory_space<vmem>>) dst(%dma_wait3A_130 : memref<48x128xf32, #tpu.memory_space<vmem_shared>>)
    %dma_wait3A_131 = arith.constant 0 : i32
    %dma_wait3A_132 = tpu.memref_slice %arg16[%add3A_25, %dma_wait3A_131] : memref<10112x128xf32, #tpu.memory_space<vmem_shared>> -> memref<48x128xf32, #tpu.memory_space<vmem_shared>>
    %dma_wait3A_133 = arith.constant 0 : i32
    %dma_wait3A_134 = tpu.memref_slice %arg16[%add3A_25, %dma_wait3A_133] : memref<10112x128xf32, #tpu.memory_space<vmem_shared>> -> memref<48x128xf32, #tpu.memory_space<vmem_shared>>
    tpu.wait_dma2 semaphore(%arg10 : memref<!tpu.dma_semaphore, #tpu.memory_space<semaphore_mem>>) src(%arg9 : memref<48x128xf32, #tpu.memory_space<vmem>>) dst(%dma_wait3A_134 : memref<48x128xf32, #tpu.memory_space<vmem_shared>>)
    %dma_wait3A_135 = arith.constant 0 : i32
    %dma_wait3A_136 = tpu.memref_slice %arg16[%add3A_33, %dma_wait3A_135] : memref<10112x128xf32, #tpu.memory_space<vmem_shared>> -> memref<48x128xf32, #tpu.memory_space<vmem_shared>>
    %dma_wait3A_137 = arith.constant 0 : i32
    %dma_wait3A_138 = tpu.memref_slice %arg16[%add3A_33, %dma_wait3A_137] : memref<10112x128xf32, #tpu.memory_space<vmem_shared>> -> memref<48x128xf32, #tpu.memory_space<vmem_shared>>
    tpu.wait_dma2 semaphore(%arg10 : memref<!tpu.dma_semaphore, #tpu.memory_space<semaphore_mem>>) src(%arg9 : memref<48x128xf32, #tpu.memory_space<vmem>>) dst(%dma_wait3A_138 : memref<48x128xf32, #tpu.memory_space<vmem_shared>>)
    %dma_wait3A_139 = arith.constant 0 : i32
    %dma_wait3A_140 = tpu.memref_slice %arg16[%add3A_41, %dma_wait3A_139] : memref<10112x128xf32, #tpu.memory_space<vmem_shared>> -> memref<48x128xf32, #tpu.memory_space<vmem_shared>>
    %dma_wait3A_141 = arith.constant 0 : i32
    %dma_wait3A_142 = tpu.memref_slice %arg16[%add3A_41, %dma_wait3A_141] : memref<10112x128xf32, #tpu.memory_space<vmem_shared>> -> memref<48x128xf32, #tpu.memory_space<vmem_shared>>
    tpu.wait_dma2 semaphore(%arg10 : memref<!tpu.dma_semaphore, #tpu.memory_space<semaphore_mem>>) src(%arg9 : memref<48x128xf32, #tpu.memory_space<vmem>>) dst(%dma_wait3A_142 : memref<48x128xf32, #tpu.memory_space<vmem_shared>>)
    %dma_wait3A_143 = arith.constant 0 : i32
    %dma_wait3A_144 = tpu.memref_slice %arg16[%add3A_49, %dma_wait3A_143] : memref<10112x128xf32, #tpu.memory_space<vmem_shared>> -> memref<48x128xf32, #tpu.memory_space<vmem_shared>>
    %dma_wait3A_145 = arith.constant 0 : i32
    %dma_wait3A_146 = tpu.memref_slice %arg16[%add3A_49, %dma_wait3A_145] : memref<10112x128xf32, #tpu.memory_space<vmem_shared>> -> memref<48x128xf32, #tpu.memory_space<vmem_shared>>
    tpu.wait_dma2 semaphore(%arg10 : memref<!tpu.dma_semaphore, #tpu.memory_space<semaphore_mem>>) src(%arg9 : memref<48x128xf32, #tpu.memory_space<vmem>>) dst(%dma_wait3A_146 : memref<48x128xf32, #tpu.memory_space<vmem_shared>>)
    %dma_wait3A_147 = arith.constant 0 : i32
    %dma_wait3A_148 = tpu.memref_slice %arg16[%add3A_57, %dma_wait3A_147] : memref<10112x128xf32, #tpu.memory_space<vmem_shared>> -> memref<48x128xf32, #tpu.memory_space<vmem_shared>>
    %dma_wait3A_149 = arith.constant 0 : i32
    %dma_wait3A_150 = tpu.memref_slice %arg16[%add3A_57, %dma_wait3A_149] : memref<10112x128xf32, #tpu.memory_space<vmem_shared>> -> memref<48x128xf32, #tpu.memory_space<vmem_shared>>
    tpu.wait_dma2 semaphore(%arg10 : memref<!tpu.dma_semaphore, #tpu.memory_space<semaphore_mem>>) src(%arg9 : memref<48x128xf32, #tpu.memory_space<vmem>>) dst(%dma_wait3A_150 : memref<48x128xf32, #tpu.memory_space<vmem_shared>>)
    %dma_wait3A_151 = arith.constant 0 : i32
    %dma_wait3A_152 = tpu.memref_slice %arg16[%add3A_65, %dma_wait3A_151] : memref<10112x128xf32, #tpu.memory_space<vmem_shared>> -> memref<48x128xf32, #tpu.memory_space<vmem_shared>>
    %dma_wait3A_153 = arith.constant 0 : i32
    %dma_wait3A_154 = tpu.memref_slice %arg16[%add3A_65, %dma_wait3A_153] : memref<10112x128xf32, #tpu.memory_space<vmem_shared>> -> memref<48x128xf32, #tpu.memory_space<vmem_shared>>
    tpu.wait_dma2 semaphore(%arg10 : memref<!tpu.dma_semaphore, #tpu.memory_space<semaphore_mem>>) src(%arg9 : memref<48x128xf32, #tpu.memory_space<vmem>>) dst(%dma_wait3A_154 : memref<48x128xf32, #tpu.memory_space<vmem_shared>>)
    %dma_wait3A_155 = arith.constant 0 : i32
    %dma_wait3A_156 = tpu.memref_slice %arg16[%add3A_73, %dma_wait3A_155] : memref<10112x128xf32, #tpu.memory_space<vmem_shared>> -> memref<48x128xf32, #tpu.memory_space<vmem_shared>>
    %dma_wait3A_157 = arith.constant 0 : i32
    %dma_wait3A_158 = tpu.memref_slice %arg16[%add3A_73, %dma_wait3A_157] : memref<10112x128xf32, #tpu.memory_space<vmem_shared>> -> memref<48x128xf32, #tpu.memory_space<vmem_shared>>
    tpu.wait_dma2 semaphore(%arg10 : memref<!tpu.dma_semaphore, #tpu.memory_space<semaphore_mem>>) src(%arg9 : memref<48x128xf32, #tpu.memory_space<vmem>>) dst(%dma_wait3A_158 : memref<48x128xf32, #tpu.memory_space<vmem_shared>>)
    %dma_wait3A_159 = arith.constant 0 : i32
    %dma_wait3A_160 = tpu.memref_slice %arg16[%add3A_81, %dma_wait3A_159] : memref<10112x128xf32, #tpu.memory_space<vmem_shared>> -> memref<48x128xf32, #tpu.memory_space<vmem_shared>>
    %dma_wait3A_161 = arith.constant 0 : i32
    %dma_wait3A_162 = tpu.memref_slice %arg16[%add3A_81, %dma_wait3A_161] : memref<10112x128xf32, #tpu.memory_space<vmem_shared>> -> memref<48x128xf32, #tpu.memory_space<vmem_shared>>
    tpu.wait_dma2 semaphore(%arg10 : memref<!tpu.dma_semaphore, #tpu.memory_space<semaphore_mem>>) src(%arg9 : memref<48x128xf32, #tpu.memory_space<vmem>>) dst(%dma_wait3A_162 : memref<48x128xf32, #tpu.memory_space<vmem_shared>>)
    %dma_wait3A_163 = arith.constant 0 : i32
    %dma_wait3A_164 = tpu.memref_slice %arg16[%add3A_89, %dma_wait3A_163] : memref<10112x128xf32, #tpu.memory_space<vmem_shared>> -> memref<48x128xf32, #tpu.memory_space<vmem_shared>>
    %dma_wait3A_165 = arith.constant 0 : i32
    %dma_wait3A_166 = tpu.memref_slice %arg16[%add3A_89, %dma_wait3A_165] : memref<10112x128xf32, #tpu.memory_space<vmem_shared>> -> memref<48x128xf32, #tpu.memory_space<vmem_shared>>
    tpu.wait_dma2 semaphore(%arg10 : memref<!tpu.dma_semaphore, #tpu.memory_space<semaphore_mem>>) src(%arg9 : memref<48x128xf32, #tpu.memory_space<vmem>>) dst(%dma_wait3A_166 : memref<48x128xf32, #tpu.memory_space<vmem_shared>>)
    %dma_wait3A_167 = arith.constant 0 : i32
    %dma_wait3A_168 = tpu.memref_slice %arg16[%add3A_97, %dma_wait3A_167] : memref<10112x128xf32, #tpu.memory_space<vmem_shared>> -> memref<48x128xf32, #tpu.memory_space<vmem_shared>>
    %dma_wait3A_169 = arith.constant 0 : i32
    %dma_wait3A_170 = tpu.memref_slice %arg16[%add3A_97, %dma_wait3A_169] : memref<10112x128xf32, #tpu.memory_space<vmem_shared>> -> memref<48x128xf32, #tpu.memory_space<vmem_shared>>
    tpu.wait_dma2 semaphore(%arg10 : memref<!tpu.dma_semaphore, #tpu.memory_space<semaphore_mem>>) src(%arg9 : memref<48x128xf32, #tpu.memory_space<vmem>>) dst(%dma_wait3A_170 : memref<48x128xf32, #tpu.memory_space<vmem_shared>>)
    %dma_wait3A_171 = arith.constant 0 : i32
    %dma_wait3A_172 = tpu.memref_slice %arg16[%add3A_105, %dma_wait3A_171] : memref<10112x128xf32, #tpu.memory_space<vmem_shared>> -> memref<48x128xf32, #tpu.memory_space<vmem_shared>>
    %dma_wait3A_173 = arith.constant 0 : i32
    %dma_wait3A_174 = tpu.memref_slice %arg16[%add3A_105, %dma_wait3A_173] : memref<10112x128xf32, #tpu.memory_space<vmem_shared>> -> memref<48x128xf32, #tpu.memory_space<vmem_shared>>
    tpu.wait_dma2 semaphore(%arg10 : memref<!tpu.dma_semaphore, #tpu.memory_space<semaphore_mem>>) src(%arg9 : memref<48x128xf32, #tpu.memory_space<vmem>>) dst(%dma_wait3A_174 : memref<48x128xf32, #tpu.memory_space<vmem_shared>>)
    %dma_wait3A_175 = arith.constant 0 : i32
    %dma_wait3A_176 = arith.constant 0 : i32
    %dma_wait3A_177 = tpu.memref_slice %arg9[%dma_wait3A_175, %dma_wait3A_176] : memref<48x128xf32, #tpu.memory_space<vmem>> -> memref<8x128xf32, #tpu.memory_space<vmem>>
    %dma_wait3A_178 = arith.constant 0 : i32
    %dma_wait3A_179 = tpu.memref_slice %arg16[%add3A_113, %dma_wait3A_178] : memref<10112x128xf32, #tpu.memory_space<vmem_shared>> -> memref<8x128xf32, #tpu.memory_space<vmem_shared>>
    %dma_wait3A_180 = arith.constant 0 : i32
    %dma_wait3A_181 = tpu.memref_slice %arg16[%add3A_113, %dma_wait3A_180] : memref<10112x128xf32, #tpu.memory_space<vmem_shared>> -> memref<8x128xf32, #tpu.memory_space<vmem_shared>>
    %dma_wait3A_182 = arith.constant 0 : i32
    %dma_wait3A_183 = arith.constant 0 : i32
    %dma_wait3A_184 = tpu.memref_slice %arg9[%dma_wait3A_182, %dma_wait3A_183] : memref<48x128xf32, #tpu.memory_space<vmem>> -> memref<8x128xf32, #tpu.memory_space<vmem>>
    tpu.wait_dma2 semaphore(%arg10 : memref<!tpu.dma_semaphore, #tpu.memory_space<semaphore_mem>>) src(%dma_wait3A_184 : memref<8x128xf32, #tpu.memory_space<vmem>>) dst(%dma_wait3A_181 : memref<8x128xf32, #tpu.memory_space<vmem_shared>>)
    %barrier3A = arith.constant 0 : index
    tpu.barrier barrier_id(%barrier3A)
    %dma_start3A_185 = arith.constant 0 : i32
    %dma_start3A_186 = arith.constant 0 : i32
    %dma_start3A_187 = arith.constant 0 : i32
    %dma_start3A_188 = tpu.memref_slice %arg7[%dma_start3A_186, %dma_start3A_187] : memref<4x125xi32, #tpu.memory_space<vmem>> -> memref<1x125xi32, #tpu.memory_space<vmem>>
    %dma_start3A_189 = tpu.memref_squeeze %dma_start3A_188 : memref<1x125xi32, #tpu.memory_space<vmem>> -> memref<125xi32, #tpu.memory_space<vmem>>
    %dma_start3A_190 = arith.constant 0 : i32
    %dma_start3A_191 = tpu.memref_slice %arg4[%add3A, %dma_start3A_185, %dma_start3A_190] : memref<32x80x125xi32, #tpu.memory_space<hbm>> -> memref<1x1x125xi32, #tpu.memory_space<hbm>>
    %dma_start3A_192 = tpu.memref_squeeze %dma_start3A_191 : memref<1x1x125xi32, #tpu.memory_space<hbm>> -> memref<125xi32, #tpu.memory_space<hbm>>
    %dma_start3A_193 = arith.constant 0 : i32
    %dma_start3A_194 = tpu.memref_slice %arg7[%dma_start3A_186, %dma_start3A_193] : memref<4x125xi32, #tpu.memory_space<vmem>> -> memref<1x125xi32, #tpu.memory_space<vmem>>
    %dma_start3A_195 = tpu.memref_squeeze %dma_start3A_194 : memref<1x125xi32, #tpu.memory_space<vmem>> -> memref<125xi32, #tpu.memory_space<vmem>>
    %dma_start3A_196 = arith.constant 0 : i32
    %dma_start3A_197 = tpu.memref_slice %arg4[%add3A, %dma_start3A_185, %dma_start3A_196] : memref<32x80x125xi32, #tpu.memory_space<hbm>> -> memref<1x1x125xi32, #tpu.memory_space<hbm>>
    %dma_start3A_198 = tpu.memref_squeeze %dma_start3A_197 : memref<1x1x125xi32, #tpu.memory_space<hbm>> -> memref<125xi32, #tpu.memory_space<hbm>>
    tpu.enqueue_dma source(%dma_start3A_198 : memref<125xi32, #tpu.memory_space<hbm>>) target(%dma_start3A_195 : memref<125xi32, #tpu.memory_space<vmem>>) target_semaphore(%arg12 : memref<!tpu.dma_semaphore, #tpu.memory_space<semaphore_mem>>)
    %dma_start3A_199 = arith.constant 1 : i32
    %dma_start3A_200 = arith.constant 1 : i32
    %dma_start3A_201 = arith.constant 0 : i32
    %dma_start3A_202 = tpu.memref_slice %arg7[%dma_start3A_200, %dma_start3A_201] : memref<4x125xi32, #tpu.memory_space<vmem>> -> memref<1x125xi32, #tpu.memory_space<vmem>>
    %dma_start3A_203 = tpu.memref_squeeze %dma_start3A_202 : memref<1x125xi32, #tpu.memory_space<vmem>> -> memref<125xi32, #tpu.memory_space<vmem>>
    %dma_start3A_204 = arith.constant 0 : i32
    %dma_start3A_205 = tpu.memref_slice %arg4[%add3A, %dma_start3A_199, %dma_start3A_204] : memref<32x80x125xi32, #tpu.memory_space<hbm>> -> memref<1x1x125xi32, #tpu.memory_space<hbm>>
    %dma_start3A_206 = tpu.memref_squeeze %dma_start3A_205 : memref<1x1x125xi32, #tpu.memory_space<hbm>> -> memref<125xi32, #tpu.memory_space<hbm>>
    %dma_start3A_207 = arith.constant 0 : i32
    %dma_start3A_208 = tpu.memref_slice %arg7[%dma_start3A_200, %dma_start3A_207] : memref<4x125xi32, #tpu.memory_space<vmem>> -> memref<1x125xi32, #tpu.memory_space<vmem>>
    %dma_start3A_209 = tpu.memref_squeeze %dma_start3A_208 : memref<1x125xi32, #tpu.memory_space<vmem>> -> memref<125xi32, #tpu.memory_space<vmem>>
    %dma_start3A_210 = arith.constant 0 : i32
    %dma_start3A_211 = tpu.memref_slice %arg4[%add3A, %dma_start3A_199, %dma_start3A_210] : memref<32x80x125xi32, #tpu.memory_space<hbm>> -> memref<1x1x125xi32, #tpu.memory_space<hbm>>
    %dma_start3A_212 = tpu.memref_squeeze %dma_start3A_211 : memref<1x1x125xi32, #tpu.memory_space<hbm>> -> memref<125xi32, #tpu.memory_space<hbm>>
    tpu.enqueue_dma source(%dma_start3A_212 : memref<125xi32, #tpu.memory_space<hbm>>) target(%dma_start3A_209 : memref<125xi32, #tpu.memory_space<vmem>>) target_semaphore(%arg13 : memref<!tpu.dma_semaphore, #tpu.memory_space<semaphore_mem>>)
    %dma_start3A_213 = arith.constant 2 : i32
    %dma_start3A_214 = arith.constant 2 : i32
    %dma_start3A_215 = arith.constant 0 : i32
    %dma_start3A_216 = tpu.memref_slice %arg7[%dma_start3A_214, %dma_start3A_215] : memref<4x125xi32, #tpu.memory_space<vmem>> -> memref<1x125xi32, #tpu.memory_space<vmem>>
    %dma_start3A_217 = tpu.memref_squeeze %dma_start3A_216 : memref<1x125xi32, #tpu.memory_space<vmem>> -> memref<125xi32, #tpu.memory_space<vmem>>
    %dma_start3A_218 = arith.constant 0 : i32
    %dma_start3A_219 = tpu.memref_slice %arg4[%add3A, %dma_start3A_213, %dma_start3A_218] : memref<32x80x125xi32, #tpu.memory_space<hbm>> -> memref<1x1x125xi32, #tpu.memory_space<hbm>>
    %dma_start3A_220 = tpu.memref_squeeze %dma_start3A_219 : memref<1x1x125xi32, #tpu.memory_space<hbm>> -> memref<125xi32, #tpu.memory_space<hbm>>
    %dma_start3A_221 = arith.constant 0 : i32
    %dma_start3A_222 = tpu.memref_slice %arg7[%dma_start3A_214, %dma_start3A_221] : memref<4x125xi32, #tpu.memory_space<vmem>> -> memref<1x125xi32, #tpu.memory_space<vmem>>
    %dma_start3A_223 = tpu.memref_squeeze %dma_start3A_222 : memref<1x125xi32, #tpu.memory_space<vmem>> -> memref<125xi32, #tpu.memory_space<vmem>>
    %dma_start3A_224 = arith.constant 0 : i32
    %dma_start3A_225 = tpu.memref_slice %arg4[%add3A, %dma_start3A_213, %dma_start3A_224] : memref<32x80x125xi32, #tpu.memory_space<hbm>> -> memref<1x1x125xi32, #tpu.memory_space<hbm>>
    %dma_start3A_226 = tpu.memref_squeeze %dma_start3A_225 : memref<1x1x125xi32, #tpu.memory_space<hbm>> -> memref<125xi32, #tpu.memory_space<hbm>>
    tpu.enqueue_dma source(%dma_start3A_226 : memref<125xi32, #tpu.memory_space<hbm>>) target(%dma_start3A_223 : memref<125xi32, #tpu.memory_space<vmem>>) target_semaphore(%arg14 : memref<!tpu.dma_semaphore, #tpu.memory_space<semaphore_mem>>)
    %dma_start3A_227 = arith.constant 3 : i32
    %dma_start3A_228 = arith.constant 3 : i32
    %dma_start3A_229 = arith.constant 0 : i32
    %dma_start3A_230 = tpu.memref_slice %arg7[%dma_start3A_228, %dma_start3A_229] : memref<4x125xi32, #tpu.memory_space<vmem>> -> memref<1x125xi32, #tpu.memory_space<vmem>>
    %dma_start3A_231 = tpu.memref_squeeze %dma_start3A_230 : memref<1x125xi32, #tpu.memory_space<vmem>> -> memref<125xi32, #tpu.memory_space<vmem>>
    %dma_start3A_232 = arith.constant 0 : i32
    %dma_start3A_233 = tpu.memref_slice %arg4[%add3A, %dma_start3A_227, %dma_start3A_232] : memref<32x80x125xi32, #tpu.memory_space<hbm>> -> memref<1x1x125xi32, #tpu.memory_space<hbm>>
    %dma_start3A_234 = tpu.memref_squeeze %dma_start3A_233 : memref<1x1x125xi32, #tpu.memory_space<hbm>> -> memref<125xi32, #tpu.memory_space<hbm>>
    %dma_start3A_235 = arith.constant 0 : i32
    %dma_start3A_236 = tpu.memref_slice %arg7[%dma_start3A_228, %dma_start3A_235] : memref<4x125xi32, #tpu.memory_space<vmem>> -> memref<1x125xi32, #tpu.memory_space<vmem>>
    %dma_start3A_237 = tpu.memref_squeeze %dma_start3A_236 : memref<1x125xi32, #tpu.memory_space<vmem>> -> memref<125xi32, #tpu.memory_space<vmem>>
    %dma_start3A_238 = arith.constant 0 : i32
    %dma_start3A_239 = tpu.memref_slice %arg4[%add3A, %dma_start3A_227, %dma_start3A_238] : memref<32x80x125xi32, #tpu.memory_space<hbm>> -> memref<1x1x125xi32, #tpu.memory_space<hbm>>
    %dma_start3A_240 = tpu.memref_squeeze %dma_start3A_239 : memref<1x1x125xi32, #tpu.memory_space<hbm>> -> memref<125xi32, #tpu.memory_space<hbm>>
    tpu.enqueue_dma source(%dma_start3A_240 : memref<125xi32, #tpu.memory_space<hbm>>) target(%dma_start3A_237 : memref<125xi32, #tpu.memory_space<vmem>>) target_semaphore(%arg15 : memref<!tpu.dma_semaphore, #tpu.memory_space<semaphore_mem>>)
    %dma_start3A_241 = arith.constant 0 : i32
    %dma_start3A_242 = arith.constant 0 : i32
    %dma_start3A_243 = arith.constant 0 : i32
    %dma_start3A_244 = arith.constant 0 : i32
    %dma_start3A_245 = tpu.memref_slice %arg8[%dma_start3A_242, %dma_start3A_243, %dma_start3A_244] : memref<2x125x128xf32, #tpu.memory_space<vmem>> -> memref<1x125x128xf32, #tpu.memory_space<vmem>>
    %dma_start3A_246 = tpu.memref_squeeze %dma_start3A_245 : memref<1x125x128xf32, #tpu.memory_space<vmem>> -> memref<125x128xf32, #tpu.memory_space<vmem>>
    %dma_start3A_247 = arith.constant 0 : i32
    %dma_start3A_248 = tpu.memref_slice %arg6[%dma_start3A_241, %dma_start3A_247] : memref<80x125xi32, #tpu.memory_space<vmem>> -> memref<1x125xi32, #tpu.memory_space<vmem>>
    %dma_start3A_249 = tpu.memref_squeeze %dma_start3A_248 : memref<1x125xi32, #tpu.memory_space<vmem>> -> memref<125xi32, #tpu.memory_space<vmem>>
    %dma_start3A_250 = arith.constant 0 : i32
    %dma_start3A_251 = arith.constant 0 : i32
    %dma_start3A_252 = tpu.memref_slice %arg2[%dma_start3A_250, %dma_start3A_251] : memref<10000x128xf32, #tpu.memory_space<hbm>> -> memref<10000x128xf32, #tpu.memory_space<hbm>>
    tpu.enqueue_indirect_dma source(%dma_start3A_252 : memref<10000x128xf32, #tpu.memory_space<hbm>>) target(%dma_start3A_246 : memref<125x128xf32, #tpu.memory_space<vmem>>) offsets(%dma_start3A_249 : memref<125xi32, #tpu.memory_space<vmem>>) semaphore(%arg10 : memref<!tpu.dma_semaphore, #tpu.memory_space<semaphore_mem>>)
    %dma_start3A_253 = arith.constant 1 : i32
    %dma_start3A_254 = arith.constant 1 : i32
    %dma_start3A_255 = arith.constant 0 : i32
    %dma_start3A_256 = arith.constant 0 : i32
    %dma_start3A_257 = tpu.memref_slice %arg8[%dma_start3A_254, %dma_start3A_255, %dma_start3A_256] : memref<2x125x128xf32, #tpu.memory_space<vmem>> -> memref<1x125x128xf32, #tpu.memory_space<vmem>>
    %dma_start3A_258 = tpu.memref_squeeze %dma_start3A_257 : memref<1x125x128xf32, #tpu.memory_space<vmem>> -> memref<125x128xf32, #tpu.memory_space<vmem>>
    %dma_start3A_259 = arith.constant 0 : i32
    %dma_start3A_260 = tpu.memref_slice %arg6[%dma_start3A_253, %dma_start3A_259] : memref<80x125xi32, #tpu.memory_space<vmem>> -> memref<1x125xi32, #tpu.memory_space<vmem>>
    %dma_start3A_261 = tpu.memref_squeeze %dma_start3A_260 : memref<1x125xi32, #tpu.memory_space<vmem>> -> memref<125xi32, #tpu.memory_space<vmem>>
    %dma_start3A_262 = arith.constant 0 : i32
    %dma_start3A_263 = arith.constant 0 : i32
    %dma_start3A_264 = tpu.memref_slice %arg2[%dma_start3A_262, %dma_start3A_263] : memref<10000x128xf32, #tpu.memory_space<hbm>> -> memref<10000x128xf32, #tpu.memory_space<hbm>>
    tpu.enqueue_indirect_dma source(%dma_start3A_264 : memref<10000x128xf32, #tpu.memory_space<hbm>>) target(%dma_start3A_258 : memref<125x128xf32, #tpu.memory_space<vmem>>) offsets(%dma_start3A_261 : memref<125xi32, #tpu.memory_space<vmem>>) semaphore(%arg11 : memref<!tpu.dma_semaphore, #tpu.memory_space<semaphore_mem>>)
    %scan3A_265 = arith.constant 0 : i32
    %scan3A_266 = arith.constant 0 : i32
    %scan3A_267 = arith.constant 20 : i32
    %scan3A_268 = arith.addi %scan3A_266, %scan3A_267 : i32
    %scan3A_269 = arith.constant 1 : i32
    %scan3A_270 = scf.for %scan3A_277 = %scan3A_266 to %scan3A_268 step %scan3A_269 iter_args(%scan3A_278 = %scan3A_265) -> (i32)  : i32 {
      %mul3A_279 = arith.constant 4 : i32
      %mul3A_280 = arith.muli %scan3A_277, %mul3A_279 : i32
      %add3A_281 = arith.constant 0 : i32
      %add3A_282 = arith.addi %mul3A_280, %add3A_281 : i32
      %dma_wait3A_283 = arith.constant 0 : i32
      %dma_wait3A_284 = arith.constant 0 : i32
      %dma_wait3A_285 = arith.constant 0 : i32
      %dma_wait3A_286 = arith.constant 0 : i32
      %dma_wait3A_287 = tpu.memref_slice %arg8[%dma_wait3A_284, %dma_wait3A_285, %dma_wait3A_286] : memref<2x125x128xf32, #tpu.memory_space<vmem>> -> memref<1x125x128xf32, #tpu.memory_space<vmem>>
      %dma_wait3A_288 = tpu.memref_squeeze %dma_wait3A_287 : memref<1x125x128xf32, #tpu.memory_space<vmem>> -> memref<125x128xf32, #tpu.memory_space<vmem>>
      %dma_wait3A_289 = arith.constant 0 : i32
      %dma_wait3A_290 = tpu.memref_slice %arg6[%dma_wait3A_283, %dma_wait3A_289] : memref<80x125xi32, #tpu.memory_space<vmem>> -> memref<1x125xi32, #tpu.memory_space<vmem>>
      %dma_wait3A_291 = tpu.memref_squeeze %dma_wait3A_290 : memref<1x125xi32, #tpu.memory_space<vmem>> -> memref<125xi32, #tpu.memory_space<vmem>>
      %dma_wait3A_292 = arith.constant 0 : i32
      %dma_wait3A_293 = arith.constant 0 : i32
      %dma_wait3A_294 = tpu.memref_slice %arg2[%dma_wait3A_292, %dma_wait3A_293] : memref<10000x128xf32, #tpu.memory_space<hbm>> -> memref<10000x128xf32, #tpu.memory_space<hbm>>
      tpu.wait_indirect_dma semaphore(%arg10 : memref<!tpu.dma_semaphore, #tpu.memory_space<semaphore_mem>>) src(%dma_wait3A_294 : memref<10000x128xf32, #tpu.memory_space<hbm>>) dst(%dma_wait3A_288 : memref<125x128xf32, #tpu.memory_space<vmem>>)
      %dma_wait3A_295 = arith.constant 0 : i32
      %dma_wait3A_296 = arith.constant 0 : i32
      %dma_wait3A_297 = arith.constant 0 : i32
      %dma_wait3A_298 = arith.constant 0 : i32
      %dma_wait3A_299 = tpu.memref_slice %arg7[%dma_wait3A_297, %dma_wait3A_298] : memref<4x125xi32, #tpu.memory_space<vmem>> -> memref<1x125xi32, #tpu.memory_space<vmem>>
      %dma_wait3A_300 = tpu.memref_squeeze %dma_wait3A_299 : memref<1x125xi32, #tpu.memory_space<vmem>> -> memref<125xi32, #tpu.memory_space<vmem>>
      %dma_wait3A_301 = arith.constant 0 : i32
      %dma_wait3A_302 = tpu.memref_slice %arg4[%dma_wait3A_295, %dma_wait3A_296, %dma_wait3A_301] : memref<32x80x125xi32, #tpu.memory_space<hbm>> -> memref<1x1x125xi32, #tpu.memory_space<hbm>>
      %dma_wait3A_303 = tpu.memref_squeeze %dma_wait3A_302 : memref<1x1x125xi32, #tpu.memory_space<hbm>> -> memref<125xi32, #tpu.memory_space<hbm>>
      %dma_wait3A_304 = arith.constant 0 : i32
      %dma_wait3A_305 = tpu.memref_slice %arg7[%dma_wait3A_297, %dma_wait3A_304] : memref<4x125xi32, #tpu.memory_space<vmem>> -> memref<1x125xi32, #tpu.memory_space<vmem>>
      %dma_wait3A_306 = tpu.memref_squeeze %dma_wait3A_305 : memref<1x125xi32, #tpu.memory_space<vmem>> -> memref<125xi32, #tpu.memory_space<vmem>>
      %dma_wait3A_307 = arith.constant 0 : i32
      %dma_wait3A_308 = tpu.memref_slice %arg4[%dma_wait3A_295, %dma_wait3A_296, %dma_wait3A_307] : memref<32x80x125xi32, #tpu.memory_space<hbm>> -> memref<1x1x125xi32, #tpu.memory_space<hbm>>
      %dma_wait3A_309 = tpu.memref_squeeze %dma_wait3A_308 : memref<1x1x125xi32, #tpu.memory_space<hbm>> -> memref<125xi32, #tpu.memory_space<hbm>>
      tpu.wait_dma2 semaphore(%arg12 : memref<!tpu.dma_semaphore, #tpu.memory_space<semaphore_mem>>) src(%dma_wait3A_309 : memref<125xi32, #tpu.memory_space<hbm>>) dst(%dma_wait3A_306 : memref<125xi32, #tpu.memory_space<vmem>>)
      %run_scoped3A = arith.constant 0 : i32
      %run_scoped3A_310 = arith.constant 0 : i32
      "tpu.region"() ({
        %run_scoped3A_464 = tpu.sem_alloc : memref<!tpu.dma_semaphore, #tpu.memory_space<semaphore_mem>>
        %dma_start3A_465 = arith.constant 0 : i32
        %dma_start3A_466 = arith.constant 0 : i32
        %dma_start3A_467 = tpu.memref_slice %arg8[%run_scoped3A, %dma_start3A_465, %dma_start3A_466] : memref<2x125x128xf32, #tpu.memory_space<vmem>> -> memref<1x125x128xf32, #tpu.memory_space<vmem>>
        %dma_start3A_468 = tpu.memref_squeeze %dma_start3A_467 : memref<1x125x128xf32, #tpu.memory_space<vmem>> -> memref<125x128xf32, #tpu.memory_space<vmem>>
        %dma_start3A_469 = arith.constant 0 : i32
        %dma_start3A_470 = tpu.memref_slice %arg7[%run_scoped3A_310, %dma_start3A_469] : memref<4x125xi32, #tpu.memory_space<vmem>> -> memref<1x125xi32, #tpu.memory_space<vmem>>
        %dma_start3A_471 = tpu.memref_squeeze %dma_start3A_470 : memref<1x125xi32, #tpu.memory_space<vmem>> -> memref<125xi32, #tpu.memory_space<vmem>>
        %dma_start3A_472 = arith.constant 0 : i32
        %dma_start3A_473 = arith.constant 0 : i32
        %dma_start3A_474 = tpu.memref_slice %arg16[%dma_start3A_472, %dma_start3A_473] : memref<10112x128xf32, #tpu.memory_space<vmem_shared>> -> memref<10112x128xf32, #tpu.memory_space<vmem_shared>>
        tpu.enqueue_indirect_dma source(%dma_start3A_468 : memref<125x128xf32, #tpu.memory_space<vmem>>) target(%dma_start3A_474 : memref<10112x128xf32, #tpu.memory_space<vmem_shared>>) offsets(%dma_start3A_471 : memref<125xi32, #tpu.memory_space<vmem>>) semaphore(%run_scoped3A_464 : memref<!tpu.dma_semaphore, #tpu.memory_space<semaphore_mem>>) {add = true}
        %dma_wait3A_475 = arith.constant 0 : i32
        %dma_wait3A_476 = arith.constant 0 : i32
        %dma_wait3A_477 = tpu.memref_slice %arg8[%run_scoped3A, %dma_wait3A_475, %dma_wait3A_476] : memref<2x125x128xf32, #tpu.memory_space<vmem>> -> memref<1x125x128xf32, #tpu.memory_space<vmem>>
        %dma_wait3A_478 = tpu.memref_squeeze %dma_wait3A_477 : memref<1x125x128xf32, #tpu.memory_space<vmem>> -> memref<125x128xf32, #tpu.memory_space<vmem>>
        %dma_wait3A_479 = arith.constant 0 : i32
        %dma_wait3A_480 = tpu.memref_slice %arg7[%run_scoped3A_310, %dma_wait3A_479] : memref<4x125xi32, #tpu.memory_space<vmem>> -> memref<1x125xi32, #tpu.memory_space<vmem>>
        %dma_wait3A_481 = tpu.memref_squeeze %dma_wait3A_480 : memref<1x125xi32, #tpu.memory_space<vmem>> -> memref<125xi32, #tpu.memory_space<vmem>>
        %dma_wait3A_482 = arith.constant 0 : i32
        %dma_wait3A_483 = arith.constant 0 : i32
        %dma_wait3A_484 = tpu.memref_slice %arg16[%dma_wait3A_482, %dma_wait3A_483] : memref<10112x128xf32, #tpu.memory_space<vmem_shared>> -> memref<10112x128xf32, #tpu.memory_space<vmem_shared>>
        tpu.wait_indirect_dma semaphore(%run_scoped3A_464 : memref<!tpu.dma_semaphore, #tpu.memory_space<semaphore_mem>>) src(%dma_wait3A_478 : memref<125x128xf32, #tpu.memory_space<vmem>>) dst(%dma_wait3A_484 : memref<10112x128xf32, #tpu.memory_space<vmem_shared>>)
        tpu.yield
      }) : () -> ()
      %add3A_311 = arith.constant 2 : i32
      %add3A_312 = arith.addi %add3A_282, %add3A_311 : i32
      %lt3A = arith.constant 80 : i32
      %lt3A_313 = arith.cmpi slt, %add3A_312, %lt3A : i32
      %convert_element_type3A = arith.extui %lt3A_313 : i1 to i32
      %cond3A = arith.constant 0 : i32
      %cond3A_314 = arith.cmpi ne, %convert_element_type3A, %cond3A : i32
      scf.if %cond3A_314 {
        %add3A_464 = arith.constant 2 : i32
        %add3A_465 = arith.addi %add3A_282, %add3A_464 : i32
        %dma_start3A_466 = arith.constant 0 : i32
        %dma_start3A_467 = arith.constant 0 : i32
        %dma_start3A_468 = arith.constant 0 : i32
        %dma_start3A_469 = tpu.memref_slice %arg8[%dma_start3A_466, %dma_start3A_467, %dma_start3A_468] : memref<2x125x128xf32, #tpu.memory_space<vmem>> -> memref<1x125x128xf32, #tpu.memory_space<vmem>>
        %dma_start3A_470 = tpu.memref_squeeze %dma_start3A_469 : memref<1x125x128xf32, #tpu.memory_space<vmem>> -> memref<125x128xf32, #tpu.memory_space<vmem>>
        %dma_start3A_471 = arith.constant 0 : i32
        %dma_start3A_472 = tpu.memref_slice %arg6[%add3A_465, %dma_start3A_471] : memref<80x125xi32, #tpu.memory_space<vmem>> -> memref<1x125xi32, #tpu.memory_space<vmem>>
        %dma_start3A_473 = tpu.memref_squeeze %dma_start3A_472 : memref<1x125xi32, #tpu.memory_space<vmem>> -> memref<125xi32, #tpu.memory_space<vmem>>
        %dma_start3A_474 = arith.constant 0 : i32
        %dma_start3A_475 = arith.constant 0 : i32
        %dma_start3A_476 = tpu.memref_slice %arg2[%dma_start3A_474, %dma_start3A_475] : memref<10000x128xf32, #tpu.memory_space<hbm>> -> memref<10000x128xf32, #tpu.memory_space<hbm>>
        tpu.enqueue_indirect_dma source(%dma_start3A_476 : memref<10000x128xf32, #tpu.memory_space<hbm>>) target(%dma_start3A_470 : memref<125x128xf32, #tpu.memory_space<vmem>>) offsets(%dma_start3A_473 : memref<125xi32, #tpu.memory_space<vmem>>) semaphore(%arg10 : memref<!tpu.dma_semaphore, #tpu.memory_space<semaphore_mem>>)
      } else {
      }
      %add3A_315 = arith.constant 4 : i32
      %add3A_316 = arith.addi %add3A_282, %add3A_315 : i32
      %lt3A_317 = arith.constant 80 : i32
      %lt3A_318 = arith.cmpi slt, %add3A_316, %lt3A_317 : i32
      %convert_element_type3A_319 = arith.extui %lt3A_318 : i1 to i32
      %cond3A_320 = arith.constant 0 : i32
      %cond3A_321 = arith.cmpi ne, %convert_element_type3A_319, %cond3A_320 : i32
      scf.if %cond3A_321 {
        %add3A_464 = arith.constant 4 : i32
        %add3A_465 = arith.addi %add3A_282, %add3A_464 : i32
        %dma_start3A_466 = arith.constant 0 : i32
        %dma_start3A_467 = arith.constant 0 : i32
        %dma_start3A_468 = tpu.memref_slice %arg7[%dma_start3A_466, %dma_start3A_467] : memref<4x125xi32, #tpu.memory_space<vmem>> -> memref<1x125xi32, #tpu.memory_space<vmem>>
        %dma_start3A_469 = tpu.memref_squeeze %dma_start3A_468 : memref<1x125xi32, #tpu.memory_space<vmem>> -> memref<125xi32, #tpu.memory_space<vmem>>
        %dma_start3A_470 = arith.constant 0 : i32
        %dma_start3A_471 = tpu.memref_slice %arg4[%add3A, %add3A_465, %dma_start3A_470] : memref<32x80x125xi32, #tpu.memory_space<hbm>> -> memref<1x1x125xi32, #tpu.memory_space<hbm>>
        %dma_start3A_472 = tpu.memref_squeeze %dma_start3A_471 : memref<1x1x125xi32, #tpu.memory_space<hbm>> -> memref<125xi32, #tpu.memory_space<hbm>>
        %dma_start3A_473 = arith.constant 0 : i32
        %dma_start3A_474 = tpu.memref_slice %arg7[%dma_start3A_466, %dma_start3A_473] : memref<4x125xi32, #tpu.memory_space<vmem>> -> memref<1x125xi32, #tpu.memory_space<vmem>>
        %dma_start3A_475 = tpu.memref_squeeze %dma_start3A_474 : memref<1x125xi32, #tpu.memory_space<vmem>> -> memref<125xi32, #tpu.memory_space<vmem>>
        %dma_start3A_476 = arith.constant 0 : i32
        %dma_start3A_477 = tpu.memref_slice %arg4[%add3A, %add3A_465, %dma_start3A_476] : memref<32x80x125xi32, #tpu.memory_space<hbm>> -> memref<1x1x125xi32, #tpu.memory_space<hbm>>
        %dma_start3A_478 = tpu.memref_squeeze %dma_start3A_477 : memref<1x1x125xi32, #tpu.memory_space<hbm>> -> memref<125xi32, #tpu.memory_space<hbm>>
        tpu.enqueue_dma source(%dma_start3A_478 : memref<125xi32, #tpu.memory_space<hbm>>) target(%dma_start3A_475 : memref<125xi32, #tpu.memory_space<vmem>>) target_semaphore(%arg12 : memref<!tpu.dma_semaphore, #tpu.memory_space<semaphore_mem>>)
      } else {
      }
      %mul3A_322 = arith.constant 4 : i32
      %mul3A_323 = arith.muli %scan3A_277, %mul3A_322 : i32
      %add3A_324 = arith.constant 1 : i32
      %add3A_325 = arith.addi %mul3A_323, %add3A_324 : i32
      %dma_wait3A_326 = arith.constant 0 : i32
      %dma_wait3A_327 = arith.constant 1 : i32
      %dma_wait3A_328 = arith.constant 0 : i32
      %dma_wait3A_329 = arith.constant 0 : i32
      %dma_wait3A_330 = tpu.memref_slice %arg8[%dma_wait3A_327, %dma_wait3A_328, %dma_wait3A_329] : memref<2x125x128xf32, #tpu.memory_space<vmem>> -> memref<1x125x128xf32, #tpu.memory_space<vmem>>
      %dma_wait3A_331 = tpu.memref_squeeze %dma_wait3A_330 : memref<1x125x128xf32, #tpu.memory_space<vmem>> -> memref<125x128xf32, #tpu.memory_space<vmem>>
      %dma_wait3A_332 = arith.constant 0 : i32
      %dma_wait3A_333 = tpu.memref_slice %arg6[%dma_wait3A_326, %dma_wait3A_332] : memref<80x125xi32, #tpu.memory_space<vmem>> -> memref<1x125xi32, #tpu.memory_space<vmem>>
      %dma_wait3A_334 = tpu.memref_squeeze %dma_wait3A_333 : memref<1x125xi32, #tpu.memory_space<vmem>> -> memref<125xi32, #tpu.memory_space<vmem>>
      %dma_wait3A_335 = arith.constant 0 : i32
      %dma_wait3A_336 = arith.constant 0 : i32
      %dma_wait3A_337 = tpu.memref_slice %arg2[%dma_wait3A_335, %dma_wait3A_336] : memref<10000x128xf32, #tpu.memory_space<hbm>> -> memref<10000x128xf32, #tpu.memory_space<hbm>>
      tpu.wait_indirect_dma semaphore(%arg11 : memref<!tpu.dma_semaphore, #tpu.memory_space<semaphore_mem>>) src(%dma_wait3A_337 : memref<10000x128xf32, #tpu.memory_space<hbm>>) dst(%dma_wait3A_331 : memref<125x128xf32, #tpu.memory_space<vmem>>)
      %dma_wait3A_338 = arith.constant 0 : i32
      %dma_wait3A_339 = arith.constant 0 : i32
      %dma_wait3A_340 = arith.constant 1 : i32
      %dma_wait3A_341 = arith.constant 0 : i32
      %dma_wait3A_342 = tpu.memref_slice %arg7[%dma_wait3A_340, %dma_wait3A_341] : memref<4x125xi32, #tpu.memory_space<vmem>> -> memref<1x125xi32, #tpu.memory_space<vmem>>
      %dma_wait3A_343 = tpu.memref_squeeze %dma_wait3A_342 : memref<1x125xi32, #tpu.memory_space<vmem>> -> memref<125xi32, #tpu.memory_space<vmem>>
      %dma_wait3A_344 = arith.constant 0 : i32
      %dma_wait3A_345 = tpu.memref_slice %arg4[%dma_wait3A_338, %dma_wait3A_339, %dma_wait3A_344] : memref<32x80x125xi32, #tpu.memory_space<hbm>> -> memref<1x1x125xi32, #tpu.memory_space<hbm>>
      %dma_wait3A_346 = tpu.memref_squeeze %dma_wait3A_345 : memref<1x1x125xi32, #tpu.memory_space<hbm>> -> memref<125xi32, #tpu.memory_space<hbm>>
      %dma_wait3A_347 = arith.constant 0 : i32
      %dma_wait3A_348 = tpu.memref_slice %arg7[%dma_wait3A_340, %dma_wait3A_347] : memref<4x125xi32, #tpu.memory_space<vmem>> -> memref<1x125xi32, #tpu.memory_space<vmem>>
      %dma_wait3A_349 = tpu.memref_squeeze %dma_wait3A_348 : memref<1x125xi32, #tpu.memory_space<vmem>> -> memref<125xi32, #tpu.memory_space<vmem>>
      %dma_wait3A_350 = arith.constant 0 : i32
      %dma_wait3A_351 = tpu.memref_slice %arg4[%dma_wait3A_338, %dma_wait3A_339, %dma_wait3A_350] : memref<32x80x125xi32, #tpu.memory_space<hbm>> -> memref<1x1x125xi32, #tpu.memory_space<hbm>>
      %dma_wait3A_352 = tpu.memref_squeeze %dma_wait3A_351 : memref<1x1x125xi32, #tpu.memory_space<hbm>> -> memref<125xi32, #tpu.memory_space<hbm>>
      tpu.wait_dma2 semaphore(%arg13 : memref<!tpu.dma_semaphore, #tpu.memory_space<semaphore_mem>>) src(%dma_wait3A_352 : memref<125xi32, #tpu.memory_space<hbm>>) dst(%dma_wait3A_349 : memref<125xi32, #tpu.memory_space<vmem>>)
      %run_scoped3A_353 = arith.constant 1 : i32
      %run_scoped3A_354 = arith.constant 1 : i32
      "tpu.region"() ({
        %run_scoped3A_464 = tpu.sem_alloc : memref<!tpu.dma_semaphore, #tpu.memory_space<semaphore_mem>>
        %dma_start3A_465 = arith.constant 0 : i32
        %dma_start3A_466 = arith.constant 0 : i32
        %dma_start3A_467 = tpu.memref_slice %arg8[%run_scoped3A_353, %dma_start3A_465, %dma_start3A_466] : memref<2x125x128xf32, #tpu.memory_space<vmem>> -> memref<1x125x128xf32, #tpu.memory_space<vmem>>
        %dma_start3A_468 = tpu.memref_squeeze %dma_start3A_467 : memref<1x125x128xf32, #tpu.memory_space<vmem>> -> memref<125x128xf32, #tpu.memory_space<vmem>>
        %dma_start3A_469 = arith.constant 0 : i32
        %dma_start3A_470 = tpu.memref_slice %arg7[%run_scoped3A_354, %dma_start3A_469] : memref<4x125xi32, #tpu.memory_space<vmem>> -> memref<1x125xi32, #tpu.memory_space<vmem>>
        %dma_start3A_471 = tpu.memref_squeeze %dma_start3A_470 : memref<1x125xi32, #tpu.memory_space<vmem>> -> memref<125xi32, #tpu.memory_space<vmem>>
        %dma_start3A_472 = arith.constant 0 : i32
        %dma_start3A_473 = arith.constant 0 : i32
        %dma_start3A_474 = tpu.memref_slice %arg16[%dma_start3A_472, %dma_start3A_473] : memref<10112x128xf32, #tpu.memory_space<vmem_shared>> -> memref<10112x128xf32, #tpu.memory_space<vmem_shared>>
        tpu.enqueue_indirect_dma source(%dma_start3A_468 : memref<125x128xf32, #tpu.memory_space<vmem>>) target(%dma_start3A_474 : memref<10112x128xf32, #tpu.memory_space<vmem_shared>>) offsets(%dma_start3A_471 : memref<125xi32, #tpu.memory_space<vmem>>) semaphore(%run_scoped3A_464 : memref<!tpu.dma_semaphore, #tpu.memory_space<semaphore_mem>>) {add = true}
        %dma_wait3A_475 = arith.constant 0 : i32
        %dma_wait3A_476 = arith.constant 0 : i32
        %dma_wait3A_477 = tpu.memref_slice %arg8[%run_scoped3A_353, %dma_wait3A_475, %dma_wait3A_476] : memref<2x125x128xf32, #tpu.memory_space<vmem>> -> memref<1x125x128xf32, #tpu.memory_space<vmem>>
        %dma_wait3A_478 = tpu.memref_squeeze %dma_wait3A_477 : memref<1x125x128xf32, #tpu.memory_space<vmem>> -> memref<125x128xf32, #tpu.memory_space<vmem>>
        %dma_wait3A_479 = arith.constant 0 : i32
        %dma_wait3A_480 = tpu.memref_slice %arg7[%run_scoped3A_354, %dma_wait3A_479] : memref<4x125xi32, #tpu.memory_space<vmem>> -> memref<1x125xi32, #tpu.memory_space<vmem>>
        %dma_wait3A_481 = tpu.memref_squeeze %dma_wait3A_480 : memref<1x125xi32, #tpu.memory_space<vmem>> -> memref<125xi32, #tpu.memory_space<vmem>>
        %dma_wait3A_482 = arith.constant 0 : i32
        %dma_wait3A_483 = arith.constant 0 : i32
        %dma_wait3A_484 = tpu.memref_slice %arg16[%dma_wait3A_482, %dma_wait3A_483] : memref<10112x128xf32, #tpu.memory_space<vmem_shared>> -> memref<10112x128xf32, #tpu.memory_space<vmem_shared>>
        tpu.wait_indirect_dma semaphore(%run_scoped3A_464 : memref<!tpu.dma_semaphore, #tpu.memory_space<semaphore_mem>>) src(%dma_wait3A_478 : memref<125x128xf32, #tpu.memory_space<vmem>>) dst(%dma_wait3A_484 : memref<10112x128xf32, #tpu.memory_space<vmem_shared>>)
        tpu.yield
      }) : () -> ()
      %add3A_355 = arith.constant 2 : i32
      %add3A_356 = arith.addi %add3A_325, %add3A_355 : i32
      %lt3A_357 = arith.constant 80 : i32
      %lt3A_358 = arith.cmpi slt, %add3A_356, %lt3A_357 : i32
      %convert_element_type3A_359 = arith.extui %lt3A_358 : i1 to i32
      %cond3A_360 = arith.constant 0 : i32
      %cond3A_361 = arith.cmpi ne, %convert_element_type3A_359, %cond3A_360 : i32
      scf.if %cond3A_361 {
        %add3A_464 = arith.constant 2 : i32
        %add3A_465 = arith.addi %add3A_325, %add3A_464 : i32
        %dma_start3A_466 = arith.constant 1 : i32
        %dma_start3A_467 = arith.constant 0 : i32
        %dma_start3A_468 = arith.constant 0 : i32
        %dma_start3A_469 = tpu.memref_slice %arg8[%dma_start3A_466, %dma_start3A_467, %dma_start3A_468] : memref<2x125x128xf32, #tpu.memory_space<vmem>> -> memref<1x125x128xf32, #tpu.memory_space<vmem>>
        %dma_start3A_470 = tpu.memref_squeeze %dma_start3A_469 : memref<1x125x128xf32, #tpu.memory_space<vmem>> -> memref<125x128xf32, #tpu.memory_space<vmem>>
        %dma_start3A_471 = arith.constant 0 : i32
        %dma_start3A_472 = tpu.memref_slice %arg6[%add3A_465, %dma_start3A_471] : memref<80x125xi32, #tpu.memory_space<vmem>> -> memref<1x125xi32, #tpu.memory_space<vmem>>
        %dma_start3A_473 = tpu.memref_squeeze %dma_start3A_472 : memref<1x125xi32, #tpu.memory_space<vmem>> -> memref<125xi32, #tpu.memory_space<vmem>>
        %dma_start3A_474 = arith.constant 0 : i32
        %dma_start3A_475 = arith.constant 0 : i32
        %dma_start3A_476 = tpu.memref_slice %arg2[%dma_start3A_474, %dma_start3A_475] : memref<10000x128xf32, #tpu.memory_space<hbm>> -> memref<10000x128xf32, #tpu.memory_space<hbm>>
        tpu.enqueue_indirect_dma source(%dma_start3A_476 : memref<10000x128xf32, #tpu.memory_space<hbm>>) target(%dma_start3A_470 : memref<125x128xf32, #tpu.memory_space<vmem>>) offsets(%dma_start3A_473 : memref<125xi32, #tpu.memory_space<vmem>>) semaphore(%arg11 : memref<!tpu.dma_semaphore, #tpu.memory_space<semaphore_mem>>)
      } else {
      }
      %add3A_362 = arith.constant 4 : i32
      %add3A_363 = arith.addi %add3A_325, %add3A_362 : i32
      %lt3A_364 = arith.constant 80 : i32
      %lt3A_365 = arith.cmpi slt, %add3A_363, %lt3A_364 : i32
      %convert_element_type3A_366 = arith.extui %lt3A_365 : i1 to i32
      %cond3A_367 = arith.constant 0 : i32
      %cond3A_368 = arith.cmpi ne, %convert_element_type3A_366, %cond3A_367 : i32
      scf.if %cond3A_368 {
        %add3A_464 = arith.constant 4 : i32
        %add3A_465 = arith.addi %add3A_325, %add3A_464 : i32
        %dma_start3A_466 = arith.constant 1 : i32
        %dma_start3A_467 = arith.constant 0 : i32
        %dma_start3A_468 = tpu.memref_slice %arg7[%dma_start3A_466, %dma_start3A_467] : memref<4x125xi32, #tpu.memory_space<vmem>> -> memref<1x125xi32, #tpu.memory_space<vmem>>
        %dma_start3A_469 = tpu.memref_squeeze %dma_start3A_468 : memref<1x125xi32, #tpu.memory_space<vmem>> -> memref<125xi32, #tpu.memory_space<vmem>>
        %dma_start3A_470 = arith.constant 0 : i32
        %dma_start3A_471 = tpu.memref_slice %arg4[%add3A, %add3A_465, %dma_start3A_470] : memref<32x80x125xi32, #tpu.memory_space<hbm>> -> memref<1x1x125xi32, #tpu.memory_space<hbm>>
        %dma_start3A_472 = tpu.memref_squeeze %dma_start3A_471 : memref<1x1x125xi32, #tpu.memory_space<hbm>> -> memref<125xi32, #tpu.memory_space<hbm>>
        %dma_start3A_473 = arith.constant 0 : i32
        %dma_start3A_474 = tpu.memref_slice %arg7[%dma_start3A_466, %dma_start3A_473] : memref<4x125xi32, #tpu.memory_space<vmem>> -> memref<1x125xi32, #tpu.memory_space<vmem>>
        %dma_start3A_475 = tpu.memref_squeeze %dma_start3A_474 : memref<1x125xi32, #tpu.memory_space<vmem>> -> memref<125xi32, #tpu.memory_space<vmem>>
        %dma_start3A_476 = arith.constant 0 : i32
        %dma_start3A_477 = tpu.memref_slice %arg4[%add3A, %add3A_465, %dma_start3A_476] : memref<32x80x125xi32, #tpu.memory_space<hbm>> -> memref<1x1x125xi32, #tpu.memory_space<hbm>>
        %dma_start3A_478 = tpu.memref_squeeze %dma_start3A_477 : memref<1x1x125xi32, #tpu.memory_space<hbm>> -> memref<125xi32, #tpu.memory_space<hbm>>
        tpu.enqueue_dma source(%dma_start3A_478 : memref<125xi32, #tpu.memory_space<hbm>>) target(%dma_start3A_475 : memref<125xi32, #tpu.memory_space<vmem>>) target_semaphore(%arg13 : memref<!tpu.dma_semaphore, #tpu.memory_space<semaphore_mem>>)
      } else {
      }
      %mul3A_369 = arith.constant 4 : i32
      %mul3A_370 = arith.muli %scan3A_277, %mul3A_369 : i32
      %add3A_371 = arith.constant 2 : i32
      %add3A_372 = arith.addi %mul3A_370, %add3A_371 : i32
      %dma_wait3A_373 = arith.constant 0 : i32
      %dma_wait3A_374 = arith.constant 0 : i32
      %dma_wait3A_375 = arith.constant 0 : i32
      %dma_wait3A_376 = arith.constant 0 : i32
      %dma_wait3A_377 = tpu.memref_slice %arg8[%dma_wait3A_374, %dma_wait3A_375, %dma_wait3A_376] : memref<2x125x128xf32, #tpu.memory_space<vmem>> -> memref<1x125x128xf32, #tpu.memory_space<vmem>>
      %dma_wait3A_378 = tpu.memref_squeeze %dma_wait3A_377 : memref<1x125x128xf32, #tpu.memory_space<vmem>> -> memref<125x128xf32, #tpu.memory_space<vmem>>
      %dma_wait3A_379 = arith.constant 0 : i32
      %dma_wait3A_380 = tpu.memref_slice %arg6[%dma_wait3A_373, %dma_wait3A_379] : memref<80x125xi32, #tpu.memory_space<vmem>> -> memref<1x125xi32, #tpu.memory_space<vmem>>
      %dma_wait3A_381 = tpu.memref_squeeze %dma_wait3A_380 : memref<1x125xi32, #tpu.memory_space<vmem>> -> memref<125xi32, #tpu.memory_space<vmem>>
      %dma_wait3A_382 = arith.constant 0 : i32
      %dma_wait3A_383 = arith.constant 0 : i32
      %dma_wait3A_384 = tpu.memref_slice %arg2[%dma_wait3A_382, %dma_wait3A_383] : memref<10000x128xf32, #tpu.memory_space<hbm>> -> memref<10000x128xf32, #tpu.memory_space<hbm>>
      tpu.wait_indirect_dma semaphore(%arg10 : memref<!tpu.dma_semaphore, #tpu.memory_space<semaphore_mem>>) src(%dma_wait3A_384 : memref<10000x128xf32, #tpu.memory_space<hbm>>) dst(%dma_wait3A_378 : memref<125x128xf32, #tpu.memory_space<vmem>>)
      %dma_wait3A_385 = arith.constant 0 : i32
      %dma_wait3A_386 = arith.constant 0 : i32
      %dma_wait3A_387 = arith.constant 2 : i32
      %dma_wait3A_388 = arith.constant 0 : i32
      %dma_wait3A_389 = tpu.memref_slice %arg7[%dma_wait3A_387, %dma_wait3A_388] : memref<4x125xi32, #tpu.memory_space<vmem>> -> memref<1x125xi32, #tpu.memory_space<vmem>>
      %dma_wait3A_390 = tpu.memref_squeeze %dma_wait3A_389 : memref<1x125xi32, #tpu.memory_space<vmem>> -> memref<125xi32, #tpu.memory_space<vmem>>
      %dma_wait3A_391 = arith.constant 0 : i32
      %dma_wait3A_392 = tpu.memref_slice %arg4[%dma_wait3A_385, %dma_wait3A_386, %dma_wait3A_391] : memref<32x80x125xi32, #tpu.memory_space<hbm>> -> memref<1x1x125xi32, #tpu.memory_space<hbm>>
      %dma_wait3A_393 = tpu.memref_squeeze %dma_wait3A_392 : memref<1x1x125xi32, #tpu.memory_space<hbm>> -> memref<125xi32, #tpu.memory_space<hbm>>
      %dma_wait3A_394 = arith.constant 0 : i32
      %dma_wait3A_395 = tpu.memref_slice %arg7[%dma_wait3A_387, %dma_wait3A_394] : memref<4x125xi32, #tpu.memory_space<vmem>> -> memref<1x125xi32, #tpu.memory_space<vmem>>
      %dma_wait3A_396 = tpu.memref_squeeze %dma_wait3A_395 : memref<1x125xi32, #tpu.memory_space<vmem>> -> memref<125xi32, #tpu.memory_space<vmem>>
      %dma_wait3A_397 = arith.constant 0 : i32
      %dma_wait3A_398 = tpu.memref_slice %arg4[%dma_wait3A_385, %dma_wait3A_386, %dma_wait3A_397] : memref<32x80x125xi32, #tpu.memory_space<hbm>> -> memref<1x1x125xi32, #tpu.memory_space<hbm>>
      %dma_wait3A_399 = tpu.memref_squeeze %dma_wait3A_398 : memref<1x1x125xi32, #tpu.memory_space<hbm>> -> memref<125xi32, #tpu.memory_space<hbm>>
      tpu.wait_dma2 semaphore(%arg14 : memref<!tpu.dma_semaphore, #tpu.memory_space<semaphore_mem>>) src(%dma_wait3A_399 : memref<125xi32, #tpu.memory_space<hbm>>) dst(%dma_wait3A_396 : memref<125xi32, #tpu.memory_space<vmem>>)
      %run_scoped3A_400 = arith.constant 0 : i32
      %run_scoped3A_401 = arith.constant 2 : i32
      "tpu.region"() ({
        %run_scoped3A_464 = tpu.sem_alloc : memref<!tpu.dma_semaphore, #tpu.memory_space<semaphore_mem>>
        %dma_start3A_465 = arith.constant 0 : i32
        %dma_start3A_466 = arith.constant 0 : i32
        %dma_start3A_467 = tpu.memref_slice %arg8[%run_scoped3A_400, %dma_start3A_465, %dma_start3A_466] : memref<2x125x128xf32, #tpu.memory_space<vmem>> -> memref<1x125x128xf32, #tpu.memory_space<vmem>>
        %dma_start3A_468 = tpu.memref_squeeze %dma_start3A_467 : memref<1x125x128xf32, #tpu.memory_space<vmem>> -> memref<125x128xf32, #tpu.memory_space<vmem>>
        %dma_start3A_469 = arith.constant 0 : i32
        %dma_start3A_470 = tpu.memref_slice %arg7[%run_scoped3A_401, %dma_start3A_469] : memref<4x125xi32, #tpu.memory_space<vmem>> -> memref<1x125xi32, #tpu.memory_space<vmem>>
        %dma_start3A_471 = tpu.memref_squeeze %dma_start3A_470 : memref<1x125xi32, #tpu.memory_space<vmem>> -> memref<125xi32, #tpu.memory_space<vmem>>
        %dma_start3A_472 = arith.constant 0 : i32
        %dma_start3A_473 = arith.constant 0 : i32
        %dma_start3A_474 = tpu.memref_slice %arg16[%dma_start3A_472, %dma_start3A_473] : memref<10112x128xf32, #tpu.memory_space<vmem_shared>> -> memref<10112x128xf32, #tpu.memory_space<vmem_shared>>
        tpu.enqueue_indirect_dma source(%dma_start3A_468 : memref<125x128xf32, #tpu.memory_space<vmem>>) target(%dma_start3A_474 : memref<10112x128xf32, #tpu.memory_space<vmem_shared>>) offsets(%dma_start3A_471 : memref<125xi32, #tpu.memory_space<vmem>>) semaphore(%run_scoped3A_464 : memref<!tpu.dma_semaphore, #tpu.memory_space<semaphore_mem>>) {add = true}
        %dma_wait3A_475 = arith.constant 0 : i32
        %dma_wait3A_476 = arith.constant 0 : i32
        %dma_wait3A_477 = tpu.memref_slice %arg8[%run_scoped3A_400, %dma_wait3A_475, %dma_wait3A_476] : memref<2x125x128xf32, #tpu.memory_space<vmem>> -> memref<1x125x128xf32, #tpu.memory_space<vmem>>
        %dma_wait3A_478 = tpu.memref_squeeze %dma_wait3A_477 : memref<1x125x128xf32, #tpu.memory_space<vmem>> -> memref<125x128xf32, #tpu.memory_space<vmem>>
        %dma_wait3A_479 = arith.constant 0 : i32
        %dma_wait3A_480 = tpu.memref_slice %arg7[%run_scoped3A_401, %dma_wait3A_479] : memref<4x125xi32, #tpu.memory_space<vmem>> -> memref<1x125xi32, #tpu.memory_space<vmem>>
        %dma_wait3A_481 = tpu.memref_squeeze %dma_wait3A_480 : memref<1x125xi32, #tpu.memory_space<vmem>> -> memref<125xi32, #tpu.memory_space<vmem>>
        %dma_wait3A_482 = arith.constant 0 : i32
        %dma_wait3A_483 = arith.constant 0 : i32
        %dma_wait3A_484 = tpu.memref_slice %arg16[%dma_wait3A_482, %dma_wait3A_483] : memref<10112x128xf32, #tpu.memory_space<vmem_shared>> -> memref<10112x128xf32, #tpu.memory_space<vmem_shared>>
        tpu.wait_indirect_dma semaphore(%run_scoped3A_464 : memref<!tpu.dma_semaphore, #tpu.memory_space<semaphore_mem>>) src(%dma_wait3A_478 : memref<125x128xf32, #tpu.memory_space<vmem>>) dst(%dma_wait3A_484 : memref<10112x128xf32, #tpu.memory_space<vmem_shared>>)
        tpu.yield
      }) : () -> ()
      %add3A_402 = arith.constant 2 : i32
      %add3A_403 = arith.addi %add3A_372, %add3A_402 : i32
      %lt3A_404 = arith.constant 80 : i32
      %lt3A_405 = arith.cmpi slt, %add3A_403, %lt3A_404 : i32
      %convert_element_type3A_406 = arith.extui %lt3A_405 : i1 to i32
      %cond3A_407 = arith.constant 0 : i32
      %cond3A_408 = arith.cmpi ne, %convert_element_type3A_406, %cond3A_407 : i32
      scf.if %cond3A_408 {
        %add3A_464 = arith.constant 2 : i32
        %add3A_465 = arith.addi %add3A_372, %add3A_464 : i32
        %dma_start3A_466 = arith.constant 0 : i32
        %dma_start3A_467 = arith.constant 0 : i32
        %dma_start3A_468 = arith.constant 0 : i32
        %dma_start3A_469 = tpu.memref_slice %arg8[%dma_start3A_466, %dma_start3A_467, %dma_start3A_468] : memref<2x125x128xf32, #tpu.memory_space<vmem>> -> memref<1x125x128xf32, #tpu.memory_space<vmem>>
        %dma_start3A_470 = tpu.memref_squeeze %dma_start3A_469 : memref<1x125x128xf32, #tpu.memory_space<vmem>> -> memref<125x128xf32, #tpu.memory_space<vmem>>
        %dma_start3A_471 = arith.constant 0 : i32
        %dma_start3A_472 = tpu.memref_slice %arg6[%add3A_465, %dma_start3A_471] : memref<80x125xi32, #tpu.memory_space<vmem>> -> memref<1x125xi32, #tpu.memory_space<vmem>>
        %dma_start3A_473 = tpu.memref_squeeze %dma_start3A_472 : memref<1x125xi32, #tpu.memory_space<vmem>> -> memref<125xi32, #tpu.memory_space<vmem>>
        %dma_start3A_474 = arith.constant 0 : i32
        %dma_start3A_475 = arith.constant 0 : i32
        %dma_start3A_476 = tpu.memref_slice %arg2[%dma_start3A_474, %dma_start3A_475] : memref<10000x128xf32, #tpu.memory_space<hbm>> -> memref<10000x128xf32, #tpu.memory_space<hbm>>
        tpu.enqueue_indirect_dma source(%dma_start3A_476 : memref<10000x128xf32, #tpu.memory_space<hbm>>) target(%dma_start3A_470 : memref<125x128xf32, #tpu.memory_space<vmem>>) offsets(%dma_start3A_473 : memref<125xi32, #tpu.memory_space<vmem>>) semaphore(%arg10 : memref<!tpu.dma_semaphore, #tpu.memory_space<semaphore_mem>>)
      } else {
      }
      %add3A_409 = arith.constant 4 : i32
      %add3A_410 = arith.addi %add3A_372, %add3A_409 : i32
      %lt3A_411 = arith.constant 80 : i32
      %lt3A_412 = arith.cmpi slt, %add3A_410, %lt3A_411 : i32
      %convert_element_type3A_413 = arith.extui %lt3A_412 : i1 to i32
      %cond3A_414 = arith.constant 0 : i32
      %cond3A_415 = arith.cmpi ne, %convert_element_type3A_413, %cond3A_414 : i32
      scf.if %cond3A_415 {
        %add3A_464 = arith.constant 4 : i32
        %add3A_465 = arith.addi %add3A_372, %add3A_464 : i32
        %dma_start3A_466 = arith.constant 2 : i32
        %dma_start3A_467 = arith.constant 0 : i32
        %dma_start3A_468 = tpu.memref_slice %arg7[%dma_start3A_466, %dma_start3A_467] : memref<4x125xi32, #tpu.memory_space<vmem>> -> memref<1x125xi32, #tpu.memory_space<vmem>>
        %dma_start3A_469 = tpu.memref_squeeze %dma_start3A_468 : memref<1x125xi32, #tpu.memory_space<vmem>> -> memref<125xi32, #tpu.memory_space<vmem>>
        %dma_start3A_470 = arith.constant 0 : i32
        %dma_start3A_471 = tpu.memref_slice %arg4[%add3A, %add3A_465, %dma_start3A_470] : memref<32x80x125xi32, #tpu.memory_space<hbm>> -> memref<1x1x125xi32, #tpu.memory_space<hbm>>
        %dma_start3A_472 = tpu.memref_squeeze %dma_start3A_471 : memref<1x1x125xi32, #tpu.memory_space<hbm>> -> memref<125xi32, #tpu.memory_space<hbm>>
        %dma_start3A_473 = arith.constant 0 : i32
        %dma_start3A_474 = tpu.memref_slice %arg7[%dma_start3A_466, %dma_start3A_473] : memref<4x125xi32, #tpu.memory_space<vmem>> -> memref<1x125xi32, #tpu.memory_space<vmem>>
        %dma_start3A_475 = tpu.memref_squeeze %dma_start3A_474 : memref<1x125xi32, #tpu.memory_space<vmem>> -> memref<125xi32, #tpu.memory_space<vmem>>
        %dma_start3A_476 = arith.constant 0 : i32
        %dma_start3A_477 = tpu.memref_slice %arg4[%add3A, %add3A_465, %dma_start3A_476] : memref<32x80x125xi32, #tpu.memory_space<hbm>> -> memref<1x1x125xi32, #tpu.memory_space<hbm>>
        %dma_start3A_478 = tpu.memref_squeeze %dma_start3A_477 : memref<1x1x125xi32, #tpu.memory_space<hbm>> -> memref<125xi32, #tpu.memory_space<hbm>>
        tpu.enqueue_dma source(%dma_start3A_478 : memref<125xi32, #tpu.memory_space<hbm>>) target(%dma_start3A_475 : memref<125xi32, #tpu.memory_space<vmem>>) target_semaphore(%arg14 : memref<!tpu.dma_semaphore, #tpu.memory_space<semaphore_mem>>)
      } else {
      }
      %mul3A_416 = arith.constant 4 : i32
      %mul3A_417 = arith.muli %scan3A_277, %mul3A_416 : i32
      %add3A_418 = arith.constant 3 : i32
      %add3A_419 = arith.addi %mul3A_417, %add3A_418 : i32
      %dma_wait3A_420 = arith.constant 0 : i32
      %dma_wait3A_421 = arith.constant 1 : i32
      %dma_wait3A_422 = arith.constant 0 : i32
      %dma_wait3A_423 = arith.constant 0 : i32
      %dma_wait3A_424 = tpu.memref_slice %arg8[%dma_wait3A_421, %dma_wait3A_422, %dma_wait3A_423] : memref<2x125x128xf32, #tpu.memory_space<vmem>> -> memref<1x125x128xf32, #tpu.memory_space<vmem>>
      %dma_wait3A_425 = tpu.memref_squeeze %dma_wait3A_424 : memref<1x125x128xf32, #tpu.memory_space<vmem>> -> memref<125x128xf32, #tpu.memory_space<vmem>>
      %dma_wait3A_426 = arith.constant 0 : i32
      %dma_wait3A_427 = tpu.memref_slice %arg6[%dma_wait3A_420, %dma_wait3A_426] : memref<80x125xi32, #tpu.memory_space<vmem>> -> memref<1x125xi32, #tpu.memory_space<vmem>>
      %dma_wait3A_428 = tpu.memref_squeeze %dma_wait3A_427 : memref<1x125xi32, #tpu.memory_space<vmem>> -> memref<125xi32, #tpu.memory_space<vmem>>
      %dma_wait3A_429 = arith.constant 0 : i32
      %dma_wait3A_430 = arith.constant 0 : i32
      %dma_wait3A_431 = tpu.memref_slice %arg2[%dma_wait3A_429, %dma_wait3A_430] : memref<10000x128xf32, #tpu.memory_space<hbm>> -> memref<10000x128xf32, #tpu.memory_space<hbm>>
      tpu.wait_indirect_dma semaphore(%arg11 : memref<!tpu.dma_semaphore, #tpu.memory_space<semaphore_mem>>) src(%dma_wait3A_431 : memref<10000x128xf32, #tpu.memory_space<hbm>>) dst(%dma_wait3A_425 : memref<125x128xf32, #tpu.memory_space<vmem>>)
      %dma_wait3A_432 = arith.constant 0 : i32
      %dma_wait3A_433 = arith.constant 0 : i32
      %dma_wait3A_434 = arith.constant 3 : i32
      %dma_wait3A_435 = arith.constant 0 : i32
      %dma_wait3A_436 = tpu.memref_slice %arg7[%dma_wait3A_434, %dma_wait3A_435] : memref<4x125xi32, #tpu.memory_space<vmem>> -> memref<1x125xi32, #tpu.memory_space<vmem>>
      %dma_wait3A_437 = tpu.memref_squeeze %dma_wait3A_436 : memref<1x125xi32, #tpu.memory_space<vmem>> -> memref<125xi32, #tpu.memory_space<vmem>>
      %dma_wait3A_438 = arith.constant 0 : i32
      %dma_wait3A_439 = tpu.memref_slice %arg4[%dma_wait3A_432, %dma_wait3A_433, %dma_wait3A_438] : memref<32x80x125xi32, #tpu.memory_space<hbm>> -> memref<1x1x125xi32, #tpu.memory_space<hbm>>
      %dma_wait3A_440 = tpu.memref_squeeze %dma_wait3A_439 : memref<1x1x125xi32, #tpu.memory_space<hbm>> -> memref<125xi32, #tpu.memory_space<hbm>>
      %dma_wait3A_441 = arith.constant 0 : i32
      %dma_wait3A_442 = tpu.memref_slice %arg7[%dma_wait3A_434, %dma_wait3A_441] : memref<4x125xi32, #tpu.memory_space<vmem>> -> memref<1x125xi32, #tpu.memory_space<vmem>>
      %dma_wait3A_443 = tpu.memref_squeeze %dma_wait3A_442 : memref<1x125xi32, #tpu.memory_space<vmem>> -> memref<125xi32, #tpu.memory_space<vmem>>
      %dma_wait3A_444 = arith.constant 0 : i32
      %dma_wait3A_445 = tpu.memref_slice %arg4[%dma_wait3A_432, %dma_wait3A_433, %dma_wait3A_444] : memref<32x80x125xi32, #tpu.memory_space<hbm>> -> memref<1x1x125xi32, #tpu.memory_space<hbm>>
      %dma_wait3A_446 = tpu.memref_squeeze %dma_wait3A_445 : memref<1x1x125xi32, #tpu.memory_space<hbm>> -> memref<125xi32, #tpu.memory_space<hbm>>
      tpu.wait_dma2 semaphore(%arg15 : memref<!tpu.dma_semaphore, #tpu.memory_space<semaphore_mem>>) src(%dma_wait3A_446 : memref<125xi32, #tpu.memory_space<hbm>>) dst(%dma_wait3A_443 : memref<125xi32, #tpu.memory_space<vmem>>)
      %run_scoped3A_447 = arith.constant 1 : i32
      %run_scoped3A_448 = arith.constant 3 : i32
      "tpu.region"() ({
        %run_scoped3A_464 = tpu.sem_alloc : memref<!tpu.dma_semaphore, #tpu.memory_space<semaphore_mem>>
        %dma_start3A_465 = arith.constant 0 : i32
        %dma_start3A_466 = arith.constant 0 : i32
        %dma_start3A_467 = tpu.memref_slice %arg8[%run_scoped3A_447, %dma_start3A_465, %dma_start3A_466] : memref<2x125x128xf32, #tpu.memory_space<vmem>> -> memref<1x125x128xf32, #tpu.memory_space<vmem>>
        %dma_start3A_468 = tpu.memref_squeeze %dma_start3A_467 : memref<1x125x128xf32, #tpu.memory_space<vmem>> -> memref<125x128xf32, #tpu.memory_space<vmem>>
        %dma_start3A_469 = arith.constant 0 : i32
        %dma_start3A_470 = tpu.memref_slice %arg7[%run_scoped3A_448, %dma_start3A_469] : memref<4x125xi32, #tpu.memory_space<vmem>> -> memref<1x125xi32, #tpu.memory_space<vmem>>
        %dma_start3A_471 = tpu.memref_squeeze %dma_start3A_470 : memref<1x125xi32, #tpu.memory_space<vmem>> -> memref<125xi32, #tpu.memory_space<vmem>>
        %dma_start3A_472 = arith.constant 0 : i32
        %dma_start3A_473 = arith.constant 0 : i32
        %dma_start3A_474 = tpu.memref_slice %arg16[%dma_start3A_472, %dma_start3A_473] : memref<10112x128xf32, #tpu.memory_space<vmem_shared>> -> memref<10112x128xf32, #tpu.memory_space<vmem_shared>>
        tpu.enqueue_indirect_dma source(%dma_start3A_468 : memref<125x128xf32, #tpu.memory_space<vmem>>) target(%dma_start3A_474 : memref<10112x128xf32, #tpu.memory_space<vmem_shared>>) offsets(%dma_start3A_471 : memref<125xi32, #tpu.memory_space<vmem>>) semaphore(%run_scoped3A_464 : memref<!tpu.dma_semaphore, #tpu.memory_space<semaphore_mem>>) {add = true}
        %dma_wait3A_475 = arith.constant 0 : i32
        %dma_wait3A_476 = arith.constant 0 : i32
        %dma_wait3A_477 = tpu.memref_slice %arg8[%run_scoped3A_447, %dma_wait3A_475, %dma_wait3A_476] : memref<2x125x128xf32, #tpu.memory_space<vmem>> -> memref<1x125x128xf32, #tpu.memory_space<vmem>>
        %dma_wait3A_478 = tpu.memref_squeeze %dma_wait3A_477 : memref<1x125x128xf32, #tpu.memory_space<vmem>> -> memref<125x128xf32, #tpu.memory_space<vmem>>
        %dma_wait3A_479 = arith.constant 0 : i32
        %dma_wait3A_480 = tpu.memref_slice %arg7[%run_scoped3A_448, %dma_wait3A_479] : memref<4x125xi32, #tpu.memory_space<vmem>> -> memref<1x125xi32, #tpu.memory_space<vmem>>
        %dma_wait3A_481 = tpu.memref_squeeze %dma_wait3A_480 : memref<1x125xi32, #tpu.memory_space<vmem>> -> memref<125xi32, #tpu.memory_space<vmem>>
        %dma_wait3A_482 = arith.constant 0 : i32
        %dma_wait3A_483 = arith.constant 0 : i32
        %dma_wait3A_484 = tpu.memref_slice %arg16[%dma_wait3A_482, %dma_wait3A_483] : memref<10112x128xf32, #tpu.memory_space<vmem_shared>> -> memref<10112x128xf32, #tpu.memory_space<vmem_shared>>
        tpu.wait_indirect_dma semaphore(%run_scoped3A_464 : memref<!tpu.dma_semaphore, #tpu.memory_space<semaphore_mem>>) src(%dma_wait3A_478 : memref<125x128xf32, #tpu.memory_space<vmem>>) dst(%dma_wait3A_484 : memref<10112x128xf32, #tpu.memory_space<vmem_shared>>)
        tpu.yield
      }) : () -> ()
      %add3A_449 = arith.constant 2 : i32
      %add3A_450 = arith.addi %add3A_419, %add3A_449 : i32
      %lt3A_451 = arith.constant 80 : i32
      %lt3A_452 = arith.cmpi slt, %add3A_450, %lt3A_451 : i32
      %convert_element_type3A_453 = arith.extui %lt3A_452 : i1 to i32
      %cond3A_454 = arith.constant 0 : i32
      %cond3A_455 = arith.cmpi ne, %convert_element_type3A_453, %cond3A_454 : i32
      scf.if %cond3A_455 {
        %add3A_464 = arith.constant 2 : i32
        %add3A_465 = arith.addi %add3A_419, %add3A_464 : i32
        %dma_start3A_466 = arith.constant 1 : i32
        %dma_start3A_467 = arith.constant 0 : i32
        %dma_start3A_468 = arith.constant 0 : i32
        %dma_start3A_469 = tpu.memref_slice %arg8[%dma_start3A_466, %dma_start3A_467, %dma_start3A_468] : memref<2x125x128xf32, #tpu.memory_space<vmem>> -> memref<1x125x128xf32, #tpu.memory_space<vmem>>
        %dma_start3A_470 = tpu.memref_squeeze %dma_start3A_469 : memref<1x125x128xf32, #tpu.memory_space<vmem>> -> memref<125x128xf32, #tpu.memory_space<vmem>>
        %dma_start3A_471 = arith.constant 0 : i32
        %dma_start3A_472 = tpu.memref_slice %arg6[%add3A_465, %dma_start3A_471] : memref<80x125xi32, #tpu.memory_space<vmem>> -> memref<1x125xi32, #tpu.memory_space<vmem>>
        %dma_start3A_473 = tpu.memref_squeeze %dma_start3A_472 : memref<1x125xi32, #tpu.memory_space<vmem>> -> memref<125xi32, #tpu.memory_space<vmem>>
        %dma_start3A_474 = arith.constant 0 : i32
        %dma_start3A_475 = arith.constant 0 : i32
        %dma_start3A_476 = tpu.memref_slice %arg2[%dma_start3A_474, %dma_start3A_475] : memref<10000x128xf32, #tpu.memory_space<hbm>> -> memref<10000x128xf32, #tpu.memory_space<hbm>>
        tpu.enqueue_indirect_dma source(%dma_start3A_476 : memref<10000x128xf32, #tpu.memory_space<hbm>>) target(%dma_start3A_470 : memref<125x128xf32, #tpu.memory_space<vmem>>) offsets(%dma_start3A_473 : memref<125xi32, #tpu.memory_space<vmem>>) semaphore(%arg11 : memref<!tpu.dma_semaphore, #tpu.memory_space<semaphore_mem>>)
      } else {
      }
      %add3A_456 = arith.constant 4 : i32
      %add3A_457 = arith.addi %add3A_419, %add3A_456 : i32
      %lt3A_458 = arith.constant 80 : i32
      %lt3A_459 = arith.cmpi slt, %add3A_457, %lt3A_458 : i32
      %convert_element_type3A_460 = arith.extui %lt3A_459 : i1 to i32
      %cond3A_461 = arith.constant 0 : i32
      %cond3A_462 = arith.cmpi ne, %convert_element_type3A_460, %cond3A_461 : i32
      scf.if %cond3A_462 {
        %add3A_464 = arith.constant 4 : i32
        %add3A_465 = arith.addi %add3A_419, %add3A_464 : i32
        %dma_start3A_466 = arith.constant 3 : i32
        %dma_start3A_467 = arith.constant 0 : i32
        %dma_start3A_468 = tpu.memref_slice %arg7[%dma_start3A_466, %dma_start3A_467] : memref<4x125xi32, #tpu.memory_space<vmem>> -> memref<1x125xi32, #tpu.memory_space<vmem>>
        %dma_start3A_469 = tpu.memref_squeeze %dma_start3A_468 : memref<1x125xi32, #tpu.memory_space<vmem>> -> memref<125xi32, #tpu.memory_space<vmem>>
        %dma_start3A_470 = arith.constant 0 : i32
        %dma_start3A_471 = tpu.memref_slice %arg4[%add3A, %add3A_465, %dma_start3A_470] : memref<32x80x125xi32, #tpu.memory_space<hbm>> -> memref<1x1x125xi32, #tpu.memory_space<hbm>>
        %dma_start3A_472 = tpu.memref_squeeze %dma_start3A_471 : memref<1x1x125xi32, #tpu.memory_space<hbm>> -> memref<125xi32, #tpu.memory_space<hbm>>
        %dma_start3A_473 = arith.constant 0 : i32
        %dma_start3A_474 = tpu.memref_slice %arg7[%dma_start3A_466, %dma_start3A_473] : memref<4x125xi32, #tpu.memory_space<vmem>> -> memref<1x125xi32, #tpu.memory_space<vmem>>
        %dma_start3A_475 = tpu.memref_squeeze %dma_start3A_474 : memref<1x125xi32, #tpu.memory_space<vmem>> -> memref<125xi32, #tpu.memory_space<vmem>>
        %dma_start3A_476 = arith.constant 0 : i32
        %dma_start3A_477 = tpu.memref_slice %arg4[%add3A, %add3A_465, %dma_start3A_476] : memref<32x80x125xi32, #tpu.memory_space<hbm>> -> memref<1x1x125xi32, #tpu.memory_space<hbm>>
        %dma_start3A_478 = tpu.memref_squeeze %dma_start3A_477 : memref<1x1x125xi32, #tpu.memory_space<hbm>> -> memref<125xi32, #tpu.memory_space<hbm>>
        tpu.enqueue_dma source(%dma_start3A_478 : memref<125xi32, #tpu.memory_space<hbm>>) target(%dma_start3A_475 : memref<125xi32, #tpu.memory_space<vmem>>) target_semaphore(%arg15 : memref<!tpu.dma_semaphore, #tpu.memory_space<semaphore_mem>>)
      } else {
      }
      %scan3A_463 = arith.constant 0 : i32
      scf.yield %scan3A_463 : i32
    }
    %scan3A_271 = arith.constant 20 : i32
    %barrier3A_272 = arith.constant 0 : index
    tpu.barrier barrier_id(%barrier3A_272)
    %mul3A_273 = arith.constant 632 : i32
    %mul3A_274 = arith.muli %arg1, %mul3A_273 : i32
    %mul3A_275 = arith.constant 632 : i32
    %mul3A_276 = arith.muli %arg1, %mul3A_275 : i32
    "tpu.region"() ({
      %run_scoped3A = tpu.sem_alloc : memref<!tpu.dma_semaphore, #tpu.memory_space<semaphore_mem>>
      %dma_start3A_277 = arith.constant 0 : i32
      %dma_start3A_278 = tpu.memref_slice %arg5[%arg0, %mul3A_276, %dma_start3A_277] : memref<2x10112x128xf32, #tpu.memory_space<hbm>> -> memref<1x632x128xf32, #tpu.memory_space<hbm>>
      %dma_start3A_279 = tpu.memref_squeeze %dma_start3A_278 : memref<1x632x128xf32, #tpu.memory_space<hbm>> -> memref<632x128xf32, #tpu.memory_space<hbm>>
      %dma_start3A_280 = arith.constant 0 : i32
      %dma_start3A_281 = tpu.memref_slice %arg16[%mul3A_274, %dma_start3A_280] : memref<10112x128xf32, #tpu.memory_space<vmem_shared>> -> memref<632x128xf32, #tpu.memory_space<vmem_shared>>
      tpu.enqueue_dma source(%dma_start3A_281 : memref<632x128xf32, #tpu.memory_space<vmem_shared>>) target(%dma_start3A_279 : memref<632x128xf32, #tpu.memory_space<hbm>>) target_semaphore(%run_scoped3A : memref<!tpu.dma_semaphore, #tpu.memory_space<semaphore_mem>>)
      %dma_wait3A_282 = arith.constant 0 : i32
      %dma_wait3A_283 = tpu.memref_slice %arg5[%arg0, %mul3A_276, %dma_wait3A_282] : memref<2x10112x128xf32, #tpu.memory_space<hbm>> -> memref<1x632x128xf32, #tpu.memory_space<hbm>>
      %dma_wait3A_284 = tpu.memref_squeeze %dma_wait3A_283 : memref<1x632x128xf32, #tpu.memory_space<hbm>> -> memref<632x128xf32, #tpu.memory_space<hbm>>
      %dma_wait3A_285 = arith.constant 0 : i32
      %dma_wait3A_286 = tpu.memref_slice %arg16[%mul3A_274, %dma_wait3A_285] : memref<10112x128xf32, #tpu.memory_space<vmem_shared>> -> memref<632x128xf32, #tpu.memory_space<vmem_shared>>
      tpu.wait_dma2 semaphore(%run_scoped3A : memref<!tpu.dma_semaphore, #tpu.memory_space<semaphore_mem>>) src(%dma_wait3A_286 : memref<632x128xf32, #tpu.memory_space<vmem_shared>>) dst(%dma_wait3A_284 : memref<632x128xf32, #tpu.memory_space<hbm>>)
      tpu.yield
    }) : () -> ()
    return
  }
}

module attributes {stable_mosaic.version = 14 : i64} {
  func.func @_mm1_body(%arg0: i32, %arg1: memref<10000x128xf32, #tpu.memory_space<vmem>>, %arg2: memref<128x128xf32, #tpu.memory_space<vmem>>, %arg3: memref<10000x1xf32, #tpu.memory_space<vmem>>, %arg4: memref<10000x128xf32, #tpu.memory_space<vmem>>) attributes {dimension_semantics = [#tpu.dimension_semantics<arbitrary>], iteration_bounds = array<i64: 1>, scalar_prefetch = 0 : i64, scratch_operands = 0 : i64, tpu.core_type = #tpu.core_type<tc>, window_params = [{transform_indices = @transform_0, window_bounds = array<i64: 10000, 128>}, {pipeline_mode = #tpu.pipeline_mode<synchronous>, transform_indices = @transform_1, window_bounds = array<i64: 128, 128>}, {transform_indices = @transform_2, window_bounds = array<i64: 10000, 1>}, {transform_indices = @transform_3, window_bounds = array<i64: 10000, 128>}]} {
    %get3A = arith.constant 0 : index
    %get3A_0 = arith.constant 0 : index
    %get3A_1 = vector.load %arg1[%get3A, %get3A_0] : memref<10000x128xf32, #tpu.memory_space<vmem>>, vector<10000x128xf32>
    %get3A_2 = arith.constant 0 : index
    %get3A_3 = arith.constant 0 : index
    %get3A_4 = vector.load %arg2[%get3A_2, %get3A_3] : memref<128x128xf32, #tpu.memory_space<vmem>>, vector<128x128xf32>
    %dot_general3A = arith.constant dense<0.000000e+00> : vector<10000x128xf32>
    %dot_general3A_5 = tpu.matmul %get3A_1, %get3A_4, %dot_general3A {dimension_numbers = #tpu.dot_dimension_numbers<[1], [0], [0], [1], [0, 0, 1, 1], [], []>, transpose_lhs_hint = false} : vector<10000x128xf32>, vector<128x128xf32>, vector<10000x128xf32> -> vector<10000x128xf32>
    %get3A_6 = arith.constant 0 : index
    %get3A_7 = arith.constant 0 : index
    %get3A_8 = vector.load %arg3[%get3A_6, %get3A_7] : memref<10000x1xf32, #tpu.memory_space<vmem>>, vector<10000x1xf32>
    %mul3A = vector.broadcast %get3A_8 : vector<10000x1xf32> to vector<10000x128xf32>
    %mul3A_9 = arith.mulf %dot_general3A_5, %mul3A : vector<10000x128xf32>
    %swap3A = arith.constant 0 : index
    %swap3A_10 = arith.constant 0 : index
    %swap3A_11 = vector.load %arg4[%swap3A, %swap3A_10] : memref<10000x128xf32, #tpu.memory_space<vmem>>, vector<10000x128xf32>
    tpu.vector_store %arg4[%swap3A, %swap3A_10], %mul3A_9 {strides = array<i32>} : memref<10000x128xf32, #tpu.memory_space<vmem>>, vector<10000x128xf32>,
    return
  }
  func.func @transform_0(%arg0: i32) -> (i32, i32) {
    %c0_i32 = arith.constant 0 : i32
    %c0_i32_0 = arith.constant 0 : i32
    return %arg0, %c0_i32 : i32, i32
  }
  func.func @transform_1(%arg0: i32) -> (i32, i32) {
    %c0_i32 = arith.constant 0 : i32
    %c0_i32_0 = arith.constant 0 : i32
    %c0_i32_1 = arith.constant 0 : i32
    return %c0_i32, %c0_i32_0 : i32, i32
  }
  func.func @transform_2(%arg0: i32) -> (i32, i32) {
    %c0_i32 = arith.constant 0 : i32
    %c0_i32_0 = arith.constant 0 : i32
    return %arg0, %c0_i32 : i32, i32
  }
  func.func @transform_3(%arg0: i32) -> (i32, i32) {
    %c0_i32 = arith.constant 0 : i32
    %c0_i32_0 = arith.constant 0 : i32
    return %arg0, %c0_i32 : i32, i32
  }
}

module attributes {stable_mosaic.version = 14 : i64} {
  func.func @_mid_body(%arg0: i32, %arg1: memref<2x10000x128xf32, #tpu.memory_space<vmem>>, %arg2: memref<10000x128xf32, #tpu.memory_space<vmem>>, %arg3: memref<8x128xf32, #tpu.memory_space<vmem>>, %arg4: memref<128x128xf32, #tpu.memory_space<vmem>>, %arg5: memref<10000x1xf32, #tpu.memory_space<vmem>>, %arg6: memref<10000x128xf32, #tpu.memory_space<vmem>>) attributes {dimension_semantics = [#tpu.dimension_semantics<arbitrary>], iteration_bounds = array<i64: 1>, scalar_prefetch = 0 : i64, scratch_operands = 0 : i64, tpu.core_type = #tpu.core_type<tc>, window_params = [{transform_indices = @transform_0, window_bounds = array<i64: 2, 10000, 128>}, {transform_indices = @transform_1, window_bounds = array<i64: 10000, 128>}, {pipeline_mode = #tpu.pipeline_mode<synchronous>, transform_indices = @transform_2, window_bounds = array<i64: 8, 128>}, {pipeline_mode = #tpu.pipeline_mode<synchronous>, transform_indices = @transform_3, window_bounds = array<i64: 128, 128>}, {transform_indices = @transform_4, window_bounds = array<i64: 10000, 1>}, {transform_indices = @transform_5, window_bounds = array<i64: 10000, 128>}]} {
    %get3A = arith.constant 0 : index
    %get3A_0 = arith.constant 0 : index
    %get3A_1 = arith.constant 0 : index
    %get3A_2 = vector.load %arg1[%get3A, %get3A_0, %get3A_1] : memref<2x10000x128xf32, #tpu.memory_space<vmem>>, vector<1x10000x128xf32>
    %get3A_3 = vector.shape_cast %get3A_2 : vector<1x10000x128xf32> to vector<10000x128xf32>
    %get3A_4 = arith.constant 1 : index
    %get3A_5 = arith.constant 0 : index
    %get3A_6 = arith.constant 0 : index
    %get3A_7 = vector.load %arg1[%get3A_4, %get3A_5, %get3A_6] : memref<2x10000x128xf32, #tpu.memory_space<vmem>>, vector<1x10000x128xf32>
    %get3A_8 = vector.shape_cast %get3A_7 : vector<1x10000x128xf32> to vector<10000x128xf32>
    %add3A = arith.addf %get3A_3, %get3A_8 : vector<10000x128xf32>
    %get3A_9 = arith.constant 0 : index
    %get3A_10 = arith.constant 0 : index
    %get3A_11 = vector.load %arg2[%get3A_9, %get3A_10] : memref<10000x128xf32, #tpu.memory_space<vmem>>, vector<10000x128xf32>
    %add3A_12 = arith.addf %add3A, %get3A_11 : vector<10000x128xf32>
    %get3A_13 = arith.constant 0 : index
    %get3A_14 = arith.constant 0 : index
    %get3A_15 = vector.load %arg5[%get3A_13, %get3A_14] : memref<10000x1xf32, #tpu.memory_space<vmem>>, vector<10000x1xf32>
    %mul3A = vector.broadcast %get3A_15 : vector<10000x1xf32> to vector<10000x128xf32>
    %mul3A_16 = arith.mulf %add3A_12, %mul3A : vector<10000x128xf32>
    %get3A_17 = arith.constant 0 : index
    %get3A_18 = arith.constant 0 : index
    %get3A_19 = vector.load %arg3[%get3A_17, %get3A_18] : memref<8x128xf32, #tpu.memory_space<vmem>>, vector<1x128xf32>
    %add3A_20 = vector.broadcast %get3A_19 : vector<1x128xf32> to vector<10000x128xf32>
    %add3A_21 = arith.addf %mul3A_16, %add3A_20 : vector<10000x128xf32>
    %max3A = arith.constant 0.000000e+00 : f32
    %max3A_22 = vector.broadcast %max3A : f32 to vector<10000x128xf32>
    %max3A_23 = arith.maximumf %add3A_21, %max3A_22 : vector<10000x128xf32>
    %get3A_24 = arith.constant 0 : index
    %get3A_25 = arith.constant 0 : index
    %get3A_26 = vector.load %arg4[%get3A_24, %get3A_25] : memref<128x128xf32, #tpu.memory_space<vmem>>, vector<128x128xf32>
    %dot_general3A = arith.constant dense<0.000000e+00> : vector<10000x128xf32>
    %dot_general3A_27 = tpu.matmul %max3A_23, %get3A_26, %dot_general3A {dimension_numbers = #tpu.dot_dimension_numbers<[1], [0], [0], [1], [0, 0, 1, 1], [], []>, transpose_lhs_hint = false} : vector<10000x128xf32>, vector<128x128xf32>, vector<10000x128xf32> -> vector<10000x128xf32>
    %get3A_28 = arith.constant 0 : index
    %get3A_29 = arith.constant 0 : index
    %get3A_30 = vector.load %arg5[%get3A_28, %get3A_29] : memref<10000x1xf32, #tpu.memory_space<vmem>>, vector<10000x1xf32>
    %mul3A_31 = vector.broadcast %get3A_30 : vector<10000x1xf32> to vector<10000x128xf32>
    %mul3A_32 = arith.mulf %dot_general3A_27, %mul3A_31 : vector<10000x128xf32>
    %swap3A = arith.constant 0 : index
    %swap3A_33 = arith.constant 0 : index
    %swap3A_34 = vector.load %arg6[%swap3A, %swap3A_33] : memref<10000x128xf32, #tpu.memory_space<vmem>>, vector<10000x128xf32>
    tpu.vector_store %arg6[%swap3A, %swap3A_33], %mul3A_32 {strides = array<i32>} : memref<10000x128xf32, #tpu.memory_space<vmem>>, vector<10000x128xf32>,
    return
  }
  func.func @transform_0(%arg0: i32) -> (i32, i32, i32) {
    %c0_i32 = arith.constant 0 : i32
    %c0_i32_0 = arith.constant 0 : i32
    %c0_i32_1 = arith.constant 0 : i32
    return %c0_i32, %arg0, %c0_i32_0 : i32, i32, i32
  }
  func.func @transform_1(%arg0: i32) -> (i32, i32) {
    %c0_i32 = arith.constant 0 : i32
    %c0_i32_0 = arith.constant 0 : i32
    return %arg0, %c0_i32 : i32, i32
  }
  func.func @transform_2(%arg0: i32) -> (i32, i32) {
    %c0_i32 = arith.constant 0 : i32
    %c0_i32_0 = arith.constant 0 : i32
    %c0_i32_1 = arith.constant 0 : i32
    return %c0_i32, %c0_i32_0 : i32, i32
  }
  func.func @transform_3(%arg0: i32) -> (i32, i32) {
    %c0_i32 = arith.constant 0 : i32
    %c0_i32_0 = arith.constant 0 : i32
    %c0_i32_1 = arith.constant 0 : i32
    return %c0_i32, %c0_i32_0 : i32, i32
  }
  func.func @transform_4(%arg0: i32) -> (i32, i32) {
    %c0_i32 = arith.constant 0 : i32
    %c0_i32_0 = arith.constant 0 : i32
    return %arg0, %c0_i32 : i32, i32
  }
  func.func @transform_5(%arg0: i32) -> (i32, i32) {
    %c0_i32 = arith.constant 0 : i32
    %c0_i32_0 = arith.constant 0 : i32
    return %arg0, %c0_i32 : i32, i32
  }
}

module attributes {stable_mosaic.version = 14 : i64} {
  func.func @_fin_body(%arg0: i32, %arg1: memref<2x10000x128xf32, #tpu.memory_space<vmem>>, %arg2: memref<10000x128xf32, #tpu.memory_space<vmem>>, %arg3: memref<8x128xf32, #tpu.memory_space<vmem>>, %arg4: memref<128x40xf32, #tpu.memory_space<vmem>>, %arg5: memref<8x40xf32, #tpu.memory_space<vmem>>, %arg6: memref<10000x1xf32, #tpu.memory_space<vmem>>, %arg7: memref<10000x40xf32, #tpu.memory_space<vmem>>) attributes {dimension_semantics = [#tpu.dimension_semantics<arbitrary>], iteration_bounds = array<i64: 1>, scalar_prefetch = 0 : i64, scratch_operands = 0 : i64, tpu.core_type = #tpu.core_type<tc>, window_params = [{transform_indices = @transform_0, window_bounds = array<i64: 2, 10000, 128>}, {transform_indices = @transform_1, window_bounds = array<i64: 10000, 128>}, {pipeline_mode = #tpu.pipeline_mode<synchronous>, transform_indices = @transform_2, window_bounds = array<i64: 8, 128>}, {pipeline_mode = #tpu.pipeline_mode<synchronous>, transform_indices = @transform_3, window_bounds = array<i64: 128, 40>}, {pipeline_mode = #tpu.pipeline_mode<synchronous>, transform_indices = @transform_4, window_bounds = array<i64: 8, 40>}, {transform_indices = @transform_5, window_bounds = array<i64: 10000, 1>}, {transform_indices = @transform_6, window_bounds = array<i64: 10000, 40>}]} {
    %get3A = arith.constant 0 : index
    %get3A_0 = arith.constant 0 : index
    %get3A_1 = arith.constant 0 : index
    %get3A_2 = vector.load %arg1[%get3A, %get3A_0, %get3A_1] : memref<2x10000x128xf32, #tpu.memory_space<vmem>>, vector<1x10000x128xf32>
    %get3A_3 = vector.shape_cast %get3A_2 : vector<1x10000x128xf32> to vector<10000x128xf32>
    %get3A_4 = arith.constant 1 : index
    %get3A_5 = arith.constant 0 : index
    %get3A_6 = arith.constant 0 : index
    %get3A_7 = vector.load %arg1[%get3A_4, %get3A_5, %get3A_6] : memref<2x10000x128xf32, #tpu.memory_space<vmem>>, vector<1x10000x128xf32>
    %get3A_8 = vector.shape_cast %get3A_7 : vector<1x10000x128xf32> to vector<10000x128xf32>
    %add3A = arith.addf %get3A_3, %get3A_8 : vector<10000x128xf32>
    %get3A_9 = arith.constant 0 : index
    %get3A_10 = arith.constant 0 : index
    %get3A_11 = vector.load %arg2[%get3A_9, %get3A_10] : memref<10000x128xf32, #tpu.memory_space<vmem>>, vector<10000x128xf32>
    %add3A_12 = arith.addf %add3A, %get3A_11 : vector<10000x128xf32>
    %get3A_13 = arith.constant 0 : index
    %get3A_14 = arith.constant 0 : index
    %get3A_15 = vector.load %arg6[%get3A_13, %get3A_14] : memref<10000x1xf32, #tpu.memory_space<vmem>>, vector<10000x1xf32>
    %mul3A = vector.broadcast %get3A_15 : vector<10000x1xf32> to vector<10000x128xf32>
    %mul3A_16 = arith.mulf %add3A_12, %mul3A : vector<10000x128xf32>
    %get3A_17 = arith.constant 0 : index
    %get3A_18 = arith.constant 0 : index
    %get3A_19 = vector.load %arg3[%get3A_17, %get3A_18] : memref<8x128xf32, #tpu.memory_space<vmem>>, vector<1x128xf32>
    %add3A_20 = vector.broadcast %get3A_19 : vector<1x128xf32> to vector<10000x128xf32>
    %add3A_21 = arith.addf %mul3A_16, %add3A_20 : vector<10000x128xf32>
    %max3A = arith.constant 0.000000e+00 : f32
    %max3A_22 = vector.broadcast %max3A : f32 to vector<10000x128xf32>
    %max3A_23 = arith.maximumf %add3A_21, %max3A_22 : vector<10000x128xf32>
    %get3A_24 = arith.constant 0 : index
    %get3A_25 = arith.constant 0 : index
    %get3A_26 = vector.load %arg4[%get3A_24, %get3A_25] : memref<128x40xf32, #tpu.memory_space<vmem>>, vector<128x40xf32>
    %dot_general3A = arith.constant dense<0.000000e+00> : vector<10000x40xf32>
    %dot_general3A_27 = tpu.matmul %max3A_23, %get3A_26, %dot_general3A {dimension_numbers = #tpu.dot_dimension_numbers<[1], [0], [0], [1], [0, 0, 1, 1], [], []>, transpose_lhs_hint = false} : vector<10000x128xf32>, vector<128x40xf32>, vector<10000x40xf32> -> vector<10000x40xf32>
    %get3A_28 = arith.constant 0 : index
    %get3A_29 = arith.constant 0 : index
    %get3A_30 = vector.load %arg5[%get3A_28, %get3A_29] : memref<8x40xf32, #tpu.memory_space<vmem>>, vector<1x40xf32>
    %add3A_31 = vector.broadcast %get3A_30 : vector<1x40xf32> to vector<10000x40xf32>
    %add3A_32 = arith.addf %dot_general3A_27, %add3A_31 : vector<10000x40xf32>
    %swap3A = arith.constant 0 : index
    %swap3A_33 = arith.constant 0 : index
    %swap3A_34 = vector.load %arg7[%swap3A, %swap3A_33] : memref<10000x40xf32, #tpu.memory_space<vmem>>, vector<10000x40xf32>
    tpu.vector_store %arg7[%swap3A, %swap3A_33], %add3A_32 {strides = array<i32>} : memref<10000x40xf32, #tpu.memory_space<vmem>>, vector<10000x40xf32>,
    return
  }
  func.func @transform_0(%arg0: i32) -> (i32, i32, i32) {
    %c0_i32 = arith.constant 0 : i32
    %c0_i32_0 = arith.constant 0 : i32
    %c0_i32_1 = arith.constant 0 : i32
    return %c0_i32, %arg0, %c0_i32_0 : i32, i32, i32
  }
  func.func @transform_1(%arg0: i32) -> (i32, i32) {
    %c0_i32 = arith.constant 0 : i32
    %c0_i32_0 = arith.constant 0 : i32
    return %arg0, %c0_i32 : i32, i32
  }
  func.func @transform_2(%arg0: i32) -> (i32, i32) {
    %c0_i32 = arith.constant 0 : i32
    %c0_i32_0 = arith.constant 0 : i32
    %c0_i32_1 = arith.constant 0 : i32
    return %c0_i32, %c0_i32_0 : i32, i32
  }
  func.func @transform_3(%arg0: i32) -> (i32, i32) {
    %c0_i32 = arith.constant 0 : i32
    %c0_i32_0 = arith.constant 0 : i32
    %c0_i32_1 = arith.constant 0 : i32
    return %c0_i32, %c0_i32_0 : i32, i32
  }
  func.func @transform_4(%arg0: i32) -> (i32, i32) {
    %c0_i32 = arith.constant 0 : i32
    %c0_i32_0 = arith.constant 0 : i32
    %c0_i32_1 = arith.constant 0 : i32
    return %c0_i32, %c0_i32_0 : i32, i32
  }
  func.func @transform_5(%arg0: i32) -> (i32, i32) {
    %c0_i32 = arith.constant 0 : i32
    %c0_i32_0 = arith.constant 0 : i32
    return %arg0, %c0_i32 : i32, i32
  }
  func.func @transform_6(%arg0: i32) -> (i32, i32) {
    %c0_i32 = arith.constant 0 : i32
    %c0_i32_0 = arith.constant 0 : i32
    return %arg0, %c0_i32 : i32, i32
  }
}

</mosaic_0001>

<sc_bundles>
// kernel: kernel.10.cloned.1.call-start
scs
__scs_entry_jumppad:
0x0: {  	(pc) =	sbr.rel $0x88, $3  }
0x1: {  	(tag) =	ssettag $0x0;
	lr =	simm.s32 $0x1  }
0x2: {  	[smem:$0x3F97] =	sst lr;
	_ =	strace $0xD0000000  }
0x3: {  	_ = 	snop  }
0x4: {  	_ = 	snop  }
0x5: {  	_ = 	snop  }
0x6: {  	_ = 	snop  }
0x7: {  	_ = 	snop  }
__scs_overlays_trampoline_lowered:
0x8: {  	[smem:$0x3FA6] =	sst s0  }
0x9: {  	[smem:$0x3FA7] =	sst s1  }
0xa: {  	[smem:$0x3FA8] =	sst s2  }
0xb: {  	[smem:$0x3FA9] =	sst s3  }
0xc: {  	[smem:$0x3FAA] =	sst s4  }
0xd: {  	[smem:$0x3FAB] =	sst s5  }
0xe: {  	[smem:$0x3FAC] =	sst s6  }
0xf: {  	[smem:$0x3FAD] =	sst s7  }
0x10: {  	[smem:$0x3FAE] =	sst s8  }
0x11: {  	[smem:$0x3FAF] =	sst s9;
	s0 =	simm.s32 @!p0 $0x0  }
0x12: {  	s1 =	sld [smem:$0x3F95];
	s0 =	simm.s32 @p0 $0x1  }
0x13: {  	[smem:$0x3FB0] =	sst s0;
	s0 =	simm.s32 @!p1 $0x0  }
0x14: {  	s2 =	sld [smem:$0x3F94];
	s0 =	simm.s32 @p1 $0x1  }
0x15: {  	[smem:$0x3FB1] =	sst s0;
	s0 =	simm.s32 @!p2 $0x0  }
0x16: {  	s3 =	sld [smem:$0x3FDB];
	s0 =	simm.s32 @p2 $0x1  }
0x17: {  	s4 =	simm.s32 $0x1BF5;
	[smem:$0x3FB3] =	sst s0  }
0x18: {  	s0 =	sld [smem:$0x3F96];
	_ =	swait.ge [sflag:s4], $0x0  }
0x19: {  	s7 =	sld [smem:$0x3F97]  }
0x1a: {  	s8 =	sadd.s32 $0xFFFFE003, lr  }
0x1b: {  	s9 =	sadd.s32 $0xFFFFFEF7, lr;
	s5 =	simm.s32 $0xFFFFFFFF;
	p2 =	slt.u32 s8, $0xFFFFF086  }
0x1c: {  	p1 =	slt.u32 s9, $0xF7A;
	s5 =	simm.s32 @!p2 $0x0  }
0x1d: {  	s5 =	simm.s32 @p1 $0x1;
	p0 =	seq.s32 s7, s2  }
0x1e: {  	s7 =	smul.u32 @!p0 $0xF7A, s2;
	p2 =	seq.s32 @!p0 s5, $0x0  }
0x1f: {  	s9 =	smul.u32 $0xF7A, s1;
	s8 =	simm.s32 @!p0 $0x1BF5;
	p2 =	por !p2, p0  }
0x20: {  	[sflag:s8] =	ssyncset.s32 @!p0 $0xFFFFF086;
	s6 =	sadd.s32 @!p0 s3, s7;
	s7 =	simm.s32 @!p0 $0x108  }
0x21: {  	s3 =	sadd.s32 s3, s9;
	s6 =	sadd.s32 @!p0 $0x88, s6;
	s7 =	simm.s32 @p2 $0x1082  }
0x22: {  	[simem:s7], [sflag:s8] =	dma.local @!p0 [hbm:s6], $0xF7A  }
0x23: {  	s9 =	sor.u32 $0xD0000000, s2;
	s6 =	simm.s32 $0x108;
	_ =	swait.ge @!p0 [sflag:s8], $0x0  }
0x24: {  	s3 =	sadd.s32 $0x88, s3;
	s6 =	simm.s32 @!p1 $0x1082;
	[sflag:s4] =	ssyncset.s32 $0xFFFFF086  }
0x25: {  	[simem:s6], [sflag:s4] =	dma.local [hbm:s3], $0xF7A  }
0x26: {  	[smem:$0x3F97] =	sst s1;
	(tag) =	ssettag s2;
	_ =	strace s9  }
0x27: {  	s1 =	sld [smem:$0x3FA7]  }
0x28: {  	s2 =	sld [smem:$0x3FA8]  }
0x29: {  	s4 =	sld [smem:$0x3FAA]  }
0x2a: {  	p0 =	seq.s32 s5, $0x0;
	s5 =	sld [smem:$0x3FAB]  }
0x2b: {  	s6 =	sld [smem:$0x3FAC]  }
0x2c: {  	s7 =	sld [smem:$0x3FAD]  }
0x2d: {  	s3 =	simm.s32 $0x108;
	s8 =	sld [smem:$0x3FAE]  }
0x2e: {  	s3 =	simm.s32 @!p0 $0x1082;
	s9 =	sld [smem:$0x3FAF]  }
0x2f: {  	lr =	sadd.s32 s0, s3;
	s0 =	sld [smem:$0x3FA6]  }
0x30: {  	s3 =	sld [smem:$0x3FA9]  }
0x31: {  	[smem:$0x3FB2] =	sst s10  }
0x32: {  	s10 =	sld [smem:$0x3FB0];
	_ =	sdelay $0x3  }
0x33: {  	p0 =	seq.s32 s10, $0x1;
	s10 =	sld [smem:$0x3FB2];
	_ =	sdelay $0x3  }
0x34: {  	[smem:$0x3FB2] =	sst s10  }
0x35: {  	s10 =	sld [smem:$0x3FB1];
	_ =	sdelay $0x3  }
0x36: {  	p1 =	seq.s32 s10, $0x1;
	s10 =	sld [smem:$0x3FB2];
	_ =	sdelay $0x3  }
0x37: {  	[smem:$0x3FB2] =	sst s10  }
0x38: {  	s10 =	sld [smem:$0x3FB3]  }
0x39: {  	_ = 	snop;
	(pc) =	sbr.ind lr, $3  }
0x3a: {  	_ = 	snop  }
0x3b: {  	_ = 	snop  }
0x3c: {  	p2 =	seq.s32 s10, $0x1;
	s10 =	sld [smem:$0x3FB2]  }
0x3d: {  	_ =	shalt  }
0x3e: {  	_ =	shalt  }
0x3f: {  	_ =	shalt  }
0x40: {  	_ =	shalt  }
0x41: {  	_ =	shalt  }
0x42: {  	_ =	shalt  }
0x43: {  	_ =	shalt  }
0x44: {  	_ =	shalt  }
0x45: {  	_ =	shalt  }
0x46: {  	_ =	shalt  }
0x47: {  	_ =	shalt  }
0x48: {  	_ =	shalt  }
0x49: {  	_ =	shalt  }
0x4a: {  	_ =	shalt  }
0x4b: {  	_ =	shalt  }
0x4c: {  	_ =	shalt  }
0x4d: {  	_ =	shalt  }
0x4e: {  	_ =	shalt  }
0x4f: {  	_ =	shalt  }
0x50: {  	_ =	shalt  }
0x51: {  	_ =	shalt  }
0x52: {  	_ =	shalt  }
0x53: {  	_ =	shalt  }
0x54: {  	_ =	shalt  }
0x55: {  	_ =	shalt  }
0x56: {  	_ =	shalt  }
0x57: {  	_ =	shalt  }
0x58: {  	_ =	shalt  }
0x59: {  	_ =	shalt  }
0x5a: {  	_ =	shalt  }
0x5b: {  	_ =	shalt  }
0x5c: {  	_ =	shalt  }
0x5d: {  	_ =	shalt  }
0x5e: {  	_ =	shalt  }
0x5f: {  	_ =	shalt  }
0x60: {  	_ =	shalt  }
0x61: {  	_ =	shalt  }
0x62: {  	_ =	shalt  }
0x63: {  	_ =	shalt  }
0x64: {  	_ =	shalt  }
0x65: {  	_ =	shalt  }
0x66: {  	_ =	shalt  }
0x67: {  	_ =	shalt  }
0x68: {  	_ =	shalt  }
0x69: {  	_ =	shalt  }
0x6a: {  	_ =	shalt  }
0x6b: {  	_ =	shalt  }
0x6c: {  	_ =	shalt  }
0x6d: {  	_ =	shalt  }
0x6e: {  	_ =	shalt  }
0x6f: {  	_ =	shalt  }
0x70: {  	_ =	shalt  }
0x71: {  	_ =	shalt  }
0x72: {  	_ =	shalt  }
0x73: {  	_ =	shalt  }
0x74: {  	_ =	shalt  }
0x75: {  	_ =	shalt  }
0x76: {  	_ =	shalt  }
0x77: {  	_ =	shalt  }
0x78: {  	_ =	shalt  }
0x79: {  	_ =	shalt  }
0x7a: {  	_ =	shalt  }
0x7b: {  	_ =	shalt  }
0x7c: {  	_ =	shalt  }
0x7d: {  	_ =	shalt  }
0x7e: {  	_ =	shalt  }
0x7f: {  	_ =	shalt  }
0x80: {  	_ =	shalt  }
0x81: {  	_ =	shalt  }
0x82: {  	_ =	shalt  }
0x83: {  	_ =	shalt  }
0x84: {  	_ =	shalt  }
0x85: {  	_ =	shalt  }
0x86: {  	_ =	shalt  }
0x87: {  	_ =	shalt  }
.Lfunc_end0:
.L_simem_size_0:
called_computation_lowered:
.L_overlay_start_0:
0x88: {  	s2 =	sld [smem:$0x3FD9]  }
0x89: {  	s3 =	sld [smem:$0x3FFE];
	_ =	sdelay $0x1  }
0x8a: {  	s1 =	srdreg.scid  }
0x8b: {  	s0 =	sand.u32 $0x1, s1  }
0x8c: {  	s17 =	sshll.u32 s0, $0xA;
	s2 =	sadd.s32 s3, s2  }
0x8d: {  	s2 =	sadd.s32 s2, s17  }
0x8e: {  	[smem:$0x3FBE] =	sst s2  }
0x8f: {  	_ = 	snop  }
0x90: {  	s2 =	sld [smem:$0x3FD0];
	(tm) =	ssettm $0x1  }
0x91: {  	s18 =	sld [smem:$0x3FFB];
	_ =	sdelay $0x3  }
0x92: {  	_ =	strace s18  }
0x93: {  	s3 =	sld [smem:$0x3FFC];
	_ =	sdelay $0x3  }
0x94: {  	_ =	strace s3  }
0x95: {  	s3 =	sld [smem:$0x3FFD];
	_ =	sdelay $0x3  }
0x96: {  	_ =	strace s3  }
0x97: {  	_ =	strace $0x8FFFFFFF  }
0x98: {  	s19 =	sld [smem:$0x3FDB];
	_ =	sdelay $0x1  }
0x99: {  	s4 =	simm.s32 $_scs_section_size  }
0x9a: {  	s5 =	simm.s32 $_size__tile_overlayer_lowered;
	s6 =	simm.s32 $_tile_overlayer_lowered  }
0x9b: {  	s22 =	simm.s32 $0x1BFF;
	s21 =	sshll.u32 s6, $0x1;
	s3 =	sadd.s32 s4, s19  }
0x9c: {  	s7 =	simm.s32 $0x0;
	s20 =	sshll.u32 s5, $0x1;
	s5 =	sadd.s32 s21, s3  }
0x9d: {  	[timem:s7], [sflag:s22] =	dma.local [hbm:s5], s20  }
0x9e: {  	_ =	swait.ge [sflag:s22], s20  }
0x9f: {  	s4 =	ssub.s32 $0x0, s20;
	[sflag:s22] =	ssyncset.done $0x0  }
0xa0: {  	[sflag:s22] =	ssyncadd.s32 s4;
	_ =	sdelay $0x1  }
0xa1: {  	s23 =	simm.s32 $0x1B8B  }
0xa2: {  	_ =	swait.ge [sflag:s23], $0x1  }
0xa3: {  	[sflag:s23] =	ssyncset.done $0x0  }
0xa4: {  	s25 =	simm.s32 $0x1B8E;
	s24 =	sld [smem:$0x3FFE];
	[sflag:s23] =	ssyncadd.s32 $0xFFFFFFFF  }
0xa5: {  	s26 =	simm.s32 $execute0_lowered;
	[smem:$0x3FD2] =	sst s25  }
0xa6: {  	s5 =	sshll.u32 s26, $0x1;
	_ =	strace $0x80000046;
	[dreg:$0x1] =	wrdreg $0xFFFFFFFF  }
0xa7: {  	s28 =	simm.s32 $_size_execute0_lowered;
	s3 =	sadd.s32 s3, s5;
	[dreg:$0x0] =	wrdreg $0x0  }
0xa8: {  	s5 =	sshll.u32 s28, $0x1;
	[dreg:$0x2] =	wrdreg s3  }
0xa9: {  	[dreg:$0x3] =	wrdreg s5  }
0xaa: {  	[dreg:$0x4] =	wrdreg $0xC0  }
0xab: {  	_ =	task [dreg:s7], $0x5FFFF  }
0xac: {  	[dreg:$0x1] =	wrdreg $0xFFFFFFFF  }
0xad: {  	[dreg:$0x0] =	wrdreg $0x60  }
0xae: {  	[dreg:$0x2] =	wrdreg s2  }
0xaf: {  	[dreg:$0x3] =	wrdreg s24  }
0xb0: {  	[dreg:$0x4] =	wrdreg $0x2B000  }
0xb1: {  	[dreg:$0x5] =	wrdreg $0x9  }
0xb2: {  	_ =	task.clear_ibuf [dreg:s7], $0x6FFFF;
	_ =	strace $0x90000046  }
0xb3: {  	s29 =	simm.s32 $0x9;
	_ =	strace $0x80000048  }
0xb4: {  	_ =	swait.ge [sflag:s29], $0x1  }
0xb5: {  	[sflag:s29] =	ssyncadd.s32 $0xFFFFFFFF  }
0xb6: {  	_ =	strace $0x90000048  }
0xb7: {  	_ =	sfence  }
0xb8: {  	s30 =	sld [smem:$0x0];
	_ =	sdelay $0x2  }
0xb9: {  	s31 =	sshll.u32 s1, $0xD;
	s1 =	sshrl.u32 s1, $0x2  }
0xba: {  	s3 =	sand.u32 $0x4000, s31;
	s1 =	sadd.s32 s1, s30  }
0xbb: {  	s0 =	sor.u32 s3, s0;
	s1 =	sshll.u32 s1, $0x11  }
0xbc: {  	s0 =	sor.u32 s1, s0  }
0xbd: {  	s0 =	sadd.s32 $0x8F2B, s0  }
0xbe: {  	[sflag:s0] =	ssyncadd.remote.s32 $0x1  }
0xbf: {  	_ =	sfence.sel $0xFFFF  }
0xc0: {  	[dreg:$0x0] =	wrdreg $0xFFFFFFFF;
	(pc) =	sbr.abs _section_cstart, $3  }
0xc1: {  	[dreg:$0x1] =	wrdreg $0xFFFFFFFF  }
0xc2: {  	_ =	task.clear_ibuf [dreg:s7], $0x2FFFF;
	_ =	strace $0x9FFFFFFF  }
0xc3: {  	(tm) =	ssettm $0x7FFFFFFF  }
tec
execute0_lowered:
.L_overlay_start_1:
0x0: {  	(tag) =	ssettag $0x1  }
0x1: {  	s5 =	rddreg [dreg:$0x0]  }
0x2: {  	s4 =	rddreg [dreg:$0x1]  }
0x3: {  	s2 =	rddreg [dreg:$0x2]  }
0x4: {  	s0 =	rddreg [dreg:$0x3]  }
0x5: {  	s3 =	simm.s32 $0x0;
	s6 =	srdreg.scid;
	s1 =	stileid.u32  }
0x6: {  	s11 =	simm.s32 $0x2800;
	s14 =	simm.s32 $0x20;
	s15 =	simm.s32 $0x10  }
0x7: {  	s16 =	simm.s32 $0x0;
	[smem:$0x7FF] =	sst s3;
	s7 =	smul.u32 $0x500, s1  }
0x8: {  	s6 =	sand.u32 $0x1, s6;
	s9 =	sshll.u32 s1, $0x1;
	s30 =	smul.u32 $0xA00, s1  }
0x9: {  	s12 =	sshll.u32 s1, $0x6;
	_ =	strace $0x80000047;
	s8 =	sshll.u32 s6, $0x7  }
0xa: {  	s29 =	sor.u32 s6, s9;
	s6 =	ssub.s32 $0x2, s6;
	s12 =	sor.u32 $0x1C01, s12  }
0xb: {  	s7 =	sor.u32 s8, s7;
	s8 =	smul.u32 $0x500, s29;
	s31 =	sshrl.u32 s6, $0x1  }
0xc: {  	s9 =	sshrl.u32 s30, $0x2;
	s7 =	sshrl.u32 s7, $0x3;
	s10 =	ssub.s32 s6, s31  }
0xd: {  	s7 =	sadd.s32 s7, s4;
	s4 =	sadd.s32 s9, s2;
	s5 =	sadd.s32 s5, s8  }
0xe: {  	s8 =	simm.s32 $0x2880;
	s9 =	simm.s32 $0x1;
	s6 =	sadd.s32 $0x2C00, s7  }
0xf: {  	v0 =	vimm.f32 $1.000000000e+00;
	v1 =	vimm.f32 $0.0e+00;
	s7 =	smax.u32 s10, $0x1;
	s10 =	simm.s32 $0x7D;
	s13 =	sshrl.u32 s4, $0x3  }
.LBB2_1:
0x10: {  	[tilespmem:$0x2800] =	vst v0  }
0x11: {  	[tilespmem:$0x2810] =	vst v0  }
0x12: {  	[tilespmem:$0x2820] =	vst v0  }
0x13: {  	[tilespmem:$0x2830] =	vst v0  }
0x14: {  	[tilespmem:$0x2840] =	vst v0  }
0x15: {  	[tilespmem:$0x2850] =	vst v0  }
0x16: {  	[tilespmem:$0x2860] =	vst v0  }
0x17: {  	[tilespmem:$0x2870] =	vst v0  }
0x18: {  	[tilespmem:$0x2880] =	vst v1  }
0x19: {  	[tilespmem:$0x2890] =	vst v1  }
0x1a: {  	[tilespmem:$0x28A0] =	vst v1  }
0x1b: {  	[tilespmem:$0x28B0] =	vst v1  }
0x1c: {  	[tilespmem:$0x28C0] =	vst v1  }
0x1d: {  	[tilespmem:$0x28D0] =	vst v1  }
0x1e: {  	[tilespmem:$0x28E0] =	vst v1  }
0x1f: {  	[tilespmem:$0x28F0] =	vst v1  }
0x20: {  	[tilespmem:$0x2900] =	vst v1  }
0x21: {  	[tilespmem:$0x2910] =	vst v1  }
0x22: {  	[tilespmem:$0x2920] =	vst v1  }
0x23: {  	[tilespmem:$0x2930] =	vst v1  }
0x24: {  	[tilespmem:$0x2940] =	vst v1  }
0x25: {  	[tilespmem:$0x2950] =	vst v1  }
0x26: {  	[tilespmem:$0x2960] =	vst v1  }
0x27: {  	[tilespmem:$0x2970] =	vst v1  }
0x28: {  	[tilespmem:$0x2980] =	vst v1  }
0x29: {  	[tilespmem:$0x2990] =	vst v1  }
0x2a: {  	[tilespmem:$0x29A0] =	vst v1  }
0x2b: {  	[tilespmem:$0x29B0] =	vst v1  }
0x2c: {  	[tilespmem:$0x29C0] =	vst v1  }
0x2d: {  	[tilespmem:$0x29D0] =	vst v1  }
0x2e: {  	[tilespmem:$0x29E0] =	vst v1  }
0x2f: {  	[tilespmem:$0x29F0] =	vst v1  }
0x30: {  	[tilespmem:$0x2A00] =	vst v1  }
0x31: {  	[tilespmem:$0x2A10] =	vst v1  }
0x32: {  	[tilespmem:$0x2A20] =	vst v1  }
0x33: {  	[tilespmem:$0x2A30] =	vst v1  }
0x34: {  	[tilespmem:$0x2A40] =	vst v1  }
0x35: {  	[tilespmem:$0x2A50] =	vst v1  }
0x36: {  	[tilespmem:$0x2A60] =	vst v1  }
0x37: {  	[tilespmem:$0x2A70] =	vst v1  }
0x38: {  	[tilespmem:$0x2A80] =	vst v1  }
0x39: {  	[tilespmem:$0x2A90] =	vst v1  }
0x3a: {  	[tilespmem:$0x2AA0] =	vst v1  }
0x3b: {  	[tilespmem:$0x2AB0] =	vst v1  }
0x3c: {  	[tilespmem:$0x2AC0] =	vst v1  }
0x3d: {  	[tilespmem:$0x2AD0] =	vst v1  }
0x3e: {  	[tilespmem:$0x2AE0] =	vst v1  }
0x3f: {  	[tilespmem:$0x2AF0] =	vst v1  }
0x40: {  	[spmem:s4] =	stream.linear.scatter [tilespmem:s8], [sflag:$0x1], $0x280, $0x38;
	[tilespmem:$0x2D80] =	vst v63  }
0x41: {  	_ =	swait.ge [sflag:s9], $0x280  }
0x42: {  	[sflag:s9] =	ssyncset.done $0x0  }
0x43: {  	[sflag:s9] =	ssyncadd.s32 $0xFFFFFD80  }
0x44: {  	[tilespmem:s3], [sflag:$0x1] =	stream.linear.gather [hbm4b:s5+s3], $0x2800, $0x38;
	[tilespmem:$0x2D80] =	vst v63  }
0x45: {  	_ =	swait.ge [sflag:s9], $0x2800  }
0x46: {  	[sflag:s9] =	ssyncset.done $0x0  }
0x47: {  	[sflag:s9] =	ssyncadd.s32 $0xFFFFD800  }
0x48: {  	s17 =	simm.s32 $0x0;
	[bflag:$0x0] =	sbarrier.arrive $0xFFFF  }
0x49: {  	[spmem:s2] =	stream.indirect.scatter.add.f32 [tilespmem:s11], [sflag:$0x1], $0x1, s17, s10, $0xb8;
	[tilespmem:$0x2D80] =	vst v63  }
0x4a: {  	_ =	swait.ge [sflag:s9], $0x7D  }
0x4b: {  	s17 =	simm.s32 $0x200;
	[sflag:s9] =	ssyncset.done $0x0  }
.LBB2_2:
0x4c: {  	s18 =	sshra.s32 s17, $0x2;
	[sflag:s9] =	ssyncadd.s32 $0xFFFFFF83;
	p0 =	sne.s32 s17, $0x9E00  }
0x4d: {  	[spmem:s2] =	stream.indirect.scatter.add.f32 [tilespmem:s11], [sflag:$0x1], $0x1, s18, s10, $0xb8;
	[tilespmem:$0x2D80] =	vst v63  }
.Ltmp0:
0x4e: {  	_ = 	snop;
	(pc) =	sbr.rel @p0 .LBB2_2-.Ltmp0, $4  }
0x4f: {  	_ = 	snop  }
0x50: {  	s17 =	sadd.s32 $0x200, s17  }
0x51: {  	_ =	swait.ge [sflag:s9], $0x7D  }
0x52: {  	[sflag:s9] =	ssyncset.done $0x0  }
0x53: {  	s16 =	sadd.s32 $0x1, s16  }
0x54: {  	[sflag:s9] =	ssyncadd.s32 $0xFFFFFF83;
	p0 =	sne.s32 s16, s7  }
.Ltmp1:
0x55: {  	[bflag:$0x0] =	sbarrier.arrive $0xFFFF;
	(pc) =	sbr.rel @p0 .LBB2_1-.Ltmp1, $4  }
0x56: {  	[hbm:s6@s14], [sflag:s12] =	dma.strided [spmem:s13@s15], $0x50, s9, $0x10   }
0x57: {  	_ =	swait.ge [sflag:s9], $0x50  }
0x58: {  	[sflag:s9] =	ssyncset.done $0x0  }
0x59: {  	[sflag:s9] =	ssyncadd.s32 $0xFFFFFFB0  }
0x5a: {  	_ =	sfence.sel $0x180000  }
0x5b: {  	[bflag:$0x0] =	sbarrier.arrive $0xFFFF  }
0x5c: {  	p0 =	sne.s32 s1, $0x0;
	_ =	strace $0x90000047  }
0x5d: {  	s0 =	sadd.s32 @!p0 $0x100000, s0;
	[bflag:$0x2] =	sbarrier.arrive $0xFFFF  }
0x5e: {  	[sflag:s0] =	ssyncadd.tile.s32 @!p0 $0x1;
	_ =	shalt  }
.Lfunc_end2:
_tile_overlayer_lowered:
.L_overlay_start_2:
0x5f: {  	(tag) =	ssettag $0x2  }
0x60: {  	s0 =	rddreg [dreg:$0x0];
	s2 =	stileid.u32  }
0x61: {  	s1 =	rddreg [dreg:$0x1];
	p0 =	sne.s32 s2, $0x0  }
0x62: {  	s3 =	rddreg [dreg:$0x2];
	[bflag:$0x3] =	sbarrier.arrive $0xFFFF;
	s2 =	simm.s32 @!p0 $0x1C01  }
0x63: {  	[timem:s3], [sflag:s2] =	dma.local @!p0 [hbm:s0], s1  }
0x64: {  	s0 =	simm.s32 @!p0 $0x1  }
0x65: {  	_ =	swait.ge @!p0 [sflag:s0], s1  }
0x66: {  	s1 =	ssub.s32 @!p0 $0x0, s1;
	[sflag:s0] =	ssyncset.done @!p0 $0x0  }
0x67: {  	[sflag:s0] =	ssyncadd.s32 @!p0 s1  }
0x68: {  	[bflag:$0x3] =	sbarrier.arrive $0xFFFF  }
0x69: {  	_ =	shalt  }

// kernel: kernel.13.cloned.1.call-start
scs
__scs_entry_jumppad:
0x0: {  	(pc) =	sbr.rel $0x88, $3  }
0x1: {  	(tag) =	ssettag $0x0;
	lr =	simm.s32 $0x1  }
0x2: {  	[smem:$0x3F97] =	sst lr;
	_ =	strace $0xD0000000  }
0x3: {  	_ = 	snop  }
0x4: {  	_ = 	snop  }
0x5: {  	_ = 	snop  }
0x6: {  	_ = 	snop  }
0x7: {  	_ = 	snop  }
__scs_overlays_trampoline_lowered:
0x8: {  	[smem:$0x3FA6] =	sst s0  }
0x9: {  	[smem:$0x3FA7] =	sst s1  }
0xa: {  	[smem:$0x3FA8] =	sst s2  }
0xb: {  	[smem:$0x3FA9] =	sst s3  }
0xc: {  	[smem:$0x3FAA] =	sst s4  }
0xd: {  	[smem:$0x3FAB] =	sst s5  }
0xe: {  	[smem:$0x3FAC] =	sst s6  }
0xf: {  	[smem:$0x3FAD] =	sst s7  }
0x10: {  	[smem:$0x3FAE] =	sst s8  }
0x11: {  	[smem:$0x3FAF] =	sst s9;
	s0 =	simm.s32 @!p0 $0x0  }
0x12: {  	s1 =	sld [smem:$0x3F95];
	s0 =	simm.s32 @p0 $0x1  }
0x13: {  	[smem:$0x3FB0] =	sst s0;
	s0 =	simm.s32 @!p1 $0x0  }
0x14: {  	s2 =	sld [smem:$0x3F94];
	s0 =	simm.s32 @p1 $0x1  }
0x15: {  	[smem:$0x3FB1] =	sst s0;
	s0 =	simm.s32 @!p2 $0x0  }
0x16: {  	s3 =	sld [smem:$0x3FDB];
	s0 =	simm.s32 @p2 $0x1  }
0x17: {  	s4 =	simm.s32 $0x1BF5;
	[smem:$0x3FB3] =	sst s0  }
0x18: {  	s0 =	sld [smem:$0x3F96];
	_ =	swait.ge [sflag:s4], $0x0  }
0x19: {  	s7 =	sld [smem:$0x3F97]  }
0x1a: {  	s8 =	sadd.s32 $0xFFFFE003, lr  }
0x1b: {  	s9 =	sadd.s32 $0xFFFFFEF7, lr;
	s5 =	simm.s32 $0xFFFFFFFF;
	p2 =	slt.u32 s8, $0xFFFFF086  }
0x1c: {  	p1 =	slt.u32 s9, $0xF7A;
	s5 =	simm.s32 @!p2 $0x0  }
0x1d: {  	s5 =	simm.s32 @p1 $0x1;
	p0 =	seq.s32 s7, s2  }
0x1e: {  	s7 =	smul.u32 @!p0 $0xF7A, s2;
	p2 =	seq.s32 @!p0 s5, $0x0  }
0x1f: {  	s9 =	smul.u32 $0xF7A, s1;
	s8 =	simm.s32 @!p0 $0x1BF5;
	p2 =	por !p2, p0  }
0x20: {  	[sflag:s8] =	ssyncset.s32 @!p0 $0xFFFFF086;
	s6 =	sadd.s32 @!p0 s3, s7;
	s7 =	simm.s32 @!p0 $0x108  }
0x21: {  	s3 =	sadd.s32 s3, s9;
	s6 =	sadd.s32 @!p0 $0x88, s6;
	s7 =	simm.s32 @p2 $0x1082  }
0x22: {  	[simem:s7], [sflag:s8] =	dma.local @!p0 [hbm:s6], $0xF7A  }
0x23: {  	s9 =	sor.u32 $0xD0000000, s2;
	s6 =	simm.s32 $0x108;
	_ =	swait.ge @!p0 [sflag:s8], $0x0  }
0x24: {  	s3 =	sadd.s32 $0x88, s3;
	s6 =	simm.s32 @!p1 $0x1082;
	[sflag:s4] =	ssyncset.s32 $0xFFFFF086  }
0x25: {  	[simem:s6], [sflag:s4] =	dma.local [hbm:s3], $0xF7A  }
0x26: {  	[smem:$0x3F97] =	sst s1;
	(tag) =	ssettag s2;
	_ =	strace s9  }
0x27: {  	s1 =	sld [smem:$0x3FA7]  }
0x28: {  	s2 =	sld [smem:$0x3FA8]  }
0x29: {  	s4 =	sld [smem:$0x3FAA]  }
0x2a: {  	p0 =	seq.s32 s5, $0x0;
	s5 =	sld [smem:$0x3FAB]  }
0x2b: {  	s6 =	sld [smem:$0x3FAC]  }
0x2c: {  	s7 =	sld [smem:$0x3FAD]  }
0x2d: {  	s3 =	simm.s32 $0x108;
	s8 =	sld [smem:$0x3FAE]  }
0x2e: {  	s3 =	simm.s32 @!p0 $0x1082;
	s9 =	sld [smem:$0x3FAF]  }
0x2f: {  	lr =	sadd.s32 s0, s3;
	s0 =	sld [smem:$0x3FA6]  }
0x30: {  	s3 =	sld [smem:$0x3FA9]  }
0x31: {  	[smem:$0x3FB2] =	sst s10  }
0x32: {  	s10 =	sld [smem:$0x3FB0];
	_ =	sdelay $0x3  }
0x33: {  	p0 =	seq.s32 s10, $0x1;
	s10 =	sld [smem:$0x3FB2];
	_ =	sdelay $0x3  }
0x34: {  	[smem:$0x3FB2] =	sst s10  }
0x35: {  	s10 =	sld [smem:$0x3FB1];
	_ =	sdelay $0x3  }
0x36: {  	p1 =	seq.s32 s10, $0x1;
	s10 =	sld [smem:$0x3FB2];
	_ =	sdelay $0x3  }
0x37: {  	[smem:$0x3FB2] =	sst s10  }
0x38: {  	s10 =	sld [smem:$0x3FB3]  }
0x39: {  	_ = 	snop;
	(pc) =	sbr.ind lr, $3  }
0x3a: {  	_ = 	snop  }
0x3b: {  	_ = 	snop  }
0x3c: {  	p2 =	seq.s32 s10, $0x1;
	s10 =	sld [smem:$0x3FB2]  }
0x3d: {  	_ =	shalt  }
0x3e: {  	_ =	shalt  }
0x3f: {  	_ =	shalt  }
0x40: {  	_ =	shalt  }
0x41: {  	_ =	shalt  }
0x42: {  	_ =	shalt  }
0x43: {  	_ =	shalt  }
0x44: {  	_ =	shalt  }
0x45: {  	_ =	shalt  }
0x46: {  	_ =	shalt  }
0x47: {  	_ =	shalt  }
0x48: {  	_ =	shalt  }
0x49: {  	_ =	shalt  }
0x4a: {  	_ =	shalt  }
0x4b: {  	_ =	shalt  }
0x4c: {  	_ =	shalt  }
0x4d: {  	_ =	shalt  }
0x4e: {  	_ =	shalt  }
0x4f: {  	_ =	shalt  }
0x50: {  	_ =	shalt  }
0x51: {  	_ =	shalt  }
0x52: {  	_ =	shalt  }
0x53: {  	_ =	shalt  }
0x54: {  	_ =	shalt  }
0x55: {  	_ =	shalt  }
0x56: {  	_ =	shalt  }
0x57: {  	_ =	shalt  }
0x58: {  	_ =	shalt  }
0x59: {  	_ =	shalt  }
0x5a: {  	_ =	shalt  }
0x5b: {  	_ =	shalt  }
0x5c: {  	_ =	shalt  }
0x5d: {  	_ =	shalt  }
0x5e: {  	_ =	shalt  }
0x5f: {  	_ =	shalt  }
0x60: {  	_ =	shalt  }
0x61: {  	_ =	shalt  }
0x62: {  	_ =	shalt  }
0x63: {  	_ =	shalt  }
0x64: {  	_ =	shalt  }
0x65: {  	_ =	shalt  }
0x66: {  	_ =	shalt  }
0x67: {  	_ =	shalt  }
0x68: {  	_ =	shalt  }
0x69: {  	_ =	shalt  }
0x6a: {  	_ =	shalt  }
0x6b: {  	_ =	shalt  }
0x6c: {  	_ =	shalt  }
0x6d: {  	_ =	shalt  }
0x6e: {  	_ =	shalt  }
0x6f: {  	_ =	shalt  }
0x70: {  	_ =	shalt  }
0x71: {  	_ =	shalt  }
0x72: {  	_ =	shalt  }
0x73: {  	_ =	shalt  }
0x74: {  	_ =	shalt  }
0x75: {  	_ =	shalt  }
0x76: {  	_ =	shalt  }
0x77: {  	_ =	shalt  }
0x78: {  	_ =	shalt  }
0x79: {  	_ =	shalt  }
0x7a: {  	_ =	shalt  }
0x7b: {  	_ =	shalt  }
0x7c: {  	_ =	shalt  }
0x7d: {  	_ =	shalt  }
0x7e: {  	_ =	shalt  }
0x7f: {  	_ =	shalt  }
0x80: {  	_ =	shalt  }
0x81: {  	_ =	shalt  }
0x82: {  	_ =	shalt  }
0x83: {  	_ =	shalt  }
0x84: {  	_ =	shalt  }
0x85: {  	_ =	shalt  }
0x86: {  	_ =	shalt  }
0x87: {  	_ =	shalt  }
.Lfunc_end0:
.L_simem_size_0:
called_computation.1_lowered:
.L_overlay_start_0:
0x88: {  	s2 =	sld [smem:$0x3FD9]  }
0x89: {  	s3 =	sld [smem:$0x3FFE];
	_ =	sdelay $0x1  }
0x8a: {  	s1 =	srdreg.scid  }
0x8b: {  	s0 =	sand.u32 $0x1, s1  }
0x8c: {  	s17 =	sshll.u32 s0, $0xA;
	s2 =	sadd.s32 s3, s2  }
0x8d: {  	s2 =	sadd.s32 s2, s17  }
0x8e: {  	[smem:$0x3FBE] =	sst s2  }
0x8f: {  	_ = 	snop  }
0x90: {  	s2 =	sld [smem:$0x3FD0];
	(tm) =	ssettm $0x1  }
0x91: {  	s18 =	sld [smem:$0x3FFB];
	_ =	sdelay $0x3  }
0x92: {  	_ =	strace s18  }
0x93: {  	s3 =	sld [smem:$0x3FFC];
	_ =	sdelay $0x3  }
0x94: {  	_ =	strace s3  }
0x95: {  	s3 =	sld [smem:$0x3FFD];
	_ =	sdelay $0x3  }
0x96: {  	_ =	strace s3  }
0x97: {  	_ =	strace $0x8FFFFFFF  }
0x98: {  	s19 =	sld [smem:$0x3FDB];
	_ =	sdelay $0x1  }
0x99: {  	s4 =	simm.s32 $_scs_section_size  }
0x9a: {  	s5 =	simm.s32 $_size__tile_overlayer_lowered;
	s6 =	simm.s32 $_tile_overlayer_lowered  }
0x9b: {  	s22 =	simm.s32 $0x1BFF;
	s21 =	sshll.u32 s6, $0x1;
	s3 =	sadd.s32 s4, s19  }
0x9c: {  	s7 =	simm.s32 $0x0;
	s20 =	sshll.u32 s5, $0x1;
	s5 =	sadd.s32 s21, s3  }
0x9d: {  	[timem:s7], [sflag:s22] =	dma.local [hbm:s5], s20  }
0x9e: {  	_ =	swait.ge [sflag:s22], s20  }
0x9f: {  	s4 =	ssub.s32 $0x0, s20;
	[sflag:s22] =	ssyncset.done $0x0  }
0xa0: {  	[sflag:s22] =	ssyncadd.s32 s4;
	_ =	sdelay $0x1  }
0xa1: {  	s23 =	simm.s32 $0x1B8B  }
0xa2: {  	_ =	swait.ge [sflag:s23], $0x1  }
0xa3: {  	[sflag:s23] =	ssyncset.done $0x0  }
0xa4: {  	s25 =	simm.s32 $0x1B8E;
	s24 =	sld [smem:$0x3FFE];
	[sflag:s23] =	ssyncadd.s32 $0xFFFFFFFF  }
0xa5: {  	s26 =	simm.s32 $execute0_lowered;
	[smem:$0x3FD2] =	sst s25  }
0xa6: {  	s5 =	sshll.u32 s26, $0x1;
	_ =	strace $0x80000049;
	[dreg:$0x1] =	wrdreg $0xFFFFFFFF  }
0xa7: {  	s28 =	simm.s32 $_size_execute0_lowered;
	s3 =	sadd.s32 s3, s5;
	[dreg:$0x0] =	wrdreg $0x0  }
0xa8: {  	s5 =	sshll.u32 s28, $0x1;
	[dreg:$0x2] =	wrdreg s3  }
0xa9: {  	[dreg:$0x3] =	wrdreg s5  }
0xaa: {  	[dreg:$0x4] =	wrdreg $0xC0  }
0xab: {  	_ =	task [dreg:s7], $0x5FFFF  }
0xac: {  	[dreg:$0x1] =	wrdreg $0xFFFFFFFF  }
0xad: {  	[dreg:$0x0] =	wrdreg $0x60  }
0xae: {  	[dreg:$0x2] =	wrdreg s24  }
0xaf: {  	[dreg:$0x3] =	wrdreg s2  }
0xb0: {  	[dreg:$0x4] =	wrdreg $0xC2000  }
0xb1: {  	[dreg:$0x5] =	wrdreg $0x9  }
0xb2: {  	_ =	task.clear_ibuf [dreg:s7], $0x6FFFF;
	_ =	strace $0x90000049  }
0xb3: {  	s29 =	simm.s32 $0x9;
	_ =	strace $0x8000004B  }
0xb4: {  	_ =	swait.ge [sflag:s29], $0x1  }
0xb5: {  	[sflag:s29] =	ssyncadd.s32 $0xFFFFFFFF  }
0xb6: {  	_ =	strace $0x9000004B  }
0xb7: {  	_ =	sfence  }
0xb8: {  	s30 =	sld [smem:$0x0];
	_ =	sdelay $0x2  }
0xb9: {  	s31 =	sshll.u32 s1, $0xD;
	s1 =	sshrl.u32 s1, $0x2  }
0xba: {  	s3 =	sand.u32 $0x4000, s31;
	s1 =	sadd.s32 s1, s30  }
0xbb: {  	s0 =	sor.u32 s3, s0;
	s1 =	sshll.u32 s1, $0x11  }
0xbc: {  	s0 =	sor.u32 s1, s0  }
0xbd: {  	s0 =	sadd.s32 $0x8F2B, s0  }
0xbe: {  	[sflag:s0] =	ssyncadd.remote.s32 $0x1  }
0xbf: {  	_ =	sfence.sel $0xFFFF  }
0xc0: {  	[dreg:$0x0] =	wrdreg $0xFFFFFFFF;
	(pc) =	sbr.abs _section_cstart, $3  }
0xc1: {  	[dreg:$0x1] =	wrdreg $0xFFFFFFFF  }
0xc2: {  	_ =	task.clear_ibuf [dreg:s7], $0x2FFFF;
	_ =	strace $0x9FFFFFFF  }
0xc3: {  	(tm) =	ssettm $0x7FFFFFFF  }
tec
execute0_lowered:
.L_overlay_start_1:
0x0: {  	(tag) =	ssettag $0x1  }
0x1: {  	s0 =	rddreg [dreg:$0x0];
	s10 =	stileid.u32  }
0x2: {  	s1 =	srdreg.scid;
	s8 =	smul.u32 $0x13C00, s10  }
0x3: {  	s1 =	sand.u32 $0x1, s1;
	s4 =	sshll.u32 s10, $0x1;
	s10 =	smul.u32 $0x4F000, s10  }
0x4: {  	s2 =	rddreg [dreg:$0x1];
	s5 =	sor.u32 s1, s4;
	s7 =	smul.u32 $0x13C000, s1  }
0x5: {  	s3 =	rddreg [dreg:$0x2];
	s5 =	smul.u32 $0x2800, s5  }
0x6: {  	s6 =	sadd.s32 $0xD600, s0;
	s4 =	simm.s32 $0x0;
	s7 =	sadd.s32 s8, s7  }
0x7: {  	s10 =	sshrl.u32 s10, $0x2;
	s9 =	sshrl.u32 s5, $0x3;
	s7 =	sshrl.u32 s7, $0x3  }
0x8: {  	s11 =	sadd.s32 s9, s0;
	s0 =	sadd.s32 s7, s0;
	s7 =	sadd.s32 s10, s3  }
0x9: {  	[smem:$0x7FF] =	sst s4;
	s12 =	sadd.s32 $0x1800, s7  }
0xa: {  	_ =	strace $0x8000004A;
	s13 =	sadd.s32 $0x3000, s7;
	[dreg:$0x4] =	wrdreg s12  }
0xb: {  	s14 =	sadd.s32 $0x4800, s7;
	[dreg:$0x5] =	wrdreg s13  }
0xc: {  	s15 =	sadd.s32 $0x6000, s7;
	[dreg:$0x6] =	wrdreg s14  }
0xd: {  	s16 =	sadd.s32 $0x7800, s7;
	[dreg:$0x7] =	wrdreg s15  }
0xe: {  	s29 =	simm.s32 $0xAA00;
	s17 =	sadd.s32 $0x9000, s7;
	[dreg:$0x8] =	wrdreg s16  }
0xf: {  	s30 =	simm.s32 $0x7;
	s18 =	sadd.s32 $0xA800, s7;
	[dreg:$0x9] =	wrdreg s17  }
0x10: {  	s31 =	simm.s32 $0x1;
	s19 =	sadd.s32 $0xC000, s7;
	[dreg:$0xa] =	wrdreg s18  }
0x11: {  	s1 =	ssub.s32 $0x2, s1;
	s20 =	sadd.s32 $0xD800, s7;
	[dreg:$0xb] =	wrdreg s19  }
0x12: {  	s26 =	sshrl.u32 s1, $0x1;
	s21 =	sadd.s32 $0xF000, s7;
	[dreg:$0xc] =	wrdreg s20  }
0x13: {  	s1 =	ssub.s32 s1, s26;
	s22 =	sadd.s32 $0x10800, s7;
	[dreg:$0xd] =	wrdreg s21  }
0x14: {  	s8 =	simm.s32 $0x2980;
	s23 =	sadd.s32 $0x12000, s7;
	[dreg:$0xe] =	wrdreg s22  }
0x15: {  	s10 =	simm.s32 $0x2A00;
	s24 =	sadd.s32 $0x13800, s7;
	[dreg:$0xf] =	wrdreg s23  }
0x16: {  	s25 =	sadd.s32 $0x3600, s11;
	s0 =	sadd.s32 $0x34800, s0;
	[dreg:$0x10] =	wrdreg s24  }
0x17: {  	s11 =	simm.s32 $0x6A00;
	[dreg:$0x11] =	wrdreg s25;
	s22 =	sadd.s32 s2, s9  }
.Ltmp0:
0x18: {  	[dreg:$0x13] =	wrdreg s0;
	s25 =	smax.u32 s1, $0x1;
	(pc) =	sbr.rel .LBB2_1-.Ltmp0, $4  }
0x19: {  	s1 =	simm.s32 $0x2800;
	s0 =	simm.s32 $0x2880;
	s9 =	simm.s32 $0x7D  }
0x1a: {  	s12 =	simm.s32 $0x3;
	s13 =	simm.s32 $0x2;
	s14 =	simm.s32 $0x4  }
0x1b: {  	s15 =	simm.s32 $0x6;
	s16 =	simm.s32 $0x0;
	s26 =	sadd.s32 $0x10, s22  }
0x1c: {  	v0 =	vimm.f32 $0.0e+00;
	s28 =	sadd.s32 $0x30, s22;
	[dreg:$0x12] =	wrdreg s26;
	s26 =	sadd.s32 $0x20, s22  }
.LBB2_6:
0x1d: {  	s17 =	stileid.u32;
	[bflag:$0x0] =	sbarrier.arrive $0xFFFF;
	s16 =	sadd.s32 $0x1, s16  }
0x1e: {  	s18 =	sshrl.u32 s7, $0x3;
	s17 =	sshll.u32 s17, $0x6;
	p0 =	sne.s32 s16, s25  }
.Ltmp1:
0x1f: {  	s19 =	rddreg [dreg:$0x13];
	s17 =	sor.u32 $0x1C07, s17;
	(pc) =	sbr.rel @!p0 .LBB2_7-.Ltmp1, $4  }
0x20: {  	[hbm:s19], [sflag:s17] =	dma.local [spmem:s18], $0x2780  }
0x21: {  	_ =	swait.ge [sflag:s30], $0x2780  }
0x22: {  	[sflag:s30] =	ssyncset.done $0x0  }
0x23: {  	[sflag:s30] =	ssyncadd.s32 $0xFFFFD880  }
.LBB2_1:
0x24: {  	s17 =	simm.s32 $0x0;
	s18 =	simm.s32 $0x200  }
.LBB2_2:
0x25: {  	p0 =	sne.s32 s18, $0x5E00;
	[tilespmem:s17+$0xAA70] =	vst v0  }
0x26: {  	[tilespmem:s17+$0xAA00] =	vst v0  }
0x27: {  	[tilespmem:s17+$0xAA10] =	vst v0  }
.Ltmp2:
0x28: {  	[tilespmem:s17+$0xAA20] =	vst v0;
	(pc) =	sbr.rel @p0 .LBB2_2-.Ltmp2, $4  }
0x29: {  	[tilespmem:s17+$0xAA30] =	vst v0  }
0x2a: {  	[tilespmem:s17+$0xAA40] =	vst v0  }
0x2b: {  	[tilespmem:s17+$0xAA50] =	vst v0  }
0x2c: {  	[tilespmem:s17+$0xAA60] =	vst v0;
	s17 =	sshra.s32 s18, $0x2;
	s18 =	sadd.s32 $0x200, s18  }
0x2d: {  	[tilespmem:s17+$0xAA70] =	vst v0  }
0x2e: {  	[tilespmem:s17+$0xAA00] =	vst v0  }
0x2f: {  	[tilespmem:s17+$0xAA10] =	vst v0  }
0x30: {  	[tilespmem:s17+$0xAA20] =	vst v0  }
0x31: {  	[tilespmem:s17+$0xAA30] =	vst v0  }
0x32: {  	[tilespmem:s17+$0xAA40] =	vst v0  }
0x33: {  	[tilespmem:s17+$0xAA50] =	vst v0  }
0x34: {  	[tilespmem:s17+$0xAA60] =	vst v0  }
0x35: {  	[spmem:s7] =	stream.linear.scatter [tilespmem:s29], [sflag:$0x1], $0x1800, $0x38;
	[tilespmem:$0x1FE00] =	vst v63  }
0x36: {  	s19 =	rddreg [dreg:$0x4]  }
0x37: {  	[spmem:s19] =	stream.linear.scatter [tilespmem:s29], [sflag:$0x1], $0x1800, $0x38;
	[tilespmem:$0x1FE00] =	vst v63  }
0x38: {  	s20 =	rddreg [dreg:$0x5]  }
0x39: {  	[spmem:s20] =	stream.linear.scatter [tilespmem:s29], [sflag:$0x1], $0x1800, $0x38;
	[tilespmem:$0x1FE00] =	vst v63  }
0x3a: {  	s21 =	rddreg [dreg:$0x6]  }
0x3b: {  	[spmem:s21] =	stream.linear.scatter [tilespmem:s29], [sflag:$0x1], $0x1800, $0x38;
	[tilespmem:$0x1FE00] =	vst v63  }
0x3c: {  	s23 =	rddreg [dreg:$0x7]  }
0x3d: {  	[spmem:s23] =	stream.linear.scatter [tilespmem:s29], [sflag:$0x1], $0x1800, $0x38;
	[tilespmem:$0x1FE00] =	vst v63  }
0x3e: {  	s24 =	rddreg [dreg:$0x8]  }
0x3f: {  	[spmem:s24] =	stream.linear.scatter [tilespmem:s29], [sflag:$0x1], $0x1800, $0x38;
	[tilespmem:$0x1FE00] =	vst v63  }
0x40: {  	s18 =	rddreg [dreg:$0x9]  }
0x41: {  	[spmem:s18] =	stream.linear.scatter [tilespmem:s29], [sflag:$0x1], $0x1800, $0x38;
	[tilespmem:$0x1FE00] =	vst v63  }
0x42: {  	s19 =	rddreg [dreg:$0xa]  }
0x43: {  	[spmem:s19] =	stream.linear.scatter [tilespmem:s29], [sflag:$0x1], $0x1800, $0x38;
	[tilespmem:$0x1FE00] =	vst v63  }
0x44: {  	s20 =	rddreg [dreg:$0xb]  }
0x45: {  	[spmem:s20] =	stream.linear.scatter [tilespmem:s29], [sflag:$0x1], $0x1800, $0x38;
	[tilespmem:$0x1FE00] =	vst v63  }
0x46: {  	s21 =	rddreg [dreg:$0xc]  }
0x47: {  	[spmem:s21] =	stream.linear.scatter [tilespmem:s29], [sflag:$0x1], $0x1800, $0x38;
	[tilespmem:$0x1FE00] =	vst v63  }
0x48: {  	s23 =	rddreg [dreg:$0xd]  }
0x49: {  	[spmem:s23] =	stream.linear.scatter [tilespmem:s29], [sflag:$0x1], $0x1800, $0x38;
	[tilespmem:$0x1FE00] =	vst v63  }
0x4a: {  	s24 =	rddreg [dreg:$0xe]  }
0x4b: {  	[spmem:s24] =	stream.linear.scatter [tilespmem:s29], [sflag:$0x1], $0x1800, $0x38;
	[tilespmem:$0x1FE00] =	vst v63  }
0x4c: {  	s18 =	rddreg [dreg:$0xf]  }
0x4d: {  	[spmem:s18] =	stream.linear.scatter [tilespmem:s29], [sflag:$0x1], $0x1800, $0x38;
	[tilespmem:$0x1FE00] =	vst v63  }
0x4e: {  	s19 =	rddreg [dreg:$0x10]  }
0x4f: {  	[spmem:s19] =	stream.linear.scatter [tilespmem:s29], [sflag:$0x1], $0x400, $0x38;
	[tilespmem:$0x1FE00] =	vst v63  }
0x50: {  	s20 =	rddreg [dreg:$0x11]  }
0x51: {  	[tilespmem:s4], [sflag:$0x7] =	stream.linear.gather [hbm4b:s20+s4], $0x2800, $0x38;
	[tilespmem:$0x1FE00] =	vst v63  }
0x52: {  	_ =	swait.ge [sflag:s30], $0x2800  }
0x53: {  	[sflag:s30] =	ssyncset.done $0x0  }
0x54: {  	[sflag:s30] =	ssyncadd.s32 $0xFFFFD800  }
0x55: {  	_ =	swait.ge [sflag:s31], $0x1800  }
0x56: {  	[sflag:s31] =	ssyncset.done $0x0  }
0x57: {  	[sflag:s31] =	ssyncadd.s32 $0xFFFFE800  }
0x58: {  	_ =	swait.ge [sflag:s31], $0x1800  }
0x59: {  	[sflag:s31] =	ssyncset.done $0x0  }
0x5a: {  	[sflag:s31] =	ssyncadd.s32 $0xFFFFE800  }
0x5b: {  	_ =	swait.ge [sflag:s31], $0x1800  }
0x5c: {  	[sflag:s31] =	ssyncset.done $0x0  }
0x5d: {  	[sflag:s31] =	ssyncadd.s32 $0xFFFFE800  }
0x5e: {  	_ =	swait.ge [sflag:s31], $0x1800  }
0x5f: {  	[sflag:s31] =	ssyncset.done $0x0  }
0x60: {  	[sflag:s31] =	ssyncadd.s32 $0xFFFFE800  }
0x61: {  	_ =	swait.ge [sflag:s31], $0x1800  }
0x62: {  	[sflag:s31] =	ssyncset.done $0x0  }
0x63: {  	[sflag:s31] =	ssyncadd.s32 $0xFFFFE800  }
0x64: {  	_ =	swait.ge [sflag:s31], $0x1800  }
0x65: {  	[sflag:s31] =	ssyncset.done $0x0  }
0x66: {  	[sflag:s31] =	ssyncadd.s32 $0xFFFFE800  }
0x67: {  	_ =	swait.ge [sflag:s31], $0x1800  }
0x68: {  	[sflag:s31] =	ssyncset.done $0x0  }
0x69: {  	[sflag:s31] =	ssyncadd.s32 $0xFFFFE800  }
0x6a: {  	_ =	swait.ge [sflag:s31], $0x1800  }
0x6b: {  	[sflag:s31] =	ssyncset.done $0x0  }
0x6c: {  	[sflag:s31] =	ssyncadd.s32 $0xFFFFE800  }
0x6d: {  	_ =	swait.ge [sflag:s31], $0x1800  }
0x6e: {  	[sflag:s31] =	ssyncset.done $0x0  }
0x6f: {  	[sflag:s31] =	ssyncadd.s32 $0xFFFFE800  }
0x70: {  	_ =	swait.ge [sflag:s31], $0x1800  }
0x71: {  	[sflag:s31] =	ssyncset.done $0x0  }
0x72: {  	[sflag:s31] =	ssyncadd.s32 $0xFFFFE800  }
0x73: {  	_ =	swait.ge [sflag:s31], $0x1800  }
0x74: {  	[sflag:s31] =	ssyncset.done $0x0  }
0x75: {  	[sflag:s31] =	ssyncadd.s32 $0xFFFFE800  }
0x76: {  	_ =	swait.ge [sflag:s31], $0x1800  }
0x77: {  	[sflag:s31] =	ssyncset.done $0x0  }
0x78: {  	[sflag:s31] =	ssyncadd.s32 $0xFFFFE800  }
0x79: {  	_ =	swait.ge [sflag:s31], $0x1800  }
0x7a: {  	[sflag:s31] =	ssyncset.done $0x0  }
0x7b: {  	[sflag:s31] =	ssyncadd.s32 $0xFFFFE800  }
0x7c: {  	_ =	swait.ge [sflag:s31], $0x400  }
0x7d: {  	[sflag:s31] =	ssyncset.done $0x0  }
0x7e: {  	[sflag:s31] =	ssyncadd.s32 $0xFFFFFC00  }
0x7f: {  	[bflag:$0x0] =	sbarrier.arrive $0xFFFF  }
0x80: {  	[tilespmem:s1], [sflag:$0x3] =	stream.linear.gather [hbm4b:s22+s4], $0x80, $0x38;
	[tilespmem:$0x1FE00] =	vst v63  }
0x81: {  	s21 =	rddreg [dreg:$0x12]  }
0x82: {  	[tilespmem:s0], [sflag:$0x4] =	stream.linear.gather [hbm4b:s21+s4], $0x80, $0x38;
	[tilespmem:$0x1FE00] =	vst v63  }
0x83: {  	s23 =	simm.s32 $0x2900  }
0x84: {  	[tilespmem:s23], [sflag:$0x5] =	stream.linear.gather [hbm4b:s26+s4], $0x80, $0x38;
	[tilespmem:$0x1FE00] =	vst v63  }
0x85: {  	_ = 	snop  }
0x86: {  	[tilespmem:s8], [sflag:$0x6] =	stream.linear.gather [hbm4b:s28+s4], $0x80, $0x38;
	[tilespmem:$0x1FE00] =	vst v63  }
0x87: {  	_ = 	snop  }
0x88: {  	[tilespmem:s10], [sflag:$0x1] =	stream.indirect.gather [hbm4b:s6+s9], $0x80, s4, s9, $0xb8;
	[tilespmem:$0x1FE00] =	vst v63  }
0x89: {  	s17 =	simm.s32 $0x380;
	s24 =	simm.s32 $0x80;
	s18 =	simm.s32 $0x280  }
0x8a: {  	[tilespmem:s11], [sflag:$0x2] =	stream.indirect.gather [hbm4b:s6+s9], $0x80, s24, s9, $0xb8;
	[tilespmem:$0x1FE00] =	vst v63  }
.LBB2_4:
0x8b: {  	_ =	swait.ge [sflag:s31], $0x3E80  }
0x8c: {  	[sflag:s31] =	ssyncset.done $0x0  }
0x8d: {  	[sflag:s31] =	ssyncadd.s32 $0xFFFFC180  }
0x8e: {  	_ =	swait.ge [sflag:s12], $0x80  }
0x8f: {  	[sflag:s12] =	ssyncset.done $0x0  }
0x90: {  	[sflag:s12] =	ssyncadd.s32 $0xFFFFFF80  }
0x91: {  	[spmem:s3] =	stream.indirect.scatter.add.f32 [tilespmem:s10], [sflag:$0x7], $0x80, s1, s9, $0xb8;
	[tilespmem:$0x1FE00] =	vst v63  }
0x92: {  	_ =	swait.ge [sflag:s30], $0x3E80  }
0x93: {  	[sflag:s30] =	ssyncset.done $0x0  }
0x94: {  	s19 =	sadd.s32 $0xFFFFFE80, s18;
	p0 =	seq.s32 s17, $0x2980;
	[sflag:s30] =	ssyncadd.s32 $0xFFFFC180  }
0x95: {  	[tilespmem:s10], [sflag:$0x1] =	stream.indirect.gather [hbm4b:s6+s9], $0x80, s19, s9, $0xb8;
	[tilespmem:$0x1FE00] =	vst v63  }
0x96: {  	s19 =	sadd.s32 @!p0 $0xFFFFFE80, s17  }
0x97: {  	s20 =	sand.u32 @!p0 $0x7C00, s19  }
0x98: {  	s19 =	sand.u32 @!p0 $0x200, s19;
	s20 =	sadd.s32 @!p0 s5, s20  }
0x99: {  	s19 =	sor.u32 @!p0 s19, s20  }
0x9a: {  	s19 =	sshrl.u32 @!p0 s19, $0x3  }
0x9b: {  	s21 =	simm.s32 @!p0 $0x2800;
	s20 =	sadd.s32 @!p0 s2, s19;
	s19 =	simm.s32 @!p0 $0x0  }
0x9c: {  	[tilespmem:s21], [sflag:$0x3] =	stream.linear.gather @!p0 [hbm4b:s20+s19], $0x80, $0x38;
	[tilespmem:$0x1FE00] =	vst v63  }
0x9d: {  	_ =	swait.ge [sflag:s13], $0x3E80  }
0x9e: {  	[sflag:s13] =	ssyncset.done $0x0  }
0x9f: {  	[sflag:s13] =	ssyncadd.s32 $0xFFFFC180  }
0xa0: {  	_ =	swait.ge [sflag:s14], $0x80  }
0xa1: {  	[sflag:s14] =	ssyncset.done $0x0  }
0xa2: {  	[sflag:s14] =	ssyncadd.s32 $0xFFFFFF80  }
0xa3: {  	[spmem:s3] =	stream.indirect.scatter.add.f32 [tilespmem:s11], [sflag:$0x7], $0x80, s0, s9, $0xb8;
	[tilespmem:$0x1FE00] =	vst v63  }
0xa4: {  	_ =	swait.ge [sflag:s30], $0x3E80  }
0xa5: {  	[sflag:s30] =	ssyncset.done $0x0  }
0xa6: {  	s24 =	sadd.s32 $0xFFFFFF00, s18;
	s20 =	simm.s32 @p0 $0x1;
	[sflag:s30] =	ssyncadd.s32 $0xFFFFC180  }
0xa7: {  	[tilespmem:s11], [sflag:$0x2] =	stream.indirect.gather [hbm4b:s6+s9], $0x80, s24, s9, $0xb8;
	[tilespmem:$0x1FE00] =	vst v63  }
0xa8: {  	_ =	swait.ge @p0 [sflag:s20], $0x3E80  }
0xa9: {  	[sflag:s20] =	ssyncset.done @p0 $0x0  }
0xaa: {  	[sflag:s20] =	ssyncadd.s32 @p0 $0xFFFFC180;
	s20 =	simm.s32 @p0 $0x5  }
0xab: {  	_ =	swait.ge @p0 [sflag:s20], $0x80  }
0xac: {  	s23 =	simm.s32 @p0 $0x2A00;
	[sflag:s20] =	ssyncset.done @p0 $0x0  }
0xad: {  	s21 =	simm.s32 @p0 $0x2900;
	[sflag:s20] =	ssyncadd.s32 @p0 $0xFFFFFF80;
	s20 =	simm.s32 @p0 $0x7D  }
0xae: {  	[spmem:s3] =	stream.indirect.scatter.add.f32 @p0 [tilespmem:s23], [sflag:$0x7], $0x80, s21, s20, $0xb8;
	[tilespmem:$0x1FE00] =	vst v63  }
0xaf: {  	s20 =	sadd.s32 @!p0 $0xFFFFFF00, s17  }
0xb0: {  	s21 =	sand.u32 @!p0 $0x7C00, s20  }
0xb1: {  	s23 =	simm.s32 @p0 $0x7;
	s20 =	sand.u32 @!p0 $0x280, s20;
	s21 =	sadd.s32 @!p0 s5, s21  }
0xb2: {  	_ =	swait.ge @p0 [sflag:s23], $0x3E80;
	s20 =	sor.u32 @!p0 s20, s21  }
0xb3: {  	[sflag:s23] =	ssyncset.done @p0 $0x0;
	s20 =	sshrl.u32 @!p0 s20, $0x3  }
0xb4: {  	[sflag:s23] =	ssyncadd.s32 @p0 $0xFFFFC180;
	s21 =	simm.s32 @!p0 $0x2880;
	s20 =	sadd.s32 @!p0 s2, s20  }
0xb5: {  	[tilespmem:s21], [sflag:$0x4] =	stream.linear.gather @!p0 [hbm4b:s20+s19], $0x80, $0x38;
	[tilespmem:$0x1FE00] =	vst v63  }
0xb6: {  	s20 =	simm.s32 @!p0 $0x1  }
0xb7: {  	_ =	swait.ge @!p0 [sflag:s20], $0x3E80  }
0xb8: {  	[sflag:s20] =	ssyncset.done @!p0 $0x0  }
0xb9: {  	[sflag:s20] =	ssyncadd.s32 @!p0 $0xFFFFC180;
	s20 =	simm.s32 @!p0 $0x5  }
0xba: {  	_ =	swait.ge @!p0 [sflag:s20], $0x80  }
0xbb: {  	s24 =	simm.s32 @!p0 $0x7;
	s23 =	simm.s32 @!p0 $0x2A00;
	[sflag:s20] =	ssyncset.done @!p0 $0x0  }
0xbc: {  	s21 =	simm.s32 @!p0 $0x2900;
	[sflag:s20] =	ssyncadd.s32 @!p0 $0xFFFFFF80;
	s20 =	simm.s32 @!p0 $0x7D  }
0xbd: {  	[spmem:s3] =	stream.indirect.scatter.add.f32 @!p0 [tilespmem:s23], [sflag:$0x7], $0x80, s21, s20, $0xb8;
	[tilespmem:$0x1FE00] =	vst v63  }
0xbe: {  	_ =	swait.ge @!p0 [sflag:s24], $0x3E80  }
0xbf: {  	[sflag:s24] =	ssyncset.done @!p0 $0x0  }
0xc0: {  	[sflag:s24] =	ssyncadd.s32 @!p0 $0xFFFFC180;
	s24 =	sadd.s32 @!p0 $0xFFFFFF80, s18  }
0xc1: {  	[tilespmem:s23], [sflag:$0x1] =	stream.indirect.gather @!p0 [hbm4b:s6+s20], $0x80, s24, s20, $0xb8;
	[tilespmem:$0x1FE00] =	vst v63  }
0xc2: {  	s20 =	sadd.s32 @!p0 $0xFFFFFF80, s17  }
0xc3: {  	s23 =	sand.u32 @!p0 $0x7C00, s20  }
0xc4: {  	s20 =	sand.u32 @!p0 $0x300, s20;
	s23 =	sadd.s32 @!p0 s5, s23  }
0xc5: {  	s20 =	sor.u32 @!p0 s20, s23  }
0xc6: {  	s20 =	sshrl.u32 @!p0 s20, $0x3  }
0xc7: {  	s20 =	sadd.s32 @!p0 s2, s20  }
0xc8: {  	[tilespmem:s21], [sflag:$0x5] =	stream.linear.gather @!p0 [hbm4b:s20+s19], $0x80, $0x38;
	[tilespmem:$0x1FE00] =	vst v63  }
0xc9: {  	_ =	swait.ge [sflag:s13], $0x3E80  }
0xca: {  	[sflag:s13] =	ssyncset.done $0x0  }
0xcb: {  	[sflag:s13] =	ssyncadd.s32 $0xFFFFC180  }
0xcc: {  	_ =	swait.ge [sflag:s15], $0x80  }
0xcd: {  	[sflag:s15] =	ssyncset.done $0x0  }
.Ltmp3:
0xce: {  	[sflag:s15] =	ssyncadd.s32 $0xFFFFFF80;
	(pc) =	sbr.rel @p0 .LBB2_6-.Ltmp3, $4  }
0xcf: {  	[spmem:s3] =	stream.indirect.scatter.add.f32 [tilespmem:s11], [sflag:$0x7], $0x80, s8, s9, $0xb8;
	[tilespmem:$0x1FE00] =	vst v63  }
0xd0: {  	_ =	swait.ge [sflag:s30], $0x3E80  }
0xd1: {  	[sflag:s30] =	ssyncset.done $0x0  }
0xd2: {  	[sflag:s30] =	ssyncadd.s32 $0xFFFFC180  }
0xd3: {  	[tilespmem:s11], [sflag:$0x2] =	stream.indirect.gather [hbm4b:s6+s9], $0x80, s18, s9, $0xb8;
	[tilespmem:$0x1FE00] =	vst v63  }
0xd4: {  	s19 =	sand.u32 $0x7C00, s17  }
.Ltmp4:
0xd5: {  	s20 =	sand.u32 $0x380, s17;
	s19 =	sadd.s32 s5, s19;
	(pc) =	sbr.rel .LBB2_4-.Ltmp4, $4  }
0xd6: {  	s19 =	sor.u32 s20, s19  }
0xd7: {  	s19 =	sshrl.u32 s19, $0x3  }
0xd8: {  	s17 =	sadd.s32 $0x200, s17;
	s18 =	sadd.s32 $0x200, s18;
	s19 =	sadd.s32 s2, s19  }
0xd9: {  	[tilespmem:s8], [sflag:$0x6] =	stream.linear.gather [hbm4b:s19+s4], $0x80, $0x38;
	[tilespmem:$0x1FE00] =	vst v63  }
.LBB2_7:
0xda: {  	_ =	sfence.sel $0x180000  }
0xdb: {  	[bflag:$0x0] =	sbarrier.arrive $0xFFFF  }
0xdc: {  	_ =	strace $0x9000004A  }
0xdd: {  	s0 =	stileid.u32;
	[bflag:$0x2] =	sbarrier.arrive $0xFFFF  }
0xde: {  	p0 =	sne.s32 s0, $0x0;
	s0 =	rddreg [dreg:$0x3]  }
0xdf: {  	s0 =	sadd.s32 @!p0 $0x100000, s0  }
0xe0: {  	[sflag:s0] =	ssyncadd.tile.s32 @!p0 $0x1;
	_ =	shalt  }
.Lfunc_end2:
_tile_overlayer_lowered:
.L_overlay_start_2:
0xe1: {  	(tag) =	ssettag $0x2  }
0xe2: {  	s0 =	rddreg [dreg:$0x0];
	s2 =	stileid.u32  }
0xe3: {  	s1 =	rddreg [dreg:$0x1];
	p0 =	sne.s32 s2, $0x0  }
0xe4: {  	s3 =	rddreg [dreg:$0x2];
	[bflag:$0x3] =	sbarrier.arrive $0xFFFF;
	s2 =	simm.s32 @!p0 $0x1C07  }
0xe5: {  	[timem:s3], [sflag:s2] =	dma.local @!p0 [hbm:s0], s1  }
0xe6: {  	s0 =	simm.s32 @!p0 $0x7  }
0xe7: {  	_ =	swait.ge @!p0 [sflag:s0], s1  }
0xe8: {  	s1 =	ssub.s32 @!p0 $0x0, s1;
	[sflag:s0] =	ssyncset.done @!p0 $0x0  }
0xe9: {  	[sflag:s0] =	ssyncadd.s32 @!p0 s1  }
0xea: {  	[bflag:$0x3] =	sbarrier.arrive $0xFFFF  }
0xeb: {  	_ =	shalt  }

// kernel: kernel.16.cloned.1.call-start
scs
__scs_entry_jumppad:
0x0: {  	(pc) =	sbr.rel $0x88, $3  }
0x1: {  	(tag) =	ssettag $0x0;
	lr =	simm.s32 $0x1  }
0x2: {  	[smem:$0x3F97] =	sst lr;
	_ =	strace $0xD0000000  }
0x3: {  	_ = 	snop  }
0x4: {  	_ = 	snop  }
0x5: {  	_ = 	snop  }
0x6: {  	_ = 	snop  }
0x7: {  	_ = 	snop  }
__scs_overlays_trampoline_lowered:
0x8: {  	[smem:$0x3FA6] =	sst s0  }
0x9: {  	[smem:$0x3FA7] =	sst s1  }
0xa: {  	[smem:$0x3FA8] =	sst s2  }
0xb: {  	[smem:$0x3FA9] =	sst s3  }
0xc: {  	[smem:$0x3FAA] =	sst s4  }
0xd: {  	[smem:$0x3FAB] =	sst s5  }
0xe: {  	[smem:$0x3FAC] =	sst s6  }
0xf: {  	[smem:$0x3FAD] =	sst s7  }
0x10: {  	[smem:$0x3FAE] =	sst s8  }
0x11: {  	[smem:$0x3FAF] =	sst s9;
	s0 =	simm.s32 @!p0 $0x0  }
0x12: {  	s1 =	sld [smem:$0x3F95];
	s0 =	simm.s32 @p0 $0x1  }
0x13: {  	[smem:$0x3FB0] =	sst s0;
	s0 =	simm.s32 @!p1 $0x0  }
0x14: {  	s2 =	sld [smem:$0x3F94];
	s0 =	simm.s32 @p1 $0x1  }
0x15: {  	[smem:$0x3FB1] =	sst s0;
	s0 =	simm.s32 @!p2 $0x0  }
0x16: {  	s3 =	sld [smem:$0x3FDB];
	s0 =	simm.s32 @p2 $0x1  }
0x17: {  	s4 =	simm.s32 $0x1BF5;
	[smem:$0x3FB3] =	sst s0  }
0x18: {  	s0 =	sld [smem:$0x3F96];
	_ =	swait.ge [sflag:s4], $0x0  }
0x19: {  	s7 =	sld [smem:$0x3F97]  }
0x1a: {  	s8 =	sadd.s32 $0xFFFFE003, lr  }
0x1b: {  	s9 =	sadd.s32 $0xFFFFFEF7, lr;
	s5 =	simm.s32 $0xFFFFFFFF;
	p2 =	slt.u32 s8, $0xFFFFF086  }
0x1c: {  	p1 =	slt.u32 s9, $0xF7A;
	s5 =	simm.s32 @!p2 $0x0  }
0x1d: {  	s5 =	simm.s32 @p1 $0x1;
	p0 =	seq.s32 s7, s2  }
0x1e: {  	s7 =	smul.u32 @!p0 $0xF7A, s2;
	p2 =	seq.s32 @!p0 s5, $0x0  }
0x1f: {  	s9 =	smul.u32 $0xF7A, s1;
	s8 =	simm.s32 @!p0 $0x1BF5;
	p2 =	por !p2, p0  }
0x20: {  	[sflag:s8] =	ssyncset.s32 @!p0 $0xFFFFF086;
	s6 =	sadd.s32 @!p0 s3, s7;
	s7 =	simm.s32 @!p0 $0x108  }
0x21: {  	s3 =	sadd.s32 s3, s9;
	s6 =	sadd.s32 @!p0 $0x88, s6;
	s7 =	simm.s32 @p2 $0x1082  }
0x22: {  	[simem:s7], [sflag:s8] =	dma.local @!p0 [hbm:s6], $0xF7A  }
0x23: {  	s9 =	sor.u32 $0xD0000000, s2;
	s6 =	simm.s32 $0x108;
	_ =	swait.ge @!p0 [sflag:s8], $0x0  }
0x24: {  	s3 =	sadd.s32 $0x88, s3;
	s6 =	simm.s32 @!p1 $0x1082;
	[sflag:s4] =	ssyncset.s32 $0xFFFFF086  }
0x25: {  	[simem:s6], [sflag:s4] =	dma.local [hbm:s3], $0xF7A  }
0x26: {  	[smem:$0x3F97] =	sst s1;
	(tag) =	ssettag s2;
	_ =	strace s9  }
0x27: {  	s1 =	sld [smem:$0x3FA7]  }
0x28: {  	s2 =	sld [smem:$0x3FA8]  }
0x29: {  	s4 =	sld [smem:$0x3FAA]  }
0x2a: {  	p0 =	seq.s32 s5, $0x0;
	s5 =	sld [smem:$0x3FAB]  }
0x2b: {  	s6 =	sld [smem:$0x3FAC]  }
0x2c: {  	s7 =	sld [smem:$0x3FAD]  }
0x2d: {  	s3 =	simm.s32 $0x108;
	s8 =	sld [smem:$0x3FAE]  }
0x2e: {  	s3 =	simm.s32 @!p0 $0x1082;
	s9 =	sld [smem:$0x3FAF]  }
0x2f: {  	lr =	sadd.s32 s0, s3;
	s0 =	sld [smem:$0x3FA6]  }
0x30: {  	s3 =	sld [smem:$0x3FA9]  }
0x31: {  	[smem:$0x3FB2] =	sst s10  }
0x32: {  	s10 =	sld [smem:$0x3FB0];
	_ =	sdelay $0x3  }
0x33: {  	p0 =	seq.s32 s10, $0x1;
	s10 =	sld [smem:$0x3FB2];
	_ =	sdelay $0x3  }
0x34: {  	[smem:$0x3FB2] =	sst s10  }
0x35: {  	s10 =	sld [smem:$0x3FB1];
	_ =	sdelay $0x3  }
0x36: {  	p1 =	seq.s32 s10, $0x1;
	s10 =	sld [smem:$0x3FB2];
	_ =	sdelay $0x3  }
0x37: {  	[smem:$0x3FB2] =	sst s10  }
0x38: {  	s10 =	sld [smem:$0x3FB3]  }
0x39: {  	_ = 	snop;
	(pc) =	sbr.ind lr, $3  }
0x3a: {  	_ = 	snop  }
0x3b: {  	_ = 	snop  }
0x3c: {  	p2 =	seq.s32 s10, $0x1;
	s10 =	sld [smem:$0x3FB2]  }
0x3d: {  	_ =	shalt  }
0x3e: {  	_ =	shalt  }
0x3f: {  	_ =	shalt  }
0x40: {  	_ =	shalt  }
0x41: {  	_ =	shalt  }
0x42: {  	_ =	shalt  }
0x43: {  	_ =	shalt  }
0x44: {  	_ =	shalt  }
0x45: {  	_ =	shalt  }
0x46: {  	_ =	shalt  }
0x47: {  	_ =	shalt  }
0x48: {  	_ =	shalt  }
0x49: {  	_ =	shalt  }
0x4a: {  	_ =	shalt  }
0x4b: {  	_ =	shalt  }
0x4c: {  	_ =	shalt  }
0x4d: {  	_ =	shalt  }
0x4e: {  	_ =	shalt  }
0x4f: {  	_ =	shalt  }
0x50: {  	_ =	shalt  }
0x51: {  	_ =	shalt  }
0x52: {  	_ =	shalt  }
0x53: {  	_ =	shalt  }
0x54: {  	_ =	shalt  }
0x55: {  	_ =	shalt  }
0x56: {  	_ =	shalt  }
0x57: {  	_ =	shalt  }
0x58: {  	_ =	shalt  }
0x59: {  	_ =	shalt  }
0x5a: {  	_ =	shalt  }
0x5b: {  	_ =	shalt  }
0x5c: {  	_ =	shalt  }
0x5d: {  	_ =	shalt  }
0x5e: {  	_ =	shalt  }
0x5f: {  	_ =	shalt  }
0x60: {  	_ =	shalt  }
0x61: {  	_ =	shalt  }
0x62: {  	_ =	shalt  }
0x63: {  	_ =	shalt  }
0x64: {  	_ =	shalt  }
0x65: {  	_ =	shalt  }
0x66: {  	_ =	shalt  }
0x67: {  	_ =	shalt  }
0x68: {  	_ =	shalt  }
0x69: {  	_ =	shalt  }
0x6a: {  	_ =	shalt  }
0x6b: {  	_ =	shalt  }
0x6c: {  	_ =	shalt  }
0x6d: {  	_ =	shalt  }
0x6e: {  	_ =	shalt  }
0x6f: {  	_ =	shalt  }
0x70: {  	_ =	shalt  }
0x71: {  	_ =	shalt  }
0x72: {  	_ =	shalt  }
0x73: {  	_ =	shalt  }
0x74: {  	_ =	shalt  }
0x75: {  	_ =	shalt  }
0x76: {  	_ =	shalt  }
0x77: {  	_ =	shalt  }
0x78: {  	_ =	shalt  }
0x79: {  	_ =	shalt  }
0x7a: {  	_ =	shalt  }
0x7b: {  	_ =	shalt  }
0x7c: {  	_ =	shalt  }
0x7d: {  	_ =	shalt  }
0x7e: {  	_ =	shalt  }
0x7f: {  	_ =	shalt  }
0x80: {  	_ =	shalt  }
0x81: {  	_ =	shalt  }
0x82: {  	_ =	shalt  }
0x83: {  	_ =	shalt  }
0x84: {  	_ =	shalt  }
0x85: {  	_ =	shalt  }
0x86: {  	_ =	shalt  }
0x87: {  	_ =	shalt  }
.Lfunc_end0:
.L_simem_size_0:
called_computation.2_lowered:
.L_overlay_start_0:
0x88: {  	s2 =	sld [smem:$0x3FD9]  }
0x89: {  	s3 =	sld [smem:$0x3FFE];
	_ =	sdelay $0x1  }
0x8a: {  	s1 =	srdreg.scid  }
0x8b: {  	s0 =	sand.u32 $0x1, s1  }
0x8c: {  	s17 =	sshll.u32 s0, $0xA;
	s2 =	sadd.s32 s3, s2  }
0x8d: {  	s2 =	sadd.s32 s2, s17  }
0x8e: {  	[smem:$0x3FBE] =	sst s2  }
0x8f: {  	_ = 	snop  }
0x90: {  	s2 =	sld [smem:$0x3FD0];
	(tm) =	ssettm $0x1  }
0x91: {  	s18 =	sld [smem:$0x3FFB];
	_ =	sdelay $0x3  }
0x92: {  	_ =	strace s18  }
0x93: {  	s3 =	sld [smem:$0x3FFC];
	_ =	sdelay $0x3  }
0x94: {  	_ =	strace s3  }
0x95: {  	s3 =	sld [smem:$0x3FFD];
	_ =	sdelay $0x3  }
0x96: {  	_ =	strace s3  }
0x97: {  	_ =	strace $0x8FFFFFFF  }
0x98: {  	s19 =	sld [smem:$0x3FDB];
	_ =	sdelay $0x1  }
0x99: {  	s4 =	simm.s32 $_scs_section_size  }
0x9a: {  	s5 =	simm.s32 $_size__tile_overlayer_lowered;
	s6 =	simm.s32 $_tile_overlayer_lowered  }
0x9b: {  	s22 =	simm.s32 $0x1BFF;
	s21 =	sshll.u32 s6, $0x1;
	s3 =	sadd.s32 s4, s19  }
0x9c: {  	s7 =	simm.s32 $0x0;
	s20 =	sshll.u32 s5, $0x1;
	s5 =	sadd.s32 s21, s3  }
0x9d: {  	[timem:s7], [sflag:s22] =	dma.local [hbm:s5], s20  }
0x9e: {  	_ =	swait.ge [sflag:s22], s20  }
0x9f: {  	s4 =	ssub.s32 $0x0, s20;
	[sflag:s22] =	ssyncset.done $0x0  }
0xa0: {  	[sflag:s22] =	ssyncadd.s32 s4;
	_ =	sdelay $0x1  }
0xa1: {  	s23 =	simm.s32 $0x1B8B  }
0xa2: {  	_ =	swait.ge [sflag:s23], $0x1  }
0xa3: {  	[sflag:s23] =	ssyncset.done $0x0  }
0xa4: {  	s25 =	simm.s32 $0x1B8E;
	s24 =	sld [smem:$0x3FFE];
	[sflag:s23] =	ssyncadd.s32 $0xFFFFFFFF  }
0xa5: {  	s26 =	simm.s32 $execute0_lowered;
	[smem:$0x3FD2] =	sst s25  }
0xa6: {  	s5 =	sshll.u32 s26, $0x1;
	_ =	strace $0x8000004C;
	[dreg:$0x1] =	wrdreg $0xFFFFFFFF  }
0xa7: {  	s28 =	simm.s32 $_size_execute0_lowered;
	s3 =	sadd.s32 s3, s5;
	[dreg:$0x0] =	wrdreg $0x0  }
0xa8: {  	s5 =	sshll.u32 s28, $0x1;
	[dreg:$0x2] =	wrdreg s3  }
0xa9: {  	[dreg:$0x3] =	wrdreg s5  }
0xaa: {  	[dreg:$0x4] =	wrdreg $0xC0  }
0xab: {  	_ =	task [dreg:s7], $0x5FFFF  }
0xac: {  	[dreg:$0x1] =	wrdreg $0xFFFFFFFF  }
0xad: {  	[dreg:$0x0] =	wrdreg $0x60  }
0xae: {  	[dreg:$0x2] =	wrdreg s24  }
0xaf: {  	[dreg:$0x3] =	wrdreg s2  }
0xb0: {  	[dreg:$0x4] =	wrdreg $0xC2000  }
0xb1: {  	[dreg:$0x5] =	wrdreg $0x9  }
0xb2: {  	_ =	task.clear_ibuf [dreg:s7], $0x6FFFF;
	_ =	strace $0x9000004C  }
0xb3: {  	s29 =	simm.s32 $0x9;
	_ =	strace $0x8000004E  }
0xb4: {  	_ =	swait.ge [sflag:s29], $0x1  }
0xb5: {  	[sflag:s29] =	ssyncadd.s32 $0xFFFFFFFF  }
0xb6: {  	_ =	strace $0x9000004E  }
0xb7: {  	_ =	sfence  }
0xb8: {  	s30 =	sld [smem:$0x0];
	_ =	sdelay $0x2  }
0xb9: {  	s31 =	sshll.u32 s1, $0xD;
	s1 =	sshrl.u32 s1, $0x2  }
0xba: {  	s3 =	sand.u32 $0x4000, s31;
	s1 =	sadd.s32 s1, s30  }
0xbb: {  	s0 =	sor.u32 s3, s0;
	s1 =	sshll.u32 s1, $0x11  }
0xbc: {  	s0 =	sor.u32 s1, s0  }
0xbd: {  	s0 =	sadd.s32 $0x8F2B, s0  }
0xbe: {  	[sflag:s0] =	ssyncadd.remote.s32 $0x1  }
0xbf: {  	_ =	sfence.sel $0xFFFF  }
0xc0: {  	[dreg:$0x0] =	wrdreg $0xFFFFFFFF;
	(pc) =	sbr.abs _section_cstart, $3  }
0xc1: {  	[dreg:$0x1] =	wrdreg $0xFFFFFFFF  }
0xc2: {  	_ =	task.clear_ibuf [dreg:s7], $0x2FFFF;
	_ =	strace $0x9FFFFFFF  }
0xc3: {  	(tm) =	ssettm $0x7FFFFFFF  }
tec
execute0_lowered:
.L_overlay_start_1:
0x0: {  	(tag) =	ssettag $0x1  }
0x1: {  	s0 =	rddreg [dreg:$0x0];
	s10 =	stileid.u32  }
0x2: {  	s1 =	srdreg.scid;
	s8 =	smul.u32 $0x13C00, s10  }
0x3: {  	s1 =	sand.u32 $0x1, s1;
	s4 =	sshll.u32 s10, $0x1;
	s10 =	smul.u32 $0x4F000, s10  }
0x4: {  	s2 =	rddreg [dreg:$0x1];
	s5 =	sor.u32 s1, s4;
	s7 =	smul.u32 $0x13C000, s1  }
0x5: {  	s3 =	rddreg [dreg:$0x2];
	s5 =	smul.u32 $0x2800, s5  }
0x6: {  	s6 =	sadd.s32 $0xD600, s0;
	s4 =	simm.s32 $0x0;
	s7 =	sadd.s32 s8, s7  }
0x7: {  	s10 =	sshrl.u32 s10, $0x2;
	s9 =	sshrl.u32 s5, $0x3;
	s7 =	sshrl.u32 s7, $0x3  }
0x8: {  	s11 =	sadd.s32 s9, s0;
	s0 =	sadd.s32 s7, s0;
	s7 =	sadd.s32 s10, s3  }
0x9: {  	[smem:$0x7FF] =	sst s4;
	s12 =	sadd.s32 $0x1800, s7  }
0xa: {  	_ =	strace $0x8000004D;
	s13 =	sadd.s32 $0x3000, s7;
	[dreg:$0x4] =	wrdreg s12  }
0xb: {  	s14 =	sadd.s32 $0x4800, s7;
	[dreg:$0x5] =	wrdreg s13  }
0xc: {  	s15 =	sadd.s32 $0x6000, s7;
	[dreg:$0x6] =	wrdreg s14  }
0xd: {  	s16 =	sadd.s32 $0x7800, s7;
	[dreg:$0x7] =	wrdreg s15  }
0xe: {  	s29 =	simm.s32 $0xAA00;
	s17 =	sadd.s32 $0x9000, s7;
	[dreg:$0x8] =	wrdreg s16  }
0xf: {  	s30 =	simm.s32 $0x7;
	s18 =	sadd.s32 $0xA800, s7;
	[dreg:$0x9] =	wrdreg s17  }
0x10: {  	s31 =	simm.s32 $0x1;
	s19 =	sadd.s32 $0xC000, s7;
	[dreg:$0xa] =	wrdreg s18  }
0x11: {  	s1 =	ssub.s32 $0x2, s1;
	s20 =	sadd.s32 $0xD800, s7;
	[dreg:$0xb] =	wrdreg s19  }
0x12: {  	s26 =	sshrl.u32 s1, $0x1;
	s21 =	sadd.s32 $0xF000, s7;
	[dreg:$0xc] =	wrdreg s20  }
0x13: {  	s1 =	ssub.s32 s1, s26;
	s22 =	sadd.s32 $0x10800, s7;
	[dreg:$0xd] =	wrdreg s21  }
0x14: {  	s8 =	simm.s32 $0x2980;
	s23 =	sadd.s32 $0x12000, s7;
	[dreg:$0xe] =	wrdreg s22  }
0x15: {  	s10 =	simm.s32 $0x2A00;
	s24 =	sadd.s32 $0x13800, s7;
	[dreg:$0xf] =	wrdreg s23  }
0x16: {  	s25 =	sadd.s32 $0x3600, s11;
	s0 =	sadd.s32 $0x34800, s0;
	[dreg:$0x10] =	wrdreg s24  }
0x17: {  	s11 =	simm.s32 $0x6A00;
	[dreg:$0x11] =	wrdreg s25;
	s22 =	sadd.s32 s2, s9  }
.Ltmp0:
0x18: {  	[dreg:$0x13] =	wrdreg s0;
	s25 =	smax.u32 s1, $0x1;
	(pc) =	sbr.rel .LBB2_1-.Ltmp0, $4  }
0x19: {  	s1 =	simm.s32 $0x2800;
	s0 =	simm.s32 $0x2880;
	s9 =	simm.s32 $0x7D  }
0x1a: {  	s12 =	simm.s32 $0x3;
	s13 =	simm.s32 $0x2;
	s14 =	simm.s32 $0x4  }
0x1b: {  	s15 =	simm.s32 $0x6;
	s16 =	simm.s32 $0x0;
	s26 =	sadd.s32 $0x10, s22  }
0x1c: {  	v0 =	vimm.f32 $0.0e+00;
	s28 =	sadd.s32 $0x30, s22;
	[dreg:$0x12] =	wrdreg s26;
	s26 =	sadd.s32 $0x20, s22  }
.LBB2_6:
0x1d: {  	s17 =	stileid.u32;
	[bflag:$0x0] =	sbarrier.arrive $0xFFFF;
	s16 =	sadd.s32 $0x1, s16  }
0x1e: {  	s18 =	sshrl.u32 s7, $0x3;
	s17 =	sshll.u32 s17, $0x6;
	p0 =	sne.s32 s16, s25  }
.Ltmp1:
0x1f: {  	s19 =	rddreg [dreg:$0x13];
	s17 =	sor.u32 $0x1C07, s17;
	(pc) =	sbr.rel @!p0 .LBB2_7-.Ltmp1, $4  }
0x20: {  	[hbm:s19], [sflag:s17] =	dma.local [spmem:s18], $0x2780  }
0x21: {  	_ =	swait.ge [sflag:s30], $0x2780  }
0x22: {  	[sflag:s30] =	ssyncset.done $0x0  }
0x23: {  	[sflag:s30] =	ssyncadd.s32 $0xFFFFD880  }
.LBB2_1:
0x24: {  	s17 =	simm.s32 $0x0;
	s18 =	simm.s32 $0x200  }
.LBB2_2:
0x25: {  	p0 =	sne.s32 s18, $0x5E00;
	[tilespmem:s17+$0xAA70] =	vst v0  }
0x26: {  	[tilespmem:s17+$0xAA00] =	vst v0  }
0x27: {  	[tilespmem:s17+$0xAA10] =	vst v0  }
.Ltmp2:
0x28: {  	[tilespmem:s17+$0xAA20] =	vst v0;
	(pc) =	sbr.rel @p0 .LBB2_2-.Ltmp2, $4  }
0x29: {  	[tilespmem:s17+$0xAA30] =	vst v0  }
0x2a: {  	[tilespmem:s17+$0xAA40] =	vst v0  }
0x2b: {  	[tilespmem:s17+$0xAA50] =	vst v0  }
0x2c: {  	[tilespmem:s17+$0xAA60] =	vst v0;
	s17 =	sshra.s32 s18, $0x2;
	s18 =	sadd.s32 $0x200, s18  }
0x2d: {  	[tilespmem:s17+$0xAA70] =	vst v0  }
0x2e: {  	[tilespmem:s17+$0xAA00] =	vst v0  }
0x2f: {  	[tilespmem:s17+$0xAA10] =	vst v0  }
0x30: {  	[tilespmem:s17+$0xAA20] =	vst v0  }
0x31: {  	[tilespmem:s17+$0xAA30] =	vst v0  }
0x32: {  	[tilespmem:s17+$0xAA40] =	vst v0  }
0x33: {  	[tilespmem:s17+$0xAA50] =	vst v0  }
0x34: {  	[tilespmem:s17+$0xAA60] =	vst v0  }
0x35: {  	[spmem:s7] =	stream.linear.scatter [tilespmem:s29], [sflag:$0x1], $0x1800, $0x38;
	[tilespmem:$0x1FE00] =	vst v63  }
0x36: {  	s19 =	rddreg [dreg:$0x4]  }
0x37: {  	[spmem:s19] =	stream.linear.scatter [tilespmem:s29], [sflag:$0x1], $0x1800, $0x38;
	[tilespmem:$0x1FE00] =	vst v63  }
0x38: {  	s20 =	rddreg [dreg:$0x5]  }
0x39: {  	[spmem:s20] =	stream.linear.scatter [tilespmem:s29], [sflag:$0x1], $0x1800, $0x38;
	[tilespmem:$0x1FE00] =	vst v63  }
0x3a: {  	s21 =	rddreg [dreg:$0x6]  }
0x3b: {  	[spmem:s21] =	stream.linear.scatter [tilespmem:s29], [sflag:$0x1], $0x1800, $0x38;
	[tilespmem:$0x1FE00] =	vst v63  }
0x3c: {  	s23 =	rddreg [dreg:$0x7]  }
0x3d: {  	[spmem:s23] =	stream.linear.scatter [tilespmem:s29], [sflag:$0x1], $0x1800, $0x38;
	[tilespmem:$0x1FE00] =	vst v63  }
0x3e: {  	s24 =	rddreg [dreg:$0x8]  }
0x3f: {  	[spmem:s24] =	stream.linear.scatter [tilespmem:s29], [sflag:$0x1], $0x1800, $0x38;
	[tilespmem:$0x1FE00] =	vst v63  }
0x40: {  	s18 =	rddreg [dreg:$0x9]  }
0x41: {  	[spmem:s18] =	stream.linear.scatter [tilespmem:s29], [sflag:$0x1], $0x1800, $0x38;
	[tilespmem:$0x1FE00] =	vst v63  }
0x42: {  	s19 =	rddreg [dreg:$0xa]  }
0x43: {  	[spmem:s19] =	stream.linear.scatter [tilespmem:s29], [sflag:$0x1], $0x1800, $0x38;
	[tilespmem:$0x1FE00] =	vst v63  }
0x44: {  	s20 =	rddreg [dreg:$0xb]  }
0x45: {  	[spmem:s20] =	stream.linear.scatter [tilespmem:s29], [sflag:$0x1], $0x1800, $0x38;
	[tilespmem:$0x1FE00] =	vst v63  }
0x46: {  	s21 =	rddreg [dreg:$0xc]  }
0x47: {  	[spmem:s21] =	stream.linear.scatter [tilespmem:s29], [sflag:$0x1], $0x1800, $0x38;
	[tilespmem:$0x1FE00] =	vst v63  }
0x48: {  	s23 =	rddreg [dreg:$0xd]  }
0x49: {  	[spmem:s23] =	stream.linear.scatter [tilespmem:s29], [sflag:$0x1], $0x1800, $0x38;
	[tilespmem:$0x1FE00] =	vst v63  }
0x4a: {  	s24 =	rddreg [dreg:$0xe]  }
0x4b: {  	[spmem:s24] =	stream.linear.scatter [tilespmem:s29], [sflag:$0x1], $0x1800, $0x38;
	[tilespmem:$0x1FE00] =	vst v63  }
0x4c: {  	s18 =	rddreg [dreg:$0xf]  }
0x4d: {  	[spmem:s18] =	stream.linear.scatter [tilespmem:s29], [sflag:$0x1], $0x1800, $0x38;
	[tilespmem:$0x1FE00] =	vst v63  }
0x4e: {  	s19 =	rddreg [dreg:$0x10]  }
0x4f: {  	[spmem:s19] =	stream.linear.scatter [tilespmem:s29], [sflag:$0x1], $0x400, $0x38;
	[tilespmem:$0x1FE00] =	vst v63  }
0x50: {  	s20 =	rddreg [dreg:$0x11]  }
0x51: {  	[tilespmem:s4], [sflag:$0x7] =	stream.linear.gather [hbm4b:s20+s4], $0x2800, $0x38;
	[tilespmem:$0x1FE00] =	vst v63  }
0x52: {  	_ =	swait.ge [sflag:s30], $0x2800  }
0x53: {  	[sflag:s30] =	ssyncset.done $0x0  }
0x54: {  	[sflag:s30] =	ssyncadd.s32 $0xFFFFD800  }
0x55: {  	_ =	swait.ge [sflag:s31], $0x1800  }
0x56: {  	[sflag:s31] =	ssyncset.done $0x0  }
0x57: {  	[sflag:s31] =	ssyncadd.s32 $0xFFFFE800  }
0x58: {  	_ =	swait.ge [sflag:s31], $0x1800  }
0x59: {  	[sflag:s31] =	ssyncset.done $0x0  }
0x5a: {  	[sflag:s31] =	ssyncadd.s32 $0xFFFFE800  }
0x5b: {  	_ =	swait.ge [sflag:s31], $0x1800  }
0x5c: {  	[sflag:s31] =	ssyncset.done $0x0  }
0x5d: {  	[sflag:s31] =	ssyncadd.s32 $0xFFFFE800  }
0x5e: {  	_ =	swait.ge [sflag:s31], $0x1800  }
0x5f: {  	[sflag:s31] =	ssyncset.done $0x0  }
0x60: {  	[sflag:s31] =	ssyncadd.s32 $0xFFFFE800  }
0x61: {  	_ =	swait.ge [sflag:s31], $0x1800  }
0x62: {  	[sflag:s31] =	ssyncset.done $0x0  }
0x63: {  	[sflag:s31] =	ssyncadd.s32 $0xFFFFE800  }
0x64: {  	_ =	swait.ge [sflag:s31], $0x1800  }
0x65: {  	[sflag:s31] =	ssyncset.done $0x0  }
0x66: {  	[sflag:s31] =	ssyncadd.s32 $0xFFFFE800  }
0x67: {  	_ =	swait.ge [sflag:s31], $0x1800  }
0x68: {  	[sflag:s31] =	ssyncset.done $0x0  }
0x69: {  	[sflag:s31] =	ssyncadd.s32 $0xFFFFE800  }
0x6a: {  	_ =	swait.ge [sflag:s31], $0x1800  }
0x6b: {  	[sflag:s31] =	ssyncset.done $0x0  }
0x6c: {  	[sflag:s31] =	ssyncadd.s32 $0xFFFFE800  }
0x6d: {  	_ =	swait.ge [sflag:s31], $0x1800  }
0x6e: {  	[sflag:s31] =	ssyncset.done $0x0  }
0x6f: {  	[sflag:s31] =	ssyncadd.s32 $0xFFFFE800  }
0x70: {  	_ =	swait.ge [sflag:s31], $0x1800  }
0x71: {  	[sflag:s31] =	ssyncset.done $0x0  }
0x72: {  	[sflag:s31] =	ssyncadd.s32 $0xFFFFE800  }
0x73: {  	_ =	swait.ge [sflag:s31], $0x1800  }
0x74: {  	[sflag:s31] =	ssyncset.done $0x0  }
0x75: {  	[sflag:s31] =	ssyncadd.s32 $0xFFFFE800  }
0x76: {  	_ =	swait.ge [sflag:s31], $0x1800  }
0x77: {  	[sflag:s31] =	ssyncset.done $0x0  }
0x78: {  	[sflag:s31] =	ssyncadd.s32 $0xFFFFE800  }
0x79: {  	_ =	swait.ge [sflag:s31], $0x1800  }
0x7a: {  	[sflag:s31] =	ssyncset.done $0x0  }
0x7b: {  	[sflag:s31] =	ssyncadd.s32 $0xFFFFE800  }
0x7c: {  	_ =	swait.ge [sflag:s31], $0x400  }
0x7d: {  	[sflag:s31] =	ssyncset.done $0x0  }
0x7e: {  	[sflag:s31] =	ssyncadd.s32 $0xFFFFFC00  }
0x7f: {  	[bflag:$0x0] =	sbarrier.arrive $0xFFFF  }
0x80: {  	[tilespmem:s1], [sflag:$0x3] =	stream.linear.gather [hbm4b:s22+s4], $0x80, $0x38;
	[tilespmem:$0x1FE00] =	vst v63  }
0x81: {  	s21 =	rddreg [dreg:$0x12]  }
0x82: {  	[tilespmem:s0], [sflag:$0x4] =	stream.linear.gather [hbm4b:s21+s4], $0x80, $0x38;
	[tilespmem:$0x1FE00] =	vst v63  }
0x83: {  	s23 =	simm.s32 $0x2900  }
0x84: {  	[tilespmem:s23], [sflag:$0x5] =	stream.linear.gather [hbm4b:s26+s4], $0x80, $0x38;
	[tilespmem:$0x1FE00] =	vst v63  }
0x85: {  	_ = 	snop  }
0x86: {  	[tilespmem:s8], [sflag:$0x6] =	stream.linear.gather [hbm4b:s28+s4], $0x80, $0x38;
	[tilespmem:$0x1FE00] =	vst v63  }
0x87: {  	_ = 	snop  }
0x88: {  	[tilespmem:s10], [sflag:$0x1] =	stream.indirect.gather [hbm4b:s6+s9], $0x80, s4, s9, $0xb8;
	[tilespmem:$0x1FE00] =	vst v63  }
0x89: {  	s17 =	simm.s32 $0x380;
	s24 =	simm.s32 $0x80;
	s18 =	simm.s32 $0x280  }
0x8a: {  	[tilespmem:s11], [sflag:$0x2] =	stream.indirect.gather [hbm4b:s6+s9], $0x80, s24, s9, $0xb8;
	[tilespmem:$0x1FE00] =	vst v63  }
.LBB2_4:
0x8b: {  	_ =	swait.ge [sflag:s31], $0x3E80  }
0x8c: {  	[sflag:s31] =	ssyncset.done $0x0  }
0x8d: {  	[sflag:s31] =	ssyncadd.s32 $0xFFFFC180  }
0x8e: {  	_ =	swait.ge [sflag:s12], $0x80  }
0x8f: {  	[sflag:s12] =	ssyncset.done $0x0  }
0x90: {  	[sflag:s12] =	ssyncadd.s32 $0xFFFFFF80  }
0x91: {  	[spmem:s3] =	stream.indirect.scatter.add.f32 [tilespmem:s10], [sflag:$0x7], $0x80, s1, s9, $0xb8;
	[tilespmem:$0x1FE00] =	vst v63  }
0x92: {  	_ =	swait.ge [sflag:s30], $0x3E80  }
0x93: {  	[sflag:s30] =	ssyncset.done $0x0  }
0x94: {  	s19 =	sadd.s32 $0xFFFFFE80, s18;
	p0 =	seq.s32 s17, $0x2980;
	[sflag:s30] =	ssyncadd.s32 $0xFFFFC180  }
0x95: {  	[tilespmem:s10], [sflag:$0x1] =	stream.indirect.gather [hbm4b:s6+s9], $0x80, s19, s9, $0xb8;
	[tilespmem:$0x1FE00] =	vst v63  }
0x96: {  	s19 =	sadd.s32 @!p0 $0xFFFFFE80, s17  }
0x97: {  	s20 =	sand.u32 @!p0 $0x7C00, s19  }
0x98: {  	s19 =	sand.u32 @!p0 $0x200, s19;
	s20 =	sadd.s32 @!p0 s5, s20  }
0x99: {  	s19 =	sor.u32 @!p0 s19, s20  }
0x9a: {  	s19 =	sshrl.u32 @!p0 s19, $0x3  }
0x9b: {  	s21 =	simm.s32 @!p0 $0x2800;
	s20 =	sadd.s32 @!p0 s2, s19;
	s19 =	simm.s32 @!p0 $0x0  }
0x9c: {  	[tilespmem:s21], [sflag:$0x3] =	stream.linear.gather @!p0 [hbm4b:s20+s19], $0x80, $0x38;
	[tilespmem:$0x1FE00] =	vst v63  }
0x9d: {  	_ =	swait.ge [sflag:s13], $0x3E80  }
0x9e: {  	[sflag:s13] =	ssyncset.done $0x0  }
0x9f: {  	[sflag:s13] =	ssyncadd.s32 $0xFFFFC180  }
0xa0: {  	_ =	swait.ge [sflag:s14], $0x80  }
0xa1: {  	[sflag:s14] =	ssyncset.done $0x0  }
0xa2: {  	[sflag:s14] =	ssyncadd.s32 $0xFFFFFF80  }
0xa3: {  	[spmem:s3] =	stream.indirect.scatter.add.f32 [tilespmem:s11], [sflag:$0x7], $0x80, s0, s9, $0xb8;
	[tilespmem:$0x1FE00] =	vst v63  }
0xa4: {  	_ =	swait.ge [sflag:s30], $0x3E80  }
0xa5: {  	[sflag:s30] =	ssyncset.done $0x0  }
0xa6: {  	s24 =	sadd.s32 $0xFFFFFF00, s18;
	s20 =	simm.s32 @p0 $0x1;
	[sflag:s30] =	ssyncadd.s32 $0xFFFFC180  }
0xa7: {  	[tilespmem:s11], [sflag:$0x2] =	stream.indirect.gather [hbm4b:s6+s9], $0x80, s24, s9, $0xb8;
	[tilespmem:$0x1FE00] =	vst v63  }
0xa8: {  	_ =	swait.ge @p0 [sflag:s20], $0x3E80  }
0xa9: {  	[sflag:s20] =	ssyncset.done @p0 $0x0  }
0xaa: {  	[sflag:s20] =	ssyncadd.s32 @p0 $0xFFFFC180;
	s20 =	simm.s32 @p0 $0x5  }
0xab: {  	_ =	swait.ge @p0 [sflag:s20], $0x80  }
0xac: {  	s23 =	simm.s32 @p0 $0x2A00;
	[sflag:s20] =	ssyncset.done @p0 $0x0  }
0xad: {  	s21 =	simm.s32 @p0 $0x2900;
	[sflag:s20] =	ssyncadd.s32 @p0 $0xFFFFFF80;
	s20 =	simm.s32 @p0 $0x7D  }
0xae: {  	[spmem:s3] =	stream.indirect.scatter.add.f32 @p0 [tilespmem:s23], [sflag:$0x7], $0x80, s21, s20, $0xb8;
	[tilespmem:$0x1FE00] =	vst v63  }
0xaf: {  	s20 =	sadd.s32 @!p0 $0xFFFFFF00, s17  }
0xb0: {  	s21 =	sand.u32 @!p0 $0x7C00, s20  }
0xb1: {  	s23 =	simm.s32 @p0 $0x7;
	s20 =	sand.u32 @!p0 $0x280, s20;
	s21 =	sadd.s32 @!p0 s5, s21  }
0xb2: {  	_ =	swait.ge @p0 [sflag:s23], $0x3E80;
	s20 =	sor.u32 @!p0 s20, s21  }
0xb3: {  	[sflag:s23] =	ssyncset.done @p0 $0x0;
	s20 =	sshrl.u32 @!p0 s20, $0x3  }
0xb4: {  	[sflag:s23] =	ssyncadd.s32 @p0 $0xFFFFC180;
	s21 =	simm.s32 @!p0 $0x2880;
	s20 =	sadd.s32 @!p0 s2, s20  }
0xb5: {  	[tilespmem:s21], [sflag:$0x4] =	stream.linear.gather @!p0 [hbm4b:s20+s19], $0x80, $0x38;
	[tilespmem:$0x1FE00] =	vst v63  }
0xb6: {  	s20 =	simm.s32 @!p0 $0x1  }
0xb7: {  	_ =	swait.ge @!p0 [sflag:s20], $0x3E80  }
0xb8: {  	[sflag:s20] =	ssyncset.done @!p0 $0x0  }
0xb9: {  	[sflag:s20] =	ssyncadd.s32 @!p0 $0xFFFFC180;
	s20 =	simm.s32 @!p0 $0x5  }
0xba: {  	_ =	swait.ge @!p0 [sflag:s20], $0x80  }
0xbb: {  	s24 =	simm.s32 @!p0 $0x7;
	s23 =	simm.s32 @!p0 $0x2A00;
	[sflag:s20] =	ssyncset.done @!p0 $0x0  }
0xbc: {  	s21 =	simm.s32 @!p0 $0x2900;
	[sflag:s20] =	ssyncadd.s32 @!p0 $0xFFFFFF80;
	s20 =	simm.s32 @!p0 $0x7D  }
0xbd: {  	[spmem:s3] =	stream.indirect.scatter.add.f32 @!p0 [tilespmem:s23], [sflag:$0x7], $0x80, s21, s20, $0xb8;
	[tilespmem:$0x1FE00] =	vst v63  }
0xbe: {  	_ =	swait.ge @!p0 [sflag:s24], $0x3E80  }
0xbf: {  	[sflag:s24] =	ssyncset.done @!p0 $0x0  }
0xc0: {  	[sflag:s24] =	ssyncadd.s32 @!p0 $0xFFFFC180;
	s24 =	sadd.s32 @!p0 $0xFFFFFF80, s18  }
0xc1: {  	[tilespmem:s23], [sflag:$0x1] =	stream.indirect.gather @!p0 [hbm4b:s6+s20], $0x80, s24, s20, $0xb8;
	[tilespmem:$0x1FE00] =	vst v63  }
0xc2: {  	s20 =	sadd.s32 @!p0 $0xFFFFFF80, s17  }
0xc3: {  	s23 =	sand.u32 @!p0 $0x7C00, s20  }
0xc4: {  	s20 =	sand.u32 @!p0 $0x300, s20;
	s23 =	sadd.s32 @!p0 s5, s23  }
0xc5: {  	s20 =	sor.u32 @!p0 s20, s23  }
0xc6: {  	s20 =	sshrl.u32 @!p0 s20, $0x3  }
0xc7: {  	s20 =	sadd.s32 @!p0 s2, s20  }
0xc8: {  	[tilespmem:s21], [sflag:$0x5] =	stream.linear.gather @!p0 [hbm4b:s20+s19], $0x80, $0x38;
	[tilespmem:$0x1FE00] =	vst v63  }
0xc9: {  	_ =	swait.ge [sflag:s13], $0x3E80  }
0xca: {  	[sflag:s13] =	ssyncset.done $0x0  }
0xcb: {  	[sflag:s13] =	ssyncadd.s32 $0xFFFFC180  }
0xcc: {  	_ =	swait.ge [sflag:s15], $0x80  }
0xcd: {  	[sflag:s15] =	ssyncset.done $0x0  }
.Ltmp3:
0xce: {  	[sflag:s15] =	ssyncadd.s32 $0xFFFFFF80;
	(pc) =	sbr.rel @p0 .LBB2_6-.Ltmp3, $4  }
0xcf: {  	[spmem:s3] =	stream.indirect.scatter.add.f32 [tilespmem:s11], [sflag:$0x7], $0x80, s8, s9, $0xb8;
	[tilespmem:$0x1FE00] =	vst v63  }
0xd0: {  	_ =	swait.ge [sflag:s30], $0x3E80  }
0xd1: {  	[sflag:s30] =	ssyncset.done $0x0  }
0xd2: {  	[sflag:s30] =	ssyncadd.s32 $0xFFFFC180  }
0xd3: {  	[tilespmem:s11], [sflag:$0x2] =	stream.indirect.gather [hbm4b:s6+s9], $0x80, s18, s9, $0xb8;
	[tilespmem:$0x1FE00] =	vst v63  }
0xd4: {  	s19 =	sand.u32 $0x7C00, s17  }
.Ltmp4:
0xd5: {  	s20 =	sand.u32 $0x380, s17;
	s19 =	sadd.s32 s5, s19;
	(pc) =	sbr.rel .LBB2_4-.Ltmp4, $4  }
0xd6: {  	s19 =	sor.u32 s20, s19  }
0xd7: {  	s19 =	sshrl.u32 s19, $0x3  }
0xd8: {  	s17 =	sadd.s32 $0x200, s17;
	s18 =	sadd.s32 $0x200, s18;
	s19 =	sadd.s32 s2, s19  }
0xd9: {  	[tilespmem:s8], [sflag:$0x6] =	stream.linear.gather [hbm4b:s19+s4], $0x80, $0x38;
	[tilespmem:$0x1FE00] =	vst v63  }
.LBB2_7:
0xda: {  	_ =	sfence.sel $0x180000  }
0xdb: {  	[bflag:$0x0] =	sbarrier.arrive $0xFFFF  }
0xdc: {  	_ =	strace $0x9000004D  }
0xdd: {  	s0 =	stileid.u32;
	[bflag:$0x2] =	sbarrier.arrive $0xFFFF  }
0xde: {  	p0 =	sne.s32 s0, $0x0;
	s0 =	rddreg [dreg:$0x3]  }
0xdf: {  	s0 =	sadd.s32 @!p0 $0x100000, s0  }
0xe0: {  	[sflag:s0] =	ssyncadd.tile.s32 @!p0 $0x1;
	_ =	shalt  }
.Lfunc_end2:
_tile_overlayer_lowered:
.L_overlay_start_2:
0xe1: {  	(tag) =	ssettag $0x2  }
0xe2: {  	s0 =	rddreg [dreg:$0x0];
	s2 =	stileid.u32  }
0xe3: {  	s1 =	rddreg [dreg:$0x1];
	p0 =	sne.s32 s2, $0x0  }
0xe4: {  	s3 =	rddreg [dreg:$0x2];
	[bflag:$0x3] =	sbarrier.arrive $0xFFFF;
	s2 =	simm.s32 @!p0 $0x1C07  }
0xe5: {  	[timem:s3], [sflag:s2] =	dma.local @!p0 [hbm:s0], s1  }
0xe6: {  	s0 =	simm.s32 @!p0 $0x7  }
0xe7: {  	_ =	swait.ge @!p0 [sflag:s0], s1  }
0xe8: {  	s1 =	ssub.s32 @!p0 $0x0, s1;
	[sflag:s0] =	ssyncset.done @!p0 $0x0  }
0xe9: {  	[sflag:s0] =	ssyncadd.s32 @!p0 s1  }
0xea: {  	[bflag:$0x3] =	sbarrier.arrive $0xFFFF  }
0xeb: {  	_ =	shalt  }

// kernel: kernel.19.cloned.1.call-start
scs
__scs_entry_jumppad:
0x0: {  	(pc) =	sbr.rel $0x88, $3  }
0x1: {  	(tag) =	ssettag $0x0;
	lr =	simm.s32 $0x1  }
0x2: {  	[smem:$0x3F97] =	sst lr;
	_ =	strace $0xD0000000  }
0x3: {  	_ = 	snop  }
0x4: {  	_ = 	snop  }
0x5: {  	_ = 	snop  }
0x6: {  	_ = 	snop  }
0x7: {  	_ = 	snop  }
__scs_overlays_trampoline_lowered:
0x8: {  	[smem:$0x3FA6] =	sst s0  }
0x9: {  	[smem:$0x3FA7] =	sst s1  }
0xa: {  	[smem:$0x3FA8] =	sst s2  }
0xb: {  	[smem:$0x3FA9] =	sst s3  }
0xc: {  	[smem:$0x3FAA] =	sst s4  }
0xd: {  	[smem:$0x3FAB] =	sst s5  }
0xe: {  	[smem:$0x3FAC] =	sst s6  }
0xf: {  	[smem:$0x3FAD] =	sst s7  }
0x10: {  	[smem:$0x3FAE] =	sst s8  }
0x11: {  	[smem:$0x3FAF] =	sst s9;
	s0 =	simm.s32 @!p0 $0x0  }
0x12: {  	s1 =	sld [smem:$0x3F95];
	s0 =	simm.s32 @p0 $0x1  }
0x13: {  	[smem:$0x3FB0] =	sst s0;
	s0 =	simm.s32 @!p1 $0x0  }
0x14: {  	s2 =	sld [smem:$0x3F94];
	s0 =	simm.s32 @p1 $0x1  }
0x15: {  	[smem:$0x3FB1] =	sst s0;
	s0 =	simm.s32 @!p2 $0x0  }
0x16: {  	s3 =	sld [smem:$0x3FDB];
	s0 =	simm.s32 @p2 $0x1  }
0x17: {  	s4 =	simm.s32 $0x1BF5;
	[smem:$0x3FB3] =	sst s0  }
0x18: {  	s0 =	sld [smem:$0x3F96];
	_ =	swait.ge [sflag:s4], $0x0  }
0x19: {  	s7 =	sld [smem:$0x3F97]  }
0x1a: {  	s8 =	sadd.s32 $0xFFFFE003, lr  }
0x1b: {  	s9 =	sadd.s32 $0xFFFFFEF7, lr;
	s5 =	simm.s32 $0xFFFFFFFF;
	p2 =	slt.u32 s8, $0xFFFFF086  }
0x1c: {  	p1 =	slt.u32 s9, $0xF7A;
	s5 =	simm.s32 @!p2 $0x0  }
0x1d: {  	s5 =	simm.s32 @p1 $0x1;
	p0 =	seq.s32 s7, s2  }
0x1e: {  	s7 =	smul.u32 @!p0 $0xF7A, s2;
	p2 =	seq.s32 @!p0 s5, $0x0  }
0x1f: {  	s9 =	smul.u32 $0xF7A, s1;
	s8 =	simm.s32 @!p0 $0x1BF5;
	p2 =	por !p2, p0  }
0x20: {  	[sflag:s8] =	ssyncset.s32 @!p0 $0xFFFFF086;
	s6 =	sadd.s32 @!p0 s3, s7;
	s7 =	simm.s32 @!p0 $0x108  }
0x21: {  	s3 =	sadd.s32 s3, s9;
	s6 =	sadd.s32 @!p0 $0x88, s6;
	s7 =	simm.s32 @p2 $0x1082  }
0x22: {  	[simem:s7], [sflag:s8] =	dma.local @!p0 [hbm:s6], $0xF7A  }
0x23: {  	s9 =	sor.u32 $0xD0000000, s2;
	s6 =	simm.s32 $0x108;
	_ =	swait.ge @!p0 [sflag:s8], $0x0  }
0x24: {  	s3 =	sadd.s32 $0x88, s3;
	s6 =	simm.s32 @!p1 $0x1082;
	[sflag:s4] =	ssyncset.s32 $0xFFFFF086  }
0x25: {  	[simem:s6], [sflag:s4] =	dma.local [hbm:s3], $0xF7A  }
0x26: {  	[smem:$0x3F97] =	sst s1;
	(tag) =	ssettag s2;
	_ =	strace s9  }
0x27: {  	s1 =	sld [smem:$0x3FA7]  }
0x28: {  	s2 =	sld [smem:$0x3FA8]  }
0x29: {  	s4 =	sld [smem:$0x3FAA]  }
0x2a: {  	p0 =	seq.s32 s5, $0x0;
	s5 =	sld [smem:$0x3FAB]  }
0x2b: {  	s6 =	sld [smem:$0x3FAC]  }
0x2c: {  	s7 =	sld [smem:$0x3FAD]  }
0x2d: {  	s3 =	simm.s32 $0x108;
	s8 =	sld [smem:$0x3FAE]  }
0x2e: {  	s3 =	simm.s32 @!p0 $0x1082;
	s9 =	sld [smem:$0x3FAF]  }
0x2f: {  	lr =	sadd.s32 s0, s3;
	s0 =	sld [smem:$0x3FA6]  }
0x30: {  	s3 =	sld [smem:$0x3FA9]  }
0x31: {  	[smem:$0x3FB2] =	sst s10  }
0x32: {  	s10 =	sld [smem:$0x3FB0];
	_ =	sdelay $0x3  }
0x33: {  	p0 =	seq.s32 s10, $0x1;
	s10 =	sld [smem:$0x3FB2];
	_ =	sdelay $0x3  }
0x34: {  	[smem:$0x3FB2] =	sst s10  }
0x35: {  	s10 =	sld [smem:$0x3FB1];
	_ =	sdelay $0x3  }
0x36: {  	p1 =	seq.s32 s10, $0x1;
	s10 =	sld [smem:$0x3FB2];
	_ =	sdelay $0x3  }
0x37: {  	[smem:$0x3FB2] =	sst s10  }
0x38: {  	s10 =	sld [smem:$0x3FB3]  }
0x39: {  	_ = 	snop;
	(pc) =	sbr.ind lr, $3  }
0x3a: {  	_ = 	snop  }
0x3b: {  	_ = 	snop  }
0x3c: {  	p2 =	seq.s32 s10, $0x1;
	s10 =	sld [smem:$0x3FB2]  }
0x3d: {  	_ =	shalt  }
0x3e: {  	_ =	shalt  }
0x3f: {  	_ =	shalt  }
0x40: {  	_ =	shalt  }
0x41: {  	_ =	shalt  }
0x42: {  	_ =	shalt  }
0x43: {  	_ =	shalt  }
0x44: {  	_ =	shalt  }
0x45: {  	_ =	shalt  }
0x46: {  	_ =	shalt  }
0x47: {  	_ =	shalt  }
0x48: {  	_ =	shalt  }
0x49: {  	_ =	shalt  }
0x4a: {  	_ =	shalt  }
0x4b: {  	_ =	shalt  }
0x4c: {  	_ =	shalt  }
0x4d: {  	_ =	shalt  }
0x4e: {  	_ =	shalt  }
0x4f: {  	_ =	shalt  }
0x50: {  	_ =	shalt  }
0x51: {  	_ =	shalt  }
0x52: {  	_ =	shalt  }
0x53: {  	_ =	shalt  }
0x54: {  	_ =	shalt  }
0x55: {  	_ =	shalt  }
0x56: {  	_ =	shalt  }
0x57: {  	_ =	shalt  }
0x58: {  	_ =	shalt  }
0x59: {  	_ =	shalt  }
0x5a: {  	_ =	shalt  }
0x5b: {  	_ =	shalt  }
0x5c: {  	_ =	shalt  }
0x5d: {  	_ =	shalt  }
0x5e: {  	_ =	shalt  }
0x5f: {  	_ =	shalt  }
0x60: {  	_ =	shalt  }
0x61: {  	_ =	shalt  }
0x62: {  	_ =	shalt  }
0x63: {  	_ =	shalt  }
0x64: {  	_ =	shalt  }
0x65: {  	_ =	shalt  }
0x66: {  	_ =	shalt  }
0x67: {  	_ =	shalt  }
0x68: {  	_ =	shalt  }
0x69: {  	_ =	shalt  }
0x6a: {  	_ =	shalt  }
0x6b: {  	_ =	shalt  }
0x6c: {  	_ =	shalt  }
0x6d: {  	_ =	shalt  }
0x6e: {  	_ =	shalt  }
0x6f: {  	_ =	shalt  }
0x70: {  	_ =	shalt  }
0x71: {  	_ =	shalt  }
0x72: {  	_ =	shalt  }
0x73: {  	_ =	shalt  }
0x74: {  	_ =	shalt  }
0x75: {  	_ =	shalt  }
0x76: {  	_ =	shalt  }
0x77: {  	_ =	shalt  }
0x78: {  	_ =	shalt  }
0x79: {  	_ =	shalt  }
0x7a: {  	_ =	shalt  }
0x7b: {  	_ =	shalt  }
0x7c: {  	_ =	shalt  }
0x7d: {  	_ =	shalt  }
0x7e: {  	_ =	shalt  }
0x7f: {  	_ =	shalt  }
0x80: {  	_ =	shalt  }
0x81: {  	_ =	shalt  }
0x82: {  	_ =	shalt  }
0x83: {  	_ =	shalt  }
0x84: {  	_ =	shalt  }
0x85: {  	_ =	shalt  }
0x86: {  	_ =	shalt  }
0x87: {  	_ =	shalt  }
.Lfunc_end0:
.L_simem_size_0:
called_computation.3_lowered:
.L_overlay_start_0:
0x88: {  	s2 =	sld [smem:$0x3FD9]  }
0x89: {  	s3 =	sld [smem:$0x3FFE];
	_ =	sdelay $0x1  }
0x8a: {  	s1 =	srdreg.scid  }
0x8b: {  	s0 =	sand.u32 $0x1, s1  }
0x8c: {  	s17 =	sshll.u32 s0, $0xA;
	s2 =	sadd.s32 s3, s2  }
0x8d: {  	s2 =	sadd.s32 s2, s17  }
0x8e: {  	[smem:$0x3FBE] =	sst s2  }
0x8f: {  	_ = 	snop  }
0x90: {  	s2 =	sld [smem:$0x3FD0];
	(tm) =	ssettm $0x1  }
0x91: {  	s18 =	sld [smem:$0x3FFB];
	_ =	sdelay $0x3  }
0x92: {  	_ =	strace s18  }
0x93: {  	s3 =	sld [smem:$0x3FFC];
	_ =	sdelay $0x3  }
0x94: {  	_ =	strace s3  }
0x95: {  	s3 =	sld [smem:$0x3FFD];
	_ =	sdelay $0x3  }
0x96: {  	_ =	strace s3  }
0x97: {  	_ =	strace $0x8FFFFFFF  }
0x98: {  	s19 =	sld [smem:$0x3FDB];
	_ =	sdelay $0x1  }
0x99: {  	s4 =	simm.s32 $_scs_section_size  }
0x9a: {  	s5 =	simm.s32 $_size__tile_overlayer_lowered;
	s6 =	simm.s32 $_tile_overlayer_lowered  }
0x9b: {  	s22 =	simm.s32 $0x1BFF;
	s21 =	sshll.u32 s6, $0x1;
	s3 =	sadd.s32 s4, s19  }
0x9c: {  	s7 =	simm.s32 $0x0;
	s20 =	sshll.u32 s5, $0x1;
	s5 =	sadd.s32 s21, s3  }
0x9d: {  	[timem:s7], [sflag:s22] =	dma.local [hbm:s5], s20  }
0x9e: {  	_ =	swait.ge [sflag:s22], s20  }
0x9f: {  	s4 =	ssub.s32 $0x0, s20;
	[sflag:s22] =	ssyncset.done $0x0  }
0xa0: {  	[sflag:s22] =	ssyncadd.s32 s4;
	_ =	sdelay $0x1  }
0xa1: {  	s23 =	simm.s32 $0x1B8B  }
0xa2: {  	_ =	swait.ge [sflag:s23], $0x1  }
0xa3: {  	[sflag:s23] =	ssyncset.done $0x0  }
0xa4: {  	s25 =	simm.s32 $0x1B8E;
	s24 =	sld [smem:$0x3FFE];
	[sflag:s23] =	ssyncadd.s32 $0xFFFFFFFF  }
0xa5: {  	s26 =	simm.s32 $execute0_lowered;
	[smem:$0x3FD2] =	sst s25  }
0xa6: {  	s5 =	sshll.u32 s26, $0x1;
	_ =	strace $0x8000004F;
	[dreg:$0x1] =	wrdreg $0xFFFFFFFF  }
0xa7: {  	s28 =	simm.s32 $_size_execute0_lowered;
	s3 =	sadd.s32 s3, s5;
	[dreg:$0x0] =	wrdreg $0x0  }
0xa8: {  	s5 =	sshll.u32 s28, $0x1;
	[dreg:$0x2] =	wrdreg s3  }
0xa9: {  	[dreg:$0x3] =	wrdreg s5  }
0xaa: {  	[dreg:$0x4] =	wrdreg $0xC0  }
0xab: {  	_ =	task [dreg:s7], $0x5FFFF  }
0xac: {  	[dreg:$0x1] =	wrdreg $0xFFFFFFFF  }
0xad: {  	[dreg:$0x0] =	wrdreg $0x60  }
0xae: {  	[dreg:$0x2] =	wrdreg s24  }
0xaf: {  	[dreg:$0x3] =	wrdreg s2  }
0xb0: {  	[dreg:$0x4] =	wrdreg $0xC2000  }
0xb1: {  	[dreg:$0x5] =	wrdreg $0x9  }
0xb2: {  	_ =	task.clear_ibuf [dreg:s7], $0x6FFFF;
	_ =	strace $0x9000004F  }
0xb3: {  	s29 =	simm.s32 $0x9;
	_ =	strace $0x80000051  }
0xb4: {  	_ =	swait.ge [sflag:s29], $0x1  }
0xb5: {  	[sflag:s29] =	ssyncadd.s32 $0xFFFFFFFF  }
0xb6: {  	_ =	strace $0x90000051  }
0xb7: {  	_ =	sfence  }
0xb8: {  	s30 =	sld [smem:$0x0];
	_ =	sdelay $0x2  }
0xb9: {  	s31 =	sshll.u32 s1, $0xD;
	s1 =	sshrl.u32 s1, $0x2  }
0xba: {  	s3 =	sand.u32 $0x4000, s31;
	s1 =	sadd.s32 s1, s30  }
0xbb: {  	s0 =	sor.u32 s3, s0;
	s1 =	sshll.u32 s1, $0x11  }
0xbc: {  	s0 =	sor.u32 s1, s0  }
0xbd: {  	s0 =	sadd.s32 $0x8F2B, s0  }
0xbe: {  	[sflag:s0] =	ssyncadd.remote.s32 $0x1  }
0xbf: {  	_ =	sfence.sel $0xFFFF  }
0xc0: {  	[dreg:$0x0] =	wrdreg $0xFFFFFFFF;
	(pc) =	sbr.abs _section_cstart, $3  }
0xc1: {  	[dreg:$0x1] =	wrdreg $0xFFFFFFFF  }
0xc2: {  	_ =	task.clear_ibuf [dreg:s7], $0x2FFFF;
	_ =	strace $0x9FFFFFFF  }
0xc3: {  	(tm) =	ssettm $0x7FFFFFFF  }
tec
execute0_lowered:
.L_overlay_start_1:
0x0: {  	(tag) =	ssettag $0x1  }
0x1: {  	s0 =	rddreg [dreg:$0x0];
	s10 =	stileid.u32  }
0x2: {  	s1 =	srdreg.scid;
	s8 =	smul.u32 $0x13C00, s10  }
0x3: {  	s1 =	sand.u32 $0x1, s1;
	s4 =	sshll.u32 s10, $0x1;
	s10 =	smul.u32 $0x4F000, s10  }
0x4: {  	s2 =	rddreg [dreg:$0x1];
	s5 =	sor.u32 s1, s4;
	s7 =	smul.u32 $0x13C000, s1  }
0x5: {  	s3 =	rddreg [dreg:$0x2];
	s5 =	smul.u32 $0x2800, s5  }
0x6: {  	s6 =	sadd.s32 $0xD600, s0;
	s4 =	simm.s32 $0x0;
	s7 =	sadd.s32 s8, s7  }
0x7: {  	s10 =	sshrl.u32 s10, $0x2;
	s9 =	sshrl.u32 s5, $0x3;
	s7 =	sshrl.u32 s7, $0x3  }
0x8: {  	s11 =	sadd.s32 s9, s0;
	s0 =	sadd.s32 s7, s0;
	s7 =	sadd.s32 s10, s3  }
0x9: {  	[smem:$0x7FF] =	sst s4;
	s12 =	sadd.s32 $0x1800, s7  }
0xa: {  	_ =	strace $0x80000050;
	s13 =	sadd.s32 $0x3000, s7;
	[dreg:$0x4] =	wrdreg s12  }
0xb: {  	s14 =	sadd.s32 $0x4800, s7;
	[dreg:$0x5] =	wrdreg s13  }
0xc: {  	s15 =	sadd.s32 $0x6000, s7;
	[dreg:$0x6] =	wrdreg s14  }
0xd: {  	s16 =	sadd.s32 $0x7800, s7;
	[dreg:$0x7] =	wrdreg s15  }
0xe: {  	s29 =	simm.s32 $0xAA00;
	s17 =	sadd.s32 $0x9000, s7;
	[dreg:$0x8] =	wrdreg s16  }
0xf: {  	s30 =	simm.s32 $0x7;
	s18 =	sadd.s32 $0xA800, s7;
	[dreg:$0x9] =	wrdreg s17  }
0x10: {  	s31 =	simm.s32 $0x1;
	s19 =	sadd.s32 $0xC000, s7;
	[dreg:$0xa] =	wrdreg s18  }
0x11: {  	s1 =	ssub.s32 $0x2, s1;
	s20 =	sadd.s32 $0xD800, s7;
	[dreg:$0xb] =	wrdreg s19  }
0x12: {  	s26 =	sshrl.u32 s1, $0x1;
	s21 =	sadd.s32 $0xF000, s7;
	[dreg:$0xc] =	wrdreg s20  }
0x13: {  	s1 =	ssub.s32 s1, s26;
	s22 =	sadd.s32 $0x10800, s7;
	[dreg:$0xd] =	wrdreg s21  }
0x14: {  	s8 =	simm.s32 $0x2980;
	s23 =	sadd.s32 $0x12000, s7;
	[dreg:$0xe] =	wrdreg s22  }
0x15: {  	s10 =	simm.s32 $0x2A00;
	s24 =	sadd.s32 $0x13800, s7;
	[dreg:$0xf] =	wrdreg s23  }
0x16: {  	s25 =	sadd.s32 $0x3600, s11;
	s0 =	sadd.s32 $0x34800, s0;
	[dreg:$0x10] =	wrdreg s24  }
0x17: {  	s11 =	simm.s32 $0x6A00;
	[dreg:$0x11] =	wrdreg s25;
	s22 =	sadd.s32 s2, s9  }
.Ltmp0:
0x18: {  	[dreg:$0x13] =	wrdreg s0;
	s25 =	smax.u32 s1, $0x1;
	(pc) =	sbr.rel .LBB2_1-.Ltmp0, $4  }
0x19: {  	s1 =	simm.s32 $0x2800;
	s0 =	simm.s32 $0x2880;
	s9 =	simm.s32 $0x7D  }
0x1a: {  	s12 =	simm.s32 $0x3;
	s13 =	simm.s32 $0x2;
	s14 =	simm.s32 $0x4  }
0x1b: {  	s15 =	simm.s32 $0x6;
	s16 =	simm.s32 $0x0;
	s26 =	sadd.s32 $0x10, s22  }
0x1c: {  	v0 =	vimm.f32 $0.0e+00;
	s28 =	sadd.s32 $0x30, s22;
	[dreg:$0x12] =	wrdreg s26;
	s26 =	sadd.s32 $0x20, s22  }
.LBB2_6:
0x1d: {  	s17 =	stileid.u32;
	[bflag:$0x0] =	sbarrier.arrive $0xFFFF;
	s16 =	sadd.s32 $0x1, s16  }
0x1e: {  	s18 =	sshrl.u32 s7, $0x3;
	s17 =	sshll.u32 s17, $0x6;
	p0 =	sne.s32 s16, s25  }
.Ltmp1:
0x1f: {  	s19 =	rddreg [dreg:$0x13];
	s17 =	sor.u32 $0x1C07, s17;
	(pc) =	sbr.rel @!p0 .LBB2_7-.Ltmp1, $4  }
0x20: {  	[hbm:s19], [sflag:s17] =	dma.local [spmem:s18], $0x2780  }
0x21: {  	_ =	swait.ge [sflag:s30], $0x2780  }
0x22: {  	[sflag:s30] =	ssyncset.done $0x0  }
0x23: {  	[sflag:s30] =	ssyncadd.s32 $0xFFFFD880  }
.LBB2_1:
0x24: {  	s17 =	simm.s32 $0x0;
	s18 =	simm.s32 $0x200  }
.LBB2_2:
0x25: {  	p0 =	sne.s32 s18, $0x5E00;
	[tilespmem:s17+$0xAA70] =	vst v0  }
0x26: {  	[tilespmem:s17+$0xAA00] =	vst v0  }
0x27: {  	[tilespmem:s17+$0xAA10] =	vst v0  }
.Ltmp2:
0x28: {  	[tilespmem:s17+$0xAA20] =	vst v0;
	(pc) =	sbr.rel @p0 .LBB2_2-.Ltmp2, $4  }
0x29: {  	[tilespmem:s17+$0xAA30] =	vst v0  }
0x2a: {  	[tilespmem:s17+$0xAA40] =	vst v0  }
0x2b: {  	[tilespmem:s17+$0xAA50] =	vst v0  }
0x2c: {  	[tilespmem:s17+$0xAA60] =	vst v0;
	s17 =	sshra.s32 s18, $0x2;
	s18 =	sadd.s32 $0x200, s18  }
0x2d: {  	[tilespmem:s17+$0xAA70] =	vst v0  }
0x2e: {  	[tilespmem:s17+$0xAA00] =	vst v0  }
0x2f: {  	[tilespmem:s17+$0xAA10] =	vst v0  }
0x30: {  	[tilespmem:s17+$0xAA20] =	vst v0  }
0x31: {  	[tilespmem:s17+$0xAA30] =	vst v0  }
0x32: {  	[tilespmem:s17+$0xAA40] =	vst v0  }
0x33: {  	[tilespmem:s17+$0xAA50] =	vst v0  }
0x34: {  	[tilespmem:s17+$0xAA60] =	vst v0  }
0x35: {  	[spmem:s7] =	stream.linear.scatter [tilespmem:s29], [sflag:$0x1], $0x1800, $0x38;
	[tilespmem:$0x1FE00] =	vst v63  }
0x36: {  	s19 =	rddreg [dreg:$0x4]  }
0x37: {  	[spmem:s19] =	stream.linear.scatter [tilespmem:s29], [sflag:$0x1], $0x1800, $0x38;
	[tilespmem:$0x1FE00] =	vst v63  }
0x38: {  	s20 =	rddreg [dreg:$0x5]  }
0x39: {  	[spmem:s20] =	stream.linear.scatter [tilespmem:s29], [sflag:$0x1], $0x1800, $0x38;
	[tilespmem:$0x1FE00] =	vst v63  }
0x3a: {  	s21 =	rddreg [dreg:$0x6]  }
0x3b: {  	[spmem:s21] =	stream.linear.scatter [tilespmem:s29], [sflag:$0x1], $0x1800, $0x38;
	[tilespmem:$0x1FE00] =	vst v63  }
0x3c: {  	s23 =	rddreg [dreg:$0x7]  }
0x3d: {  	[spmem:s23] =	stream.linear.scatter [tilespmem:s29], [sflag:$0x1], $0x1800, $0x38;
	[tilespmem:$0x1FE00] =	vst v63  }
0x3e: {  	s24 =	rddreg [dreg:$0x8]  }
0x3f: {  	[spmem:s24] =	stream.linear.scatter [tilespmem:s29], [sflag:$0x1], $0x1800, $0x38;
	[tilespmem:$0x1FE00] =	vst v63  }
0x40: {  	s18 =	rddreg [dreg:$0x9]  }
0x41: {  	[spmem:s18] =	stream.linear.scatter [tilespmem:s29], [sflag:$0x1], $0x1800, $0x38;
	[tilespmem:$0x1FE00] =	vst v63  }
0x42: {  	s19 =	rddreg [dreg:$0xa]  }
0x43: {  	[spmem:s19] =	stream.linear.scatter [tilespmem:s29], [sflag:$0x1], $0x1800, $0x38;
	[tilespmem:$0x1FE00] =	vst v63  }
0x44: {  	s20 =	rddreg [dreg:$0xb]  }
0x45: {  	[spmem:s20] =	stream.linear.scatter [tilespmem:s29], [sflag:$0x1], $0x1800, $0x38;
	[tilespmem:$0x1FE00] =	vst v63  }
0x46: {  	s21 =	rddreg [dreg:$0xc]  }
0x47: {  	[spmem:s21] =	stream.linear.scatter [tilespmem:s29], [sflag:$0x1], $0x1800, $0x38;
	[tilespmem:$0x1FE00] =	vst v63  }
0x48: {  	s23 =	rddreg [dreg:$0xd]  }
0x49: {  	[spmem:s23] =	stream.linear.scatter [tilespmem:s29], [sflag:$0x1], $0x1800, $0x38;
	[tilespmem:$0x1FE00] =	vst v63  }
0x4a: {  	s24 =	rddreg [dreg:$0xe]  }
0x4b: {  	[spmem:s24] =	stream.linear.scatter [tilespmem:s29], [sflag:$0x1], $0x1800, $0x38;
	[tilespmem:$0x1FE00] =	vst v63  }
0x4c: {  	s18 =	rddreg [dreg:$0xf]  }
0x4d: {  	[spmem:s18] =	stream.linear.scatter [tilespmem:s29], [sflag:$0x1], $0x1800, $0x38;
	[tilespmem:$0x1FE00] =	vst v63  }
0x4e: {  	s19 =	rddreg [dreg:$0x10]  }
0x4f: {  	[spmem:s19] =	stream.linear.scatter [tilespmem:s29], [sflag:$0x1], $0x400, $0x38;
	[tilespmem:$0x1FE00] =	vst v63  }
0x50: {  	s20 =	rddreg [dreg:$0x11]  }
0x51: {  	[tilespmem:s4], [sflag:$0x7] =	stream.linear.gather [hbm4b:s20+s4], $0x2800, $0x38;
	[tilespmem:$0x1FE00] =	vst v63  }
0x52: {  	_ =	swait.ge [sflag:s30], $0x2800  }
0x53: {  	[sflag:s30] =	ssyncset.done $0x0  }
0x54: {  	[sflag:s30] =	ssyncadd.s32 $0xFFFFD800  }
0x55: {  	_ =	swait.ge [sflag:s31], $0x1800  }
0x56: {  	[sflag:s31] =	ssyncset.done $0x0  }
0x57: {  	[sflag:s31] =	ssyncadd.s32 $0xFFFFE800  }
0x58: {  	_ =	swait.ge [sflag:s31], $0x1800  }
0x59: {  	[sflag:s31] =	ssyncset.done $0x0  }
0x5a: {  	[sflag:s31] =	ssyncadd.s32 $0xFFFFE800  }
0x5b: {  	_ =	swait.ge [sflag:s31], $0x1800  }
0x5c: {  	[sflag:s31] =	ssyncset.done $0x0  }
0x5d: {  	[sflag:s31] =	ssyncadd.s32 $0xFFFFE800  }
0x5e: {  	_ =	swait.ge [sflag:s31], $0x1800  }
0x5f: {  	[sflag:s31] =	ssyncset.done $0x0  }
0x60: {  	[sflag:s31] =	ssyncadd.s32 $0xFFFFE800  }
0x61: {  	_ =	swait.ge [sflag:s31], $0x1800  }
0x62: {  	[sflag:s31] =	ssyncset.done $0x0  }
0x63: {  	[sflag:s31] =	ssyncadd.s32 $0xFFFFE800  }
0x64: {  	_ =	swait.ge [sflag:s31], $0x1800  }
0x65: {  	[sflag:s31] =	ssyncset.done $0x0  }
0x66: {  	[sflag:s31] =	ssyncadd.s32 $0xFFFFE800  }
0x67: {  	_ =	swait.ge [sflag:s31], $0x1800  }
0x68: {  	[sflag:s31] =	ssyncset.done $0x0  }
0x69: {  	[sflag:s31] =	ssyncadd.s32 $0xFFFFE800  }
0x6a: {  	_ =	swait.ge [sflag:s31], $0x1800  }
0x6b: {  	[sflag:s31] =	ssyncset.done $0x0  }
0x6c: {  	[sflag:s31] =	ssyncadd.s32 $0xFFFFE800  }
0x6d: {  	_ =	swait.ge [sflag:s31], $0x1800  }
0x6e: {  	[sflag:s31] =	ssyncset.done $0x0  }
0x6f: {  	[sflag:s31] =	ssyncadd.s32 $0xFFFFE800  }
0x70: {  	_ =	swait.ge [sflag:s31], $0x1800  }
0x71: {  	[sflag:s31] =	ssyncset.done $0x0  }
0x72: {  	[sflag:s31] =	ssyncadd.s32 $0xFFFFE800  }
0x73: {  	_ =	swait.ge [sflag:s31], $0x1800  }
0x74: {  	[sflag:s31] =	ssyncset.done $0x0  }
0x75: {  	[sflag:s31] =	ssyncadd.s32 $0xFFFFE800  }
0x76: {  	_ =	swait.ge [sflag:s31], $0x1800  }
0x77: {  	[sflag:s31] =	ssyncset.done $0x0  }
0x78: {  	[sflag:s31] =	ssyncadd.s32 $0xFFFFE800  }
0x79: {  	_ =	swait.ge [sflag:s31], $0x1800  }
0x7a: {  	[sflag:s31] =	ssyncset.done $0x0  }
0x7b: {  	[sflag:s31] =	ssyncadd.s32 $0xFFFFE800  }
0x7c: {  	_ =	swait.ge [sflag:s31], $0x400  }
0x7d: {  	[sflag:s31] =	ssyncset.done $0x0  }
0x7e: {  	[sflag:s31] =	ssyncadd.s32 $0xFFFFFC00  }
0x7f: {  	[bflag:$0x0] =	sbarrier.arrive $0xFFFF  }
0x80: {  	[tilespmem:s1], [sflag:$0x3] =	stream.linear.gather [hbm4b:s22+s4], $0x80, $0x38;
	[tilespmem:$0x1FE00] =	vst v63  }
0x81: {  	s21 =	rddreg [dreg:$0x12]  }
0x82: {  	[tilespmem:s0], [sflag:$0x4] =	stream.linear.gather [hbm4b:s21+s4], $0x80, $0x38;
	[tilespmem:$0x1FE00] =	vst v63  }
0x83: {  	s23 =	simm.s32 $0x2900  }
0x84: {  	[tilespmem:s23], [sflag:$0x5] =	stream.linear.gather [hbm4b:s26+s4], $0x80, $0x38;
	[tilespmem:$0x1FE00] =	vst v63  }
0x85: {  	_ = 	snop  }
0x86: {  	[tilespmem:s8], [sflag:$0x6] =	stream.linear.gather [hbm4b:s28+s4], $0x80, $0x38;
	[tilespmem:$0x1FE00] =	vst v63  }
0x87: {  	_ = 	snop  }
0x88: {  	[tilespmem:s10], [sflag:$0x1] =	stream.indirect.gather [hbm4b:s6+s9], $0x80, s4, s9, $0xb8;
	[tilespmem:$0x1FE00] =	vst v63  }
0x89: {  	s17 =	simm.s32 $0x380;
	s24 =	simm.s32 $0x80;
	s18 =	simm.s32 $0x280  }
0x8a: {  	[tilespmem:s11], [sflag:$0x2] =	stream.indirect.gather [hbm4b:s6+s9], $0x80, s24, s9, $0xb8;
	[tilespmem:$0x1FE00] =	vst v63  }
.LBB2_4:
0x8b: {  	_ =	swait.ge [sflag:s31], $0x3E80  }
0x8c: {  	[sflag:s31] =	ssyncset.done $0x0  }
0x8d: {  	[sflag:s31] =	ssyncadd.s32 $0xFFFFC180  }
0x8e: {  	_ =	swait.ge [sflag:s12], $0x80  }
0x8f: {  	[sflag:s12] =	ssyncset.done $0x0  }
0x90: {  	[sflag:s12] =	ssyncadd.s32 $0xFFFFFF80  }
0x91: {  	[spmem:s3] =	stream.indirect.scatter.add.f32 [tilespmem:s10], [sflag:$0x7], $0x80, s1, s9, $0xb8;
	[tilespmem:$0x1FE00] =	vst v63  }
0x92: {  	_ =	swait.ge [sflag:s30], $0x3E80  }
0x93: {  	[sflag:s30] =	ssyncset.done $0x0  }
0x94: {  	s19 =	sadd.s32 $0xFFFFFE80, s18;
	p0 =	seq.s32 s17, $0x2980;
	[sflag:s30] =	ssyncadd.s32 $0xFFFFC180  }
0x95: {  	[tilespmem:s10], [sflag:$0x1] =	stream.indirect.gather [hbm4b:s6+s9], $0x80, s19, s9, $0xb8;
	[tilespmem:$0x1FE00] =	vst v63  }
0x96: {  	s19 =	sadd.s32 @!p0 $0xFFFFFE80, s17  }
0x97: {  	s20 =	sand.u32 @!p0 $0x7C00, s19  }
0x98: {  	s19 =	sand.u32 @!p0 $0x200, s19;
	s20 =	sadd.s32 @!p0 s5, s20  }
0x99: {  	s19 =	sor.u32 @!p0 s19, s20  }
0x9a: {  	s19 =	sshrl.u32 @!p0 s19, $0x3  }
0x9b: {  	s21 =	simm.s32 @!p0 $0x2800;
	s20 =	sadd.s32 @!p0 s2, s19;
	s19 =	simm.s32 @!p0 $0x0  }
0x9c: {  	[tilespmem:s21], [sflag:$0x3] =	stream.linear.gather @!p0 [hbm4b:s20+s19], $0x80, $0x38;
	[tilespmem:$0x1FE00] =	vst v63  }
0x9d: {  	_ =	swait.ge [sflag:s13], $0x3E80  }
0x9e: {  	[sflag:s13] =	ssyncset.done $0x0  }
0x9f: {  	[sflag:s13] =	ssyncadd.s32 $0xFFFFC180  }
0xa0: {  	_ =	swait.ge [sflag:s14], $0x80  }
0xa1: {  	[sflag:s14] =	ssyncset.done $0x0  }
0xa2: {  	[sflag:s14] =	ssyncadd.s32 $0xFFFFFF80  }
0xa3: {  	[spmem:s3] =	stream.indirect.scatter.add.f32 [tilespmem:s11], [sflag:$0x7], $0x80, s0, s9, $0xb8;
	[tilespmem:$0x1FE00] =	vst v63  }
0xa4: {  	_ =	swait.ge [sflag:s30], $0x3E80  }
0xa5: {  	[sflag:s30] =	ssyncset.done $0x0  }
0xa6: {  	s24 =	sadd.s32 $0xFFFFFF00, s18;
	s20 =	simm.s32 @p0 $0x1;
	[sflag:s30] =	ssyncadd.s32 $0xFFFFC180  }
0xa7: {  	[tilespmem:s11], [sflag:$0x2] =	stream.indirect.gather [hbm4b:s6+s9], $0x80, s24, s9, $0xb8;
	[tilespmem:$0x1FE00] =	vst v63  }
0xa8: {  	_ =	swait.ge @p0 [sflag:s20], $0x3E80  }
0xa9: {  	[sflag:s20] =	ssyncset.done @p0 $0x0  }
0xaa: {  	[sflag:s20] =	ssyncadd.s32 @p0 $0xFFFFC180;
	s20 =	simm.s32 @p0 $0x5  }
0xab: {  	_ =	swait.ge @p0 [sflag:s20], $0x80  }
0xac: {  	s23 =	simm.s32 @p0 $0x2A00;
	[sflag:s20] =	ssyncset.done @p0 $0x0  }
0xad: {  	s21 =	simm.s32 @p0 $0x2900;
	[sflag:s20] =	ssyncadd.s32 @p0 $0xFFFFFF80;
	s20 =	simm.s32 @p0 $0x7D  }
0xae: {  	[spmem:s3] =	stream.indirect.scatter.add.f32 @p0 [tilespmem:s23], [sflag:$0x7], $0x80, s21, s20, $0xb8;
	[tilespmem:$0x1FE00] =	vst v63  }
0xaf: {  	s20 =	sadd.s32 @!p0 $0xFFFFFF00, s17  }
0xb0: {  	s21 =	sand.u32 @!p0 $0x7C00, s20  }
0xb1: {  	s23 =	simm.s32 @p0 $0x7;
	s20 =	sand.u32 @!p0 $0x280, s20;
	s21 =	sadd.s32 @!p0 s5, s21  }
0xb2: {  	_ =	swait.ge @p0 [sflag:s23], $0x3E80;
	s20 =	sor.u32 @!p0 s20, s21  }
0xb3: {  	[sflag:s23] =	ssyncset.done @p0 $0x0;
	s20 =	sshrl.u32 @!p0 s20, $0x3  }
0xb4: {  	[sflag:s23] =	ssyncadd.s32 @p0 $0xFFFFC180;
	s21 =	simm.s32 @!p0 $0x2880;
	s20 =	sadd.s32 @!p0 s2, s20  }
0xb5: {  	[tilespmem:s21], [sflag:$0x4] =	stream.linear.gather @!p0 [hbm4b:s20+s19], $0x80, $0x38;
	[tilespmem:$0x1FE00] =	vst v63  }
0xb6: {  	s20 =	simm.s32 @!p0 $0x1  }
0xb7: {  	_ =	swait.ge @!p0 [sflag:s20], $0x3E80  }
0xb8: {  	[sflag:s20] =	ssyncset.done @!p0 $0x0  }
0xb9: {  	[sflag:s20] =	ssyncadd.s32 @!p0 $0xFFFFC180;
	s20 =	simm.s32 @!p0 $0x5  }
0xba: {  	_ =	swait.ge @!p0 [sflag:s20], $0x80  }
0xbb: {  	s24 =	simm.s32 @!p0 $0x7;
	s23 =	simm.s32 @!p0 $0x2A00;
	[sflag:s20] =	ssyncset.done @!p0 $0x0  }
0xbc: {  	s21 =	simm.s32 @!p0 $0x2900;
	[sflag:s20] =	ssyncadd.s32 @!p0 $0xFFFFFF80;
	s20 =	simm.s32 @!p0 $0x7D  }
0xbd: {  	[spmem:s3] =	stream.indirect.scatter.add.f32 @!p0 [tilespmem:s23], [sflag:$0x7], $0x80, s21, s20, $0xb8;
	[tilespmem:$0x1FE00] =	vst v63  }
0xbe: {  	_ =	swait.ge @!p0 [sflag:s24], $0x3E80  }
0xbf: {  	[sflag:s24] =	ssyncset.done @!p0 $0x0  }
0xc0: {  	[sflag:s24] =	ssyncadd.s32 @!p0 $0xFFFFC180;
	s24 =	sadd.s32 @!p0 $0xFFFFFF80, s18  }
0xc1: {  	[tilespmem:s23], [sflag:$0x1] =	stream.indirect.gather @!p0 [hbm4b:s6+s20], $0x80, s24, s20, $0xb8;
	[tilespmem:$0x1FE00] =	vst v63  }
0xc2: {  	s20 =	sadd.s32 @!p0 $0xFFFFFF80, s17  }
0xc3: {  	s23 =	sand.u32 @!p0 $0x7C00, s20  }
0xc4: {  	s20 =	sand.u32 @!p0 $0x300, s20;
	s23 =	sadd.s32 @!p0 s5, s23  }
0xc5: {  	s20 =	sor.u32 @!p0 s20, s23  }
0xc6: {  	s20 =	sshrl.u32 @!p0 s20, $0x3  }
0xc7: {  	s20 =	sadd.s32 @!p0 s2, s20  }
0xc8: {  	[tilespmem:s21], [sflag:$0x5] =	stream.linear.gather @!p0 [hbm4b:s20+s19], $0x80, $0x38;
	[tilespmem:$0x1FE00] =	vst v63  }
0xc9: {  	_ =	swait.ge [sflag:s13], $0x3E80  }
0xca: {  	[sflag:s13] =	ssyncset.done $0x0  }
0xcb: {  	[sflag:s13] =	ssyncadd.s32 $0xFFFFC180  }
0xcc: {  	_ =	swait.ge [sflag:s15], $0x80  }
0xcd: {  	[sflag:s15] =	ssyncset.done $0x0  }
.Ltmp3:
0xce: {  	[sflag:s15] =	ssyncadd.s32 $0xFFFFFF80;
	(pc) =	sbr.rel @p0 .LBB2_6-.Ltmp3, $4  }
0xcf: {  	[spmem:s3] =	stream.indirect.scatter.add.f32 [tilespmem:s11], [sflag:$0x7], $0x80, s8, s9, $0xb8;
	[tilespmem:$0x1FE00] =	vst v63  }
0xd0: {  	_ =	swait.ge [sflag:s30], $0x3E80  }
0xd1: {  	[sflag:s30] =	ssyncset.done $0x0  }
0xd2: {  	[sflag:s30] =	ssyncadd.s32 $0xFFFFC180  }
0xd3: {  	[tilespmem:s11], [sflag:$0x2] =	stream.indirect.gather [hbm4b:s6+s9], $0x80, s18, s9, $0xb8;
	[tilespmem:$0x1FE00] =	vst v63  }
0xd4: {  	s19 =	sand.u32 $0x7C00, s17  }
.Ltmp4:
0xd5: {  	s20 =	sand.u32 $0x380, s17;
	s19 =	sadd.s32 s5, s19;
	(pc) =	sbr.rel .LBB2_4-.Ltmp4, $4  }
0xd6: {  	s19 =	sor.u32 s20, s19  }
0xd7: {  	s19 =	sshrl.u32 s19, $0x3  }
0xd8: {  	s17 =	sadd.s32 $0x200, s17;
	s18 =	sadd.s32 $0x200, s18;
	s19 =	sadd.s32 s2, s19  }
0xd9: {  	[tilespmem:s8], [sflag:$0x6] =	stream.linear.gather [hbm4b:s19+s4], $0x80, $0x38;
	[tilespmem:$0x1FE00] =	vst v63  }
.LBB2_7:
0xda: {  	_ =	sfence.sel $0x180000  }
0xdb: {  	[bflag:$0x0] =	sbarrier.arrive $0xFFFF  }
0xdc: {  	_ =	strace $0x90000050  }
0xdd: {  	s0 =	stileid.u32;
	[bflag:$0x2] =	sbarrier.arrive $0xFFFF  }
0xde: {  	p0 =	sne.s32 s0, $0x0;
	s0 =	rddreg [dreg:$0x3]  }
0xdf: {  	s0 =	sadd.s32 @!p0 $0x100000, s0  }
0xe0: {  	[sflag:s0] =	ssyncadd.tile.s32 @!p0 $0x1;
	_ =	shalt  }
.Lfunc_end2:
_tile_overlayer_lowered:
.L_overlay_start_2:
0xe1: {  	(tag) =	ssettag $0x2  }
0xe2: {  	s0 =	rddreg [dreg:$0x0];
	s2 =	stileid.u32  }
0xe3: {  	s1 =	rddreg [dreg:$0x1];
	p0 =	sne.s32 s2, $0x0  }
0xe4: {  	s3 =	rddreg [dreg:$0x2];
	[bflag:$0x3] =	sbarrier.arrive $0xFFFF;
	s2 =	simm.s32 @!p0 $0x1C07  }
0xe5: {  	[timem:s3], [sflag:s2] =	dma.local @!p0 [hbm:s0], s1  }
0xe6: {  	s0 =	simm.s32 @!p0 $0x7  }
0xe7: {  	_ =	swait.ge @!p0 [sflag:s0], s1  }
0xe8: {  	s1 =	ssub.s32 @!p0 $0x0, s1;
	[sflag:s0] =	ssyncset.done @!p0 $0x0  }
0xe9: {  	[sflag:s0] =	ssyncadd.s32 @!p0 s1  }
0xea: {  	[bflag:$0x3] =	sbarrier.arrive $0xFFFF  }
0xeb: {  	_ =	shalt  }

</sc_bundles>
